<compile_context>
chip_gen: v7x
topology: tpu7x:2x2x1
jax: 0.10.2.dev20260603
libtpu: 0.0.44.dev20260713+nightly
codegen_flags: <defaults>
</compile_context>

<pallas_src>
import functools

import jax
import jax.numpy as jnp
from jax import lax
from jax.experimental import pallas as pl
from jax.experimental.pallas import tpu as pltpu
from jax.experimental.pallas import tpu_sc as plsc

N = 10000
E = 160000
D = 256
DC = 64
B = 128
NBLK = 1280
EPAD = NBLK * B - E
NACC = 10240
RPT = NACC // 16
EPT = NBLK * B // 32

_mesh = functools.partial(
    plsc.VectorSubcoreMesh, core_axis_name="c", subcore_axis_name="s"
)


@functools.partial(
    pl.kernel,
    out_type=jax.ShapeDtypeStruct((32 * NACC,), jnp.float32),
    mesh=_mesh(),
    scratch_types=[
        pltpu.VMEM((EPT,), jnp.int32),
        pltpu.VMEM((NACC,), jnp.float32),
    ],
    compiler_params=pltpu.CompilerParams(needs_layout_passes=False),
)
def _sc_degree(col1d, out, cbuf, cnt):
    c = lax.axis_index("c")
    s = lax.axis_index("s")
    w = c * 16 + s
    pltpu.sync_copy(col1d.at[pl.ds(w * EPT, EPT)], cbuf)

    def zbody(i, carry):
        cnt[pl.ds(i * 16, 16)] = jnp.zeros((16,), jnp.float32)
        return carry

    lax.fori_loop(0, NACC // 16, zbody, 0)
    ones = jnp.ones((16,), jnp.float32)

    def body(i, carry):
        idx = cbuf[pl.ds(i * 16, 16)]
        plsc.addupdate_scatter(cnt, [idx], ones)
        return carry

    lax.fori_loop(0, EPT // 16, body, 0)
    pltpu.sync_copy(cnt, out.at[pl.ds(w * NACC, NACC)])


NB = 32
CHB = NBLK * B // 32


@functools.partial(
    pl.kernel,
    out_type=jax.ShapeDtypeStruct((NBLK * B,), jnp.int32),
    mesh=_mesh(),
    scratch_types=[
        pltpu.VMEM((CHB,), jnp.int32),
        pltpu.VMEM((CHB,), jnp.int32),
        pltpu.VMEM((CHB,), jnp.int32),
        pltpu.VMEM((NB,), jnp.int32),
    ],
    compiler_params=pltpu.CompilerParams(needs_layout_passes=False),
)
def _sc_binplace(row1d, col1d, out, rbuf, cbuf, packb, cur):
    c = lax.axis_index("c")
    s = lax.axis_index("s")
    w = c * 16 + s
    lane = lax.broadcasted_iota(jnp.int32, (16,), 0)
    zero16 = jnp.zeros((16,), jnp.int32)
    one16 = jnp.ones((16,), jnp.int32)

    pltpu.sync_copy(row1d.at[pl.ds(w * CHB, CHB)], rbuf)
    pltpu.sync_copy(col1d.at[pl.ds(w * CHB, CHB)], cbuf)
    cur[pl.ds(0, 16)] = zero16
    cur[pl.ds(16, 16)] = zero16

    def count(i, carry):
        b16 = rbuf[pl.ds(i * 16, 16)] >> 9
        fullcnt = zero16
        for m in range(16):
            fullcnt = fullcnt + jnp.where(b16 == b16[m], one16, zero16)
        g = plsc.load_gather(cur, [b16])
        plsc.store_scatter(cur, [b16], g + fullcnt)
        return carry

    lax.fori_loop(0, CHB // 16, count, 0)

    carry0 = jnp.int32(0)
    for h in (0, 1):
        tot = cur[pl.ds(h * 16, 16)]
        cs = plsc.cumsum(tot)
        cur[pl.ds(h * 16, 16)] = cs - tot + carry0
        carry0 = carry0 + cs[15]

    def place(i, carry):
        r16 = rbuf[pl.ds(i * 16, 16)]
        c16 = cbuf[pl.ds(i * 16, 16)]
        b16 = r16 >> 9
        fullcnt = zero16
        rank = zero16
        for m in range(16):
            eq = b16 == b16[m]
            fullcnt = fullcnt + jnp.where(eq, one16, zero16)
            rank = rank + jnp.where(eq & (lane > m), one16, zero16)
        g = plsc.load_gather(cur, [b16])
        plsc.store_scatter(cur, [b16], g + fullcnt)
        plsc.store_scatter(packb, [g + rank], r16 | (c16 << 14))
        return carry

    lax.fori_loop(0, CHB // 16, place, 0)
    pltpu.sync_copy(packb, out.at[pl.ds(w * CHB, CHB)])


def _make_prop(nbt, feature_split):
    phases = nbt // 40
    if feature_split:
        out_type = jax.ShapeDtypeStruct((NACC, D), jnp.float32)
    else:
        out_type = jax.ShapeDtypeStruct((2, NACC, 128), jnp.float32)

    @functools.partial(
        pl.kernel,
        out_type=out_type,
        mesh=_mesh(),
        scratch_types=[
            pltpu.VMEM((48, B), jnp.int32),
            pltpu.VMEM((48, B), jnp.int32),
            pltpu.VMEM((2, B, 128), jnp.float32),
            pltpu.VMEM_SHARED((NACC, 128), jnp.float32),
            pltpu.SemaphoreType.DMA,
            pltpu.SemaphoreType.DMA,
            pltpu.SemaphoreType.DMA,
            pltpu.SemaphoreType.DMA,
        ],
    )
    def k(us, rowS, col2d, zeros_hbm, out, ridx, cidx, gbuf, acc,
          sg0, sg1, ss0, ss1):
        c = lax.axis_index("c")
        s = lax.axis_index("s")
        sg = (sg0, sg1)
        ss = (ss0, ss1)
        pltpu.sync_copy(
            zeros_hbm.at[pl.ds(s * RPT, RPT), :], acc.at[pl.ds(s * RPT, RPT), :]
        )
        plsc.subcore_barrier()

        for p in range(phases):
            if feature_split:
                blk0 = s * nbt + p * 40
                pltpu.sync_copy(rowS.at[c, pl.ds(blk0, 48), :], ridx)
            else:
                blk0 = c * (NBLK // 2) + s * nbt + p * 40
                pltpu.sync_copy(rowS.at[0, pl.ds(blk0, 48), :], ridx)
            pltpu.sync_copy(col2d.at[pl.ds(blk0, 48), :], cidx)
            for b in (0, 1):
                pltpu.async_copy(us.at[ridx.at[b]], gbuf.at[b], sg[b])

            def body(jo, carry):
                for b in (0, 1):
                    j = 2 * jo + b
                    pltpu.make_async_copy(
                        us.at[ridx.at[0]], gbuf.at[b], sg[b]
                    ).wait()
                    sd = pltpu.async_copy(
                        gbuf.at[b], acc.at[cidx.at[j]], ss[b], add=True
                    )
                    sd.wait()
                    pltpu.async_copy(us.at[ridx.at[j + 2]], gbuf.at[b], sg[b])
                return carry

            lax.fori_loop(0, 20, body, 0)
            for b in (0, 1):
                pltpu.make_async_copy(
                    us.at[ridx.at[0]], gbuf.at[b], sg[b]
                ).wait()
        plsc.subcore_barrier()
        if feature_split:
            pltpu.sync_copy(
                acc.at[pl.ds(s * RPT, RPT), :],
                out.at[pl.ds(s * RPT, RPT), pl.ds(c * 128, 128)],
            )
        else:
            pltpu.sync_copy(
                acc.at[pl.ds(s * RPT, RPT), :], out.at[c, pl.ds(s * RPT, RPT), :]
            )

    return k


_sc_prop256 = _make_prop(NBLK // 16, True)
_sc_prop128 = _make_prop(NBLK // 32, False)


def _tc_scale_in(degm, x):
    def body(degm_ref, x_ref, dinv_ref, us_ref):
        deg = jnp.sum(degm_ref[0:N, :], axis=1, keepdims=True) + 1.0
        dinv = lax.rsqrt(deg)
        u1 = x_ref[...] * dinv
        dinv_ref[...] = dinv
        us_ref[0:N, :] = u1[:, :128]
        us_ref[N : 2 * N, :] = u1[:, 128:]

    return pl.pallas_call(
        body,
        out_shape=[
            jax.ShapeDtypeStruct((N, 1), jnp.float32),
            jax.ShapeDtypeStruct((2 * N, 128), jnp.float32),
        ],
    )(degm, x)


def _tc_rescale256(s1, us, dinv):
    def body(s_ref, us_ref, dinv_ref, o_ref):
        d2 = dinv_ref[...] * dinv_ref[...]
        o_ref[0:N, :] = (s_ref[0:N, 0:128] + us_ref[0:N, :]) * d2
        o_ref[N : 2 * N, :] = (s_ref[0:N, 128:256] + us_ref[N : 2 * N, :]) * d2

    return pl.pallas_call(
        body, out_shape=jax.ShapeDtypeStruct((2 * N, 128), jnp.float32)
    )(s1, us, dinv)


def _tc_mlp(s2, us, dinv, W1, b1, W2, b2, W3, b3):
    def body(s_ref, us_ref, dinv_ref, w1_ref, b1_ref, w2_ref,
             b2_ref, w3_ref, b3_ref, u3_ref, c3_ref):
        dinv = dinv_ref[...]
        u2 = jnp.concatenate(
            [us_ref[0:N, :], us_ref[N : 2 * N, :]], axis=1
        )
        z = (s_ref[0:N, :] + u2) * dinv
        h1 = jnp.maximum(
            jnp.dot(z, w1_ref[...], preferred_element_type=jnp.float32)
            + b1_ref[...],
            0.0,
        )
        M = jnp.dot(w2_ref[...], w3_ref[...], preferred_element_type=jnp.float32)
        g = jnp.dot(h1, M, preferred_element_type=jnp.float32)
        u3_ref[...] = jnp.concatenate(
            [g * dinv, jnp.zeros((N, 128 - DC), jnp.float32)], axis=1
        )
        c3_ref[...] = (
            jnp.dot(b2_ref[...], w3_ref[...], preferred_element_type=jnp.float32)
            + b3_ref[...]
        )

    return pl.pallas_call(
        body,
        out_shape=[
            jax.ShapeDtypeStruct((N, 128), jnp.float32),
            jax.ShapeDtypeStruct((1, DC), jnp.float32),
        ],
    )(s2, us, dinv, W1, b1, W2, b2, W3, b3)


def _tc_rescale64(p3, u3, dinv):
    def body(p_ref, u_ref, dinv_ref, o_ref):
        d2 = dinv_ref[...] * dinv_ref[...]
        o_ref[...] = (p_ref[0, 0:N, :] + p_ref[1, 0:N, :] + u_ref[...]) * d2

    return pl.pallas_call(
        body, out_shape=jax.ShapeDtypeStruct((N, 128), jnp.float32)
    )(p3, u3, dinv)


def _tc_final(p4, u4, dinv, c3):
    def body(p_ref, u_ref, dinv_ref, c3_ref, o_ref):
        acc = p_ref[0, 0:N, :] + p_ref[1, 0:N, :] + u_ref[...]
        o_ref[...] = acc[:, 0:DC] * dinv_ref[...] + c3_ref[...]

    return pl.pallas_call(
        body, out_shape=jax.ShapeDtypeStruct((N, DC), jnp.float32)
    )(p4, u4, dinv, c3)


def kernel(x, edge_index, W1, b1, W2, b2, W3, b3):
    row = edge_index[0].astype(jnp.int32)
    col = edge_index[1].astype(jnp.int32)
    row1d = jnp.concatenate([row, jnp.zeros((EPAD,), jnp.int32)])
    padcol = N + (jnp.arange(EPAD, dtype=jnp.int32) % (NACC - N))
    col1d = jnp.concatenate([col, padcol])
    packP = _sc_binplace(row1d, col1d)
    rowP = packP & jnp.int32(16383)
    colP = packP >> 14
    row2d = jnp.concatenate(
        [rowP, jnp.zeros((8 * B,), jnp.int32)]).reshape(NBLK + 8, B)
    col2d = jnp.concatenate(
        [colP, jnp.zeros((8 * B,), jnp.int32)]).reshape(NBLK + 8, B)
    rowS = jnp.stack([row2d, row2d + N])
    zeros128 = jnp.zeros((NACC, 128), jnp.float32)
    b1r = b1.reshape(1, D)
    b2r = b2.reshape(1, D)
    b3r = b3.reshape(1, DC)

    degf = _sc_degree(col1d)
    degm = degf.reshape(32, NACC).T
    dinv, u1s = _tc_scale_in(degm, x)
    s1 = _sc_prop256(u1s, rowS, col2d, zeros128)
    u2s = _tc_rescale256(s1, u1s, dinv)
    s2 = _sc_prop256(u2s, rowS, col2d, zeros128)
    u3, c3 = _tc_mlp(s2, u2s, dinv, W1, b1r, W2, b2r, W3, b3r)
    p3 = _sc_prop128(u3, rowS, col2d, zeros128)
    u4 = _tc_rescale64(p3, u3, dinv)
    p4 = _sc_prop128(u4, rowS, col2d, zeros128)
    out = _tc_final(p4, u4, dinv, c3)
    return out

# --- scband reference (transcript-rebuilt; emitter-appended) ---
"""Pipeline reference for scband-sgcmodel-33560874451043 (READ-ONLY COPY).

The authoritative reference and input builder live on the scoring server;
editing this copy changes nothing except your own understanding.
"""

import jax, jax.numpy as jnp
import numpy as np

N_NODES = 10000
N_EDGES = 160000
D_IN = 256
D_H = 256
N_CLS = 64
K = 2


def setup_inputs(seed: int = 0) -> dict:
    key = jax.random.key(seed)
    ks = jax.random.split(key, 9)
    x = jax.random.normal(ks[0], (N_NODES, D_IN), dtype=jnp.float32)
    edge_index = jax.random.randint(ks[1], (2, N_EDGES), 0, N_NODES)
    W1 = jax.random.normal(ks[2], (D_IN, D_H), dtype=jnp.float32) * 0.05
    b1 = jnp.zeros((D_H,), dtype=jnp.float32)
    W2 = jax.random.normal(ks[3], (D_H, D_H), dtype=jnp.float32) * 0.05
    b2 = jnp.zeros((D_H,), dtype=jnp.float32)
    W3 = jax.random.normal(ks[4], (D_H, N_CLS), dtype=jnp.float32) * 0.05
    b3 = jnp.zeros((N_CLS,), dtype=jnp.float32)
    return {"x": x, "edge_index": edge_index, "W1": W1, "b1": b1, "W2": W2, "b2": b2, "W3": W3, "b3": b3}


def _gcn_norm(edge_index, num_nodes, dtype):
    row, col = edge_index[0], edge_index[1]
    loop = jnp.arange(num_nodes, dtype=row.dtype)
    row = jnp.concatenate([row, loop])
    col = jnp.concatenate([col, loop])
    w = jnp.ones(row.shape[0], dtype=dtype)
    deg = jax.ops.segment_sum(w, col, num_segments=num_nodes)
    dinv = jnp.where(deg > 0, 1.0 / jnp.sqrt(deg), 0.0)
    norm = dinv[row] * dinv[col]
    return row, col, norm


def _prop_k(h, row, col, norm, num_nodes, k):
    for _ in range(k):
        h = jax.ops.segment_sum(norm[:, None] * h[row], col, num_segments=num_nodes)
    return h


def reference(x, edge_index, W1, b1, W2, b2, W3, b3):
    num_nodes = x.shape[0]
    row, col, norm = _gcn_norm(edge_index, num_nodes, x.dtype)
    # SGConv 1: S^K x W1 + b1
    h = _prop_k(x, row, col, norm, num_nodes, K)
    h = h @ W1 + b1
    # dropout p=0.0 -> identity
    h = jax.nn.relu(h)
    # SGConv 2
    h = _prop_k(h, row, col, norm, num_nodes, K)
    h = h @ W2 + b2
    # dropout p=0.0 -> identity
    out = h @ W3 + b3
    return out

if __name__ == "__main__":
    import jax
    _d = setup_inputs()
    print(jax.jit(kernel)(*tuple(_d.values())))

</pallas_src>

<mosaic_0001>
#map = affine_map<(d0, d1) -> (0)>
module attributes {stable_mosaic.version = 14 : i64} {
  func.func @_sc_binplace(%arg0: i32, %arg1: i32, %arg2: memref<163840xi32, #tpu.memory_space<hbm>>, %arg3: memref<163840xi32, #tpu.memory_space<hbm>>, %arg4: memref<163840xi32, #tpu.memory_space<hbm>>, %arg5: memref<5120xi32, #tpu.memory_space<vmem>>, %arg6: memref<5120xi32, #tpu.memory_space<vmem>>, %arg7: memref<5120xi32, #tpu.memory_space<vmem>>, %arg8: memref<32xi32, #tpu.memory_space<vmem>>) attributes {dimension_semantics = [#tpu.dimension_semantics<core_parallel>, #tpu.dimension_semantics<subcore_parallel>], iteration_bounds = array<i64: 2, 16>, scalar_prefetch = 0 : i64, scratch_operands = 4 : i64, tpu.core_type = #tpu.core_type<sc_vector_subcore>, window_params = [{transform_indices = #map}, {transform_indices = #map}, {transform_indices = #map}]} {
    %mul3A = arith.constant 16 : i32
    %mul3A_0 = arith.muli %arg0, %mul3A : i32
    %add3A = arith.addi %mul3A_0, %arg1 : i32
    %iota3A = tpu.iota {dimensions = array<i32: 0>} : vector<16xi32>
    %broadcast_in_dim3A = arith.constant 0 : i32
    %broadcast_in_dim3A_1 = vector.broadcast %broadcast_in_dim3A : i32 to vector<16xi32>
    %broadcast_in_dim3A_2 = arith.constant 1 : i32
    %broadcast_in_dim3A_3 = vector.broadcast %broadcast_in_dim3A_2 : i32 to vector<16xi32>
    %mul3A_4 = arith.constant 5120 : i32
    %mul3A_5 = arith.muli %add3A, %mul3A_4 : i32
    "tpu.region"() ({
      %run_scoped3A = tpu.sem_alloc : memref<!tpu.dma_semaphore, #tpu.memory_space<semaphore_mem>>
      %dma_start3A = tpu.memref_slice %arg2[%mul3A_5] : memref<163840xi32, #tpu.memory_space<hbm>> -> memref<5120xi32, #tpu.memory_space<hbm>>
      %dma_start3A_47 = tpu.memref_slice %arg2[%mul3A_5] : memref<163840xi32, #tpu.memory_space<hbm>> -> memref<5120xi32, #tpu.memory_space<hbm>>
      tpu.enqueue_dma source(%dma_start3A_47 : memref<5120xi32, #tpu.memory_space<hbm>>) target(%arg5 : memref<5120xi32, #tpu.memory_space<vmem>>) target_semaphore(%run_scoped3A : memref<!tpu.dma_semaphore, #tpu.memory_space<semaphore_mem>>)
      %dma_wait3A = tpu.memref_slice %arg2[%mul3A_5] : memref<163840xi32, #tpu.memory_space<hbm>> -> memref<5120xi32, #tpu.memory_space<hbm>>
      %dma_wait3A_48 = tpu.memref_slice %arg2[%mul3A_5] : memref<163840xi32, #tpu.memory_space<hbm>> -> memref<5120xi32, #tpu.memory_space<hbm>>
      tpu.wait_dma2 semaphore(%run_scoped3A : memref<!tpu.dma_semaphore, #tpu.memory_space<semaphore_mem>>) src(%dma_wait3A_48 : memref<5120xi32, #tpu.memory_space<hbm>>) dst(%arg5 : memref<5120xi32, #tpu.memory_space<vmem>>)
      tpu.yield
    }) : () -> ()
    %mul3A_6 = arith.constant 5120 : i32
    %mul3A_7 = arith.muli %add3A, %mul3A_6 : i32
    "tpu.region"() ({
      %run_scoped3A = tpu.sem_alloc : memref<!tpu.dma_semaphore, #tpu.memory_space<semaphore_mem>>
      %dma_start3A = tpu.memref_slice %arg3[%mul3A_7] : memref<163840xi32, #tpu.memory_space<hbm>> -> memref<5120xi32, #tpu.memory_space<hbm>>
      %dma_start3A_47 = tpu.memref_slice %arg3[%mul3A_7] : memref<163840xi32, #tpu.memory_space<hbm>> -> memref<5120xi32, #tpu.memory_space<hbm>>
      tpu.enqueue_dma source(%dma_start3A_47 : memref<5120xi32, #tpu.memory_space<hbm>>) target(%arg6 : memref<5120xi32, #tpu.memory_space<vmem>>) target_semaphore(%run_scoped3A : memref<!tpu.dma_semaphore, #tpu.memory_space<semaphore_mem>>)
      %dma_wait3A = tpu.memref_slice %arg3[%mul3A_7] : memref<163840xi32, #tpu.memory_space<hbm>> -> memref<5120xi32, #tpu.memory_space<hbm>>
      %dma_wait3A_48 = tpu.memref_slice %arg3[%mul3A_7] : memref<163840xi32, #tpu.memory_space<hbm>> -> memref<5120xi32, #tpu.memory_space<hbm>>
      tpu.wait_dma2 semaphore(%run_scoped3A : memref<!tpu.dma_semaphore, #tpu.memory_space<semaphore_mem>>) src(%dma_wait3A_48 : memref<5120xi32, #tpu.memory_space<hbm>>) dst(%arg6 : memref<5120xi32, #tpu.memory_space<vmem>>)
      tpu.yield
    }) : () -> ()
    %swap3A = arith.constant 0 : index
    %swap3A_8 = tpu.vector_load %arg8[%swap3A] {strides = array<i32>} : memref<32xi32, #tpu.memory_space<vmem>>, vector<16xi32>,
    tpu.vector_store %arg8[%swap3A], %broadcast_in_dim3A_1 {strides = array<i32>} : memref<32xi32, #tpu.memory_space<vmem>>, vector<16xi32>,
    %swap3A_9 = arith.constant 16 : index
    %swap3A_10 = tpu.vector_load %arg8[%swap3A_9] {strides = array<i32>} : memref<32xi32, #tpu.memory_space<vmem>>, vector<16xi32>,
    tpu.vector_store %arg8[%swap3A_9], %broadcast_in_dim3A_1 {strides = array<i32>} : memref<32xi32, #tpu.memory_space<vmem>>, vector<16xi32>,
    %scan3A = arith.constant 0 : i32
    %scan3A_11 = arith.constant 0 : i32
    %scan3A_12 = arith.constant 320 : i32
    %scan3A_13 = arith.addi %scan3A_11, %scan3A_12 : i32
    %scan3A_14 = arith.constant 1 : i32
    scf.for %scan3A_47 = %scan3A_11 to %scan3A_13 step %scan3A_14  : i32 {
      %mul3A_48 = arith.constant 16 : i32
      %mul3A_49 = arith.muli %scan3A_47, %mul3A_48 : i32
      %get3A_50 = arith.index_cast %mul3A_49 : i32 to index
      %get3A_51 = tpu.vector_load %arg5[%get3A_50] {strides = array<i32>} : memref<5120xi32, #tpu.memory_space<vmem>>, vector<16xi32>,
      %shift_right_arithmetic3A = arith.constant 9 : i32
      %shift_right_arithmetic3A_52 = vector.broadcast %shift_right_arithmetic3A : i32 to vector<16xi32>
      %shift_right_arithmetic3A_53 = arith.shrsi %get3A_51, %shift_right_arithmetic3A_52 : vector<16xi32>
      %slice3A_54 = vector.extract_strided_slice %shift_right_arithmetic3A_53 {offsets = [0], sizes = [1], strides = [1]} : vector<16xi32> to vector<1xi32>
      %squeeze3A_55 = vector.extract %slice3A_54[0] : i32 from vector<1xi32>
      %eq3A = vector.broadcast %squeeze3A_55 : i32 to vector<16xi32>
      %eq3A_56 = arith.cmpi eq, %shift_right_arithmetic3A_53, %eq3A : vector<16xi32>
      %select_n3A = arith.select %eq3A_56, %broadcast_in_dim3A_3, %broadcast_in_dim3A_1 : vector<16xi1>, vector<16xi32>
      %add3A_57 = arith.addi %broadcast_in_dim3A_1, %select_n3A : vector<16xi32>
      %slice3A_58 = vector.extract_strided_slice %shift_right_arithmetic3A_53 {offsets = [1], sizes = [1], strides = [1]} : vector<16xi32> to vector<1xi32>
      %squeeze3A_59 = vector.extract %slice3A_58[0] : i32 from vector<1xi32>
      %eq3A_60 = vector.broadcast %squeeze3A_59 : i32 to vector<16xi32>
      %eq3A_61 = arith.cmpi eq, %shift_right_arithmetic3A_53, %eq3A_60 : vector<16xi32>
      %select_n3A_62 = arith.select %eq3A_61, %broadcast_in_dim3A_3, %broadcast_in_dim3A_1 : vector<16xi1>, vector<16xi32>
      %add3A_63 = arith.addi %add3A_57, %select_n3A_62 : vector<16xi32>
      %slice3A_64 = vector.extract_strided_slice %shift_right_arithmetic3A_53 {offsets = [2], sizes = [1], strides = [1]} : vector<16xi32> to vector<1xi32>
      %squeeze3A_65 = vector.extract %slice3A_64[0] : i32 from vector<1xi32>
      %eq3A_66 = vector.broadcast %squeeze3A_65 : i32 to vector<16xi32>
      %eq3A_67 = arith.cmpi eq, %shift_right_arithmetic3A_53, %eq3A_66 : vector<16xi32>
      %select_n3A_68 = arith.select %eq3A_67, %broadcast_in_dim3A_3, %broadcast_in_dim3A_1 : vector<16xi1>, vector<16xi32>
      %add3A_69 = arith.addi %add3A_63, %select_n3A_68 : vector<16xi32>
      %slice3A_70 = vector.extract_strided_slice %shift_right_arithmetic3A_53 {offsets = [3], sizes = [1], strides = [1]} : vector<16xi32> to vector<1xi32>
      %squeeze3A_71 = vector.extract %slice3A_70[0] : i32 from vector<1xi32>
      %eq3A_72 = vector.broadcast %squeeze3A_71 : i32 to vector<16xi32>
      %eq3A_73 = arith.cmpi eq, %shift_right_arithmetic3A_53, %eq3A_72 : vector<16xi32>
      %select_n3A_74 = arith.select %eq3A_73, %broadcast_in_dim3A_3, %broadcast_in_dim3A_1 : vector<16xi1>, vector<16xi32>
      %add3A_75 = arith.addi %add3A_69, %select_n3A_74 : vector<16xi32>
      %slice3A_76 = vector.extract_strided_slice %shift_right_arithmetic3A_53 {offsets = [4], sizes = [1], strides = [1]} : vector<16xi32> to vector<1xi32>
      %squeeze3A_77 = vector.extract %slice3A_76[0] : i32 from vector<1xi32>
      %eq3A_78 = vector.broadcast %squeeze3A_77 : i32 to vector<16xi32>
      %eq3A_79 = arith.cmpi eq, %shift_right_arithmetic3A_53, %eq3A_78 : vector<16xi32>
      %select_n3A_80 = arith.select %eq3A_79, %broadcast_in_dim3A_3, %broadcast_in_dim3A_1 : vector<16xi1>, vector<16xi32>
      %add3A_81 = arith.addi %add3A_75, %select_n3A_80 : vector<16xi32>
      %slice3A_82 = vector.extract_strided_slice %shift_right_arithmetic3A_53 {offsets = [5], sizes = [1], strides = [1]} : vector<16xi32> to vector<1xi32>
      %squeeze3A_83 = vector.extract %slice3A_82[0] : i32 from vector<1xi32>
      %eq3A_84 = vector.broadcast %squeeze3A_83 : i32 to vector<16xi32>
      %eq3A_85 = arith.cmpi eq, %shift_right_arithmetic3A_53, %eq3A_84 : vector<16xi32>
      %select_n3A_86 = arith.select %eq3A_85, %broadcast_in_dim3A_3, %broadcast_in_dim3A_1 : vector<16xi1>, vector<16xi32>
      %add3A_87 = arith.addi %add3A_81, %select_n3A_86 : vector<16xi32>
      %slice3A_88 = vector.extract_strided_slice %shift_right_arithmetic3A_53 {offsets = [6], sizes = [1], strides = [1]} : vector<16xi32> to vector<1xi32>
      %squeeze3A_89 = vector.extract %slice3A_88[0] : i32 from vector<1xi32>
      %eq3A_90 = vector.broadcast %squeeze3A_89 : i32 to vector<16xi32>
      %eq3A_91 = arith.cmpi eq, %shift_right_arithmetic3A_53, %eq3A_90 : vector<16xi32>
      %select_n3A_92 = arith.select %eq3A_91, %broadcast_in_dim3A_3, %broadcast_in_dim3A_1 : vector<16xi1>, vector<16xi32>
      %add3A_93 = arith.addi %add3A_87, %select_n3A_92 : vector<16xi32>
      %slice3A_94 = vector.extract_strided_slice %shift_right_arithmetic3A_53 {offsets = [7], sizes = [1], strides = [1]} : vector<16xi32> to vector<1xi32>
      %squeeze3A_95 = vector.extract %slice3A_94[0] : i32 from vector<1xi32>
      %eq3A_96 = vector.broadcast %squeeze3A_95 : i32 to vector<16xi32>
      %eq3A_97 = arith.cmpi eq, %shift_right_arithmetic3A_53, %eq3A_96 : vector<16xi32>
      %select_n3A_98 = arith.select %eq3A_97, %broadcast_in_dim3A_3, %broadcast_in_dim3A_1 : vector<16xi1>, vector<16xi32>
      %add3A_99 = arith.addi %add3A_93, %select_n3A_98 : vector<16xi32>
      %slice3A_100 = vector.extract_strided_slice %shift_right_arithmetic3A_53 {offsets = [8], sizes = [1], strides = [1]} : vector<16xi32> to vector<1xi32>
      %squeeze3A_101 = vector.extract %slice3A_100[0] : i32 from vector<1xi32>
      %eq3A_102 = vector.broadcast %squeeze3A_101 : i32 to vector<16xi32>
      %eq3A_103 = arith.cmpi eq, %shift_right_arithmetic3A_53, %eq3A_102 : vector<16xi32>
      %select_n3A_104 = arith.select %eq3A_103, %broadcast_in_dim3A_3, %broadcast_in_dim3A_1 : vector<16xi1>, vector<16xi32>
      %add3A_105 = arith.addi %add3A_99, %select_n3A_104 : vector<16xi32>
      %slice3A_106 = vector.extract_strided_slice %shift_right_arithmetic3A_53 {offsets = [9], sizes = [1], strides = [1]} : vector<16xi32> to vector<1xi32>
      %squeeze3A_107 = vector.extract %slice3A_106[0] : i32 from vector<1xi32>
      %eq3A_108 = vector.broadcast %squeeze3A_107 : i32 to vector<16xi32>
      %eq3A_109 = arith.cmpi eq, %shift_right_arithmetic3A_53, %eq3A_108 : vector<16xi32>
      %select_n3A_110 = arith.select %eq3A_109, %broadcast_in_dim3A_3, %broadcast_in_dim3A_1 : vector<16xi1>, vector<16xi32>
      %add3A_111 = arith.addi %add3A_105, %select_n3A_110 : vector<16xi32>
      %slice3A_112 = vector.extract_strided_slice %shift_right_arithmetic3A_53 {offsets = [10], sizes = [1], strides = [1]} : vector<16xi32> to vector<1xi32>
      %squeeze3A_113 = vector.extract %slice3A_112[0] : i32 from vector<1xi32>
      %eq3A_114 = vector.broadcast %squeeze3A_113 : i32 to vector<16xi32>
      %eq3A_115 = arith.cmpi eq, %shift_right_arithmetic3A_53, %eq3A_114 : vector<16xi32>
      %select_n3A_116 = arith.select %eq3A_115, %broadcast_in_dim3A_3, %broadcast_in_dim3A_1 : vector<16xi1>, vector<16xi32>
      %add3A_117 = arith.addi %add3A_111, %select_n3A_116 : vector<16xi32>
      %slice3A_118 = vector.extract_strided_slice %shift_right_arithmetic3A_53 {offsets = [11], sizes = [1], strides = [1]} : vector<16xi32> to vector<1xi32>
      %squeeze3A_119 = vector.extract %slice3A_118[0] : i32 from vector<1xi32>
      %eq3A_120 = vector.broadcast %squeeze3A_119 : i32 to vector<16xi32>
      %eq3A_121 = arith.cmpi eq, %shift_right_arithmetic3A_53, %eq3A_120 : vector<16xi32>
      %select_n3A_122 = arith.select %eq3A_121, %broadcast_in_dim3A_3, %broadcast_in_dim3A_1 : vector<16xi1>, vector<16xi32>
      %add3A_123 = arith.addi %add3A_117, %select_n3A_122 : vector<16xi32>
      %slice3A_124 = vector.extract_strided_slice %shift_right_arithmetic3A_53 {offsets = [12], sizes = [1], strides = [1]} : vector<16xi32> to vector<1xi32>
      %squeeze3A_125 = vector.extract %slice3A_124[0] : i32 from vector<1xi32>
      %eq3A_126 = vector.broadcast %squeeze3A_125 : i32 to vector<16xi32>
      %eq3A_127 = arith.cmpi eq, %shift_right_arithmetic3A_53, %eq3A_126 : vector<16xi32>
      %select_n3A_128 = arith.select %eq3A_127, %broadcast_in_dim3A_3, %broadcast_in_dim3A_1 : vector<16xi1>, vector<16xi32>
      %add3A_129 = arith.addi %add3A_123, %select_n3A_128 : vector<16xi32>
      %slice3A_130 = vector.extract_strided_slice %shift_right_arithmetic3A_53 {offsets = [13], sizes = [1], strides = [1]} : vector<16xi32> to vector<1xi32>
      %squeeze3A_131 = vector.extract %slice3A_130[0] : i32 from vector<1xi32>
      %eq3A_132 = vector.broadcast %squeeze3A_131 : i32 to vector<16xi32>
      %eq3A_133 = arith.cmpi eq, %shift_right_arithmetic3A_53, %eq3A_132 : vector<16xi32>
      %select_n3A_134 = arith.select %eq3A_133, %broadcast_in_dim3A_3, %broadcast_in_dim3A_1 : vector<16xi1>, vector<16xi32>
      %add3A_135 = arith.addi %add3A_129, %select_n3A_134 : vector<16xi32>
      %slice3A_136 = vector.extract_strided_slice %shift_right_arithmetic3A_53 {offsets = [14], sizes = [1], strides = [1]} : vector<16xi32> to vector<1xi32>
      %squeeze3A_137 = vector.extract %slice3A_136[0] : i32 from vector<1xi32>
      %eq3A_138 = vector.broadcast %squeeze3A_137 : i32 to vector<16xi32>
      %eq3A_139 = arith.cmpi eq, %shift_right_arithmetic3A_53, %eq3A_138 : vector<16xi32>
      %select_n3A_140 = arith.select %eq3A_139, %broadcast_in_dim3A_3, %broadcast_in_dim3A_1 : vector<16xi1>, vector<16xi32>
      %add3A_141 = arith.addi %add3A_135, %select_n3A_140 : vector<16xi32>
      %slice3A_142 = vector.extract_strided_slice %shift_right_arithmetic3A_53 {offsets = [15], sizes = [1], strides = [1]} : vector<16xi32> to vector<1xi32>
      %squeeze3A_143 = vector.extract %slice3A_142[0] : i32 from vector<1xi32>
      %eq3A_144 = vector.broadcast %squeeze3A_143 : i32 to vector<16xi32>
      %eq3A_145 = arith.cmpi eq, %shift_right_arithmetic3A_53, %eq3A_144 : vector<16xi32>
      %select_n3A_146 = arith.select %eq3A_145, %broadcast_in_dim3A_3, %broadcast_in_dim3A_1 : vector<16xi1>, vector<16xi32>
      %add3A_147 = arith.addi %add3A_141, %select_n3A_146 : vector<16xi32>
      %gather3A = tpu.vector_load_idx %arg8[%shift_right_arithmetic3A_53] : memref<32xi32, #tpu.memory_space<vmem>>[vector<16xi32>], vector<16xi32>,
      %add3A_148 = arith.addi %gather3A, %add3A_147 : vector<16xi32>
      tpu.vector_store_idx %arg8[%shift_right_arithmetic3A_53], %add3A_148 : memref<32xi32, #tpu.memory_space<vmem>>[vector<16xi32>], vector<16xi32>,
    }
    %scan3A_15 = arith.constant 320 : i32
    %get3A = arith.constant 0 : index
    %get3A_16 = tpu.vector_load %arg8[%get3A] {strides = array<i32>} : memref<32xi32, #tpu.memory_space<vmem>>, vector<16xi32>,
    %broadcast_in_dim3A_17 = arith.constant true
    %broadcast_in_dim3A_18 = vector.broadcast %broadcast_in_dim3A_17 : i1 to vector<16xi1>
    %masked_cumsum3A = tpu.scan <sum>, %get3A_16 masked %broadcast_in_dim3A_18 : vector<16xi32>, vector<16xi1> -> vector<16xi32>
    %sub3A = arith.subi %masked_cumsum3A, %get3A_16 : vector<16xi32>
    %add3A_19 = arith.constant 0 : i32
    %add3A_20 = vector.broadcast %add3A_19 : i32 to vector<16xi32>
    %add3A_21 = arith.addi %sub3A, %add3A_20 : vector<16xi32>
    %swap3A_22 = arith.constant 0 : index
    %swap3A_23 = tpu.vector_load %arg8[%swap3A_22] {strides = array<i32>} : memref<32xi32, #tpu.memory_space<vmem>>, vector<16xi32>,
    tpu.vector_store %arg8[%swap3A_22], %add3A_21 {strides = array<i32>} : memref<32xi32, #tpu.memory_space<vmem>>, vector<16xi32>,
    %slice3A = vector.extract_strided_slice %masked_cumsum3A {offsets = [15], sizes = [1], strides = [1]} : vector<16xi32> to vector<1xi32>
    %squeeze3A = vector.extract %slice3A[0] : i32 from vector<1xi32>
    %add3A_24 = arith.constant 0 : i32
    %add3A_25 = arith.addi %add3A_24, %squeeze3A : i32
    %get3A_26 = arith.constant 16 : index
    %get3A_27 = tpu.vector_load %arg8[%get3A_26] {strides = array<i32>} : memref<32xi32, #tpu.memory_space<vmem>>, vector<16xi32>,
    %broadcast_in_dim3A_28 = arith.constant true
    %broadcast_in_dim3A_29 = vector.broadcast %broadcast_in_dim3A_28 : i1 to vector<16xi1>
    %masked_cumsum3A_30 = tpu.scan <sum>, %get3A_27 masked %broadcast_in_dim3A_29 : vector<16xi32>, vector<16xi1> -> vector<16xi32>
    %sub3A_31 = arith.subi %masked_cumsum3A_30, %get3A_27 : vector<16xi32>
    %add3A_32 = vector.broadcast %add3A_25 : i32 to vector<16xi32>
    %add3A_33 = arith.addi %sub3A_31, %add3A_32 : vector<16xi32>
    %swap3A_34 = arith.constant 16 : index
    %swap3A_35 = tpu.vector_load %arg8[%swap3A_34] {strides = array<i32>} : memref<32xi32, #tpu.memory_space<vmem>>, vector<16xi32>,
    tpu.vector_store %arg8[%swap3A_34], %add3A_33 {strides = array<i32>} : memref<32xi32, #tpu.memory_space<vmem>>, vector<16xi32>,
    %slice3A_36 = vector.extract_strided_slice %masked_cumsum3A_30 {offsets = [15], sizes = [1], strides = [1]} : vector<16xi32> to vector<1xi32>
    %squeeze3A_37 = vector.extract %slice3A_36[0] : i32 from vector<1xi32>
    %add3A_38 = arith.addi %add3A_25, %squeeze3A_37 : i32
    %scan3A_39 = arith.constant 0 : i32
    %scan3A_40 = arith.constant 0 : i32
    %scan3A_41 = arith.constant 320 : i32
    %scan3A_42 = arith.addi %scan3A_40, %scan3A_41 : i32
    %scan3A_43 = arith.constant 1 : i32
    scf.for %scan3A_47 = %scan3A_40 to %scan3A_42 step %scan3A_43  : i32 {
      %mul3A_48 = arith.constant 16 : i32
      %mul3A_49 = arith.muli %scan3A_47, %mul3A_48 : i32
      %get3A_50 = arith.index_cast %mul3A_49 : i32 to index
      %get3A_51 = tpu.vector_load %arg5[%get3A_50] {strides = array<i32>} : memref<5120xi32, #tpu.memory_space<vmem>>, vector<16xi32>,
      %mul3A_52 = arith.constant 16 : i32
      %mul3A_53 = arith.muli %scan3A_47, %mul3A_52 : i32
      %get3A_54 = arith.index_cast %mul3A_53 : i32 to index
      %get3A_55 = tpu.vector_load %arg6[%get3A_54] {strides = array<i32>} : memref<5120xi32, #tpu.memory_space<vmem>>, vector<16xi32>,
      %shift_right_arithmetic3A = arith.constant 9 : i32
      %shift_right_arithmetic3A_56 = vector.broadcast %shift_right_arithmetic3A : i32 to vector<16xi32>
      %shift_right_arithmetic3A_57 = arith.shrsi %get3A_51, %shift_right_arithmetic3A_56 : vector<16xi32>
      %slice3A_58 = vector.extract_strided_slice %shift_right_arithmetic3A_57 {offsets = [0], sizes = [1], strides = [1]} : vector<16xi32> to vector<1xi32>
      %squeeze3A_59 = vector.extract %slice3A_58[0] : i32 from vector<1xi32>
      %eq3A = vector.broadcast %squeeze3A_59 : i32 to vector<16xi32>
      %eq3A_60 = arith.cmpi eq, %shift_right_arithmetic3A_57, %eq3A : vector<16xi32>
      %select_n3A = arith.select %eq3A_60, %broadcast_in_dim3A_3, %broadcast_in_dim3A_1 : vector<16xi1>, vector<16xi32>
      %add3A_61 = arith.addi %broadcast_in_dim3A_1, %select_n3A : vector<16xi32>
      %gt3A = arith.constant 0 : i32
      %gt3A_62 = vector.broadcast %gt3A : i32 to vector<16xi32>
      %gt3A_63 = arith.cmpi sgt, %iota3A, %gt3A_62 : vector<16xi32>
      %and3A = arith.andi %eq3A_60, %gt3A_63 : vector<16xi1>
      %select_n3A_64 = arith.select %and3A, %broadcast_in_dim3A_3, %broadcast_in_dim3A_1 : vector<16xi1>, vector<16xi32>
      %add3A_65 = arith.addi %broadcast_in_dim3A_1, %select_n3A_64 : vector<16xi32>
      %slice3A_66 = vector.extract_strided_slice %shift_right_arithmetic3A_57 {offsets = [1], sizes = [1], strides = [1]} : vector<16xi32> to vector<1xi32>
      %squeeze3A_67 = vector.extract %slice3A_66[0] : i32 from vector<1xi32>
      %eq3A_68 = vector.broadcast %squeeze3A_67 : i32 to vector<16xi32>
      %eq3A_69 = arith.cmpi eq, %shift_right_arithmetic3A_57, %eq3A_68 : vector<16xi32>
      %select_n3A_70 = arith.select %eq3A_69, %broadcast_in_dim3A_3, %broadcast_in_dim3A_1 : vector<16xi1>, vector<16xi32>
      %add3A_71 = arith.addi %add3A_61, %select_n3A_70 : vector<16xi32>
      %gt3A_72 = arith.constant 1 : i32
      %gt3A_73 = vector.broadcast %gt3A_72 : i32 to vector<16xi32>
      %gt3A_74 = arith.cmpi sgt, %iota3A, %gt3A_73 : vector<16xi32>
      %and3A_75 = arith.andi %eq3A_69, %gt3A_74 : vector<16xi1>
      %select_n3A_76 = arith.select %and3A_75, %broadcast_in_dim3A_3, %broadcast_in_dim3A_1 : vector<16xi1>, vector<16xi32>
      %add3A_77 = arith.addi %add3A_65, %select_n3A_76 : vector<16xi32>
      %slice3A_78 = vector.extract_strided_slice %shift_right_arithmetic3A_57 {offsets = [2], sizes = [1], strides = [1]} : vector<16xi32> to vector<1xi32>
      %squeeze3A_79 = vector.extract %slice3A_78[0] : i32 from vector<1xi32>
      %eq3A_80 = vector.broadcast %squeeze3A_79 : i32 to vector<16xi32>
      %eq3A_81 = arith.cmpi eq, %shift_right_arithmetic3A_57, %eq3A_80 : vector<16xi32>
      %select_n3A_82 = arith.select %eq3A_81, %broadcast_in_dim3A_3, %broadcast_in_dim3A_1 : vector<16xi1>, vector<16xi32>
      %add3A_83 = arith.addi %add3A_71, %select_n3A_82 : vector<16xi32>
      %gt3A_84 = arith.constant 2 : i32
      %gt3A_85 = vector.broadcast %gt3A_84 : i32 to vector<16xi32>
      %gt3A_86 = arith.cmpi sgt, %iota3A, %gt3A_85 : vector<16xi32>
      %and3A_87 = arith.andi %eq3A_81, %gt3A_86 : vector<16xi1>
      %select_n3A_88 = arith.select %and3A_87, %broadcast_in_dim3A_3, %broadcast_in_dim3A_1 : vector<16xi1>, vector<16xi32>
      %add3A_89 = arith.addi %add3A_77, %select_n3A_88 : vector<16xi32>
      %slice3A_90 = vector.extract_strided_slice %shift_right_arithmetic3A_57 {offsets = [3], sizes = [1], strides = [1]} : vector<16xi32> to vector<1xi32>
      %squeeze3A_91 = vector.extract %slice3A_90[0] : i32 from vector<1xi32>
      %eq3A_92 = vector.broadcast %squeeze3A_91 : i32 to vector<16xi32>
      %eq3A_93 = arith.cmpi eq, %shift_right_arithmetic3A_57, %eq3A_92 : vector<16xi32>
      %select_n3A_94 = arith.select %eq3A_93, %broadcast_in_dim3A_3, %broadcast_in_dim3A_1 : vector<16xi1>, vector<16xi32>
      %add3A_95 = arith.addi %add3A_83, %select_n3A_94 : vector<16xi32>
      %gt3A_96 = arith.constant 3 : i32
      %gt3A_97 = vector.broadcast %gt3A_96 : i32 to vector<16xi32>
      %gt3A_98 = arith.cmpi sgt, %iota3A, %gt3A_97 : vector<16xi32>
      %and3A_99 = arith.andi %eq3A_93, %gt3A_98 : vector<16xi1>
      %select_n3A_100 = arith.select %and3A_99, %broadcast_in_dim3A_3, %broadcast_in_dim3A_1 : vector<16xi1>, vector<16xi32>
      %add3A_101 = arith.addi %add3A_89, %select_n3A_100 : vector<16xi32>
      %slice3A_102 = vector.extract_strided_slice %shift_right_arithmetic3A_57 {offsets = [4], sizes = [1], strides = [1]} : vector<16xi32> to vector<1xi32>
      %squeeze3A_103 = vector.extract %slice3A_102[0] : i32 from vector<1xi32>
      %eq3A_104 = vector.broadcast %squeeze3A_103 : i32 to vector<16xi32>
      %eq3A_105 = arith.cmpi eq, %shift_right_arithmetic3A_57, %eq3A_104 : vector<16xi32>
      %select_n3A_106 = arith.select %eq3A_105, %broadcast_in_dim3A_3, %broadcast_in_dim3A_1 : vector<16xi1>, vector<16xi32>
      %add3A_107 = arith.addi %add3A_95, %select_n3A_106 : vector<16xi32>
      %gt3A_108 = arith.constant 4 : i32
      %gt3A_109 = vector.broadcast %gt3A_108 : i32 to vector<16xi32>
      %gt3A_110 = arith.cmpi sgt, %iota3A, %gt3A_109 : vector<16xi32>
      %and3A_111 = arith.andi %eq3A_105, %gt3A_110 : vector<16xi1>
      %select_n3A_112 = arith.select %and3A_111, %broadcast_in_dim3A_3, %broadcast_in_dim3A_1 : vector<16xi1>, vector<16xi32>
      %add3A_113 = arith.addi %add3A_101, %select_n3A_112 : vector<16xi32>
      %slice3A_114 = vector.extract_strided_slice %shift_right_arithmetic3A_57 {offsets = [5], sizes = [1], strides = [1]} : vector<16xi32> to vector<1xi32>
      %squeeze3A_115 = vector.extract %slice3A_114[0] : i32 from vector<1xi32>
      %eq3A_116 = vector.broadcast %squeeze3A_115 : i32 to vector<16xi32>
      %eq3A_117 = arith.cmpi eq, %shift_right_arithmetic3A_57, %eq3A_116 : vector<16xi32>
      %select_n3A_118 = arith.select %eq3A_117, %broadcast_in_dim3A_3, %broadcast_in_dim3A_1 : vector<16xi1>, vector<16xi32>
      %add3A_119 = arith.addi %add3A_107, %select_n3A_118 : vector<16xi32>
      %gt3A_120 = arith.constant 5 : i32
      %gt3A_121 = vector.broadcast %gt3A_120 : i32 to vector<16xi32>
      %gt3A_122 = arith.cmpi sgt, %iota3A, %gt3A_121 : vector<16xi32>
      %and3A_123 = arith.andi %eq3A_117, %gt3A_122 : vector<16xi1>
      %select_n3A_124 = arith.select %and3A_123, %broadcast_in_dim3A_3, %broadcast_in_dim3A_1 : vector<16xi1>, vector<16xi32>
      %add3A_125 = arith.addi %add3A_113, %select_n3A_124 : vector<16xi32>
      %slice3A_126 = vector.extract_strided_slice %shift_right_arithmetic3A_57 {offsets = [6], sizes = [1], strides = [1]} : vector<16xi32> to vector<1xi32>
      %squeeze3A_127 = vector.extract %slice3A_126[0] : i32 from vector<1xi32>
      %eq3A_128 = vector.broadcast %squeeze3A_127 : i32 to vector<16xi32>
      %eq3A_129 = arith.cmpi eq, %shift_right_arithmetic3A_57, %eq3A_128 : vector<16xi32>
      %select_n3A_130 = arith.select %eq3A_129, %broadcast_in_dim3A_3, %broadcast_in_dim3A_1 : vector<16xi1>, vector<16xi32>
      %add3A_131 = arith.addi %add3A_119, %select_n3A_130 : vector<16xi32>
      %gt3A_132 = arith.constant 6 : i32
      %gt3A_133 = vector.broadcast %gt3A_132 : i32 to vector<16xi32>
      %gt3A_134 = arith.cmpi sgt, %iota3A, %gt3A_133 : vector<16xi32>
      %and3A_135 = arith.andi %eq3A_129, %gt3A_134 : vector<16xi1>
      %select_n3A_136 = arith.select %and3A_135, %broadcast_in_dim3A_3, %broadcast_in_dim3A_1 : vector<16xi1>, vector<16xi32>
      %add3A_137 = arith.addi %add3A_125, %select_n3A_136 : vector<16xi32>
      %slice3A_138 = vector.extract_strided_slice %shift_right_arithmetic3A_57 {offsets = [7], sizes = [1], strides = [1]} : vector<16xi32> to vector<1xi32>
      %squeeze3A_139 = vector.extract %slice3A_138[0] : i32 from vector<1xi32>
      %eq3A_140 = vector.broadcast %squeeze3A_139 : i32 to vector<16xi32>
      %eq3A_141 = arith.cmpi eq, %shift_right_arithmetic3A_57, %eq3A_140 : vector<16xi32>
      %select_n3A_142 = arith.select %eq3A_141, %broadcast_in_dim3A_3, %broadcast_in_dim3A_1 : vector<16xi1>, vector<16xi32>
      %add3A_143 = arith.addi %add3A_131, %select_n3A_142 : vector<16xi32>
      %gt3A_144 = arith.constant 7 : i32
      %gt3A_145 = vector.broadcast %gt3A_144 : i32 to vector<16xi32>
      %gt3A_146 = arith.cmpi sgt, %iota3A, %gt3A_145 : vector<16xi32>
      %and3A_147 = arith.andi %eq3A_141, %gt3A_146 : vector<16xi1>
      %select_n3A_148 = arith.select %and3A_147, %broadcast_in_dim3A_3, %broadcast_in_dim3A_1 : vector<16xi1>, vector<16xi32>
      %add3A_149 = arith.addi %add3A_137, %select_n3A_148 : vector<16xi32>
      %slice3A_150 = vector.extract_strided_slice %shift_right_arithmetic3A_57 {offsets = [8], sizes = [1], strides = [1]} : vector<16xi32> to vector<1xi32>
      %squeeze3A_151 = vector.extract %slice3A_150[0] : i32 from vector<1xi32>
      %eq3A_152 = vector.broadcast %squeeze3A_151 : i32 to vector<16xi32>
      %eq3A_153 = arith.cmpi eq, %shift_right_arithmetic3A_57, %eq3A_152 : vector<16xi32>
      %select_n3A_154 = arith.select %eq3A_153, %broadcast_in_dim3A_3, %broadcast_in_dim3A_1 : vector<16xi1>, vector<16xi32>
      %add3A_155 = arith.addi %add3A_143, %select_n3A_154 : vector<16xi32>
      %gt3A_156 = arith.constant 8 : i32
      %gt3A_157 = vector.broadcast %gt3A_156 : i32 to vector<16xi32>
      %gt3A_158 = arith.cmpi sgt, %iota3A, %gt3A_157 : vector<16xi32>
      %and3A_159 = arith.andi %eq3A_153, %gt3A_158 : vector<16xi1>
      %select_n3A_160 = arith.select %and3A_159, %broadcast_in_dim3A_3, %broadcast_in_dim3A_1 : vector<16xi1>, vector<16xi32>
      %add3A_161 = arith.addi %add3A_149, %select_n3A_160 : vector<16xi32>
      %slice3A_162 = vector.extract_strided_slice %shift_right_arithmetic3A_57 {offsets = [9], sizes = [1], strides = [1]} : vector<16xi32> to vector<1xi32>
      %squeeze3A_163 = vector.extract %slice3A_162[0] : i32 from vector<1xi32>
      %eq3A_164 = vector.broadcast %squeeze3A_163 : i32 to vector<16xi32>
      %eq3A_165 = arith.cmpi eq, %shift_right_arithmetic3A_57, %eq3A_164 : vector<16xi32>
      %select_n3A_166 = arith.select %eq3A_165, %broadcast_in_dim3A_3, %broadcast_in_dim3A_1 : vector<16xi1>, vector<16xi32>
      %add3A_167 = arith.addi %add3A_155, %select_n3A_166 : vector<16xi32>
      %gt3A_168 = arith.constant 9 : i32
      %gt3A_169 = vector.broadcast %gt3A_168 : i32 to vector<16xi32>
      %gt3A_170 = arith.cmpi sgt, %iota3A, %gt3A_169 : vector<16xi32>
      %and3A_171 = arith.andi %eq3A_165, %gt3A_170 : vector<16xi1>
      %select_n3A_172 = arith.select %and3A_171, %broadcast_in_dim3A_3, %broadcast_in_dim3A_1 : vector<16xi1>, vector<16xi32>
      %add3A_173 = arith.addi %add3A_161, %select_n3A_172 : vector<16xi32>
      %slice3A_174 = vector.extract_strided_slice %shift_right_arithmetic3A_57 {offsets = [10], sizes = [1], strides = [1]} : vector<16xi32> to vector<1xi32>
      %squeeze3A_175 = vector.extract %slice3A_174[0] : i32 from vector<1xi32>
      %eq3A_176 = vector.broadcast %squeeze3A_175 : i32 to vector<16xi32>
      %eq3A_177 = arith.cmpi eq, %shift_right_arithmetic3A_57, %eq3A_176 : vector<16xi32>
      %select_n3A_178 = arith.select %eq3A_177, %broadcast_in_dim3A_3, %broadcast_in_dim3A_1 : vector<16xi1>, vector<16xi32>
      %add3A_179 = arith.addi %add3A_167, %select_n3A_178 : vector<16xi32>
      %gt3A_180 = arith.constant 10 : i32
      %gt3A_181 = vector.broadcast %gt3A_180 : i32 to vector<16xi32>
      %gt3A_182 = arith.cmpi sgt, %iota3A, %gt3A_181 : vector<16xi32>
      %and3A_183 = arith.andi %eq3A_177, %gt3A_182 : vector<16xi1>
      %select_n3A_184 = arith.select %and3A_183, %broadcast_in_dim3A_3, %broadcast_in_dim3A_1 : vector<16xi1>, vector<16xi32>
      %add3A_185 = arith.addi %add3A_173, %select_n3A_184 : vector<16xi32>
      %slice3A_186 = vector.extract_strided_slice %shift_right_arithmetic3A_57 {offsets = [11], sizes = [1], strides = [1]} : vector<16xi32> to vector<1xi32>
      %squeeze3A_187 = vector.extract %slice3A_186[0] : i32 from vector<1xi32>
      %eq3A_188 = vector.broadcast %squeeze3A_187 : i32 to vector<16xi32>
      %eq3A_189 = arith.cmpi eq, %shift_right_arithmetic3A_57, %eq3A_188 : vector<16xi32>
      %select_n3A_190 = arith.select %eq3A_189, %broadcast_in_dim3A_3, %broadcast_in_dim3A_1 : vector<16xi1>, vector<16xi32>
      %add3A_191 = arith.addi %add3A_179, %select_n3A_190 : vector<16xi32>
      %gt3A_192 = arith.constant 11 : i32
      %gt3A_193 = vector.broadcast %gt3A_192 : i32 to vector<16xi32>
      %gt3A_194 = arith.cmpi sgt, %iota3A, %gt3A_193 : vector<16xi32>
      %and3A_195 = arith.andi %eq3A_189, %gt3A_194 : vector<16xi1>
      %select_n3A_196 = arith.select %and3A_195, %broadcast_in_dim3A_3, %broadcast_in_dim3A_1 : vector<16xi1>, vector<16xi32>
      %add3A_197 = arith.addi %add3A_185, %select_n3A_196 : vector<16xi32>
      %slice3A_198 = vector.extract_strided_slice %shift_right_arithmetic3A_57 {offsets = [12], sizes = [1], strides = [1]} : vector<16xi32> to vector<1xi32>
      %squeeze3A_199 = vector.extract %slice3A_198[0] : i32 from vector<1xi32>
      %eq3A_200 = vector.broadcast %squeeze3A_199 : i32 to vector<16xi32>
      %eq3A_201 = arith.cmpi eq, %shift_right_arithmetic3A_57, %eq3A_200 : vector<16xi32>
      %select_n3A_202 = arith.select %eq3A_201, %broadcast_in_dim3A_3, %broadcast_in_dim3A_1 : vector<16xi1>, vector<16xi32>
      %add3A_203 = arith.addi %add3A_191, %select_n3A_202 : vector<16xi32>
      %gt3A_204 = arith.constant 12 : i32
      %gt3A_205 = vector.broadcast %gt3A_204 : i32 to vector<16xi32>
      %gt3A_206 = arith.cmpi sgt, %iota3A, %gt3A_205 : vector<16xi32>
      %and3A_207 = arith.andi %eq3A_201, %gt3A_206 : vector<16xi1>
      %select_n3A_208 = arith.select %and3A_207, %broadcast_in_dim3A_3, %broadcast_in_dim3A_1 : vector<16xi1>, vector<16xi32>
      %add3A_209 = arith.addi %add3A_197, %select_n3A_208 : vector<16xi32>
      %slice3A_210 = vector.extract_strided_slice %shift_right_arithmetic3A_57 {offsets = [13], sizes = [1], strides = [1]} : vector<16xi32> to vector<1xi32>
      %squeeze3A_211 = vector.extract %slice3A_210[0] : i32 from vector<1xi32>
      %eq3A_212 = vector.broadcast %squeeze3A_211 : i32 to vector<16xi32>
      %eq3A_213 = arith.cmpi eq, %shift_right_arithmetic3A_57, %eq3A_212 : vector<16xi32>
      %select_n3A_214 = arith.select %eq3A_213, %broadcast_in_dim3A_3, %broadcast_in_dim3A_1 : vector<16xi1>, vector<16xi32>
      %add3A_215 = arith.addi %add3A_203, %select_n3A_214 : vector<16xi32>
      %gt3A_216 = arith.constant 13 : i32
      %gt3A_217 = vector.broadcast %gt3A_216 : i32 to vector<16xi32>
      %gt3A_218 = arith.cmpi sgt, %iota3A, %gt3A_217 : vector<16xi32>
      %and3A_219 = arith.andi %eq3A_213, %gt3A_218 : vector<16xi1>
      %select_n3A_220 = arith.select %and3A_219, %broadcast_in_dim3A_3, %broadcast_in_dim3A_1 : vector<16xi1>, vector<16xi32>
      %add3A_221 = arith.addi %add3A_209, %select_n3A_220 : vector<16xi32>
      %slice3A_222 = vector.extract_strided_slice %shift_right_arithmetic3A_57 {offsets = [14], sizes = [1], strides = [1]} : vector<16xi32> to vector<1xi32>
      %squeeze3A_223 = vector.extract %slice3A_222[0] : i32 from vector<1xi32>
      %eq3A_224 = vector.broadcast %squeeze3A_223 : i32 to vector<16xi32>
      %eq3A_225 = arith.cmpi eq, %shift_right_arithmetic3A_57, %eq3A_224 : vector<16xi32>
      %select_n3A_226 = arith.select %eq3A_225, %broadcast_in_dim3A_3, %broadcast_in_dim3A_1 : vector<16xi1>, vector<16xi32>
      %add3A_227 = arith.addi %add3A_215, %select_n3A_226 : vector<16xi32>
      %gt3A_228 = arith.constant 14 : i32
      %gt3A_229 = vector.broadcast %gt3A_228 : i32 to vector<16xi32>
      %gt3A_230 = arith.cmpi sgt, %iota3A, %gt3A_229 : vector<16xi32>
      %and3A_231 = arith.andi %eq3A_225, %gt3A_230 : vector<16xi1>
      %select_n3A_232 = arith.select %and3A_231, %broadcast_in_dim3A_3, %broadcast_in_dim3A_1 : vector<16xi1>, vector<16xi32>
      %add3A_233 = arith.addi %add3A_221, %select_n3A_232 : vector<16xi32>
      %slice3A_234 = vector.extract_strided_slice %shift_right_arithmetic3A_57 {offsets = [15], sizes = [1], strides = [1]} : vector<16xi32> to vector<1xi32>
      %squeeze3A_235 = vector.extract %slice3A_234[0] : i32 from vector<1xi32>
      %eq3A_236 = vector.broadcast %squeeze3A_235 : i32 to vector<16xi32>
      %eq3A_237 = arith.cmpi eq, %shift_right_arithmetic3A_57, %eq3A_236 : vector<16xi32>
      %select_n3A_238 = arith.select %eq3A_237, %broadcast_in_dim3A_3, %broadcast_in_dim3A_1 : vector<16xi1>, vector<16xi32>
      %add3A_239 = arith.addi %add3A_227, %select_n3A_238 : vector<16xi32>
      %gt3A_240 = arith.constant 15 : i32
      %gt3A_241 = vector.broadcast %gt3A_240 : i32 to vector<16xi32>
      %gt3A_242 = arith.cmpi sgt, %iota3A, %gt3A_241 : vector<16xi32>
      %and3A_243 = arith.andi %eq3A_237, %gt3A_242 : vector<16xi1>
      %select_n3A_244 = arith.select %and3A_243, %broadcast_in_dim3A_3, %broadcast_in_dim3A_1 : vector<16xi1>, vector<16xi32>
      %add3A_245 = arith.addi %add3A_233, %select_n3A_244 : vector<16xi32>
      %gather3A = tpu.vector_load_idx %arg8[%shift_right_arithmetic3A_57] : memref<32xi32, #tpu.memory_space<vmem>>[vector<16xi32>], vector<16xi32>,
      %add3A_246 = arith.addi %gather3A, %add3A_239 : vector<16xi32>
      tpu.vector_store_idx %arg8[%shift_right_arithmetic3A_57], %add3A_246 : memref<32xi32, #tpu.memory_space<vmem>>[vector<16xi32>], vector<16xi32>,
      %add3A_247 = arith.addi %gather3A, %add3A_245 : vector<16xi32>
      %shift_left3A = arith.constant 14 : i32
      %shift_left3A_248 = vector.broadcast %shift_left3A : i32 to vector<16xi32>
      %shift_left3A_249 = arith.shli %get3A_55, %shift_left3A_248 : vector<16xi32>
      %or3A = arith.ori %get3A_51, %shift_left3A_249 : vector<16xi32>
      tpu.vector_store_idx %arg7[%add3A_247], %or3A : memref<5120xi32, #tpu.memory_space<vmem>>[vector<16xi32>], vector<16xi32>,
    }
    %scan3A_44 = arith.constant 320 : i32
    %mul3A_45 = arith.constant 5120 : i32
    %mul3A_46 = arith.muli %add3A, %mul3A_45 : i32
    "tpu.region"() ({
      %run_scoped3A = tpu.sem_alloc : memref<!tpu.dma_semaphore, #tpu.memory_space<semaphore_mem>>
      %dma_start3A = tpu.memref_slice %arg4[%mul3A_46] : memref<163840xi32, #tpu.memory_space<hbm>> -> memref<5120xi32, #tpu.memory_space<hbm>>
      %dma_start3A_47 = tpu.memref_slice %arg4[%mul3A_46] : memref<163840xi32, #tpu.memory_space<hbm>> -> memref<5120xi32, #tpu.memory_space<hbm>>
      tpu.enqueue_dma source(%arg7 : memref<5120xi32, #tpu.memory_space<vmem>>) target(%dma_start3A_47 : memref<5120xi32, #tpu.memory_space<hbm>>) target_semaphore(%run_scoped3A : memref<!tpu.dma_semaphore, #tpu.memory_space<semaphore_mem>>)
      %dma_wait3A = tpu.memref_slice %arg4[%mul3A_46] : memref<163840xi32, #tpu.memory_space<hbm>> -> memref<5120xi32, #tpu.memory_space<hbm>>
      %dma_wait3A_48 = tpu.memref_slice %arg4[%mul3A_46] : memref<163840xi32, #tpu.memory_space<hbm>> -> memref<5120xi32, #tpu.memory_space<hbm>>
      tpu.wait_dma2 semaphore(%run_scoped3A : memref<!tpu.dma_semaphore, #tpu.memory_space<semaphore_mem>>) src(%arg7 : memref<5120xi32, #tpu.memory_space<vmem>>) dst(%dma_wait3A_48 : memref<5120xi32, #tpu.memory_space<hbm>>)
      tpu.yield
    }) : () -> ()
    return
  }
}

#map = affine_map<(d0, d1) -> (0)>
module attributes {stable_mosaic.version = 14 : i64} {
  func.func @_sc_degree(%arg0: i32, %arg1: i32, %arg2: memref<163840xi32, #tpu.memory_space<hbm>>, %arg3: memref<327680xf32, #tpu.memory_space<hbm>>, %arg4: memref<5120xi32, #tpu.memory_space<vmem>>, %arg5: memref<10240xf32, #tpu.memory_space<vmem>>) attributes {dimension_semantics = [#tpu.dimension_semantics<core_parallel>, #tpu.dimension_semantics<subcore_parallel>], iteration_bounds = array<i64: 2, 16>, scalar_prefetch = 0 : i64, scratch_operands = 2 : i64, tpu.core_type = #tpu.core_type<sc_vector_subcore>, window_params = [{transform_indices = #map}, {transform_indices = #map}]} {
    %mul3A = arith.constant 16 : i32
    %mul3A_0 = arith.muli %arg0, %mul3A : i32
    %add3A = arith.addi %mul3A_0, %arg1 : i32
    %mul3A_1 = arith.constant 5120 : i32
    %mul3A_2 = arith.muli %add3A, %mul3A_1 : i32
    "tpu.region"() ({
      %run_scoped3A = tpu.sem_alloc : memref<!tpu.dma_semaphore, #tpu.memory_space<semaphore_mem>>
      %dma_start3A = tpu.memref_slice %arg2[%mul3A_2] : memref<163840xi32, #tpu.memory_space<hbm>> -> memref<5120xi32, #tpu.memory_space<hbm>>
      %dma_start3A_17 = tpu.memref_slice %arg2[%mul3A_2] : memref<163840xi32, #tpu.memory_space<hbm>> -> memref<5120xi32, #tpu.memory_space<hbm>>
      tpu.enqueue_dma source(%dma_start3A_17 : memref<5120xi32, #tpu.memory_space<hbm>>) target(%arg4 : memref<5120xi32, #tpu.memory_space<vmem>>) target_semaphore(%run_scoped3A : memref<!tpu.dma_semaphore, #tpu.memory_space<semaphore_mem>>)
      %dma_wait3A = tpu.memref_slice %arg2[%mul3A_2] : memref<163840xi32, #tpu.memory_space<hbm>> -> memref<5120xi32, #tpu.memory_space<hbm>>
      %dma_wait3A_18 = tpu.memref_slice %arg2[%mul3A_2] : memref<163840xi32, #tpu.memory_space<hbm>> -> memref<5120xi32, #tpu.memory_space<hbm>>
      tpu.wait_dma2 semaphore(%run_scoped3A : memref<!tpu.dma_semaphore, #tpu.memory_space<semaphore_mem>>) src(%dma_wait3A_18 : memref<5120xi32, #tpu.memory_space<hbm>>) dst(%arg4 : memref<5120xi32, #tpu.memory_space<vmem>>)
      tpu.yield
    }) : () -> ()
    %scan3A = arith.constant 0 : i32
    %scan3A_3 = arith.constant 0 : i32
    %scan3A_4 = arith.constant 640 : i32
    %scan3A_5 = arith.addi %scan3A_3, %scan3A_4 : i32
    %scan3A_6 = arith.constant 1 : i32
    scf.for %scan3A_17 = %scan3A_3 to %scan3A_5 step %scan3A_6  : i32 {
      %broadcast_in_dim3A_18 = arith.constant 0.000000e+00 : f32
      %broadcast_in_dim3A_19 = vector.broadcast %broadcast_in_dim3A_18 : f32 to vector<16xf32>
      %mul3A_20 = arith.constant 16 : i32
      %mul3A_21 = arith.muli %scan3A_17, %mul3A_20 : i32
      %swap3A = arith.index_cast %mul3A_21 : i32 to index
      %swap3A_22 = tpu.vector_load %arg5[%swap3A] {strides = array<i32>} : memref<10240xf32, #tpu.memory_space<vmem>>, vector<16xf32>,
      tpu.vector_store %arg5[%swap3A], %broadcast_in_dim3A_19 {strides = array<i32>} : memref<10240xf32, #tpu.memory_space<vmem>>, vector<16xf32>,
    }
    %scan3A_7 = arith.constant 640 : i32
    %broadcast_in_dim3A = arith.constant 1.000000e+00 : f32
    %broadcast_in_dim3A_8 = vector.broadcast %broadcast_in_dim3A : f32 to vector<16xf32>
    %scan3A_9 = arith.constant 0 : i32
    %scan3A_10 = arith.constant 0 : i32
    %scan3A_11 = arith.constant 320 : i32
    %scan3A_12 = arith.addi %scan3A_10, %scan3A_11 : i32
    %scan3A_13 = arith.constant 1 : i32
    scf.for %scan3A_17 = %scan3A_10 to %scan3A_12 step %scan3A_13  : i32 {
      %mul3A_18 = arith.constant 16 : i32
      %mul3A_19 = arith.muli %scan3A_17, %mul3A_18 : i32
      %get3A = arith.index_cast %mul3A_19 : i32 to index
      %get3A_20 = tpu.vector_load %arg4[%get3A] {strides = array<i32>} : memref<5120xi32, #tpu.memory_space<vmem>>, vector<16xi32>,
      tpu.vector_store_idx %arg5[%get3A_20], %broadcast_in_dim3A_8 {add = true} : memref<10240xf32, #tpu.memory_space<vmem>>[vector<16xi32>], vector<16xf32>,
    }
    %scan3A_14 = arith.constant 320 : i32
    %mul3A_15 = arith.constant 10240 : i32
    %mul3A_16 = arith.muli %add3A, %mul3A_15 : i32
    "tpu.region"() ({
      %run_scoped3A = tpu.sem_alloc : memref<!tpu.dma_semaphore, #tpu.memory_space<semaphore_mem>>
      %dma_start3A = tpu.memref_slice %arg3[%mul3A_16] : memref<327680xf32, #tpu.memory_space<hbm>> -> memref<10240xf32, #tpu.memory_space<hbm>>
      %dma_start3A_17 = tpu.memref_slice %arg3[%mul3A_16] : memref<327680xf32, #tpu.memory_space<hbm>> -> memref<10240xf32, #tpu.memory_space<hbm>>
      tpu.enqueue_dma source(%arg5 : memref<10240xf32, #tpu.memory_space<vmem>>) target(%dma_start3A_17 : memref<10240xf32, #tpu.memory_space<hbm>>) target_semaphore(%run_scoped3A : memref<!tpu.dma_semaphore, #tpu.memory_space<semaphore_mem>>)
      %dma_wait3A = tpu.memref_slice %arg3[%mul3A_16] : memref<327680xf32, #tpu.memory_space<hbm>> -> memref<10240xf32, #tpu.memory_space<hbm>>
      %dma_wait3A_18 = tpu.memref_slice %arg3[%mul3A_16] : memref<327680xf32, #tpu.memory_space<hbm>> -> memref<10240xf32, #tpu.memory_space<hbm>>
      tpu.wait_dma2 semaphore(%run_scoped3A : memref<!tpu.dma_semaphore, #tpu.memory_space<semaphore_mem>>) src(%arg5 : memref<10240xf32, #tpu.memory_space<vmem>>) dst(%dma_wait3A_18 : memref<10240xf32, #tpu.memory_space<hbm>>)
      tpu.yield
    }) : () -> ()
    return
  }
}

#map = affine_map<(d0, d1) -> (0, 0)>
#map1 = affine_map<(d0, d1) -> (0, 0, 0)>
module attributes {stable_mosaic.version = 14 : i64} {
  func.func @k(%arg0: i32, %arg1: i32, %arg2: memref<20000x128xf32, #tpu.memory_space<hbm>>, %arg3: memref<2x1288x128xi32, #tpu.memory_space<hbm>>, %arg4: memref<1288x128xi32, #tpu.memory_space<hbm>>, %arg5: memref<10240x128xf32, #tpu.memory_space<hbm>>, %arg6: memref<10240x256xf32, #tpu.memory_space<hbm>>, %arg7: memref<48x128xi32, #tpu.memory_space<vmem>>, %arg8: memref<48x128xi32, #tpu.memory_space<vmem>>, %arg9: memref<2x128x128xf32, #tpu.memory_space<vmem>>, %arg10: memref<10240x128xf32, #tpu.memory_space<vmem_shared>>, %arg11: memref<!tpu.dma_semaphore, #tpu.memory_space<semaphore_mem>>, %arg12: memref<!tpu.dma_semaphore, #tpu.memory_space<semaphore_mem>>, %arg13: memref<!tpu.dma_semaphore, #tpu.memory_space<semaphore_mem>>, %arg14: memref<!tpu.dma_semaphore, #tpu.memory_space<semaphore_mem>>) attributes {dimension_semantics = [#tpu.dimension_semantics<core_parallel>, #tpu.dimension_semantics<subcore_parallel>], iteration_bounds = array<i64: 2, 16>, scalar_prefetch = 0 : i64, scratch_operands = 8 : i64, tpu.core_type = #tpu.core_type<sc_vector_subcore>, window_params = [{transform_indices = #map}, {transform_indices = #map1}, {transform_indices = #map}, {transform_indices = #map}, {transform_indices = #map}]} {
    %mul3A = arith.constant 640 : i32
    %mul3A_0 = arith.muli %arg1, %mul3A : i32
    %mul3A_1 = arith.constant 640 : i32
    %mul3A_2 = arith.muli %arg1, %mul3A_1 : i32
    "tpu.region"() ({
      %run_scoped3A = tpu.sem_alloc : memref<!tpu.dma_semaphore, #tpu.memory_space<semaphore_mem>>
      %dma_start3A_122 = arith.constant 0 : i32
      %dma_start3A_123 = tpu.memref_slice %arg10[%mul3A_2, %dma_start3A_122] : memref<10240x128xf32, #tpu.memory_space<vmem_shared>> -> memref<640x128xf32, #tpu.memory_space<vmem_shared>>
      %dma_start3A_124 = arith.constant 0 : i32
      %dma_start3A_125 = tpu.memref_slice %arg5[%mul3A_0, %dma_start3A_124] : memref<10240x128xf32, #tpu.memory_space<hbm>> -> memref<640x128xf32, #tpu.memory_space<hbm>>
      tpu.enqueue_dma source(%dma_start3A_125 : memref<640x128xf32, #tpu.memory_space<hbm>>) target(%dma_start3A_123 : memref<640x128xf32, #tpu.memory_space<vmem_shared>>) target_semaphore(%run_scoped3A : memref<!tpu.dma_semaphore, #tpu.memory_space<semaphore_mem>>)
      %dma_wait3A_126 = arith.constant 0 : i32
      %dma_wait3A_127 = tpu.memref_slice %arg10[%mul3A_2, %dma_wait3A_126] : memref<10240x128xf32, #tpu.memory_space<vmem_shared>> -> memref<640x128xf32, #tpu.memory_space<vmem_shared>>
      %dma_wait3A_128 = arith.constant 0 : i32
      %dma_wait3A_129 = tpu.memref_slice %arg5[%mul3A_0, %dma_wait3A_128] : memref<10240x128xf32, #tpu.memory_space<hbm>> -> memref<640x128xf32, #tpu.memory_space<hbm>>
      tpu.wait_dma2 semaphore(%run_scoped3A : memref<!tpu.dma_semaphore, #tpu.memory_space<semaphore_mem>>) src(%dma_wait3A_129 : memref<640x128xf32, #tpu.memory_space<hbm>>) dst(%dma_wait3A_127 : memref<640x128xf32, #tpu.memory_space<vmem_shared>>)
      tpu.yield
    }) : () -> ()
    %barrier3A = arith.constant 0 : index
    tpu.barrier barrier_id(%barrier3A)
    %mul3A_3 = arith.constant 80 : i32
    %mul3A_4 = arith.muli %arg1, %mul3A_3 : i32
    %add3A = arith.constant 0 : i32
    %add3A_5 = arith.addi %mul3A_4, %add3A : i32
    "tpu.region"() ({
      %run_scoped3A = tpu.sem_alloc : memref<!tpu.dma_semaphore, #tpu.memory_space<semaphore_mem>>
      %dma_start3A_122 = arith.constant 0 : i32
      %dma_start3A_123 = tpu.memref_slice %arg3[%arg0, %add3A_5, %dma_start3A_122] : memref<2x1288x128xi32, #tpu.memory_space<hbm>> -> memref<1x48x128xi32, #tpu.memory_space<hbm>>
      %dma_start3A_124 = tpu.memref_squeeze %dma_start3A_123 : memref<1x48x128xi32, #tpu.memory_space<hbm>> -> memref<48x128xi32, #tpu.memory_space<hbm>>
      %dma_start3A_125 = arith.constant 0 : i32
      %dma_start3A_126 = tpu.memref_slice %arg3[%arg0, %add3A_5, %dma_start3A_125] : memref<2x1288x128xi32, #tpu.memory_space<hbm>> -> memref<1x48x128xi32, #tpu.memory_space<hbm>>
      %dma_start3A_127 = tpu.memref_squeeze %dma_start3A_126 : memref<1x48x128xi32, #tpu.memory_space<hbm>> -> memref<48x128xi32, #tpu.memory_space<hbm>>
      tpu.enqueue_dma source(%dma_start3A_127 : memref<48x128xi32, #tpu.memory_space<hbm>>) target(%arg7 : memref<48x128xi32, #tpu.memory_space<vmem>>) target_semaphore(%run_scoped3A : memref<!tpu.dma_semaphore, #tpu.memory_space<semaphore_mem>>)
      %dma_wait3A_128 = arith.constant 0 : i32
      %dma_wait3A_129 = tpu.memref_slice %arg3[%arg0, %add3A_5, %dma_wait3A_128] : memref<2x1288x128xi32, #tpu.memory_space<hbm>> -> memref<1x48x128xi32, #tpu.memory_space<hbm>>
      %dma_wait3A_130 = tpu.memref_squeeze %dma_wait3A_129 : memref<1x48x128xi32, #tpu.memory_space<hbm>> -> memref<48x128xi32, #tpu.memory_space<hbm>>
      %dma_wait3A_131 = arith.constant 0 : i32
      %dma_wait3A_132 = tpu.memref_slice %arg3[%arg0, %add3A_5, %dma_wait3A_131] : memref<2x1288x128xi32, #tpu.memory_space<hbm>> -> memref<1x48x128xi32, #tpu.memory_space<hbm>>
      %dma_wait3A_133 = tpu.memref_squeeze %dma_wait3A_132 : memref<1x48x128xi32, #tpu.memory_space<hbm>> -> memref<48x128xi32, #tpu.memory_space<hbm>>
      tpu.wait_dma2 semaphore(%run_scoped3A : memref<!tpu.dma_semaphore, #tpu.memory_space<semaphore_mem>>) src(%dma_wait3A_133 : memref<48x128xi32, #tpu.memory_space<hbm>>) dst(%arg7 : memref<48x128xi32, #tpu.memory_space<vmem>>)
      tpu.yield
    }) : () -> ()
    "tpu.region"() ({
      %run_scoped3A = tpu.sem_alloc : memref<!tpu.dma_semaphore, #tpu.memory_space<semaphore_mem>>
      %dma_start3A_122 = arith.constant 0 : i32
      %dma_start3A_123 = tpu.memref_slice %arg4[%add3A_5, %dma_start3A_122] : memref<1288x128xi32, #tpu.memory_space<hbm>> -> memref<48x128xi32, #tpu.memory_space<hbm>>
      %dma_start3A_124 = arith.constant 0 : i32
      %dma_start3A_125 = tpu.memref_slice %arg4[%add3A_5, %dma_start3A_124] : memref<1288x128xi32, #tpu.memory_space<hbm>> -> memref<48x128xi32, #tpu.memory_space<hbm>>
      tpu.enqueue_dma source(%dma_start3A_125 : memref<48x128xi32, #tpu.memory_space<hbm>>) target(%arg8 : memref<48x128xi32, #tpu.memory_space<vmem>>) target_semaphore(%run_scoped3A : memref<!tpu.dma_semaphore, #tpu.memory_space<semaphore_mem>>)
      %dma_wait3A_126 = arith.constant 0 : i32
      %dma_wait3A_127 = tpu.memref_slice %arg4[%add3A_5, %dma_wait3A_126] : memref<1288x128xi32, #tpu.memory_space<hbm>> -> memref<48x128xi32, #tpu.memory_space<hbm>>
      %dma_wait3A_128 = arith.constant 0 : i32
      %dma_wait3A_129 = tpu.memref_slice %arg4[%add3A_5, %dma_wait3A_128] : memref<1288x128xi32, #tpu.memory_space<hbm>> -> memref<48x128xi32, #tpu.memory_space<hbm>>
      tpu.wait_dma2 semaphore(%run_scoped3A : memref<!tpu.dma_semaphore, #tpu.memory_space<semaphore_mem>>) src(%dma_wait3A_129 : memref<48x128xi32, #tpu.memory_space<hbm>>) dst(%arg8 : memref<48x128xi32, #tpu.memory_space<vmem>>)
      tpu.yield
    }) : () -> ()
    %dma_start3A = arith.constant 0 : i32
    %dma_start3A_6 = arith.constant 0 : i32
    %dma_start3A_7 = arith.constant 0 : i32
    %dma_start3A_8 = arith.constant 0 : i32
    %dma_start3A_9 = tpu.memref_slice %arg9[%dma_start3A_6, %dma_start3A_7, %dma_start3A_8] : memref<2x128x128xf32, #tpu.memory_space<vmem>> -> memref<1x128x128xf32, #tpu.memory_space<vmem>>
    %dma_start3A_10 = tpu.memref_squeeze %dma_start3A_9 : memref<1x128x128xf32, #tpu.memory_space<vmem>> -> memref<128x128xf32, #tpu.memory_space<vmem>>
    %dma_start3A_11 = arith.constant 0 : i32
    %dma_start3A_12 = tpu.memref_slice %arg7[%dma_start3A, %dma_start3A_11] : memref<48x128xi32, #tpu.memory_space<vmem>> -> memref<1x128xi32, #tpu.memory_space<vmem>>
    %dma_start3A_13 = tpu.memref_squeeze %dma_start3A_12 : memref<1x128xi32, #tpu.memory_space<vmem>> -> memref<128xi32, #tpu.memory_space<vmem>>
    %dma_start3A_14 = arith.constant 0 : i32
    %dma_start3A_15 = arith.constant 0 : i32
    %dma_start3A_16 = tpu.memref_slice %arg2[%dma_start3A_14, %dma_start3A_15] : memref<20000x128xf32, #tpu.memory_space<hbm>> -> memref<20000x128xf32, #tpu.memory_space<hbm>>
    tpu.enqueue_indirect_dma source(%dma_start3A_16 : memref<20000x128xf32, #tpu.memory_space<hbm>>) target(%dma_start3A_10 : memref<128x128xf32, #tpu.memory_space<vmem>>) offsets(%dma_start3A_13 : memref<128xi32, #tpu.memory_space<vmem>>) semaphore(%arg11 : memref<!tpu.dma_semaphore, #tpu.memory_space<semaphore_mem>>)
    %dma_start3A_17 = arith.constant 1 : i32
    %dma_start3A_18 = arith.constant 1 : i32
    %dma_start3A_19 = arith.constant 0 : i32
    %dma_start3A_20 = arith.constant 0 : i32
    %dma_start3A_21 = tpu.memref_slice %arg9[%dma_start3A_18, %dma_start3A_19, %dma_start3A_20] : memref<2x128x128xf32, #tpu.memory_space<vmem>> -> memref<1x128x128xf32, #tpu.memory_space<vmem>>
    %dma_start3A_22 = tpu.memref_squeeze %dma_start3A_21 : memref<1x128x128xf32, #tpu.memory_space<vmem>> -> memref<128x128xf32, #tpu.memory_space<vmem>>
    %dma_start3A_23 = arith.constant 0 : i32
    %dma_start3A_24 = tpu.memref_slice %arg7[%dma_start3A_17, %dma_start3A_23] : memref<48x128xi32, #tpu.memory_space<vmem>> -> memref<1x128xi32, #tpu.memory_space<vmem>>
    %dma_start3A_25 = tpu.memref_squeeze %dma_start3A_24 : memref<1x128xi32, #tpu.memory_space<vmem>> -> memref<128xi32, #tpu.memory_space<vmem>>
    %dma_start3A_26 = arith.constant 0 : i32
    %dma_start3A_27 = arith.constant 0 : i32
    %dma_start3A_28 = tpu.memref_slice %arg2[%dma_start3A_26, %dma_start3A_27] : memref<20000x128xf32, #tpu.memory_space<hbm>> -> memref<20000x128xf32, #tpu.memory_space<hbm>>
    tpu.enqueue_indirect_dma source(%dma_start3A_28 : memref<20000x128xf32, #tpu.memory_space<hbm>>) target(%dma_start3A_22 : memref<128x128xf32, #tpu.memory_space<vmem>>) offsets(%dma_start3A_25 : memref<128xi32, #tpu.memory_space<vmem>>) semaphore(%arg12 : memref<!tpu.dma_semaphore, #tpu.memory_space<semaphore_mem>>)
    %scan3A = arith.constant 0 : i32
    %scan3A_29 = arith.constant 0 : i32
    %scan3A_30 = arith.constant 20 : i32
    %scan3A_31 = arith.addi %scan3A_29, %scan3A_30 : i32
    %scan3A_32 = arith.constant 1 : i32
    scf.for %scan3A_122 = %scan3A_29 to %scan3A_31 step %scan3A_32  : i32 {
      %mul3A_123 = arith.constant 2 : i32
      %mul3A_124 = arith.muli %mul3A_123, %scan3A_122 : i32
      %add3A_125 = arith.constant 0 : i32
      %add3A_126 = arith.addi %mul3A_124, %add3A_125 : i32
      %dma_wait3A_127 = arith.constant 0 : i32
      %dma_wait3A_128 = arith.constant 0 : i32
      %dma_wait3A_129 = arith.constant 0 : i32
      %dma_wait3A_130 = arith.constant 0 : i32
      %dma_wait3A_131 = tpu.memref_slice %arg9[%dma_wait3A_128, %dma_wait3A_129, %dma_wait3A_130] : memref<2x128x128xf32, #tpu.memory_space<vmem>> -> memref<1x128x128xf32, #tpu.memory_space<vmem>>
      %dma_wait3A_132 = tpu.memref_squeeze %dma_wait3A_131 : memref<1x128x128xf32, #tpu.memory_space<vmem>> -> memref<128x128xf32, #tpu.memory_space<vmem>>
      %dma_wait3A_133 = arith.constant 0 : i32
      %dma_wait3A_134 = tpu.memref_slice %arg7[%dma_wait3A_127, %dma_wait3A_133] : memref<48x128xi32, #tpu.memory_space<vmem>> -> memref<1x128xi32, #tpu.memory_space<vmem>>
      %dma_wait3A_135 = tpu.memref_squeeze %dma_wait3A_134 : memref<1x128xi32, #tpu.memory_space<vmem>> -> memref<128xi32, #tpu.memory_space<vmem>>
      %dma_wait3A_136 = arith.constant 0 : i32
      %dma_wait3A_137 = arith.constant 0 : i32
      %dma_wait3A_138 = tpu.memref_slice %arg2[%dma_wait3A_136, %dma_wait3A_137] : memref<20000x128xf32, #tpu.memory_space<hbm>> -> memref<20000x128xf32, #tpu.memory_space<hbm>>
      tpu.wait_indirect_dma semaphore(%arg11 : memref<!tpu.dma_semaphore, #tpu.memory_space<semaphore_mem>>) src(%dma_wait3A_138 : memref<20000x128xf32, #tpu.memory_space<hbm>>) dst(%dma_wait3A_132 : memref<128x128xf32, #tpu.memory_space<vmem>>)
      %dma_start3A_139 = arith.constant 0 : i32
      %dma_start3A_140 = arith.constant 0 : i32
      %dma_start3A_141 = arith.constant 0 : i32
      %dma_start3A_142 = tpu.memref_slice %arg9[%dma_start3A_139, %dma_start3A_140, %dma_start3A_141] : memref<2x128x128xf32, #tpu.memory_space<vmem>> -> memref<1x128x128xf32, #tpu.memory_space<vmem>>
      %dma_start3A_143 = tpu.memref_squeeze %dma_start3A_142 : memref<1x128x128xf32, #tpu.memory_space<vmem>> -> memref<128x128xf32, #tpu.memory_space<vmem>>
      %dma_start3A_144 = arith.constant 0 : i32
      %dma_start3A_145 = tpu.memref_slice %arg8[%add3A_126, %dma_start3A_144] : memref<48x128xi32, #tpu.memory_space<vmem>> -> memref<1x128xi32, #tpu.memory_space<vmem>>
      %dma_start3A_146 = tpu.memref_squeeze %dma_start3A_145 : memref<1x128xi32, #tpu.memory_space<vmem>> -> memref<128xi32, #tpu.memory_space<vmem>>
      %dma_start3A_147 = arith.constant 0 : i32
      %dma_start3A_148 = arith.constant 0 : i32
      %dma_start3A_149 = tpu.memref_slice %arg10[%dma_start3A_147, %dma_start3A_148] : memref<10240x128xf32, #tpu.memory_space<vmem_shared>> -> memref<10240x128xf32, #tpu.memory_space<vmem_shared>>
      tpu.enqueue_indirect_dma source(%dma_start3A_143 : memref<128x128xf32, #tpu.memory_space<vmem>>) target(%dma_start3A_149 : memref<10240x128xf32, #tpu.memory_space<vmem_shared>>) offsets(%dma_start3A_146 : memref<128xi32, #tpu.memory_space<vmem>>) semaphore(%arg13 : memref<!tpu.dma_semaphore, #tpu.memory_space<semaphore_mem>>) {add = true}
      %dma_wait3A_150 = arith.constant 0 : i32
      %dma_wait3A_151 = arith.constant 0 : i32
      %dma_wait3A_152 = arith.constant 0 : i32
      %dma_wait3A_153 = tpu.memref_slice %arg9[%dma_wait3A_150, %dma_wait3A_151, %dma_wait3A_152] : memref<2x128x128xf32, #tpu.memory_space<vmem>> -> memref<1x128x128xf32, #tpu.memory_space<vmem>>
      %dma_wait3A_154 = tpu.memref_squeeze %dma_wait3A_153 : memref<1x128x128xf32, #tpu.memory_space<vmem>> -> memref<128x128xf32, #tpu.memory_space<vmem>>
      %dma_wait3A_155 = arith.constant 0 : i32
      %dma_wait3A_156 = tpu.memref_slice %arg8[%add3A_126, %dma_wait3A_155] : memref<48x128xi32, #tpu.memory_space<vmem>> -> memref<1x128xi32, #tpu.memory_space<vmem>>
      %dma_wait3A_157 = tpu.memref_squeeze %dma_wait3A_156 : memref<1x128xi32, #tpu.memory_space<vmem>> -> memref<128xi32, #tpu.memory_space<vmem>>
      %dma_wait3A_158 = arith.constant 0 : i32
      %dma_wait3A_159 = arith.constant 0 : i32
      %dma_wait3A_160 = tpu.memref_slice %arg10[%dma_wait3A_158, %dma_wait3A_159] : memref<10240x128xf32, #tpu.memory_space<vmem_shared>> -> memref<10240x128xf32, #tpu.memory_space<vmem_shared>>
      tpu.wait_indirect_dma semaphore(%arg13 : memref<!tpu.dma_semaphore, #tpu.memory_space<semaphore_mem>>) src(%dma_wait3A_154 : memref<128x128xf32, #tpu.memory_space<vmem>>) dst(%dma_wait3A_160 : memref<10240x128xf32, #tpu.memory_space<vmem_shared>>)
      %add3A_161 = arith.constant 2 : i32
      %add3A_162 = arith.addi %add3A_126, %add3A_161 : i32
      %dma_start3A_163 = arith.constant 0 : i32
      %dma_start3A_164 = arith.constant 0 : i32
      %dma_start3A_165 = arith.constant 0 : i32
      %dma_start3A_166 = tpu.memref_slice %arg9[%dma_start3A_163, %dma_start3A_164, %dma_start3A_165] : memref<2x128x128xf32, #tpu.memory_space<vmem>> -> memref<1x128x128xf32, #tpu.memory_space<vmem>>
      %dma_start3A_167 = tpu.memref_squeeze %dma_start3A_166 : memref<1x128x128xf32, #tpu.memory_space<vmem>> -> memref<128x128xf32, #tpu.memory_space<vmem>>
      %dma_start3A_168 = arith.constant 0 : i32
      %dma_start3A_169 = tpu.memref_slice %arg7[%add3A_162, %dma_start3A_168] : memref<48x128xi32, #tpu.memory_space<vmem>> -> memref<1x128xi32, #tpu.memory_space<vmem>>
      %dma_start3A_170 = tpu.memref_squeeze %dma_start3A_169 : memref<1x128xi32, #tpu.memory_space<vmem>> -> memref<128xi32, #tpu.memory_space<vmem>>
      %dma_start3A_171 = arith.constant 0 : i32
      %dma_start3A_172 = arith.constant 0 : i32
      %dma_start3A_173 = tpu.memref_slice %arg2[%dma_start3A_171, %dma_start3A_172] : memref<20000x128xf32, #tpu.memory_space<hbm>> -> memref<20000x128xf32, #tpu.memory_space<hbm>>
      tpu.enqueue_indirect_dma source(%dma_start3A_173 : memref<20000x128xf32, #tpu.memory_space<hbm>>) target(%dma_start3A_167 : memref<128x128xf32, #tpu.memory_space<vmem>>) offsets(%dma_start3A_170 : memref<128xi32, #tpu.memory_space<vmem>>) semaphore(%arg11 : memref<!tpu.dma_semaphore, #tpu.memory_space<semaphore_mem>>)
      %mul3A_174 = arith.constant 2 : i32
      %mul3A_175 = arith.muli %mul3A_174, %scan3A_122 : i32
      %add3A_176 = arith.constant 1 : i32
      %add3A_177 = arith.addi %mul3A_175, %add3A_176 : i32
      %dma_wait3A_178 = arith.constant 0 : i32
      %dma_wait3A_179 = arith.constant 1 : i32
      %dma_wait3A_180 = arith.constant 0 : i32
      %dma_wait3A_181 = arith.constant 0 : i32
      %dma_wait3A_182 = tpu.memref_slice %arg9[%dma_wait3A_179, %dma_wait3A_180, %dma_wait3A_181] : memref<2x128x128xf32, #tpu.memory_space<vmem>> -> memref<1x128x128xf32, #tpu.memory_space<vmem>>
      %dma_wait3A_183 = tpu.memref_squeeze %dma_wait3A_182 : memref<1x128x128xf32, #tpu.memory_space<vmem>> -> memref<128x128xf32, #tpu.memory_space<vmem>>
      %dma_wait3A_184 = arith.constant 0 : i32
      %dma_wait3A_185 = tpu.memref_slice %arg7[%dma_wait3A_178, %dma_wait3A_184] : memref<48x128xi32, #tpu.memory_space<vmem>> -> memref<1x128xi32, #tpu.memory_space<vmem>>
      %dma_wait3A_186 = tpu.memref_squeeze %dma_wait3A_185 : memref<1x128xi32, #tpu.memory_space<vmem>> -> memref<128xi32, #tpu.memory_space<vmem>>
      %dma_wait3A_187 = arith.constant 0 : i32
      %dma_wait3A_188 = arith.constant 0 : i32
      %dma_wait3A_189 = tpu.memref_slice %arg2[%dma_wait3A_187, %dma_wait3A_188] : memref<20000x128xf32, #tpu.memory_space<hbm>> -> memref<20000x128xf32, #tpu.memory_space<hbm>>
      tpu.wait_indirect_dma semaphore(%arg12 : memref<!tpu.dma_semaphore, #tpu.memory_space<semaphore_mem>>) src(%dma_wait3A_189 : memref<20000x128xf32, #tpu.memory_space<hbm>>) dst(%dma_wait3A_183 : memref<128x128xf32, #tpu.memory_space<vmem>>)
      %dma_start3A_190 = arith.constant 1 : i32
      %dma_start3A_191 = arith.constant 0 : i32
      %dma_start3A_192 = arith.constant 0 : i32
      %dma_start3A_193 = tpu.memref_slice %arg9[%dma_start3A_190, %dma_start3A_191, %dma_start3A_192] : memref<2x128x128xf32, #tpu.memory_space<vmem>> -> memref<1x128x128xf32, #tpu.memory_space<vmem>>
      %dma_start3A_194 = tpu.memref_squeeze %dma_start3A_193 : memref<1x128x128xf32, #tpu.memory_space<vmem>> -> memref<128x128xf32, #tpu.memory_space<vmem>>
      %dma_start3A_195 = arith.constant 0 : i32
      %dma_start3A_196 = tpu.memref_slice %arg8[%add3A_177, %dma_start3A_195] : memref<48x128xi32, #tpu.memory_space<vmem>> -> memref<1x128xi32, #tpu.memory_space<vmem>>
      %dma_start3A_197 = tpu.memref_squeeze %dma_start3A_196 : memref<1x128xi32, #tpu.memory_space<vmem>> -> memref<128xi32, #tpu.memory_space<vmem>>
      %dma_start3A_198 = arith.constant 0 : i32
      %dma_start3A_199 = arith.constant 0 : i32
      %dma_start3A_200 = tpu.memref_slice %arg10[%dma_start3A_198, %dma_start3A_199] : memref<10240x128xf32, #tpu.memory_space<vmem_shared>> -> memref<10240x128xf32, #tpu.memory_space<vmem_shared>>
      tpu.enqueue_indirect_dma source(%dma_start3A_194 : memref<128x128xf32, #tpu.memory_space<vmem>>) target(%dma_start3A_200 : memref<10240x128xf32, #tpu.memory_space<vmem_shared>>) offsets(%dma_start3A_197 : memref<128xi32, #tpu.memory_space<vmem>>) semaphore(%arg14 : memref<!tpu.dma_semaphore, #tpu.memory_space<semaphore_mem>>) {add = true}
      %dma_wait3A_201 = arith.constant 1 : i32
      %dma_wait3A_202 = arith.constant 0 : i32
      %dma_wait3A_203 = arith.constant 0 : i32
      %dma_wait3A_204 = tpu.memref_slice %arg9[%dma_wait3A_201, %dma_wait3A_202, %dma_wait3A_203] : memref<2x128x128xf32, #tpu.memory_space<vmem>> -> memref<1x128x128xf32, #tpu.memory_space<vmem>>
      %dma_wait3A_205 = tpu.memref_squeeze %dma_wait3A_204 : memref<1x128x128xf32, #tpu.memory_space<vmem>> -> memref<128x128xf32, #tpu.memory_space<vmem>>
      %dma_wait3A_206 = arith.constant 0 : i32
      %dma_wait3A_207 = tpu.memref_slice %arg8[%add3A_177, %dma_wait3A_206] : memref<48x128xi32, #tpu.memory_space<vmem>> -> memref<1x128xi32, #tpu.memory_space<vmem>>
      %dma_wait3A_208 = tpu.memref_squeeze %dma_wait3A_207 : memref<1x128xi32, #tpu.memory_space<vmem>> -> memref<128xi32, #tpu.memory_space<vmem>>
      %dma_wait3A_209 = arith.constant 0 : i32
      %dma_wait3A_210 = arith.constant 0 : i32
      %dma_wait3A_211 = tpu.memref_slice %arg10[%dma_wait3A_209, %dma_wait3A_210] : memref<10240x128xf32, #tpu.memory_space<vmem_shared>> -> memref<10240x128xf32, #tpu.memory_space<vmem_shared>>
      tpu.wait_indirect_dma semaphore(%arg14 : memref<!tpu.dma_semaphore, #tpu.memory_space<semaphore_mem>>) src(%dma_wait3A_205 : memref<128x128xf32, #tpu.memory_space<vmem>>) dst(%dma_wait3A_211 : memref<10240x128xf32, #tpu.memory_space<vmem_shared>>)
      %add3A_212 = arith.constant 2 : i32
      %add3A_213 = arith.addi %add3A_177, %add3A_212 : i32
      %dma_start3A_214 = arith.constant 1 : i32
      %dma_start3A_215 = arith.constant 0 : i32
      %dma_start3A_216 = arith.constant 0 : i32
      %dma_start3A_217 = tpu.memref_slice %arg9[%dma_start3A_214, %dma_start3A_215, %dma_start3A_216] : memref<2x128x128xf32, #tpu.memory_space<vmem>> -> memref<1x128x128xf32, #tpu.memory_space<vmem>>
      %dma_start3A_218 = tpu.memref_squeeze %dma_start3A_217 : memref<1x128x128xf32, #tpu.memory_space<vmem>> -> memref<128x128xf32, #tpu.memory_space<vmem>>
      %dma_start3A_219 = arith.constant 0 : i32
      %dma_start3A_220 = tpu.memref_slice %arg7[%add3A_213, %dma_start3A_219] : memref<48x128xi32, #tpu.memory_space<vmem>> -> memref<1x128xi32, #tpu.memory_space<vmem>>
      %dma_start3A_221 = tpu.memref_squeeze %dma_start3A_220 : memref<1x128xi32, #tpu.memory_space<vmem>> -> memref<128xi32, #tpu.memory_space<vmem>>
      %dma_start3A_222 = arith.constant 0 : i32
      %dma_start3A_223 = arith.constant 0 : i32
      %dma_start3A_224 = tpu.memref_slice %arg2[%dma_start3A_222, %dma_start3A_223] : memref<20000x128xf32, #tpu.memory_space<hbm>> -> memref<20000x128xf32, #tpu.memory_space<hbm>>
      tpu.enqueue_indirect_dma source(%dma_start3A_224 : memref<20000x128xf32, #tpu.memory_space<hbm>>) target(%dma_start3A_218 : memref<128x128xf32, #tpu.memory_space<vmem>>) offsets(%dma_start3A_221 : memref<128xi32, #tpu.memory_space<vmem>>) semaphore(%arg12 : memref<!tpu.dma_semaphore, #tpu.memory_space<semaphore_mem>>)
    }
    %scan3A_33 = arith.constant 20 : i32
    %dma_wait3A = arith.constant 0 : i32
    %dma_wait3A_34 = arith.constant 0 : i32
    %dma_wait3A_35 = arith.constant 0 : i32
    %dma_wait3A_36 = arith.constant 0 : i32
    %dma_wait3A_37 = tpu.memref_slice %arg9[%dma_wait3A_34, %dma_wait3A_35, %dma_wait3A_36] : memref<2x128x128xf32, #tpu.memory_space<vmem>> -> memref<1x128x128xf32, #tpu.memory_space<vmem>>
    %dma_wait3A_38 = tpu.memref_squeeze %dma_wait3A_37 : memref<1x128x128xf32, #tpu.memory_space<vmem>> -> memref<128x128xf32, #tpu.memory_space<vmem>>
    %dma_wait3A_39 = arith.constant 0 : i32
    %dma_wait3A_40 = tpu.memref_slice %arg7[%dma_wait3A, %dma_wait3A_39] : memref<48x128xi32, #tpu.memory_space<vmem>> -> memref<1x128xi32, #tpu.memory_space<vmem>>
    %dma_wait3A_41 = tpu.memref_squeeze %dma_wait3A_40 : memref<1x128xi32, #tpu.memory_space<vmem>> -> memref<128xi32, #tpu.memory_space<vmem>>
    %dma_wait3A_42 = arith.constant 0 : i32
    %dma_wait3A_43 = arith.constant 0 : i32
    %dma_wait3A_44 = tpu.memref_slice %arg2[%dma_wait3A_42, %dma_wait3A_43] : memref<20000x128xf32, #tpu.memory_space<hbm>> -> memref<20000x128xf32, #tpu.memory_space<hbm>>
    tpu.wait_indirect_dma semaphore(%arg11 : memref<!tpu.dma_semaphore, #tpu.memory_space<semaphore_mem>>) src(%dma_wait3A_44 : memref<20000x128xf32, #tpu.memory_space<hbm>>) dst(%dma_wait3A_38 : memref<128x128xf32, #tpu.memory_space<vmem>>)
    %dma_wait3A_45 = arith.constant 0 : i32
    %dma_wait3A_46 = arith.constant 1 : i32
    %dma_wait3A_47 = arith.constant 0 : i32
    %dma_wait3A_48 = arith.constant 0 : i32
    %dma_wait3A_49 = tpu.memref_slice %arg9[%dma_wait3A_46, %dma_wait3A_47, %dma_wait3A_48] : memref<2x128x128xf32, #tpu.memory_space<vmem>> -> memref<1x128x128xf32, #tpu.memory_space<vmem>>
    %dma_wait3A_50 = tpu.memref_squeeze %dma_wait3A_49 : memref<1x128x128xf32, #tpu.memory_space<vmem>> -> memref<128x128xf32, #tpu.memory_space<vmem>>
    %dma_wait3A_51 = arith.constant 0 : i32
    %dma_wait3A_52 = tpu.memref_slice %arg7[%dma_wait3A_45, %dma_wait3A_51] : memref<48x128xi32, #tpu.memory_space<vmem>> -> memref<1x128xi32, #tpu.memory_space<vmem>>
    %dma_wait3A_53 = tpu.memref_squeeze %dma_wait3A_52 : memref<1x128xi32, #tpu.memory_space<vmem>> -> memref<128xi32, #tpu.memory_space<vmem>>
    %dma_wait3A_54 = arith.constant 0 : i32
    %dma_wait3A_55 = arith.constant 0 : i32
    %dma_wait3A_56 = tpu.memref_slice %arg2[%dma_wait3A_54, %dma_wait3A_55] : memref<20000x128xf32, #tpu.memory_space<hbm>> -> memref<20000x128xf32, #tpu.memory_space<hbm>>
    tpu.wait_indirect_dma semaphore(%arg12 : memref<!tpu.dma_semaphore, #tpu.memory_space<semaphore_mem>>) src(%dma_wait3A_56 : memref<20000x128xf32, #tpu.memory_space<hbm>>) dst(%dma_wait3A_50 : memref<128x128xf32, #tpu.memory_space<vmem>>)
    %mul3A_57 = arith.constant 80 : i32
    %mul3A_58 = arith.muli %arg1, %mul3A_57 : i32
    %add3A_59 = arith.constant 40 : i32
    %add3A_60 = arith.addi %mul3A_58, %add3A_59 : i32
    "tpu.region"() ({
      %run_scoped3A = tpu.sem_alloc : memref<!tpu.dma_semaphore, #tpu.memory_space<semaphore_mem>>
      %dma_start3A_122 = arith.constant 0 : i32
      %dma_start3A_123 = tpu.memref_slice %arg3[%arg0, %add3A_60, %dma_start3A_122] : memref<2x1288x128xi32, #tpu.memory_space<hbm>> -> memref<1x48x128xi32, #tpu.memory_space<hbm>>
      %dma_start3A_124 = tpu.memref_squeeze %dma_start3A_123 : memref<1x48x128xi32, #tpu.memory_space<hbm>> -> memref<48x128xi32, #tpu.memory_space<hbm>>
      %dma_start3A_125 = arith.constant 0 : i32
      %dma_start3A_126 = tpu.memref_slice %arg3[%arg0, %add3A_60, %dma_start3A_125] : memref<2x1288x128xi32, #tpu.memory_space<hbm>> -> memref<1x48x128xi32, #tpu.memory_space<hbm>>
      %dma_start3A_127 = tpu.memref_squeeze %dma_start3A_126 : memref<1x48x128xi32, #tpu.memory_space<hbm>> -> memref<48x128xi32, #tpu.memory_space<hbm>>
      tpu.enqueue_dma source(%dma_start3A_127 : memref<48x128xi32, #tpu.memory_space<hbm>>) target(%arg7 : memref<48x128xi32, #tpu.memory_space<vmem>>) target_semaphore(%run_scoped3A : memref<!tpu.dma_semaphore, #tpu.memory_space<semaphore_mem>>)
      %dma_wait3A_128 = arith.constant 0 : i32
      %dma_wait3A_129 = tpu.memref_slice %arg3[%arg0, %add3A_60, %dma_wait3A_128] : memref<2x1288x128xi32, #tpu.memory_space<hbm>> -> memref<1x48x128xi32, #tpu.memory_space<hbm>>
      %dma_wait3A_130 = tpu.memref_squeeze %dma_wait3A_129 : memref<1x48x128xi32, #tpu.memory_space<hbm>> -> memref<48x128xi32, #tpu.memory_space<hbm>>
      %dma_wait3A_131 = arith.constant 0 : i32
      %dma_wait3A_132 = tpu.memref_slice %arg3[%arg0, %add3A_60, %dma_wait3A_131] : memref<2x1288x128xi32, #tpu.memory_space<hbm>> -> memref<1x48x128xi32, #tpu.memory_space<hbm>>
      %dma_wait3A_133 = tpu.memref_squeeze %dma_wait3A_132 : memref<1x48x128xi32, #tpu.memory_space<hbm>> -> memref<48x128xi32, #tpu.memory_space<hbm>>
      tpu.wait_dma2 semaphore(%run_scoped3A : memref<!tpu.dma_semaphore, #tpu.memory_space<semaphore_mem>>) src(%dma_wait3A_133 : memref<48x128xi32, #tpu.memory_space<hbm>>) dst(%arg7 : memref<48x128xi32, #tpu.memory_space<vmem>>)
      tpu.yield
    }) : () -> ()
    "tpu.region"() ({
      %run_scoped3A = tpu.sem_alloc : memref<!tpu.dma_semaphore, #tpu.memory_space<semaphore_mem>>
      %dma_start3A_122 = arith.constant 0 : i32
      %dma_start3A_123 = tpu.memref_slice %arg4[%add3A_60, %dma_start3A_122] : memref<1288x128xi32, #tpu.memory_space<hbm>> -> memref<48x128xi32, #tpu.memory_space<hbm>>
      %dma_start3A_124 = arith.constant 0 : i32
      %dma_start3A_125 = tpu.memref_slice %arg4[%add3A_60, %dma_start3A_124] : memref<1288x128xi32, #tpu.memory_space<hbm>> -> memref<48x128xi32, #tpu.memory_space<hbm>>
      tpu.enqueue_dma source(%dma_start3A_125 : memref<48x128xi32, #tpu.memory_space<hbm>>) target(%arg8 : memref<48x128xi32, #tpu.memory_space<vmem>>) target_semaphore(%run_scoped3A : memref<!tpu.dma_semaphore, #tpu.memory_space<semaphore_mem>>)
      %dma_wait3A_126 = arith.constant 0 : i32
      %dma_wait3A_127 = tpu.memref_slice %arg4[%add3A_60, %dma_wait3A_126] : memref<1288x128xi32, #tpu.memory_space<hbm>> -> memref<48x128xi32, #tpu.memory_space<hbm>>
      %dma_wait3A_128 = arith.constant 0 : i32
      %dma_wait3A_129 = tpu.memref_slice %arg4[%add3A_60, %dma_wait3A_128] : memref<1288x128xi32, #tpu.memory_space<hbm>> -> memref<48x128xi32, #tpu.memory_space<hbm>>
      tpu.wait_dma2 semaphore(%run_scoped3A : memref<!tpu.dma_semaphore, #tpu.memory_space<semaphore_mem>>) src(%dma_wait3A_129 : memref<48x128xi32, #tpu.memory_space<hbm>>) dst(%arg8 : memref<48x128xi32, #tpu.memory_space<vmem>>)
      tpu.yield
    }) : () -> ()
    %dma_start3A_61 = arith.constant 0 : i32
    %dma_start3A_62 = arith.constant 0 : i32
    %dma_start3A_63 = arith.constant 0 : i32
    %dma_start3A_64 = arith.constant 0 : i32
    %dma_start3A_65 = tpu.memref_slice %arg9[%dma_start3A_62, %dma_start3A_63, %dma_start3A_64] : memref<2x128x128xf32, #tpu.memory_space<vmem>> -> memref<1x128x128xf32, #tpu.memory_space<vmem>>
    %dma_start3A_66 = tpu.memref_squeeze %dma_start3A_65 : memref<1x128x128xf32, #tpu.memory_space<vmem>> -> memref<128x128xf32, #tpu.memory_space<vmem>>
    %dma_start3A_67 = arith.constant 0 : i32
    %dma_start3A_68 = tpu.memref_slice %arg7[%dma_start3A_61, %dma_start3A_67] : memref<48x128xi32, #tpu.memory_space<vmem>> -> memref<1x128xi32, #tpu.memory_space<vmem>>
    %dma_start3A_69 = tpu.memref_squeeze %dma_start3A_68 : memref<1x128xi32, #tpu.memory_space<vmem>> -> memref<128xi32, #tpu.memory_space<vmem>>
    %dma_start3A_70 = arith.constant 0 : i32
    %dma_start3A_71 = arith.constant 0 : i32
    %dma_start3A_72 = tpu.memref_slice %arg2[%dma_start3A_70, %dma_start3A_71] : memref<20000x128xf32, #tpu.memory_space<hbm>> -> memref<20000x128xf32, #tpu.memory_space<hbm>>
    tpu.enqueue_indirect_dma source(%dma_start3A_72 : memref<20000x128xf32, #tpu.memory_space<hbm>>) target(%dma_start3A_66 : memref<128x128xf32, #tpu.memory_space<vmem>>) offsets(%dma_start3A_69 : memref<128xi32, #tpu.memory_space<vmem>>) semaphore(%arg11 : memref<!tpu.dma_semaphore, #tpu.memory_space<semaphore_mem>>)
    %dma_start3A_73 = arith.constant 1 : i32
    %dma_start3A_74 = arith.constant 1 : i32
    %dma_start3A_75 = arith.constant 0 : i32
    %dma_start3A_76 = arith.constant 0 : i32
    %dma_start3A_77 = tpu.memref_slice %arg9[%dma_start3A_74, %dma_start3A_75, %dma_start3A_76] : memref<2x128x128xf32, #tpu.memory_space<vmem>> -> memref<1x128x128xf32, #tpu.memory_space<vmem>>
    %dma_start3A_78 = tpu.memref_squeeze %dma_start3A_77 : memref<1x128x128xf32, #tpu.memory_space<vmem>> -> memref<128x128xf32, #tpu.memory_space<vmem>>
    %dma_start3A_79 = arith.constant 0 : i32
    %dma_start3A_80 = tpu.memref_slice %arg7[%dma_start3A_73, %dma_start3A_79] : memref<48x128xi32, #tpu.memory_space<vmem>> -> memref<1x128xi32, #tpu.memory_space<vmem>>
    %dma_start3A_81 = tpu.memref_squeeze %dma_start3A_80 : memref<1x128xi32, #tpu.memory_space<vmem>> -> memref<128xi32, #tpu.memory_space<vmem>>
    %dma_start3A_82 = arith.constant 0 : i32
    %dma_start3A_83 = arith.constant 0 : i32
    %dma_start3A_84 = tpu.memref_slice %arg2[%dma_start3A_82, %dma_start3A_83] : memref<20000x128xf32, #tpu.memory_space<hbm>> -> memref<20000x128xf32, #tpu.memory_space<hbm>>
    tpu.enqueue_indirect_dma source(%dma_start3A_84 : memref<20000x128xf32, #tpu.memory_space<hbm>>) target(%dma_start3A_78 : memref<128x128xf32, #tpu.memory_space<vmem>>) offsets(%dma_start3A_81 : memref<128xi32, #tpu.memory_space<vmem>>) semaphore(%arg12 : memref<!tpu.dma_semaphore, #tpu.memory_space<semaphore_mem>>)
    %scan3A_85 = arith.constant 0 : i32
    %scan3A_86 = arith.constant 0 : i32
    %scan3A_87 = arith.constant 20 : i32
    %scan3A_88 = arith.addi %scan3A_86, %scan3A_87 : i32
    %scan3A_89 = arith.constant 1 : i32
    scf.for %scan3A_122 = %scan3A_86 to %scan3A_88 step %scan3A_89  : i32 {
      %mul3A_123 = arith.constant 2 : i32
      %mul3A_124 = arith.muli %mul3A_123, %scan3A_122 : i32
      %add3A_125 = arith.constant 0 : i32
      %add3A_126 = arith.addi %mul3A_124, %add3A_125 : i32
      %dma_wait3A_127 = arith.constant 0 : i32
      %dma_wait3A_128 = arith.constant 0 : i32
      %dma_wait3A_129 = arith.constant 0 : i32
      %dma_wait3A_130 = arith.constant 0 : i32
      %dma_wait3A_131 = tpu.memref_slice %arg9[%dma_wait3A_128, %dma_wait3A_129, %dma_wait3A_130] : memref<2x128x128xf32, #tpu.memory_space<vmem>> -> memref<1x128x128xf32, #tpu.memory_space<vmem>>
      %dma_wait3A_132 = tpu.memref_squeeze %dma_wait3A_131 : memref<1x128x128xf32, #tpu.memory_space<vmem>> -> memref<128x128xf32, #tpu.memory_space<vmem>>
      %dma_wait3A_133 = arith.constant 0 : i32
      %dma_wait3A_134 = tpu.memref_slice %arg7[%dma_wait3A_127, %dma_wait3A_133] : memref<48x128xi32, #tpu.memory_space<vmem>> -> memref<1x128xi32, #tpu.memory_space<vmem>>
      %dma_wait3A_135 = tpu.memref_squeeze %dma_wait3A_134 : memref<1x128xi32, #tpu.memory_space<vmem>> -> memref<128xi32, #tpu.memory_space<vmem>>
      %dma_wait3A_136 = arith.constant 0 : i32
      %dma_wait3A_137 = arith.constant 0 : i32
      %dma_wait3A_138 = tpu.memref_slice %arg2[%dma_wait3A_136, %dma_wait3A_137] : memref<20000x128xf32, #tpu.memory_space<hbm>> -> memref<20000x128xf32, #tpu.memory_space<hbm>>
      tpu.wait_indirect_dma semaphore(%arg11 : memref<!tpu.dma_semaphore, #tpu.memory_space<semaphore_mem>>) src(%dma_wait3A_138 : memref<20000x128xf32, #tpu.memory_space<hbm>>) dst(%dma_wait3A_132 : memref<128x128xf32, #tpu.memory_space<vmem>>)
      %dma_start3A_139 = arith.constant 0 : i32
      %dma_start3A_140 = arith.constant 0 : i32
      %dma_start3A_141 = arith.constant 0 : i32
      %dma_start3A_142 = tpu.memref_slice %arg9[%dma_start3A_139, %dma_start3A_140, %dma_start3A_141] : memref<2x128x128xf32, #tpu.memory_space<vmem>> -> memref<1x128x128xf32, #tpu.memory_space<vmem>>
      %dma_start3A_143 = tpu.memref_squeeze %dma_start3A_142 : memref<1x128x128xf32, #tpu.memory_space<vmem>> -> memref<128x128xf32, #tpu.memory_space<vmem>>
      %dma_start3A_144 = arith.constant 0 : i32
      %dma_start3A_145 = tpu.memref_slice %arg8[%add3A_126, %dma_start3A_144] : memref<48x128xi32, #tpu.memory_space<vmem>> -> memref<1x128xi32, #tpu.memory_space<vmem>>
      %dma_start3A_146 = tpu.memref_squeeze %dma_start3A_145 : memref<1x128xi32, #tpu.memory_space<vmem>> -> memref<128xi32, #tpu.memory_space<vmem>>
      %dma_start3A_147 = arith.constant 0 : i32
      %dma_start3A_148 = arith.constant 0 : i32
      %dma_start3A_149 = tpu.memref_slice %arg10[%dma_start3A_147, %dma_start3A_148] : memref<10240x128xf32, #tpu.memory_space<vmem_shared>> -> memref<10240x128xf32, #tpu.memory_space<vmem_shared>>
      tpu.enqueue_indirect_dma source(%dma_start3A_143 : memref<128x128xf32, #tpu.memory_space<vmem>>) target(%dma_start3A_149 : memref<10240x128xf32, #tpu.memory_space<vmem_shared>>) offsets(%dma_start3A_146 : memref<128xi32, #tpu.memory_space<vmem>>) semaphore(%arg13 : memref<!tpu.dma_semaphore, #tpu.memory_space<semaphore_mem>>) {add = true}
      %dma_wait3A_150 = arith.constant 0 : i32
      %dma_wait3A_151 = arith.constant 0 : i32
      %dma_wait3A_152 = arith.constant 0 : i32
      %dma_wait3A_153 = tpu.memref_slice %arg9[%dma_wait3A_150, %dma_wait3A_151, %dma_wait3A_152] : memref<2x128x128xf32, #tpu.memory_space<vmem>> -> memref<1x128x128xf32, #tpu.memory_space<vmem>>
      %dma_wait3A_154 = tpu.memref_squeeze %dma_wait3A_153 : memref<1x128x128xf32, #tpu.memory_space<vmem>> -> memref<128x128xf32, #tpu.memory_space<vmem>>
      %dma_wait3A_155 = arith.constant 0 : i32
      %dma_wait3A_156 = tpu.memref_slice %arg8[%add3A_126, %dma_wait3A_155] : memref<48x128xi32, #tpu.memory_space<vmem>> -> memref<1x128xi32, #tpu.memory_space<vmem>>
      %dma_wait3A_157 = tpu.memref_squeeze %dma_wait3A_156 : memref<1x128xi32, #tpu.memory_space<vmem>> -> memref<128xi32, #tpu.memory_space<vmem>>
      %dma_wait3A_158 = arith.constant 0 : i32
      %dma_wait3A_159 = arith.constant 0 : i32
      %dma_wait3A_160 = tpu.memref_slice %arg10[%dma_wait3A_158, %dma_wait3A_159] : memref<10240x128xf32, #tpu.memory_space<vmem_shared>> -> memref<10240x128xf32, #tpu.memory_space<vmem_shared>>
      tpu.wait_indirect_dma semaphore(%arg13 : memref<!tpu.dma_semaphore, #tpu.memory_space<semaphore_mem>>) src(%dma_wait3A_154 : memref<128x128xf32, #tpu.memory_space<vmem>>) dst(%dma_wait3A_160 : memref<10240x128xf32, #tpu.memory_space<vmem_shared>>)
      %add3A_161 = arith.constant 2 : i32
      %add3A_162 = arith.addi %add3A_126, %add3A_161 : i32
      %dma_start3A_163 = arith.constant 0 : i32
      %dma_start3A_164 = arith.constant 0 : i32
      %dma_start3A_165 = arith.constant 0 : i32
      %dma_start3A_166 = tpu.memref_slice %arg9[%dma_start3A_163, %dma_start3A_164, %dma_start3A_165] : memref<2x128x128xf32, #tpu.memory_space<vmem>> -> memref<1x128x128xf32, #tpu.memory_space<vmem>>
      %dma_start3A_167 = tpu.memref_squeeze %dma_start3A_166 : memref<1x128x128xf32, #tpu.memory_space<vmem>> -> memref<128x128xf32, #tpu.memory_space<vmem>>
      %dma_start3A_168 = arith.constant 0 : i32
      %dma_start3A_169 = tpu.memref_slice %arg7[%add3A_162, %dma_start3A_168] : memref<48x128xi32, #tpu.memory_space<vmem>> -> memref<1x128xi32, #tpu.memory_space<vmem>>
      %dma_start3A_170 = tpu.memref_squeeze %dma_start3A_169 : memref<1x128xi32, #tpu.memory_space<vmem>> -> memref<128xi32, #tpu.memory_space<vmem>>
      %dma_start3A_171 = arith.constant 0 : i32
      %dma_start3A_172 = arith.constant 0 : i32
      %dma_start3A_173 = tpu.memref_slice %arg2[%dma_start3A_171, %dma_start3A_172] : memref<20000x128xf32, #tpu.memory_space<hbm>> -> memref<20000x128xf32, #tpu.memory_space<hbm>>
      tpu.enqueue_indirect_dma source(%dma_start3A_173 : memref<20000x128xf32, #tpu.memory_space<hbm>>) target(%dma_start3A_167 : memref<128x128xf32, #tpu.memory_space<vmem>>) offsets(%dma_start3A_170 : memref<128xi32, #tpu.memory_space<vmem>>) semaphore(%arg11 : memref<!tpu.dma_semaphore, #tpu.memory_space<semaphore_mem>>)
      %mul3A_174 = arith.constant 2 : i32
      %mul3A_175 = arith.muli %mul3A_174, %scan3A_122 : i32
      %add3A_176 = arith.constant 1 : i32
      %add3A_177 = arith.addi %mul3A_175, %add3A_176 : i32
      %dma_wait3A_178 = arith.constant 0 : i32
      %dma_wait3A_179 = arith.constant 1 : i32
      %dma_wait3A_180 = arith.constant 0 : i32
      %dma_wait3A_181 = arith.constant 0 : i32
      %dma_wait3A_182 = tpu.memref_slice %arg9[%dma_wait3A_179, %dma_wait3A_180, %dma_wait3A_181] : memref<2x128x128xf32, #tpu.memory_space<vmem>> -> memref<1x128x128xf32, #tpu.memory_space<vmem>>
      %dma_wait3A_183 = tpu.memref_squeeze %dma_wait3A_182 : memref<1x128x128xf32, #tpu.memory_space<vmem>> -> memref<128x128xf32, #tpu.memory_space<vmem>>
      %dma_wait3A_184 = arith.constant 0 : i32
      %dma_wait3A_185 = tpu.memref_slice %arg7[%dma_wait3A_178, %dma_wait3A_184] : memref<48x128xi32, #tpu.memory_space<vmem>> -> memref<1x128xi32, #tpu.memory_space<vmem>>
      %dma_wait3A_186 = tpu.memref_squeeze %dma_wait3A_185 : memref<1x128xi32, #tpu.memory_space<vmem>> -> memref<128xi32, #tpu.memory_space<vmem>>
      %dma_wait3A_187 = arith.constant 0 : i32
      %dma_wait3A_188 = arith.constant 0 : i32
      %dma_wait3A_189 = tpu.memref_slice %arg2[%dma_wait3A_187, %dma_wait3A_188] : memref<20000x128xf32, #tpu.memory_space<hbm>> -> memref<20000x128xf32, #tpu.memory_space<hbm>>
      tpu.wait_indirect_dma semaphore(%arg12 : memref<!tpu.dma_semaphore, #tpu.memory_space<semaphore_mem>>) src(%dma_wait3A_189 : memref<20000x128xf32, #tpu.memory_space<hbm>>) dst(%dma_wait3A_183 : memref<128x128xf32, #tpu.memory_space<vmem>>)
      %dma_start3A_190 = arith.constant 1 : i32
      %dma_start3A_191 = arith.constant 0 : i32
      %dma_start3A_192 = arith.constant 0 : i32
      %dma_start3A_193 = tpu.memref_slice %arg9[%dma_start3A_190, %dma_start3A_191, %dma_start3A_192] : memref<2x128x128xf32, #tpu.memory_space<vmem>> -> memref<1x128x128xf32, #tpu.memory_space<vmem>>
      %dma_start3A_194 = tpu.memref_squeeze %dma_start3A_193 : memref<1x128x128xf32, #tpu.memory_space<vmem>> -> memref<128x128xf32, #tpu.memory_space<vmem>>
      %dma_start3A_195 = arith.constant 0 : i32
      %dma_start3A_196 = tpu.memref_slice %arg8[%add3A_177, %dma_start3A_195] : memref<48x128xi32, #tpu.memory_space<vmem>> -> memref<1x128xi32, #tpu.memory_space<vmem>>
      %dma_start3A_197 = tpu.memref_squeeze %dma_start3A_196 : memref<1x128xi32, #tpu.memory_space<vmem>> -> memref<128xi32, #tpu.memory_space<vmem>>
      %dma_start3A_198 = arith.constant 0 : i32
      %dma_start3A_199 = arith.constant 0 : i32
      %dma_start3A_200 = tpu.memref_slice %arg10[%dma_start3A_198, %dma_start3A_199] : memref<10240x128xf32, #tpu.memory_space<vmem_shared>> -> memref<10240x128xf32, #tpu.memory_space<vmem_shared>>
      tpu.enqueue_indirect_dma source(%dma_start3A_194 : memref<128x128xf32, #tpu.memory_space<vmem>>) target(%dma_start3A_200 : memref<10240x128xf32, #tpu.memory_space<vmem_shared>>) offsets(%dma_start3A_197 : memref<128xi32, #tpu.memory_space<vmem>>) semaphore(%arg14 : memref<!tpu.dma_semaphore, #tpu.memory_space<semaphore_mem>>) {add = true}
      %dma_wait3A_201 = arith.constant 1 : i32
      %dma_wait3A_202 = arith.constant 0 : i32
      %dma_wait3A_203 = arith.constant 0 : i32
      %dma_wait3A_204 = tpu.memref_slice %arg9[%dma_wait3A_201, %dma_wait3A_202, %dma_wait3A_203] : memref<2x128x128xf32, #tpu.memory_space<vmem>> -> memref<1x128x128xf32, #tpu.memory_space<vmem>>
      %dma_wait3A_205 = tpu.memref_squeeze %dma_wait3A_204 : memref<1x128x128xf32, #tpu.memory_space<vmem>> -> memref<128x128xf32, #tpu.memory_space<vmem>>
      %dma_wait3A_206 = arith.constant 0 : i32
      %dma_wait3A_207 = tpu.memref_slice %arg8[%add3A_177, %dma_wait3A_206] : memref<48x128xi32, #tpu.memory_space<vmem>> -> memref<1x128xi32, #tpu.memory_space<vmem>>
      %dma_wait3A_208 = tpu.memref_squeeze %dma_wait3A_207 : memref<1x128xi32, #tpu.memory_space<vmem>> -> memref<128xi32, #tpu.memory_space<vmem>>
      %dma_wait3A_209 = arith.constant 0 : i32
      %dma_wait3A_210 = arith.constant 0 : i32
      %dma_wait3A_211 = tpu.memref_slice %arg10[%dma_wait3A_209, %dma_wait3A_210] : memref<10240x128xf32, #tpu.memory_space<vmem_shared>> -> memref<10240x128xf32, #tpu.memory_space<vmem_shared>>
      tpu.wait_indirect_dma semaphore(%arg14 : memref<!tpu.dma_semaphore, #tpu.memory_space<semaphore_mem>>) src(%dma_wait3A_205 : memref<128x128xf32, #tpu.memory_space<vmem>>) dst(%dma_wait3A_211 : memref<10240x128xf32, #tpu.memory_space<vmem_shared>>)
      %add3A_212 = arith.constant 2 : i32
      %add3A_213 = arith.addi %add3A_177, %add3A_212 : i32
      %dma_start3A_214 = arith.constant 1 : i32
      %dma_start3A_215 = arith.constant 0 : i32
      %dma_start3A_216 = arith.constant 0 : i32
      %dma_start3A_217 = tpu.memref_slice %arg9[%dma_start3A_214, %dma_start3A_215, %dma_start3A_216] : memref<2x128x128xf32, #tpu.memory_space<vmem>> -> memref<1x128x128xf32, #tpu.memory_space<vmem>>
      %dma_start3A_218 = tpu.memref_squeeze %dma_start3A_217 : memref<1x128x128xf32, #tpu.memory_space<vmem>> -> memref<128x128xf32, #tpu.memory_space<vmem>>
      %dma_start3A_219 = arith.constant 0 : i32
      %dma_start3A_220 = tpu.memref_slice %arg7[%add3A_213, %dma_start3A_219] : memref<48x128xi32, #tpu.memory_space<vmem>> -> memref<1x128xi32, #tpu.memory_space<vmem>>
      %dma_start3A_221 = tpu.memref_squeeze %dma_start3A_220 : memref<1x128xi32, #tpu.memory_space<vmem>> -> memref<128xi32, #tpu.memory_space<vmem>>
      %dma_start3A_222 = arith.constant 0 : i32
      %dma_start3A_223 = arith.constant 0 : i32
      %dma_start3A_224 = tpu.memref_slice %arg2[%dma_start3A_222, %dma_start3A_223] : memref<20000x128xf32, #tpu.memory_space<hbm>> -> memref<20000x128xf32, #tpu.memory_space<hbm>>
      tpu.enqueue_indirect_dma source(%dma_start3A_224 : memref<20000x128xf32, #tpu.memory_space<hbm>>) target(%dma_start3A_218 : memref<128x128xf32, #tpu.memory_space<vmem>>) offsets(%dma_start3A_221 : memref<128xi32, #tpu.memory_space<vmem>>) semaphore(%arg12 : memref<!tpu.dma_semaphore, #tpu.memory_space<semaphore_mem>>)
    }
    %scan3A_90 = arith.constant 20 : i32
    %dma_wait3A_91 = arith.constant 0 : i32
    %dma_wait3A_92 = arith.constant 0 : i32
    %dma_wait3A_93 = arith.constant 0 : i32
    %dma_wait3A_94 = arith.constant 0 : i32
    %dma_wait3A_95 = tpu.memref_slice %arg9[%dma_wait3A_92, %dma_wait3A_93, %dma_wait3A_94] : memref<2x128x128xf32, #tpu.memory_space<vmem>> -> memref<1x128x128xf32, #tpu.memory_space<vmem>>
    %dma_wait3A_96 = tpu.memref_squeeze %dma_wait3A_95 : memref<1x128x128xf32, #tpu.memory_space<vmem>> -> memref<128x128xf32, #tpu.memory_space<vmem>>
    %dma_wait3A_97 = arith.constant 0 : i32
    %dma_wait3A_98 = tpu.memref_slice %arg7[%dma_wait3A_91, %dma_wait3A_97] : memref<48x128xi32, #tpu.memory_space<vmem>> -> memref<1x128xi32, #tpu.memory_space<vmem>>
    %dma_wait3A_99 = tpu.memref_squeeze %dma_wait3A_98 : memref<1x128xi32, #tpu.memory_space<vmem>> -> memref<128xi32, #tpu.memory_space<vmem>>
    %dma_wait3A_100 = arith.constant 0 : i32
    %dma_wait3A_101 = arith.constant 0 : i32
    %dma_wait3A_102 = tpu.memref_slice %arg2[%dma_wait3A_100, %dma_wait3A_101] : memref<20000x128xf32, #tpu.memory_space<hbm>> -> memref<20000x128xf32, #tpu.memory_space<hbm>>
    tpu.wait_indirect_dma semaphore(%arg11 : memref<!tpu.dma_semaphore, #tpu.memory_space<semaphore_mem>>) src(%dma_wait3A_102 : memref<20000x128xf32, #tpu.memory_space<hbm>>) dst(%dma_wait3A_96 : memref<128x128xf32, #tpu.memory_space<vmem>>)
    %dma_wait3A_103 = arith.constant 0 : i32
    %dma_wait3A_104 = arith.constant 1 : i32
    %dma_wait3A_105 = arith.constant 0 : i32
    %dma_wait3A_106 = arith.constant 0 : i32
    %dma_wait3A_107 = tpu.memref_slice %arg9[%dma_wait3A_104, %dma_wait3A_105, %dma_wait3A_106] : memref<2x128x128xf32, #tpu.memory_space<vmem>> -> memref<1x128x128xf32, #tpu.memory_space<vmem>>
    %dma_wait3A_108 = tpu.memref_squeeze %dma_wait3A_107 : memref<1x128x128xf32, #tpu.memory_space<vmem>> -> memref<128x128xf32, #tpu.memory_space<vmem>>
    %dma_wait3A_109 = arith.constant 0 : i32
    %dma_wait3A_110 = tpu.memref_slice %arg7[%dma_wait3A_103, %dma_wait3A_109] : memref<48x128xi32, #tpu.memory_space<vmem>> -> memref<1x128xi32, #tpu.memory_space<vmem>>
    %dma_wait3A_111 = tpu.memref_squeeze %dma_wait3A_110 : memref<1x128xi32, #tpu.memory_space<vmem>> -> memref<128xi32, #tpu.memory_space<vmem>>
    %dma_wait3A_112 = arith.constant 0 : i32
    %dma_wait3A_113 = arith.constant 0 : i32
    %dma_wait3A_114 = tpu.memref_slice %arg2[%dma_wait3A_112, %dma_wait3A_113] : memref<20000x128xf32, #tpu.memory_space<hbm>> -> memref<20000x128xf32, #tpu.memory_space<hbm>>
    tpu.wait_indirect_dma semaphore(%arg12 : memref<!tpu.dma_semaphore, #tpu.memory_space<semaphore_mem>>) src(%dma_wait3A_114 : memref<20000x128xf32, #tpu.memory_space<hbm>>) dst(%dma_wait3A_108 : memref<128x128xf32, #tpu.memory_space<vmem>>)
    %barrier3A_115 = arith.constant 0 : index
    tpu.barrier barrier_id(%barrier3A_115)
    %mul3A_116 = arith.constant 640 : i32
    %mul3A_117 = arith.muli %arg1, %mul3A_116 : i32
    %mul3A_118 = arith.constant 640 : i32
    %mul3A_119 = arith.muli %arg1, %mul3A_118 : i32
    %mul3A_120 = arith.constant 128 : i32
    %mul3A_121 = arith.muli %arg0, %mul3A_120 : i32
    "tpu.region"() ({
      %run_scoped3A = tpu.sem_alloc : memref<!tpu.dma_semaphore, #tpu.memory_space<semaphore_mem>>
      %dma_start3A_122 = tpu.memref_slice %arg6[%mul3A_119, %mul3A_121] : memref<10240x256xf32, #tpu.memory_space<hbm>> -> memref<640x128xf32, #tpu.memory_space<hbm>>
      %dma_start3A_123 = arith.constant 0 : i32
      %dma_start3A_124 = tpu.memref_slice %arg10[%mul3A_117, %dma_start3A_123] : memref<10240x128xf32, #tpu.memory_space<vmem_shared>> -> memref<640x128xf32, #tpu.memory_space<vmem_shared>>
      tpu.enqueue_dma source(%dma_start3A_124 : memref<640x128xf32, #tpu.memory_space<vmem_shared>>) target(%dma_start3A_122 : memref<640x128xf32, #tpu.memory_space<hbm>>) target_semaphore(%run_scoped3A : memref<!tpu.dma_semaphore, #tpu.memory_space<semaphore_mem>>)
      %dma_wait3A_125 = tpu.memref_slice %arg6[%mul3A_119, %mul3A_121] : memref<10240x256xf32, #tpu.memory_space<hbm>> -> memref<640x128xf32, #tpu.memory_space<hbm>>
      %dma_wait3A_126 = arith.constant 0 : i32
      %dma_wait3A_127 = tpu.memref_slice %arg10[%mul3A_117, %dma_wait3A_126] : memref<10240x128xf32, #tpu.memory_space<vmem_shared>> -> memref<640x128xf32, #tpu.memory_space<vmem_shared>>
      tpu.wait_dma2 semaphore(%run_scoped3A : memref<!tpu.dma_semaphore, #tpu.memory_space<semaphore_mem>>) src(%dma_wait3A_127 : memref<640x128xf32, #tpu.memory_space<vmem_shared>>) dst(%dma_wait3A_125 : memref<640x128xf32, #tpu.memory_space<hbm>>)
      tpu.yield
    }) : () -> ()
    return
  }
}

#map = affine_map<(d0, d1) -> (0, 0)>
#map1 = affine_map<(d0, d1) -> (0, 0, 0)>
module attributes {stable_mosaic.version = 14 : i64} {
  func.func @k(%arg0: i32, %arg1: i32, %arg2: memref<20000x128xf32, #tpu.memory_space<hbm>>, %arg3: memref<2x1288x128xi32, #tpu.memory_space<hbm>>, %arg4: memref<1288x128xi32, #tpu.memory_space<hbm>>, %arg5: memref<10240x128xf32, #tpu.memory_space<hbm>>, %arg6: memref<10240x256xf32, #tpu.memory_space<hbm>>, %arg7: memref<48x128xi32, #tpu.memory_space<vmem>>, %arg8: memref<48x128xi32, #tpu.memory_space<vmem>>, %arg9: memref<2x128x128xf32, #tpu.memory_space<vmem>>, %arg10: memref<10240x128xf32, #tpu.memory_space<vmem_shared>>, %arg11: memref<!tpu.dma_semaphore, #tpu.memory_space<semaphore_mem>>, %arg12: memref<!tpu.dma_semaphore, #tpu.memory_space<semaphore_mem>>, %arg13: memref<!tpu.dma_semaphore, #tpu.memory_space<semaphore_mem>>, %arg14: memref<!tpu.dma_semaphore, #tpu.memory_space<semaphore_mem>>) attributes {dimension_semantics = [#tpu.dimension_semantics<core_parallel>, #tpu.dimension_semantics<subcore_parallel>], iteration_bounds = array<i64: 2, 16>, scalar_prefetch = 0 : i64, scratch_operands = 8 : i64, tpu.core_type = #tpu.core_type<sc_vector_subcore>, window_params = [{transform_indices = #map}, {transform_indices = #map1}, {transform_indices = #map}, {transform_indices = #map}, {transform_indices = #map}]} {
    %mul3A = arith.constant 640 : i32
    %mul3A_0 = arith.muli %arg1, %mul3A : i32
    %mul3A_1 = arith.constant 640 : i32
    %mul3A_2 = arith.muli %arg1, %mul3A_1 : i32
    "tpu.region"() ({
      %run_scoped3A = tpu.sem_alloc : memref<!tpu.dma_semaphore, #tpu.memory_space<semaphore_mem>>
      %dma_start3A_122 = arith.constant 0 : i32
      %dma_start3A_123 = tpu.memref_slice %arg10[%mul3A_2, %dma_start3A_122] : memref<10240x128xf32, #tpu.memory_space<vmem_shared>> -> memref<640x128xf32, #tpu.memory_space<vmem_shared>>
      %dma_start3A_124 = arith.constant 0 : i32
      %dma_start3A_125 = tpu.memref_slice %arg5[%mul3A_0, %dma_start3A_124] : memref<10240x128xf32, #tpu.memory_space<hbm>> -> memref<640x128xf32, #tpu.memory_space<hbm>>
      tpu.enqueue_dma source(%dma_start3A_125 : memref<640x128xf32, #tpu.memory_space<hbm>>) target(%dma_start3A_123 : memref<640x128xf32, #tpu.memory_space<vmem_shared>>) target_semaphore(%run_scoped3A : memref<!tpu.dma_semaphore, #tpu.memory_space<semaphore_mem>>)
      %dma_wait3A_126 = arith.constant 0 : i32
      %dma_wait3A_127 = tpu.memref_slice %arg10[%mul3A_2, %dma_wait3A_126] : memref<10240x128xf32, #tpu.memory_space<vmem_shared>> -> memref<640x128xf32, #tpu.memory_space<vmem_shared>>
      %dma_wait3A_128 = arith.constant 0 : i32
      %dma_wait3A_129 = tpu.memref_slice %arg5[%mul3A_0, %dma_wait3A_128] : memref<10240x128xf32, #tpu.memory_space<hbm>> -> memref<640x128xf32, #tpu.memory_space<hbm>>
      tpu.wait_dma2 semaphore(%run_scoped3A : memref<!tpu.dma_semaphore, #tpu.memory_space<semaphore_mem>>) src(%dma_wait3A_129 : memref<640x128xf32, #tpu.memory_space<hbm>>) dst(%dma_wait3A_127 : memref<640x128xf32, #tpu.memory_space<vmem_shared>>)
      tpu.yield
    }) : () -> ()
    %barrier3A = arith.constant 0 : index
    tpu.barrier barrier_id(%barrier3A)
    %mul3A_3 = arith.constant 80 : i32
    %mul3A_4 = arith.muli %arg1, %mul3A_3 : i32
    %add3A = arith.constant 0 : i32
    %add3A_5 = arith.addi %mul3A_4, %add3A : i32
    "tpu.region"() ({
      %run_scoped3A = tpu.sem_alloc : memref<!tpu.dma_semaphore, #tpu.memory_space<semaphore_mem>>
      %dma_start3A_122 = arith.constant 0 : i32
      %dma_start3A_123 = tpu.memref_slice %arg3[%arg0, %add3A_5, %dma_start3A_122] : memref<2x1288x128xi32, #tpu.memory_space<hbm>> -> memref<1x48x128xi32, #tpu.memory_space<hbm>>
      %dma_start3A_124 = tpu.memref_squeeze %dma_start3A_123 : memref<1x48x128xi32, #tpu.memory_space<hbm>> -> memref<48x128xi32, #tpu.memory_space<hbm>>
      %dma_start3A_125 = arith.constant 0 : i32
      %dma_start3A_126 = tpu.memref_slice %arg3[%arg0, %add3A_5, %dma_start3A_125] : memref<2x1288x128xi32, #tpu.memory_space<hbm>> -> memref<1x48x128xi32, #tpu.memory_space<hbm>>
      %dma_start3A_127 = tpu.memref_squeeze %dma_start3A_126 : memref<1x48x128xi32, #tpu.memory_space<hbm>> -> memref<48x128xi32, #tpu.memory_space<hbm>>
      tpu.enqueue_dma source(%dma_start3A_127 : memref<48x128xi32, #tpu.memory_space<hbm>>) target(%arg7 : memref<48x128xi32, #tpu.memory_space<vmem>>) target_semaphore(%run_scoped3A : memref<!tpu.dma_semaphore, #tpu.memory_space<semaphore_mem>>)
      %dma_wait3A_128 = arith.constant 0 : i32
      %dma_wait3A_129 = tpu.memref_slice %arg3[%arg0, %add3A_5, %dma_wait3A_128] : memref<2x1288x128xi32, #tpu.memory_space<hbm>> -> memref<1x48x128xi32, #tpu.memory_space<hbm>>
      %dma_wait3A_130 = tpu.memref_squeeze %dma_wait3A_129 : memref<1x48x128xi32, #tpu.memory_space<hbm>> -> memref<48x128xi32, #tpu.memory_space<hbm>>
      %dma_wait3A_131 = arith.constant 0 : i32
      %dma_wait3A_132 = tpu.memref_slice %arg3[%arg0, %add3A_5, %dma_wait3A_131] : memref<2x1288x128xi32, #tpu.memory_space<hbm>> -> memref<1x48x128xi32, #tpu.memory_space<hbm>>
      %dma_wait3A_133 = tpu.memref_squeeze %dma_wait3A_132 : memref<1x48x128xi32, #tpu.memory_space<hbm>> -> memref<48x128xi32, #tpu.memory_space<hbm>>
      tpu.wait_dma2 semaphore(%run_scoped3A : memref<!tpu.dma_semaphore, #tpu.memory_space<semaphore_mem>>) src(%dma_wait3A_133 : memref<48x128xi32, #tpu.memory_space<hbm>>) dst(%arg7 : memref<48x128xi32, #tpu.memory_space<vmem>>)
      tpu.yield
    }) : () -> ()
    "tpu.region"() ({
      %run_scoped3A = tpu.sem_alloc : memref<!tpu.dma_semaphore, #tpu.memory_space<semaphore_mem>>
      %dma_start3A_122 = arith.constant 0 : i32
      %dma_start3A_123 = tpu.memref_slice %arg4[%add3A_5, %dma_start3A_122] : memref<1288x128xi32, #tpu.memory_space<hbm>> -> memref<48x128xi32, #tpu.memory_space<hbm>>
      %dma_start3A_124 = arith.constant 0 : i32
      %dma_start3A_125 = tpu.memref_slice %arg4[%add3A_5, %dma_start3A_124] : memref<1288x128xi32, #tpu.memory_space<hbm>> -> memref<48x128xi32, #tpu.memory_space<hbm>>
      tpu.enqueue_dma source(%dma_start3A_125 : memref<48x128xi32, #tpu.memory_space<hbm>>) target(%arg8 : memref<48x128xi32, #tpu.memory_space<vmem>>) target_semaphore(%run_scoped3A : memref<!tpu.dma_semaphore, #tpu.memory_space<semaphore_mem>>)
      %dma_wait3A_126 = arith.constant 0 : i32
      %dma_wait3A_127 = tpu.memref_slice %arg4[%add3A_5, %dma_wait3A_126] : memref<1288x128xi32, #tpu.memory_space<hbm>> -> memref<48x128xi32, #tpu.memory_space<hbm>>
      %dma_wait3A_128 = arith.constant 0 : i32
      %dma_wait3A_129 = tpu.memref_slice %arg4[%add3A_5, %dma_wait3A_128] : memref<1288x128xi32, #tpu.memory_space<hbm>> -> memref<48x128xi32, #tpu.memory_space<hbm>>
      tpu.wait_dma2 semaphore(%run_scoped3A : memref<!tpu.dma_semaphore, #tpu.memory_space<semaphore_mem>>) src(%dma_wait3A_129 : memref<48x128xi32, #tpu.memory_space<hbm>>) dst(%arg8 : memref<48x128xi32, #tpu.memory_space<vmem>>)
      tpu.yield
    }) : () -> ()
    %dma_start3A = arith.constant 0 : i32
    %dma_start3A_6 = arith.constant 0 : i32
    %dma_start3A_7 = arith.constant 0 : i32
    %dma_start3A_8 = arith.constant 0 : i32
    %dma_start3A_9 = tpu.memref_slice %arg9[%dma_start3A_6, %dma_start3A_7, %dma_start3A_8] : memref<2x128x128xf32, #tpu.memory_space<vmem>> -> memref<1x128x128xf32, #tpu.memory_space<vmem>>
    %dma_start3A_10 = tpu.memref_squeeze %dma_start3A_9 : memref<1x128x128xf32, #tpu.memory_space<vmem>> -> memref<128x128xf32, #tpu.memory_space<vmem>>
    %dma_start3A_11 = arith.constant 0 : i32
    %dma_start3A_12 = tpu.memref_slice %arg7[%dma_start3A, %dma_start3A_11] : memref<48x128xi32, #tpu.memory_space<vmem>> -> memref<1x128xi32, #tpu.memory_space<vmem>>
    %dma_start3A_13 = tpu.memref_squeeze %dma_start3A_12 : memref<1x128xi32, #tpu.memory_space<vmem>> -> memref<128xi32, #tpu.memory_space<vmem>>
    %dma_start3A_14 = arith.constant 0 : i32
    %dma_start3A_15 = arith.constant 0 : i32
    %dma_start3A_16 = tpu.memref_slice %arg2[%dma_start3A_14, %dma_start3A_15] : memref<20000x128xf32, #tpu.memory_space<hbm>> -> memref<20000x128xf32, #tpu.memory_space<hbm>>
    tpu.enqueue_indirect_dma source(%dma_start3A_16 : memref<20000x128xf32, #tpu.memory_space<hbm>>) target(%dma_start3A_10 : memref<128x128xf32, #tpu.memory_space<vmem>>) offsets(%dma_start3A_13 : memref<128xi32, #tpu.memory_space<vmem>>) semaphore(%arg11 : memref<!tpu.dma_semaphore, #tpu.memory_space<semaphore_mem>>)
    %dma_start3A_17 = arith.constant 1 : i32
    %dma_start3A_18 = arith.constant 1 : i32
    %dma_start3A_19 = arith.constant 0 : i32
    %dma_start3A_20 = arith.constant 0 : i32
    %dma_start3A_21 = tpu.memref_slice %arg9[%dma_start3A_18, %dma_start3A_19, %dma_start3A_20] : memref<2x128x128xf32, #tpu.memory_space<vmem>> -> memref<1x128x128xf32, #tpu.memory_space<vmem>>
    %dma_start3A_22 = tpu.memref_squeeze %dma_start3A_21 : memref<1x128x128xf32, #tpu.memory_space<vmem>> -> memref<128x128xf32, #tpu.memory_space<vmem>>
    %dma_start3A_23 = arith.constant 0 : i32
    %dma_start3A_24 = tpu.memref_slice %arg7[%dma_start3A_17, %dma_start3A_23] : memref<48x128xi32, #tpu.memory_space<vmem>> -> memref<1x128xi32, #tpu.memory_space<vmem>>
    %dma_start3A_25 = tpu.memref_squeeze %dma_start3A_24 : memref<1x128xi32, #tpu.memory_space<vmem>> -> memref<128xi32, #tpu.memory_space<vmem>>
    %dma_start3A_26 = arith.constant 0 : i32
    %dma_start3A_27 = arith.constant 0 : i32
    %dma_start3A_28 = tpu.memref_slice %arg2[%dma_start3A_26, %dma_start3A_27] : memref<20000x128xf32, #tpu.memory_space<hbm>> -> memref<20000x128xf32, #tpu.memory_space<hbm>>
    tpu.enqueue_indirect_dma source(%dma_start3A_28 : memref<20000x128xf32, #tpu.memory_space<hbm>>) target(%dma_start3A_22 : memref<128x128xf32, #tpu.memory_space<vmem>>) offsets(%dma_start3A_25 : memref<128xi32, #tpu.memory_space<vmem>>) semaphore(%arg12 : memref<!tpu.dma_semaphore, #tpu.memory_space<semaphore_mem>>)
    %scan3A = arith.constant 0 : i32
    %scan3A_29 = arith.constant 0 : i32
    %scan3A_30 = arith.constant 20 : i32
    %scan3A_31 = arith.addi %scan3A_29, %scan3A_30 : i32
    %scan3A_32 = arith.constant 1 : i32
    scf.for %scan3A_122 = %scan3A_29 to %scan3A_31 step %scan3A_32  : i32 {
      %mul3A_123 = arith.constant 2 : i32
      %mul3A_124 = arith.muli %mul3A_123, %scan3A_122 : i32
      %add3A_125 = arith.constant 0 : i32
      %add3A_126 = arith.addi %mul3A_124, %add3A_125 : i32
      %dma_wait3A_127 = arith.constant 0 : i32
      %dma_wait3A_128 = arith.constant 0 : i32
      %dma_wait3A_129 = arith.constant 0 : i32
      %dma_wait3A_130 = arith.constant 0 : i32
      %dma_wait3A_131 = tpu.memref_slice %arg9[%dma_wait3A_128, %dma_wait3A_129, %dma_wait3A_130] : memref<2x128x128xf32, #tpu.memory_space<vmem>> -> memref<1x128x128xf32, #tpu.memory_space<vmem>>
      %dma_wait3A_132 = tpu.memref_squeeze %dma_wait3A_131 : memref<1x128x128xf32, #tpu.memory_space<vmem>> -> memref<128x128xf32, #tpu.memory_space<vmem>>
      %dma_wait3A_133 = arith.constant 0 : i32
      %dma_wait3A_134 = tpu.memref_slice %arg7[%dma_wait3A_127, %dma_wait3A_133] : memref<48x128xi32, #tpu.memory_space<vmem>> -> memref<1x128xi32, #tpu.memory_space<vmem>>
      %dma_wait3A_135 = tpu.memref_squeeze %dma_wait3A_134 : memref<1x128xi32, #tpu.memory_space<vmem>> -> memref<128xi32, #tpu.memory_space<vmem>>
      %dma_wait3A_136 = arith.constant 0 : i32
      %dma_wait3A_137 = arith.constant 0 : i32
      %dma_wait3A_138 = tpu.memref_slice %arg2[%dma_wait3A_136, %dma_wait3A_137] : memref<20000x128xf32, #tpu.memory_space<hbm>> -> memref<20000x128xf32, #tpu.memory_space<hbm>>
      tpu.wait_indirect_dma semaphore(%arg11 : memref<!tpu.dma_semaphore, #tpu.memory_space<semaphore_mem>>) src(%dma_wait3A_138 : memref<20000x128xf32, #tpu.memory_space<hbm>>) dst(%dma_wait3A_132 : memref<128x128xf32, #tpu.memory_space<vmem>>)
      %dma_start3A_139 = arith.constant 0 : i32
      %dma_start3A_140 = arith.constant 0 : i32
      %dma_start3A_141 = arith.constant 0 : i32
      %dma_start3A_142 = tpu.memref_slice %arg9[%dma_start3A_139, %dma_start3A_140, %dma_start3A_141] : memref<2x128x128xf32, #tpu.memory_space<vmem>> -> memref<1x128x128xf32, #tpu.memory_space<vmem>>
      %dma_start3A_143 = tpu.memref_squeeze %dma_start3A_142 : memref<1x128x128xf32, #tpu.memory_space<vmem>> -> memref<128x128xf32, #tpu.memory_space<vmem>>
      %dma_start3A_144 = arith.constant 0 : i32
      %dma_start3A_145 = tpu.memref_slice %arg8[%add3A_126, %dma_start3A_144] : memref<48x128xi32, #tpu.memory_space<vmem>> -> memref<1x128xi32, #tpu.memory_space<vmem>>
      %dma_start3A_146 = tpu.memref_squeeze %dma_start3A_145 : memref<1x128xi32, #tpu.memory_space<vmem>> -> memref<128xi32, #tpu.memory_space<vmem>>
      %dma_start3A_147 = arith.constant 0 : i32
      %dma_start3A_148 = arith.constant 0 : i32
      %dma_start3A_149 = tpu.memref_slice %arg10[%dma_start3A_147, %dma_start3A_148] : memref<10240x128xf32, #tpu.memory_space<vmem_shared>> -> memref<10240x128xf32, #tpu.memory_space<vmem_shared>>
      tpu.enqueue_indirect_dma source(%dma_start3A_143 : memref<128x128xf32, #tpu.memory_space<vmem>>) target(%dma_start3A_149 : memref<10240x128xf32, #tpu.memory_space<vmem_shared>>) offsets(%dma_start3A_146 : memref<128xi32, #tpu.memory_space<vmem>>) semaphore(%arg13 : memref<!tpu.dma_semaphore, #tpu.memory_space<semaphore_mem>>) {add = true}
      %dma_wait3A_150 = arith.constant 0 : i32
      %dma_wait3A_151 = arith.constant 0 : i32
      %dma_wait3A_152 = arith.constant 0 : i32
      %dma_wait3A_153 = tpu.memref_slice %arg9[%dma_wait3A_150, %dma_wait3A_151, %dma_wait3A_152] : memref<2x128x128xf32, #tpu.memory_space<vmem>> -> memref<1x128x128xf32, #tpu.memory_space<vmem>>
      %dma_wait3A_154 = tpu.memref_squeeze %dma_wait3A_153 : memref<1x128x128xf32, #tpu.memory_space<vmem>> -> memref<128x128xf32, #tpu.memory_space<vmem>>
      %dma_wait3A_155 = arith.constant 0 : i32
      %dma_wait3A_156 = tpu.memref_slice %arg8[%add3A_126, %dma_wait3A_155] : memref<48x128xi32, #tpu.memory_space<vmem>> -> memref<1x128xi32, #tpu.memory_space<vmem>>
      %dma_wait3A_157 = tpu.memref_squeeze %dma_wait3A_156 : memref<1x128xi32, #tpu.memory_space<vmem>> -> memref<128xi32, #tpu.memory_space<vmem>>
      %dma_wait3A_158 = arith.constant 0 : i32
      %dma_wait3A_159 = arith.constant 0 : i32
      %dma_wait3A_160 = tpu.memref_slice %arg10[%dma_wait3A_158, %dma_wait3A_159] : memref<10240x128xf32, #tpu.memory_space<vmem_shared>> -> memref<10240x128xf32, #tpu.memory_space<vmem_shared>>
      tpu.wait_indirect_dma semaphore(%arg13 : memref<!tpu.dma_semaphore, #tpu.memory_space<semaphore_mem>>) src(%dma_wait3A_154 : memref<128x128xf32, #tpu.memory_space<vmem>>) dst(%dma_wait3A_160 : memref<10240x128xf32, #tpu.memory_space<vmem_shared>>)
      %add3A_161 = arith.constant 2 : i32
      %add3A_162 = arith.addi %add3A_126, %add3A_161 : i32
      %dma_start3A_163 = arith.constant 0 : i32
      %dma_start3A_164 = arith.constant 0 : i32
      %dma_start3A_165 = arith.constant 0 : i32
      %dma_start3A_166 = tpu.memref_slice %arg9[%dma_start3A_163, %dma_start3A_164, %dma_start3A_165] : memref<2x128x128xf32, #tpu.memory_space<vmem>> -> memref<1x128x128xf32, #tpu.memory_space<vmem>>
      %dma_start3A_167 = tpu.memref_squeeze %dma_start3A_166 : memref<1x128x128xf32, #tpu.memory_space<vmem>> -> memref<128x128xf32, #tpu.memory_space<vmem>>
      %dma_start3A_168 = arith.constant 0 : i32
      %dma_start3A_169 = tpu.memref_slice %arg7[%add3A_162, %dma_start3A_168] : memref<48x128xi32, #tpu.memory_space<vmem>> -> memref<1x128xi32, #tpu.memory_space<vmem>>
      %dma_start3A_170 = tpu.memref_squeeze %dma_start3A_169 : memref<1x128xi32, #tpu.memory_space<vmem>> -> memref<128xi32, #tpu.memory_space<vmem>>
      %dma_start3A_171 = arith.constant 0 : i32
      %dma_start3A_172 = arith.constant 0 : i32
      %dma_start3A_173 = tpu.memref_slice %arg2[%dma_start3A_171, %dma_start3A_172] : memref<20000x128xf32, #tpu.memory_space<hbm>> -> memref<20000x128xf32, #tpu.memory_space<hbm>>
      tpu.enqueue_indirect_dma source(%dma_start3A_173 : memref<20000x128xf32, #tpu.memory_space<hbm>>) target(%dma_start3A_167 : memref<128x128xf32, #tpu.memory_space<vmem>>) offsets(%dma_start3A_170 : memref<128xi32, #tpu.memory_space<vmem>>) semaphore(%arg11 : memref<!tpu.dma_semaphore, #tpu.memory_space<semaphore_mem>>)
      %mul3A_174 = arith.constant 2 : i32
      %mul3A_175 = arith.muli %mul3A_174, %scan3A_122 : i32
      %add3A_176 = arith.constant 1 : i32
      %add3A_177 = arith.addi %mul3A_175, %add3A_176 : i32
      %dma_wait3A_178 = arith.constant 0 : i32
      %dma_wait3A_179 = arith.constant 1 : i32
      %dma_wait3A_180 = arith.constant 0 : i32
      %dma_wait3A_181 = arith.constant 0 : i32
      %dma_wait3A_182 = tpu.memref_slice %arg9[%dma_wait3A_179, %dma_wait3A_180, %dma_wait3A_181] : memref<2x128x128xf32, #tpu.memory_space<vmem>> -> memref<1x128x128xf32, #tpu.memory_space<vmem>>
      %dma_wait3A_183 = tpu.memref_squeeze %dma_wait3A_182 : memref<1x128x128xf32, #tpu.memory_space<vmem>> -> memref<128x128xf32, #tpu.memory_space<vmem>>
      %dma_wait3A_184 = arith.constant 0 : i32
      %dma_wait3A_185 = tpu.memref_slice %arg7[%dma_wait3A_178, %dma_wait3A_184] : memref<48x128xi32, #tpu.memory_space<vmem>> -> memref<1x128xi32, #tpu.memory_space<vmem>>
      %dma_wait3A_186 = tpu.memref_squeeze %dma_wait3A_185 : memref<1x128xi32, #tpu.memory_space<vmem>> -> memref<128xi32, #tpu.memory_space<vmem>>
      %dma_wait3A_187 = arith.constant 0 : i32
      %dma_wait3A_188 = arith.constant 0 : i32
      %dma_wait3A_189 = tpu.memref_slice %arg2[%dma_wait3A_187, %dma_wait3A_188] : memref<20000x128xf32, #tpu.memory_space<hbm>> -> memref<20000x128xf32, #tpu.memory_space<hbm>>
      tpu.wait_indirect_dma semaphore(%arg12 : memref<!tpu.dma_semaphore, #tpu.memory_space<semaphore_mem>>) src(%dma_wait3A_189 : memref<20000x128xf32, #tpu.memory_space<hbm>>) dst(%dma_wait3A_183 : memref<128x128xf32, #tpu.memory_space<vmem>>)
      %dma_start3A_190 = arith.constant 1 : i32
      %dma_start3A_191 = arith.constant 0 : i32
      %dma_start3A_192 = arith.constant 0 : i32
      %dma_start3A_193 = tpu.memref_slice %arg9[%dma_start3A_190, %dma_start3A_191, %dma_start3A_192] : memref<2x128x128xf32, #tpu.memory_space<vmem>> -> memref<1x128x128xf32, #tpu.memory_space<vmem>>
      %dma_start3A_194 = tpu.memref_squeeze %dma_start3A_193 : memref<1x128x128xf32, #tpu.memory_space<vmem>> -> memref<128x128xf32, #tpu.memory_space<vmem>>
      %dma_start3A_195 = arith.constant 0 : i32
      %dma_start3A_196 = tpu.memref_slice %arg8[%add3A_177, %dma_start3A_195] : memref<48x128xi32, #tpu.memory_space<vmem>> -> memref<1x128xi32, #tpu.memory_space<vmem>>
      %dma_start3A_197 = tpu.memref_squeeze %dma_start3A_196 : memref<1x128xi32, #tpu.memory_space<vmem>> -> memref<128xi32, #tpu.memory_space<vmem>>
      %dma_start3A_198 = arith.constant 0 : i32
      %dma_start3A_199 = arith.constant 0 : i32
      %dma_start3A_200 = tpu.memref_slice %arg10[%dma_start3A_198, %dma_start3A_199] : memref<10240x128xf32, #tpu.memory_space<vmem_shared>> -> memref<10240x128xf32, #tpu.memory_space<vmem_shared>>
      tpu.enqueue_indirect_dma source(%dma_start3A_194 : memref<128x128xf32, #tpu.memory_space<vmem>>) target(%dma_start3A_200 : memref<10240x128xf32, #tpu.memory_space<vmem_shared>>) offsets(%dma_start3A_197 : memref<128xi32, #tpu.memory_space<vmem>>) semaphore(%arg14 : memref<!tpu.dma_semaphore, #tpu.memory_space<semaphore_mem>>) {add = true}
      %dma_wait3A_201 = arith.constant 1 : i32
      %dma_wait3A_202 = arith.constant 0 : i32
      %dma_wait3A_203 = arith.constant 0 : i32
      %dma_wait3A_204 = tpu.memref_slice %arg9[%dma_wait3A_201, %dma_wait3A_202, %dma_wait3A_203] : memref<2x128x128xf32, #tpu.memory_space<vmem>> -> memref<1x128x128xf32, #tpu.memory_space<vmem>>
      %dma_wait3A_205 = tpu.memref_squeeze %dma_wait3A_204 : memref<1x128x128xf32, #tpu.memory_space<vmem>> -> memref<128x128xf32, #tpu.memory_space<vmem>>
      %dma_wait3A_206 = arith.constant 0 : i32
      %dma_wait3A_207 = tpu.memref_slice %arg8[%add3A_177, %dma_wait3A_206] : memref<48x128xi32, #tpu.memory_space<vmem>> -> memref<1x128xi32, #tpu.memory_space<vmem>>
      %dma_wait3A_208 = tpu.memref_squeeze %dma_wait3A_207 : memref<1x128xi32, #tpu.memory_space<vmem>> -> memref<128xi32, #tpu.memory_space<vmem>>
      %dma_wait3A_209 = arith.constant 0 : i32
      %dma_wait3A_210 = arith.constant 0 : i32
      %dma_wait3A_211 = tpu.memref_slice %arg10[%dma_wait3A_209, %dma_wait3A_210] : memref<10240x128xf32, #tpu.memory_space<vmem_shared>> -> memref<10240x128xf32, #tpu.memory_space<vmem_shared>>
      tpu.wait_indirect_dma semaphore(%arg14 : memref<!tpu.dma_semaphore, #tpu.memory_space<semaphore_mem>>) src(%dma_wait3A_205 : memref<128x128xf32, #tpu.memory_space<vmem>>) dst(%dma_wait3A_211 : memref<10240x128xf32, #tpu.memory_space<vmem_shared>>)
      %add3A_212 = arith.constant 2 : i32
      %add3A_213 = arith.addi %add3A_177, %add3A_212 : i32
      %dma_start3A_214 = arith.constant 1 : i32
      %dma_start3A_215 = arith.constant 0 : i32
      %dma_start3A_216 = arith.constant 0 : i32
      %dma_start3A_217 = tpu.memref_slice %arg9[%dma_start3A_214, %dma_start3A_215, %dma_start3A_216] : memref<2x128x128xf32, #tpu.memory_space<vmem>> -> memref<1x128x128xf32, #tpu.memory_space<vmem>>
      %dma_start3A_218 = tpu.memref_squeeze %dma_start3A_217 : memref<1x128x128xf32, #tpu.memory_space<vmem>> -> memref<128x128xf32, #tpu.memory_space<vmem>>
      %dma_start3A_219 = arith.constant 0 : i32
      %dma_start3A_220 = tpu.memref_slice %arg7[%add3A_213, %dma_start3A_219] : memref<48x128xi32, #tpu.memory_space<vmem>> -> memref<1x128xi32, #tpu.memory_space<vmem>>
      %dma_start3A_221 = tpu.memref_squeeze %dma_start3A_220 : memref<1x128xi32, #tpu.memory_space<vmem>> -> memref<128xi32, #tpu.memory_space<vmem>>
      %dma_start3A_222 = arith.constant 0 : i32
      %dma_start3A_223 = arith.constant 0 : i32
      %dma_start3A_224 = tpu.memref_slice %arg2[%dma_start3A_222, %dma_start3A_223] : memref<20000x128xf32, #tpu.memory_space<hbm>> -> memref<20000x128xf32, #tpu.memory_space<hbm>>
      tpu.enqueue_indirect_dma source(%dma_start3A_224 : memref<20000x128xf32, #tpu.memory_space<hbm>>) target(%dma_start3A_218 : memref<128x128xf32, #tpu.memory_space<vmem>>) offsets(%dma_start3A_221 : memref<128xi32, #tpu.memory_space<vmem>>) semaphore(%arg12 : memref<!tpu.dma_semaphore, #tpu.memory_space<semaphore_mem>>)
    }
    %scan3A_33 = arith.constant 20 : i32
    %dma_wait3A = arith.constant 0 : i32
    %dma_wait3A_34 = arith.constant 0 : i32
    %dma_wait3A_35 = arith.constant 0 : i32
    %dma_wait3A_36 = arith.constant 0 : i32
    %dma_wait3A_37 = tpu.memref_slice %arg9[%dma_wait3A_34, %dma_wait3A_35, %dma_wait3A_36] : memref<2x128x128xf32, #tpu.memory_space<vmem>> -> memref<1x128x128xf32, #tpu.memory_space<vmem>>
    %dma_wait3A_38 = tpu.memref_squeeze %dma_wait3A_37 : memref<1x128x128xf32, #tpu.memory_space<vmem>> -> memref<128x128xf32, #tpu.memory_space<vmem>>
    %dma_wait3A_39 = arith.constant 0 : i32
    %dma_wait3A_40 = tpu.memref_slice %arg7[%dma_wait3A, %dma_wait3A_39] : memref<48x128xi32, #tpu.memory_space<vmem>> -> memref<1x128xi32, #tpu.memory_space<vmem>>
    %dma_wait3A_41 = tpu.memref_squeeze %dma_wait3A_40 : memref<1x128xi32, #tpu.memory_space<vmem>> -> memref<128xi32, #tpu.memory_space<vmem>>
    %dma_wait3A_42 = arith.constant 0 : i32
    %dma_wait3A_43 = arith.constant 0 : i32
    %dma_wait3A_44 = tpu.memref_slice %arg2[%dma_wait3A_42, %dma_wait3A_43] : memref<20000x128xf32, #tpu.memory_space<hbm>> -> memref<20000x128xf32, #tpu.memory_space<hbm>>
    tpu.wait_indirect_dma semaphore(%arg11 : memref<!tpu.dma_semaphore, #tpu.memory_space<semaphore_mem>>) src(%dma_wait3A_44 : memref<20000x128xf32, #tpu.memory_space<hbm>>) dst(%dma_wait3A_38 : memref<128x128xf32, #tpu.memory_space<vmem>>)
    %dma_wait3A_45 = arith.constant 0 : i32
    %dma_wait3A_46 = arith.constant 1 : i32
    %dma_wait3A_47 = arith.constant 0 : i32
    %dma_wait3A_48 = arith.constant 0 : i32
    %dma_wait3A_49 = tpu.memref_slice %arg9[%dma_wait3A_46, %dma_wait3A_47, %dma_wait3A_48] : memref<2x128x128xf32, #tpu.memory_space<vmem>> -> memref<1x128x128xf32, #tpu.memory_space<vmem>>
    %dma_wait3A_50 = tpu.memref_squeeze %dma_wait3A_49 : memref<1x128x128xf32, #tpu.memory_space<vmem>> -> memref<128x128xf32, #tpu.memory_space<vmem>>
    %dma_wait3A_51 = arith.constant 0 : i32
    %dma_wait3A_52 = tpu.memref_slice %arg7[%dma_wait3A_45, %dma_wait3A_51] : memref<48x128xi32, #tpu.memory_space<vmem>> -> memref<1x128xi32, #tpu.memory_space<vmem>>
    %dma_wait3A_53 = tpu.memref_squeeze %dma_wait3A_52 : memref<1x128xi32, #tpu.memory_space<vmem>> -> memref<128xi32, #tpu.memory_space<vmem>>
    %dma_wait3A_54 = arith.constant 0 : i32
    %dma_wait3A_55 = arith.constant 0 : i32
    %dma_wait3A_56 = tpu.memref_slice %arg2[%dma_wait3A_54, %dma_wait3A_55] : memref<20000x128xf32, #tpu.memory_space<hbm>> -> memref<20000x128xf32, #tpu.memory_space<hbm>>
    tpu.wait_indirect_dma semaphore(%arg12 : memref<!tpu.dma_semaphore, #tpu.memory_space<semaphore_mem>>) src(%dma_wait3A_56 : memref<20000x128xf32, #tpu.memory_space<hbm>>) dst(%dma_wait3A_50 : memref<128x128xf32, #tpu.memory_space<vmem>>)
    %mul3A_57 = arith.constant 80 : i32
    %mul3A_58 = arith.muli %arg1, %mul3A_57 : i32
    %add3A_59 = arith.constant 40 : i32
    %add3A_60 = arith.addi %mul3A_58, %add3A_59 : i32
    "tpu.region"() ({
      %run_scoped3A = tpu.sem_alloc : memref<!tpu.dma_semaphore, #tpu.memory_space<semaphore_mem>>
      %dma_start3A_122 = arith.constant 0 : i32
      %dma_start3A_123 = tpu.memref_slice %arg3[%arg0, %add3A_60, %dma_start3A_122] : memref<2x1288x128xi32, #tpu.memory_space<hbm>> -> memref<1x48x128xi32, #tpu.memory_space<hbm>>
      %dma_start3A_124 = tpu.memref_squeeze %dma_start3A_123 : memref<1x48x128xi32, #tpu.memory_space<hbm>> -> memref<48x128xi32, #tpu.memory_space<hbm>>
      %dma_start3A_125 = arith.constant 0 : i32
      %dma_start3A_126 = tpu.memref_slice %arg3[%arg0, %add3A_60, %dma_start3A_125] : memref<2x1288x128xi32, #tpu.memory_space<hbm>> -> memref<1x48x128xi32, #tpu.memory_space<hbm>>
      %dma_start3A_127 = tpu.memref_squeeze %dma_start3A_126 : memref<1x48x128xi32, #tpu.memory_space<hbm>> -> memref<48x128xi32, #tpu.memory_space<hbm>>
      tpu.enqueue_dma source(%dma_start3A_127 : memref<48x128xi32, #tpu.memory_space<hbm>>) target(%arg7 : memref<48x128xi32, #tpu.memory_space<vmem>>) target_semaphore(%run_scoped3A : memref<!tpu.dma_semaphore, #tpu.memory_space<semaphore_mem>>)
      %dma_wait3A_128 = arith.constant 0 : i32
      %dma_wait3A_129 = tpu.memref_slice %arg3[%arg0, %add3A_60, %dma_wait3A_128] : memref<2x1288x128xi32, #tpu.memory_space<hbm>> -> memref<1x48x128xi32, #tpu.memory_space<hbm>>
      %dma_wait3A_130 = tpu.memref_squeeze %dma_wait3A_129 : memref<1x48x128xi32, #tpu.memory_space<hbm>> -> memref<48x128xi32, #tpu.memory_space<hbm>>
      %dma_wait3A_131 = arith.constant 0 : i32
      %dma_wait3A_132 = tpu.memref_slice %arg3[%arg0, %add3A_60, %dma_wait3A_131] : memref<2x1288x128xi32, #tpu.memory_space<hbm>> -> memref<1x48x128xi32, #tpu.memory_space<hbm>>
      %dma_wait3A_133 = tpu.memref_squeeze %dma_wait3A_132 : memref<1x48x128xi32, #tpu.memory_space<hbm>> -> memref<48x128xi32, #tpu.memory_space<hbm>>
      tpu.wait_dma2 semaphore(%run_scoped3A : memref<!tpu.dma_semaphore, #tpu.memory_space<semaphore_mem>>) src(%dma_wait3A_133 : memref<48x128xi32, #tpu.memory_space<hbm>>) dst(%arg7 : memref<48x128xi32, #tpu.memory_space<vmem>>)
      tpu.yield
    }) : () -> ()
    "tpu.region"() ({
      %run_scoped3A = tpu.sem_alloc : memref<!tpu.dma_semaphore, #tpu.memory_space<semaphore_mem>>
      %dma_start3A_122 = arith.constant 0 : i32
      %dma_start3A_123 = tpu.memref_slice %arg4[%add3A_60, %dma_start3A_122] : memref<1288x128xi32, #tpu.memory_space<hbm>> -> memref<48x128xi32, #tpu.memory_space<hbm>>
      %dma_start3A_124 = arith.constant 0 : i32
      %dma_start3A_125 = tpu.memref_slice %arg4[%add3A_60, %dma_start3A_124] : memref<1288x128xi32, #tpu.memory_space<hbm>> -> memref<48x128xi32, #tpu.memory_space<hbm>>
      tpu.enqueue_dma source(%dma_start3A_125 : memref<48x128xi32, #tpu.memory_space<hbm>>) target(%arg8 : memref<48x128xi32, #tpu.memory_space<vmem>>) target_semaphore(%run_scoped3A : memref<!tpu.dma_semaphore, #tpu.memory_space<semaphore_mem>>)
      %dma_wait3A_126 = arith.constant 0 : i32
      %dma_wait3A_127 = tpu.memref_slice %arg4[%add3A_60, %dma_wait3A_126] : memref<1288x128xi32, #tpu.memory_space<hbm>> -> memref<48x128xi32, #tpu.memory_space<hbm>>
      %dma_wait3A_128 = arith.constant 0 : i32
      %dma_wait3A_129 = tpu.memref_slice %arg4[%add3A_60, %dma_wait3A_128] : memref<1288x128xi32, #tpu.memory_space<hbm>> -> memref<48x128xi32, #tpu.memory_space<hbm>>
      tpu.wait_dma2 semaphore(%run_scoped3A : memref<!tpu.dma_semaphore, #tpu.memory_space<semaphore_mem>>) src(%dma_wait3A_129 : memref<48x128xi32, #tpu.memory_space<hbm>>) dst(%arg8 : memref<48x128xi32, #tpu.memory_space<vmem>>)
      tpu.yield
    }) : () -> ()
    %dma_start3A_61 = arith.constant 0 : i32
    %dma_start3A_62 = arith.constant 0 : i32
    %dma_start3A_63 = arith.constant 0 : i32
    %dma_start3A_64 = arith.constant 0 : i32
    %dma_start3A_65 = tpu.memref_slice %arg9[%dma_start3A_62, %dma_start3A_63, %dma_start3A_64] : memref<2x128x128xf32, #tpu.memory_space<vmem>> -> memref<1x128x128xf32, #tpu.memory_space<vmem>>
    %dma_start3A_66 = tpu.memref_squeeze %dma_start3A_65 : memref<1x128x128xf32, #tpu.memory_space<vmem>> -> memref<128x128xf32, #tpu.memory_space<vmem>>
    %dma_start3A_67 = arith.constant 0 : i32
    %dma_start3A_68 = tpu.memref_slice %arg7[%dma_start3A_61, %dma_start3A_67] : memref<48x128xi32, #tpu.memory_space<vmem>> -> memref<1x128xi32, #tpu.memory_space<vmem>>
    %dma_start3A_69 = tpu.memref_squeeze %dma_start3A_68 : memref<1x128xi32, #tpu.memory_space<vmem>> -> memref<128xi32, #tpu.memory_space<vmem>>
    %dma_start3A_70 = arith.constant 0 : i32
    %dma_start3A_71 = arith.constant 0 : i32
    %dma_start3A_72 = tpu.memref_slice %arg2[%dma_start3A_70, %dma_start3A_71] : memref<20000x128xf32, #tpu.memory_space<hbm>> -> memref<20000x128xf32, #tpu.memory_space<hbm>>
    tpu.enqueue_indirect_dma source(%dma_start3A_72 : memref<20000x128xf32, #tpu.memory_space<hbm>>) target(%dma_start3A_66 : memref<128x128xf32, #tpu.memory_space<vmem>>) offsets(%dma_start3A_69 : memref<128xi32, #tpu.memory_space<vmem>>) semaphore(%arg11 : memref<!tpu.dma_semaphore, #tpu.memory_space<semaphore_mem>>)
    %dma_start3A_73 = arith.constant 1 : i32
    %dma_start3A_74 = arith.constant 1 : i32
    %dma_start3A_75 = arith.constant 0 : i32
    %dma_start3A_76 = arith.constant 0 : i32
    %dma_start3A_77 = tpu.memref_slice %arg9[%dma_start3A_74, %dma_start3A_75, %dma_start3A_76] : memref<2x128x128xf32, #tpu.memory_space<vmem>> -> memref<1x128x128xf32, #tpu.memory_space<vmem>>
    %dma_start3A_78 = tpu.memref_squeeze %dma_start3A_77 : memref<1x128x128xf32, #tpu.memory_space<vmem>> -> memref<128x128xf32, #tpu.memory_space<vmem>>
    %dma_start3A_79 = arith.constant 0 : i32
    %dma_start3A_80 = tpu.memref_slice %arg7[%dma_start3A_73, %dma_start3A_79] : memref<48x128xi32, #tpu.memory_space<vmem>> -> memref<1x128xi32, #tpu.memory_space<vmem>>
    %dma_start3A_81 = tpu.memref_squeeze %dma_start3A_80 : memref<1x128xi32, #tpu.memory_space<vmem>> -> memref<128xi32, #tpu.memory_space<vmem>>
    %dma_start3A_82 = arith.constant 0 : i32
    %dma_start3A_83 = arith.constant 0 : i32
    %dma_start3A_84 = tpu.memref_slice %arg2[%dma_start3A_82, %dma_start3A_83] : memref<20000x128xf32, #tpu.memory_space<hbm>> -> memref<20000x128xf32, #tpu.memory_space<hbm>>
    tpu.enqueue_indirect_dma source(%dma_start3A_84 : memref<20000x128xf32, #tpu.memory_space<hbm>>) target(%dma_start3A_78 : memref<128x128xf32, #tpu.memory_space<vmem>>) offsets(%dma_start3A_81 : memref<128xi32, #tpu.memory_space<vmem>>) semaphore(%arg12 : memref<!tpu.dma_semaphore, #tpu.memory_space<semaphore_mem>>)
    %scan3A_85 = arith.constant 0 : i32
    %scan3A_86 = arith.constant 0 : i32
    %scan3A_87 = arith.constant 20 : i32
    %scan3A_88 = arith.addi %scan3A_86, %scan3A_87 : i32
    %scan3A_89 = arith.constant 1 : i32
    scf.for %scan3A_122 = %scan3A_86 to %scan3A_88 step %scan3A_89  : i32 {
      %mul3A_123 = arith.constant 2 : i32
      %mul3A_124 = arith.muli %mul3A_123, %scan3A_122 : i32
      %add3A_125 = arith.constant 0 : i32
      %add3A_126 = arith.addi %mul3A_124, %add3A_125 : i32
      %dma_wait3A_127 = arith.constant 0 : i32
      %dma_wait3A_128 = arith.constant 0 : i32
      %dma_wait3A_129 = arith.constant 0 : i32
      %dma_wait3A_130 = arith.constant 0 : i32
      %dma_wait3A_131 = tpu.memref_slice %arg9[%dma_wait3A_128, %dma_wait3A_129, %dma_wait3A_130] : memref<2x128x128xf32, #tpu.memory_space<vmem>> -> memref<1x128x128xf32, #tpu.memory_space<vmem>>
      %dma_wait3A_132 = tpu.memref_squeeze %dma_wait3A_131 : memref<1x128x128xf32, #tpu.memory_space<vmem>> -> memref<128x128xf32, #tpu.memory_space<vmem>>
      %dma_wait3A_133 = arith.constant 0 : i32
      %dma_wait3A_134 = tpu.memref_slice %arg7[%dma_wait3A_127, %dma_wait3A_133] : memref<48x128xi32, #tpu.memory_space<vmem>> -> memref<1x128xi32, #tpu.memory_space<vmem>>
      %dma_wait3A_135 = tpu.memref_squeeze %dma_wait3A_134 : memref<1x128xi32, #tpu.memory_space<vmem>> -> memref<128xi32, #tpu.memory_space<vmem>>
      %dma_wait3A_136 = arith.constant 0 : i32
      %dma_wait3A_137 = arith.constant 0 : i32
      %dma_wait3A_138 = tpu.memref_slice %arg2[%dma_wait3A_136, %dma_wait3A_137] : memref<20000x128xf32, #tpu.memory_space<hbm>> -> memref<20000x128xf32, #tpu.memory_space<hbm>>
      tpu.wait_indirect_dma semaphore(%arg11 : memref<!tpu.dma_semaphore, #tpu.memory_space<semaphore_mem>>) src(%dma_wait3A_138 : memref<20000x128xf32, #tpu.memory_space<hbm>>) dst(%dma_wait3A_132 : memref<128x128xf32, #tpu.memory_space<vmem>>)
      %dma_start3A_139 = arith.constant 0 : i32
      %dma_start3A_140 = arith.constant 0 : i32
      %dma_start3A_141 = arith.constant 0 : i32
      %dma_start3A_142 = tpu.memref_slice %arg9[%dma_start3A_139, %dma_start3A_140, %dma_start3A_141] : memref<2x128x128xf32, #tpu.memory_space<vmem>> -> memref<1x128x128xf32, #tpu.memory_space<vmem>>
      %dma_start3A_143 = tpu.memref_squeeze %dma_start3A_142 : memref<1x128x128xf32, #tpu.memory_space<vmem>> -> memref<128x128xf32, #tpu.memory_space<vmem>>
      %dma_start3A_144 = arith.constant 0 : i32
      %dma_start3A_145 = tpu.memref_slice %arg8[%add3A_126, %dma_start3A_144] : memref<48x128xi32, #tpu.memory_space<vmem>> -> memref<1x128xi32, #tpu.memory_space<vmem>>
      %dma_start3A_146 = tpu.memref_squeeze %dma_start3A_145 : memref<1x128xi32, #tpu.memory_space<vmem>> -> memref<128xi32, #tpu.memory_space<vmem>>
      %dma_start3A_147 = arith.constant 0 : i32
      %dma_start3A_148 = arith.constant 0 : i32
      %dma_start3A_149 = tpu.memref_slice %arg10[%dma_start3A_147, %dma_start3A_148] : memref<10240x128xf32, #tpu.memory_space<vmem_shared>> -> memref<10240x128xf32, #tpu.memory_space<vmem_shared>>
      tpu.enqueue_indirect_dma source(%dma_start3A_143 : memref<128x128xf32, #tpu.memory_space<vmem>>) target(%dma_start3A_149 : memref<10240x128xf32, #tpu.memory_space<vmem_shared>>) offsets(%dma_start3A_146 : memref<128xi32, #tpu.memory_space<vmem>>) semaphore(%arg13 : memref<!tpu.dma_semaphore, #tpu.memory_space<semaphore_mem>>) {add = true}
      %dma_wait3A_150 = arith.constant 0 : i32
      %dma_wait3A_151 = arith.constant 0 : i32
      %dma_wait3A_152 = arith.constant 0 : i32
      %dma_wait3A_153 = tpu.memref_slice %arg9[%dma_wait3A_150, %dma_wait3A_151, %dma_wait3A_152] : memref<2x128x128xf32, #tpu.memory_space<vmem>> -> memref<1x128x128xf32, #tpu.memory_space<vmem>>
      %dma_wait3A_154 = tpu.memref_squeeze %dma_wait3A_153 : memref<1x128x128xf32, #tpu.memory_space<vmem>> -> memref<128x128xf32, #tpu.memory_space<vmem>>
      %dma_wait3A_155 = arith.constant 0 : i32
      %dma_wait3A_156 = tpu.memref_slice %arg8[%add3A_126, %dma_wait3A_155] : memref<48x128xi32, #tpu.memory_space<vmem>> -> memref<1x128xi32, #tpu.memory_space<vmem>>
      %dma_wait3A_157 = tpu.memref_squeeze %dma_wait3A_156 : memref<1x128xi32, #tpu.memory_space<vmem>> -> memref<128xi32, #tpu.memory_space<vmem>>
      %dma_wait3A_158 = arith.constant 0 : i32
      %dma_wait3A_159 = arith.constant 0 : i32
      %dma_wait3A_160 = tpu.memref_slice %arg10[%dma_wait3A_158, %dma_wait3A_159] : memref<10240x128xf32, #tpu.memory_space<vmem_shared>> -> memref<10240x128xf32, #tpu.memory_space<vmem_shared>>
      tpu.wait_indirect_dma semaphore(%arg13 : memref<!tpu.dma_semaphore, #tpu.memory_space<semaphore_mem>>) src(%dma_wait3A_154 : memref<128x128xf32, #tpu.memory_space<vmem>>) dst(%dma_wait3A_160 : memref<10240x128xf32, #tpu.memory_space<vmem_shared>>)
      %add3A_161 = arith.constant 2 : i32
      %add3A_162 = arith.addi %add3A_126, %add3A_161 : i32
      %dma_start3A_163 = arith.constant 0 : i32
      %dma_start3A_164 = arith.constant 0 : i32
      %dma_start3A_165 = arith.constant 0 : i32
      %dma_start3A_166 = tpu.memref_slice %arg9[%dma_start3A_163, %dma_start3A_164, %dma_start3A_165] : memref<2x128x128xf32, #tpu.memory_space<vmem>> -> memref<1x128x128xf32, #tpu.memory_space<vmem>>
      %dma_start3A_167 = tpu.memref_squeeze %dma_start3A_166 : memref<1x128x128xf32, #tpu.memory_space<vmem>> -> memref<128x128xf32, #tpu.memory_space<vmem>>
      %dma_start3A_168 = arith.constant 0 : i32
      %dma_start3A_169 = tpu.memref_slice %arg7[%add3A_162, %dma_start3A_168] : memref<48x128xi32, #tpu.memory_space<vmem>> -> memref<1x128xi32, #tpu.memory_space<vmem>>
      %dma_start3A_170 = tpu.memref_squeeze %dma_start3A_169 : memref<1x128xi32, #tpu.memory_space<vmem>> -> memref<128xi32, #tpu.memory_space<vmem>>
      %dma_start3A_171 = arith.constant 0 : i32
      %dma_start3A_172 = arith.constant 0 : i32
      %dma_start3A_173 = tpu.memref_slice %arg2[%dma_start3A_171, %dma_start3A_172] : memref<20000x128xf32, #tpu.memory_space<hbm>> -> memref<20000x128xf32, #tpu.memory_space<hbm>>
      tpu.enqueue_indirect_dma source(%dma_start3A_173 : memref<20000x128xf32, #tpu.memory_space<hbm>>) target(%dma_start3A_167 : memref<128x128xf32, #tpu.memory_space<vmem>>) offsets(%dma_start3A_170 : memref<128xi32, #tpu.memory_space<vmem>>) semaphore(%arg11 : memref<!tpu.dma_semaphore, #tpu.memory_space<semaphore_mem>>)
      %mul3A_174 = arith.constant 2 : i32
      %mul3A_175 = arith.muli %mul3A_174, %scan3A_122 : i32
      %add3A_176 = arith.constant 1 : i32
      %add3A_177 = arith.addi %mul3A_175, %add3A_176 : i32
      %dma_wait3A_178 = arith.constant 0 : i32
      %dma_wait3A_179 = arith.constant 1 : i32
      %dma_wait3A_180 = arith.constant 0 : i32
      %dma_wait3A_181 = arith.constant 0 : i32
      %dma_wait3A_182 = tpu.memref_slice %arg9[%dma_wait3A_179, %dma_wait3A_180, %dma_wait3A_181] : memref<2x128x128xf32, #tpu.memory_space<vmem>> -> memref<1x128x128xf32, #tpu.memory_space<vmem>>
      %dma_wait3A_183 = tpu.memref_squeeze %dma_wait3A_182 : memref<1x128x128xf32, #tpu.memory_space<vmem>> -> memref<128x128xf32, #tpu.memory_space<vmem>>
      %dma_wait3A_184 = arith.constant 0 : i32
      %dma_wait3A_185 = tpu.memref_slice %arg7[%dma_wait3A_178, %dma_wait3A_184] : memref<48x128xi32, #tpu.memory_space<vmem>> -> memref<1x128xi32, #tpu.memory_space<vmem>>
      %dma_wait3A_186 = tpu.memref_squeeze %dma_wait3A_185 : memref<1x128xi32, #tpu.memory_space<vmem>> -> memref<128xi32, #tpu.memory_space<vmem>>
      %dma_wait3A_187 = arith.constant 0 : i32
      %dma_wait3A_188 = arith.constant 0 : i32
      %dma_wait3A_189 = tpu.memref_slice %arg2[%dma_wait3A_187, %dma_wait3A_188] : memref<20000x128xf32, #tpu.memory_space<hbm>> -> memref<20000x128xf32, #tpu.memory_space<hbm>>
      tpu.wait_indirect_dma semaphore(%arg12 : memref<!tpu.dma_semaphore, #tpu.memory_space<semaphore_mem>>) src(%dma_wait3A_189 : memref<20000x128xf32, #tpu.memory_space<hbm>>) dst(%dma_wait3A_183 : memref<128x128xf32, #tpu.memory_space<vmem>>)
      %dma_start3A_190 = arith.constant 1 : i32
      %dma_start3A_191 = arith.constant 0 : i32
      %dma_start3A_192 = arith.constant 0 : i32
      %dma_start3A_193 = tpu.memref_slice %arg9[%dma_start3A_190, %dma_start3A_191, %dma_start3A_192] : memref<2x128x128xf32, #tpu.memory_space<vmem>> -> memref<1x128x128xf32, #tpu.memory_space<vmem>>
      %dma_start3A_194 = tpu.memref_squeeze %dma_start3A_193 : memref<1x128x128xf32, #tpu.memory_space<vmem>> -> memref<128x128xf32, #tpu.memory_space<vmem>>
      %dma_start3A_195 = arith.constant 0 : i32
      %dma_start3A_196 = tpu.memref_slice %arg8[%add3A_177, %dma_start3A_195] : memref<48x128xi32, #tpu.memory_space<vmem>> -> memref<1x128xi32, #tpu.memory_space<vmem>>
      %dma_start3A_197 = tpu.memref_squeeze %dma_start3A_196 : memref<1x128xi32, #tpu.memory_space<vmem>> -> memref<128xi32, #tpu.memory_space<vmem>>
      %dma_start3A_198 = arith.constant 0 : i32
      %dma_start3A_199 = arith.constant 0 : i32
      %dma_start3A_200 = tpu.memref_slice %arg10[%dma_start3A_198, %dma_start3A_199] : memref<10240x128xf32, #tpu.memory_space<vmem_shared>> -> memref<10240x128xf32, #tpu.memory_space<vmem_shared>>
      tpu.enqueue_indirect_dma source(%dma_start3A_194 : memref<128x128xf32, #tpu.memory_space<vmem>>) target(%dma_start3A_200 : memref<10240x128xf32, #tpu.memory_space<vmem_shared>>) offsets(%dma_start3A_197 : memref<128xi32, #tpu.memory_space<vmem>>) semaphore(%arg14 : memref<!tpu.dma_semaphore, #tpu.memory_space<semaphore_mem>>) {add = true}
      %dma_wait3A_201 = arith.constant 1 : i32
      %dma_wait3A_202 = arith.constant 0 : i32
      %dma_wait3A_203 = arith.constant 0 : i32
      %dma_wait3A_204 = tpu.memref_slice %arg9[%dma_wait3A_201, %dma_wait3A_202, %dma_wait3A_203] : memref<2x128x128xf32, #tpu.memory_space<vmem>> -> memref<1x128x128xf32, #tpu.memory_space<vmem>>
      %dma_wait3A_205 = tpu.memref_squeeze %dma_wait3A_204 : memref<1x128x128xf32, #tpu.memory_space<vmem>> -> memref<128x128xf32, #tpu.memory_space<vmem>>
      %dma_wait3A_206 = arith.constant 0 : i32
      %dma_wait3A_207 = tpu.memref_slice %arg8[%add3A_177, %dma_wait3A_206] : memref<48x128xi32, #tpu.memory_space<vmem>> -> memref<1x128xi32, #tpu.memory_space<vmem>>
      %dma_wait3A_208 = tpu.memref_squeeze %dma_wait3A_207 : memref<1x128xi32, #tpu.memory_space<vmem>> -> memref<128xi32, #tpu.memory_space<vmem>>
      %dma_wait3A_209 = arith.constant 0 : i32
      %dma_wait3A_210 = arith.constant 0 : i32
      %dma_wait3A_211 = tpu.memref_slice %arg10[%dma_wait3A_209, %dma_wait3A_210] : memref<10240x128xf32, #tpu.memory_space<vmem_shared>> -> memref<10240x128xf32, #tpu.memory_space<vmem_shared>>
      tpu.wait_indirect_dma semaphore(%arg14 : memref<!tpu.dma_semaphore, #tpu.memory_space<semaphore_mem>>) src(%dma_wait3A_205 : memref<128x128xf32, #tpu.memory_space<vmem>>) dst(%dma_wait3A_211 : memref<10240x128xf32, #tpu.memory_space<vmem_shared>>)
      %add3A_212 = arith.constant 2 : i32
      %add3A_213 = arith.addi %add3A_177, %add3A_212 : i32
      %dma_start3A_214 = arith.constant 1 : i32
      %dma_start3A_215 = arith.constant 0 : i32
      %dma_start3A_216 = arith.constant 0 : i32
      %dma_start3A_217 = tpu.memref_slice %arg9[%dma_start3A_214, %dma_start3A_215, %dma_start3A_216] : memref<2x128x128xf32, #tpu.memory_space<vmem>> -> memref<1x128x128xf32, #tpu.memory_space<vmem>>
      %dma_start3A_218 = tpu.memref_squeeze %dma_start3A_217 : memref<1x128x128xf32, #tpu.memory_space<vmem>> -> memref<128x128xf32, #tpu.memory_space<vmem>>
      %dma_start3A_219 = arith.constant 0 : i32
      %dma_start3A_220 = tpu.memref_slice %arg7[%add3A_213, %dma_start3A_219] : memref<48x128xi32, #tpu.memory_space<vmem>> -> memref<1x128xi32, #tpu.memory_space<vmem>>
      %dma_start3A_221 = tpu.memref_squeeze %dma_start3A_220 : memref<1x128xi32, #tpu.memory_space<vmem>> -> memref<128xi32, #tpu.memory_space<vmem>>
      %dma_start3A_222 = arith.constant 0 : i32
      %dma_start3A_223 = arith.constant 0 : i32
      %dma_start3A_224 = tpu.memref_slice %arg2[%dma_start3A_222, %dma_start3A_223] : memref<20000x128xf32, #tpu.memory_space<hbm>> -> memref<20000x128xf32, #tpu.memory_space<hbm>>
      tpu.enqueue_indirect_dma source(%dma_start3A_224 : memref<20000x128xf32, #tpu.memory_space<hbm>>) target(%dma_start3A_218 : memref<128x128xf32, #tpu.memory_space<vmem>>) offsets(%dma_start3A_221 : memref<128xi32, #tpu.memory_space<vmem>>) semaphore(%arg12 : memref<!tpu.dma_semaphore, #tpu.memory_space<semaphore_mem>>)
    }
    %scan3A_90 = arith.constant 20 : i32
    %dma_wait3A_91 = arith.constant 0 : i32
    %dma_wait3A_92 = arith.constant 0 : i32
    %dma_wait3A_93 = arith.constant 0 : i32
    %dma_wait3A_94 = arith.constant 0 : i32
    %dma_wait3A_95 = tpu.memref_slice %arg9[%dma_wait3A_92, %dma_wait3A_93, %dma_wait3A_94] : memref<2x128x128xf32, #tpu.memory_space<vmem>> -> memref<1x128x128xf32, #tpu.memory_space<vmem>>
    %dma_wait3A_96 = tpu.memref_squeeze %dma_wait3A_95 : memref<1x128x128xf32, #tpu.memory_space<vmem>> -> memref<128x128xf32, #tpu.memory_space<vmem>>
    %dma_wait3A_97 = arith.constant 0 : i32
    %dma_wait3A_98 = tpu.memref_slice %arg7[%dma_wait3A_91, %dma_wait3A_97] : memref<48x128xi32, #tpu.memory_space<vmem>> -> memref<1x128xi32, #tpu.memory_space<vmem>>
    %dma_wait3A_99 = tpu.memref_squeeze %dma_wait3A_98 : memref<1x128xi32, #tpu.memory_space<vmem>> -> memref<128xi32, #tpu.memory_space<vmem>>
    %dma_wait3A_100 = arith.constant 0 : i32
    %dma_wait3A_101 = arith.constant 0 : i32
    %dma_wait3A_102 = tpu.memref_slice %arg2[%dma_wait3A_100, %dma_wait3A_101] : memref<20000x128xf32, #tpu.memory_space<hbm>> -> memref<20000x128xf32, #tpu.memory_space<hbm>>
    tpu.wait_indirect_dma semaphore(%arg11 : memref<!tpu.dma_semaphore, #tpu.memory_space<semaphore_mem>>) src(%dma_wait3A_102 : memref<20000x128xf32, #tpu.memory_space<hbm>>) dst(%dma_wait3A_96 : memref<128x128xf32, #tpu.memory_space<vmem>>)
    %dma_wait3A_103 = arith.constant 0 : i32
    %dma_wait3A_104 = arith.constant 1 : i32
    %dma_wait3A_105 = arith.constant 0 : i32
    %dma_wait3A_106 = arith.constant 0 : i32
    %dma_wait3A_107 = tpu.memref_slice %arg9[%dma_wait3A_104, %dma_wait3A_105, %dma_wait3A_106] : memref<2x128x128xf32, #tpu.memory_space<vmem>> -> memref<1x128x128xf32, #tpu.memory_space<vmem>>
    %dma_wait3A_108 = tpu.memref_squeeze %dma_wait3A_107 : memref<1x128x128xf32, #tpu.memory_space<vmem>> -> memref<128x128xf32, #tpu.memory_space<vmem>>
    %dma_wait3A_109 = arith.constant 0 : i32
    %dma_wait3A_110 = tpu.memref_slice %arg7[%dma_wait3A_103, %dma_wait3A_109] : memref<48x128xi32, #tpu.memory_space<vmem>> -> memref<1x128xi32, #tpu.memory_space<vmem>>
    %dma_wait3A_111 = tpu.memref_squeeze %dma_wait3A_110 : memref<1x128xi32, #tpu.memory_space<vmem>> -> memref<128xi32, #tpu.memory_space<vmem>>
    %dma_wait3A_112 = arith.constant 0 : i32
    %dma_wait3A_113 = arith.constant 0 : i32
    %dma_wait3A_114 = tpu.memref_slice %arg2[%dma_wait3A_112, %dma_wait3A_113] : memref<20000x128xf32, #tpu.memory_space<hbm>> -> memref<20000x128xf32, #tpu.memory_space<hbm>>
    tpu.wait_indirect_dma semaphore(%arg12 : memref<!tpu.dma_semaphore, #tpu.memory_space<semaphore_mem>>) src(%dma_wait3A_114 : memref<20000x128xf32, #tpu.memory_space<hbm>>) dst(%dma_wait3A_108 : memref<128x128xf32, #tpu.memory_space<vmem>>)
    %barrier3A_115 = arith.constant 0 : index
    tpu.barrier barrier_id(%barrier3A_115)
    %mul3A_116 = arith.constant 640 : i32
    %mul3A_117 = arith.muli %arg1, %mul3A_116 : i32
    %mul3A_118 = arith.constant 640 : i32
    %mul3A_119 = arith.muli %arg1, %mul3A_118 : i32
    %mul3A_120 = arith.constant 128 : i32
    %mul3A_121 = arith.muli %arg0, %mul3A_120 : i32
    "tpu.region"() ({
      %run_scoped3A = tpu.sem_alloc : memref<!tpu.dma_semaphore, #tpu.memory_space<semaphore_mem>>
      %dma_start3A_122 = tpu.memref_slice %arg6[%mul3A_119, %mul3A_121] : memref<10240x256xf32, #tpu.memory_space<hbm>> -> memref<640x128xf32, #tpu.memory_space<hbm>>
      %dma_start3A_123 = arith.constant 0 : i32
      %dma_start3A_124 = tpu.memref_slice %arg10[%mul3A_117, %dma_start3A_123] : memref<10240x128xf32, #tpu.memory_space<vmem_shared>> -> memref<640x128xf32, #tpu.memory_space<vmem_shared>>
      tpu.enqueue_dma source(%dma_start3A_124 : memref<640x128xf32, #tpu.memory_space<vmem_shared>>) target(%dma_start3A_122 : memref<640x128xf32, #tpu.memory_space<hbm>>) target_semaphore(%run_scoped3A : memref<!tpu.dma_semaphore, #tpu.memory_space<semaphore_mem>>)
      %dma_wait3A_125 = tpu.memref_slice %arg6[%mul3A_119, %mul3A_121] : memref<10240x256xf32, #tpu.memory_space<hbm>> -> memref<640x128xf32, #tpu.memory_space<hbm>>
      %dma_wait3A_126 = arith.constant 0 : i32
      %dma_wait3A_127 = tpu.memref_slice %arg10[%mul3A_117, %dma_wait3A_126] : memref<10240x128xf32, #tpu.memory_space<vmem_shared>> -> memref<640x128xf32, #tpu.memory_space<vmem_shared>>
      tpu.wait_dma2 semaphore(%run_scoped3A : memref<!tpu.dma_semaphore, #tpu.memory_space<semaphore_mem>>) src(%dma_wait3A_127 : memref<640x128xf32, #tpu.memory_space<vmem_shared>>) dst(%dma_wait3A_125 : memref<640x128xf32, #tpu.memory_space<hbm>>)
      tpu.yield
    }) : () -> ()
    return
  }
}

#map = affine_map<(d0, d1) -> (0, 0)>
#map1 = affine_map<(d0, d1) -> (0, 0, 0)>
module attributes {stable_mosaic.version = 14 : i64} {
  func.func @k(%arg0: i32, %arg1: i32, %arg2: memref<10000x128xf32, #tpu.memory_space<hbm>>, %arg3: memref<2x1288x128xi32, #tpu.memory_space<hbm>>, %arg4: memref<1288x128xi32, #tpu.memory_space<hbm>>, %arg5: memref<10240x128xf32, #tpu.memory_space<hbm>>, %arg6: memref<2x10240x128xf32, #tpu.memory_space<hbm>>, %arg7: memref<48x128xi32, #tpu.memory_space<vmem>>, %arg8: memref<48x128xi32, #tpu.memory_space<vmem>>, %arg9: memref<2x128x128xf32, #tpu.memory_space<vmem>>, %arg10: memref<10240x128xf32, #tpu.memory_space<vmem_shared>>, %arg11: memref<!tpu.dma_semaphore, #tpu.memory_space<semaphore_mem>>, %arg12: memref<!tpu.dma_semaphore, #tpu.memory_space<semaphore_mem>>, %arg13: memref<!tpu.dma_semaphore, #tpu.memory_space<semaphore_mem>>, %arg14: memref<!tpu.dma_semaphore, #tpu.memory_space<semaphore_mem>>) attributes {dimension_semantics = [#tpu.dimension_semantics<core_parallel>, #tpu.dimension_semantics<subcore_parallel>], iteration_bounds = array<i64: 2, 16>, scalar_prefetch = 0 : i64, scratch_operands = 8 : i64, tpu.core_type = #tpu.core_type<sc_vector_subcore>, window_params = [{transform_indices = #map}, {transform_indices = #map1}, {transform_indices = #map}, {transform_indices = #map}, {transform_indices = #map1}]} {
    %mul3A = arith.constant 640 : i32
    %mul3A_0 = arith.muli %arg1, %mul3A : i32
    %mul3A_1 = arith.constant 640 : i32
    %mul3A_2 = arith.muli %arg1, %mul3A_1 : i32
    "tpu.region"() ({
      %run_scoped3A_65 = tpu.sem_alloc : memref<!tpu.dma_semaphore, #tpu.memory_space<semaphore_mem>>
      %dma_start3A_66 = arith.constant 0 : i32
      %dma_start3A_67 = tpu.memref_slice %arg10[%mul3A_2, %dma_start3A_66] : memref<10240x128xf32, #tpu.memory_space<vmem_shared>> -> memref<640x128xf32, #tpu.memory_space<vmem_shared>>
      %dma_start3A_68 = arith.constant 0 : i32
      %dma_start3A_69 = tpu.memref_slice %arg5[%mul3A_0, %dma_start3A_68] : memref<10240x128xf32, #tpu.memory_space<hbm>> -> memref<640x128xf32, #tpu.memory_space<hbm>>
      tpu.enqueue_dma source(%dma_start3A_69 : memref<640x128xf32, #tpu.memory_space<hbm>>) target(%dma_start3A_67 : memref<640x128xf32, #tpu.memory_space<vmem_shared>>) target_semaphore(%run_scoped3A_65 : memref<!tpu.dma_semaphore, #tpu.memory_space<semaphore_mem>>)
      %dma_wait3A_70 = arith.constant 0 : i32
      %dma_wait3A_71 = tpu.memref_slice %arg10[%mul3A_2, %dma_wait3A_70] : memref<10240x128xf32, #tpu.memory_space<vmem_shared>> -> memref<640x128xf32, #tpu.memory_space<vmem_shared>>
      %dma_wait3A_72 = arith.constant 0 : i32
      %dma_wait3A_73 = tpu.memref_slice %arg5[%mul3A_0, %dma_wait3A_72] : memref<10240x128xf32, #tpu.memory_space<hbm>> -> memref<640x128xf32, #tpu.memory_space<hbm>>
      tpu.wait_dma2 semaphore(%run_scoped3A_65 : memref<!tpu.dma_semaphore, #tpu.memory_space<semaphore_mem>>) src(%dma_wait3A_73 : memref<640x128xf32, #tpu.memory_space<hbm>>) dst(%dma_wait3A_71 : memref<640x128xf32, #tpu.memory_space<vmem_shared>>)
      tpu.yield
    }) : () -> ()
    %barrier3A = arith.constant 0 : index
    tpu.barrier barrier_id(%barrier3A)
    %mul3A_3 = arith.constant 640 : i32
    %mul3A_4 = arith.muli %arg0, %mul3A_3 : i32
    %mul3A_5 = arith.constant 40 : i32
    %mul3A_6 = arith.muli %arg1, %mul3A_5 : i32
    %add3A = arith.addi %mul3A_4, %mul3A_6 : i32
    %add3A_7 = arith.constant 0 : i32
    %add3A_8 = arith.addi %add3A, %add3A_7 : i32
    %run_scoped3A = arith.constant 0 : i32
    "tpu.region"() ({
      %run_scoped3A_65 = tpu.sem_alloc : memref<!tpu.dma_semaphore, #tpu.memory_space<semaphore_mem>>
      %dma_start3A_66 = arith.constant 0 : i32
      %dma_start3A_67 = tpu.memref_slice %arg3[%run_scoped3A, %add3A_8, %dma_start3A_66] : memref<2x1288x128xi32, #tpu.memory_space<hbm>> -> memref<1x48x128xi32, #tpu.memory_space<hbm>>
      %dma_start3A_68 = tpu.memref_squeeze %dma_start3A_67 : memref<1x48x128xi32, #tpu.memory_space<hbm>> -> memref<48x128xi32, #tpu.memory_space<hbm>>
      %dma_start3A_69 = arith.constant 0 : i32
      %dma_start3A_70 = tpu.memref_slice %arg3[%run_scoped3A, %add3A_8, %dma_start3A_69] : memref<2x1288x128xi32, #tpu.memory_space<hbm>> -> memref<1x48x128xi32, #tpu.memory_space<hbm>>
      %dma_start3A_71 = tpu.memref_squeeze %dma_start3A_70 : memref<1x48x128xi32, #tpu.memory_space<hbm>> -> memref<48x128xi32, #tpu.memory_space<hbm>>
      tpu.enqueue_dma source(%dma_start3A_71 : memref<48x128xi32, #tpu.memory_space<hbm>>) target(%arg7 : memref<48x128xi32, #tpu.memory_space<vmem>>) target_semaphore(%run_scoped3A_65 : memref<!tpu.dma_semaphore, #tpu.memory_space<semaphore_mem>>)
      %dma_wait3A_72 = arith.constant 0 : i32
      %dma_wait3A_73 = tpu.memref_slice %arg3[%run_scoped3A, %add3A_8, %dma_wait3A_72] : memref<2x1288x128xi32, #tpu.memory_space<hbm>> -> memref<1x48x128xi32, #tpu.memory_space<hbm>>
      %dma_wait3A_74 = tpu.memref_squeeze %dma_wait3A_73 : memref<1x48x128xi32, #tpu.memory_space<hbm>> -> memref<48x128xi32, #tpu.memory_space<hbm>>
      %dma_wait3A_75 = arith.constant 0 : i32
      %dma_wait3A_76 = tpu.memref_slice %arg3[%run_scoped3A, %add3A_8, %dma_wait3A_75] : memref<2x1288x128xi32, #tpu.memory_space<hbm>> -> memref<1x48x128xi32, #tpu.memory_space<hbm>>
      %dma_wait3A_77 = tpu.memref_squeeze %dma_wait3A_76 : memref<1x48x128xi32, #tpu.memory_space<hbm>> -> memref<48x128xi32, #tpu.memory_space<hbm>>
      tpu.wait_dma2 semaphore(%run_scoped3A_65 : memref<!tpu.dma_semaphore, #tpu.memory_space<semaphore_mem>>) src(%dma_wait3A_77 : memref<48x128xi32, #tpu.memory_space<hbm>>) dst(%arg7 : memref<48x128xi32, #tpu.memory_space<vmem>>)
      tpu.yield
    }) : () -> ()
    "tpu.region"() ({
      %run_scoped3A_65 = tpu.sem_alloc : memref<!tpu.dma_semaphore, #tpu.memory_space<semaphore_mem>>
      %dma_start3A_66 = arith.constant 0 : i32
      %dma_start3A_67 = tpu.memref_slice %arg4[%add3A_8, %dma_start3A_66] : memref<1288x128xi32, #tpu.memory_space<hbm>> -> memref<48x128xi32, #tpu.memory_space<hbm>>
      %dma_start3A_68 = arith.constant 0 : i32
      %dma_start3A_69 = tpu.memref_slice %arg4[%add3A_8, %dma_start3A_68] : memref<1288x128xi32, #tpu.memory_space<hbm>> -> memref<48x128xi32, #tpu.memory_space<hbm>>
      tpu.enqueue_dma source(%dma_start3A_69 : memref<48x128xi32, #tpu.memory_space<hbm>>) target(%arg8 : memref<48x128xi32, #tpu.memory_space<vmem>>) target_semaphore(%run_scoped3A_65 : memref<!tpu.dma_semaphore, #tpu.memory_space<semaphore_mem>>)
      %dma_wait3A_70 = arith.constant 0 : i32
      %dma_wait3A_71 = tpu.memref_slice %arg4[%add3A_8, %dma_wait3A_70] : memref<1288x128xi32, #tpu.memory_space<hbm>> -> memref<48x128xi32, #tpu.memory_space<hbm>>
      %dma_wait3A_72 = arith.constant 0 : i32
      %dma_wait3A_73 = tpu.memref_slice %arg4[%add3A_8, %dma_wait3A_72] : memref<1288x128xi32, #tpu.memory_space<hbm>> -> memref<48x128xi32, #tpu.memory_space<hbm>>
      tpu.wait_dma2 semaphore(%run_scoped3A_65 : memref<!tpu.dma_semaphore, #tpu.memory_space<semaphore_mem>>) src(%dma_wait3A_73 : memref<48x128xi32, #tpu.memory_space<hbm>>) dst(%arg8 : memref<48x128xi32, #tpu.memory_space<vmem>>)
      tpu.yield
    }) : () -> ()
    %dma_start3A = arith.constant 0 : i32
    %dma_start3A_9 = arith.constant 0 : i32
    %dma_start3A_10 = arith.constant 0 : i32
    %dma_start3A_11 = arith.constant 0 : i32
    %dma_start3A_12 = tpu.memref_slice %arg9[%dma_start3A_9, %dma_start3A_10, %dma_start3A_11] : memref<2x128x128xf32, #tpu.memory_space<vmem>> -> memref<1x128x128xf32, #tpu.memory_space<vmem>>
    %dma_start3A_13 = tpu.memref_squeeze %dma_start3A_12 : memref<1x128x128xf32, #tpu.memory_space<vmem>> -> memref<128x128xf32, #tpu.memory_space<vmem>>
    %dma_start3A_14 = arith.constant 0 : i32
    %dma_start3A_15 = tpu.memref_slice %arg7[%dma_start3A, %dma_start3A_14] : memref<48x128xi32, #tpu.memory_space<vmem>> -> memref<1x128xi32, #tpu.memory_space<vmem>>
    %dma_start3A_16 = tpu.memref_squeeze %dma_start3A_15 : memref<1x128xi32, #tpu.memory_space<vmem>> -> memref<128xi32, #tpu.memory_space<vmem>>
    %dma_start3A_17 = arith.constant 0 : i32
    %dma_start3A_18 = arith.constant 0 : i32
    %dma_start3A_19 = tpu.memref_slice %arg2[%dma_start3A_17, %dma_start3A_18] : memref<10000x128xf32, #tpu.memory_space<hbm>> -> memref<10000x128xf32, #tpu.memory_space<hbm>>
    tpu.enqueue_indirect_dma source(%dma_start3A_19 : memref<10000x128xf32, #tpu.memory_space<hbm>>) target(%dma_start3A_13 : memref<128x128xf32, #tpu.memory_space<vmem>>) offsets(%dma_start3A_16 : memref<128xi32, #tpu.memory_space<vmem>>) semaphore(%arg11 : memref<!tpu.dma_semaphore, #tpu.memory_space<semaphore_mem>>)
    %dma_start3A_20 = arith.constant 1 : i32
    %dma_start3A_21 = arith.constant 1 : i32
    %dma_start3A_22 = arith.constant 0 : i32
    %dma_start3A_23 = arith.constant 0 : i32
    %dma_start3A_24 = tpu.memref_slice %arg9[%dma_start3A_21, %dma_start3A_22, %dma_start3A_23] : memref<2x128x128xf32, #tpu.memory_space<vmem>> -> memref<1x128x128xf32, #tpu.memory_space<vmem>>
    %dma_start3A_25 = tpu.memref_squeeze %dma_start3A_24 : memref<1x128x128xf32, #tpu.memory_space<vmem>> -> memref<128x128xf32, #tpu.memory_space<vmem>>
    %dma_start3A_26 = arith.constant 0 : i32
    %dma_start3A_27 = tpu.memref_slice %arg7[%dma_start3A_20, %dma_start3A_26] : memref<48x128xi32, #tpu.memory_space<vmem>> -> memref<1x128xi32, #tpu.memory_space<vmem>>
    %dma_start3A_28 = tpu.memref_squeeze %dma_start3A_27 : memref<1x128xi32, #tpu.memory_space<vmem>> -> memref<128xi32, #tpu.memory_space<vmem>>
    %dma_start3A_29 = arith.constant 0 : i32
    %dma_start3A_30 = arith.constant 0 : i32
    %dma_start3A_31 = tpu.memref_slice %arg2[%dma_start3A_29, %dma_start3A_30] : memref<10000x128xf32, #tpu.memory_space<hbm>> -> memref<10000x128xf32, #tpu.memory_space<hbm>>
    tpu.enqueue_indirect_dma source(%dma_start3A_31 : memref<10000x128xf32, #tpu.memory_space<hbm>>) target(%dma_start3A_25 : memref<128x128xf32, #tpu.memory_space<vmem>>) offsets(%dma_start3A_28 : memref<128xi32, #tpu.memory_space<vmem>>) semaphore(%arg12 : memref<!tpu.dma_semaphore, #tpu.memory_space<semaphore_mem>>)
    %scan3A = arith.constant 0 : i32
    %scan3A_32 = arith.constant 0 : i32
    %scan3A_33 = arith.constant 20 : i32
    %scan3A_34 = arith.addi %scan3A_32, %scan3A_33 : i32
    %scan3A_35 = arith.constant 1 : i32
    scf.for %scan3A_65 = %scan3A_32 to %scan3A_34 step %scan3A_35  : i32 {
      %mul3A_66 = arith.constant 2 : i32
      %mul3A_67 = arith.muli %mul3A_66, %scan3A_65 : i32
      %add3A_68 = arith.constant 0 : i32
      %add3A_69 = arith.addi %mul3A_67, %add3A_68 : i32
      %dma_wait3A_70 = arith.constant 0 : i32
      %dma_wait3A_71 = arith.constant 0 : i32
      %dma_wait3A_72 = arith.constant 0 : i32
      %dma_wait3A_73 = arith.constant 0 : i32
      %dma_wait3A_74 = tpu.memref_slice %arg9[%dma_wait3A_71, %dma_wait3A_72, %dma_wait3A_73] : memref<2x128x128xf32, #tpu.memory_space<vmem>> -> memref<1x128x128xf32, #tpu.memory_space<vmem>>
      %dma_wait3A_75 = tpu.memref_squeeze %dma_wait3A_74 : memref<1x128x128xf32, #tpu.memory_space<vmem>> -> memref<128x128xf32, #tpu.memory_space<vmem>>
      %dma_wait3A_76 = arith.constant 0 : i32
      %dma_wait3A_77 = tpu.memref_slice %arg7[%dma_wait3A_70, %dma_wait3A_76] : memref<48x128xi32, #tpu.memory_space<vmem>> -> memref<1x128xi32, #tpu.memory_space<vmem>>
      %dma_wait3A_78 = tpu.memref_squeeze %dma_wait3A_77 : memref<1x128xi32, #tpu.memory_space<vmem>> -> memref<128xi32, #tpu.memory_space<vmem>>
      %dma_wait3A_79 = arith.constant 0 : i32
      %dma_wait3A_80 = arith.constant 0 : i32
      %dma_wait3A_81 = tpu.memref_slice %arg2[%dma_wait3A_79, %dma_wait3A_80] : memref<10000x128xf32, #tpu.memory_space<hbm>> -> memref<10000x128xf32, #tpu.memory_space<hbm>>
      tpu.wait_indirect_dma semaphore(%arg11 : memref<!tpu.dma_semaphore, #tpu.memory_space<semaphore_mem>>) src(%dma_wait3A_81 : memref<10000x128xf32, #tpu.memory_space<hbm>>) dst(%dma_wait3A_75 : memref<128x128xf32, #tpu.memory_space<vmem>>)
      %dma_start3A_82 = arith.constant 0 : i32
      %dma_start3A_83 = arith.constant 0 : i32
      %dma_start3A_84 = arith.constant 0 : i32
      %dma_start3A_85 = tpu.memref_slice %arg9[%dma_start3A_82, %dma_start3A_83, %dma_start3A_84] : memref<2x128x128xf32, #tpu.memory_space<vmem>> -> memref<1x128x128xf32, #tpu.memory_space<vmem>>
      %dma_start3A_86 = tpu.memref_squeeze %dma_start3A_85 : memref<1x128x128xf32, #tpu.memory_space<vmem>> -> memref<128x128xf32, #tpu.memory_space<vmem>>
      %dma_start3A_87 = arith.constant 0 : i32
      %dma_start3A_88 = tpu.memref_slice %arg8[%add3A_69, %dma_start3A_87] : memref<48x128xi32, #tpu.memory_space<vmem>> -> memref<1x128xi32, #tpu.memory_space<vmem>>
      %dma_start3A_89 = tpu.memref_squeeze %dma_start3A_88 : memref<1x128xi32, #tpu.memory_space<vmem>> -> memref<128xi32, #tpu.memory_space<vmem>>
      %dma_start3A_90 = arith.constant 0 : i32
      %dma_start3A_91 = arith.constant 0 : i32
      %dma_start3A_92 = tpu.memref_slice %arg10[%dma_start3A_90, %dma_start3A_91] : memref<10240x128xf32, #tpu.memory_space<vmem_shared>> -> memref<10240x128xf32, #tpu.memory_space<vmem_shared>>
      tpu.enqueue_indirect_dma source(%dma_start3A_86 : memref<128x128xf32, #tpu.memory_space<vmem>>) target(%dma_start3A_92 : memref<10240x128xf32, #tpu.memory_space<vmem_shared>>) offsets(%dma_start3A_89 : memref<128xi32, #tpu.memory_space<vmem>>) semaphore(%arg13 : memref<!tpu.dma_semaphore, #tpu.memory_space<semaphore_mem>>) {add = true}
      %dma_wait3A_93 = arith.constant 0 : i32
      %dma_wait3A_94 = arith.constant 0 : i32
      %dma_wait3A_95 = arith.constant 0 : i32
      %dma_wait3A_96 = tpu.memref_slice %arg9[%dma_wait3A_93, %dma_wait3A_94, %dma_wait3A_95] : memref<2x128x128xf32, #tpu.memory_space<vmem>> -> memref<1x128x128xf32, #tpu.memory_space<vmem>>
      %dma_wait3A_97 = tpu.memref_squeeze %dma_wait3A_96 : memref<1x128x128xf32, #tpu.memory_space<vmem>> -> memref<128x128xf32, #tpu.memory_space<vmem>>
      %dma_wait3A_98 = arith.constant 0 : i32
      %dma_wait3A_99 = tpu.memref_slice %arg8[%add3A_69, %dma_wait3A_98] : memref<48x128xi32, #tpu.memory_space<vmem>> -> memref<1x128xi32, #tpu.memory_space<vmem>>
      %dma_wait3A_100 = tpu.memref_squeeze %dma_wait3A_99 : memref<1x128xi32, #tpu.memory_space<vmem>> -> memref<128xi32, #tpu.memory_space<vmem>>
      %dma_wait3A_101 = arith.constant 0 : i32
      %dma_wait3A_102 = arith.constant 0 : i32
      %dma_wait3A_103 = tpu.memref_slice %arg10[%dma_wait3A_101, %dma_wait3A_102] : memref<10240x128xf32, #tpu.memory_space<vmem_shared>> -> memref<10240x128xf32, #tpu.memory_space<vmem_shared>>
      tpu.wait_indirect_dma semaphore(%arg13 : memref<!tpu.dma_semaphore, #tpu.memory_space<semaphore_mem>>) src(%dma_wait3A_97 : memref<128x128xf32, #tpu.memory_space<vmem>>) dst(%dma_wait3A_103 : memref<10240x128xf32, #tpu.memory_space<vmem_shared>>)
      %add3A_104 = arith.constant 2 : i32
      %add3A_105 = arith.addi %add3A_69, %add3A_104 : i32
      %dma_start3A_106 = arith.constant 0 : i32
      %dma_start3A_107 = arith.constant 0 : i32
      %dma_start3A_108 = arith.constant 0 : i32
      %dma_start3A_109 = tpu.memref_slice %arg9[%dma_start3A_106, %dma_start3A_107, %dma_start3A_108] : memref<2x128x128xf32, #tpu.memory_space<vmem>> -> memref<1x128x128xf32, #tpu.memory_space<vmem>>
      %dma_start3A_110 = tpu.memref_squeeze %dma_start3A_109 : memref<1x128x128xf32, #tpu.memory_space<vmem>> -> memref<128x128xf32, #tpu.memory_space<vmem>>
      %dma_start3A_111 = arith.constant 0 : i32
      %dma_start3A_112 = tpu.memref_slice %arg7[%add3A_105, %dma_start3A_111] : memref<48x128xi32, #tpu.memory_space<vmem>> -> memref<1x128xi32, #tpu.memory_space<vmem>>
      %dma_start3A_113 = tpu.memref_squeeze %dma_start3A_112 : memref<1x128xi32, #tpu.memory_space<vmem>> -> memref<128xi32, #tpu.memory_space<vmem>>
      %dma_start3A_114 = arith.constant 0 : i32
      %dma_start3A_115 = arith.constant 0 : i32
      %dma_start3A_116 = tpu.memref_slice %arg2[%dma_start3A_114, %dma_start3A_115] : memref<10000x128xf32, #tpu.memory_space<hbm>> -> memref<10000x128xf32, #tpu.memory_space<hbm>>
      tpu.enqueue_indirect_dma source(%dma_start3A_116 : memref<10000x128xf32, #tpu.memory_space<hbm>>) target(%dma_start3A_110 : memref<128x128xf32, #tpu.memory_space<vmem>>) offsets(%dma_start3A_113 : memref<128xi32, #tpu.memory_space<vmem>>) semaphore(%arg11 : memref<!tpu.dma_semaphore, #tpu.memory_space<semaphore_mem>>)
      %mul3A_117 = arith.constant 2 : i32
      %mul3A_118 = arith.muli %mul3A_117, %scan3A_65 : i32
      %add3A_119 = arith.constant 1 : i32
      %add3A_120 = arith.addi %mul3A_118, %add3A_119 : i32
      %dma_wait3A_121 = arith.constant 0 : i32
      %dma_wait3A_122 = arith.constant 1 : i32
      %dma_wait3A_123 = arith.constant 0 : i32
      %dma_wait3A_124 = arith.constant 0 : i32
      %dma_wait3A_125 = tpu.memref_slice %arg9[%dma_wait3A_122, %dma_wait3A_123, %dma_wait3A_124] : memref<2x128x128xf32, #tpu.memory_space<vmem>> -> memref<1x128x128xf32, #tpu.memory_space<vmem>>
      %dma_wait3A_126 = tpu.memref_squeeze %dma_wait3A_125 : memref<1x128x128xf32, #tpu.memory_space<vmem>> -> memref<128x128xf32, #tpu.memory_space<vmem>>
      %dma_wait3A_127 = arith.constant 0 : i32
      %dma_wait3A_128 = tpu.memref_slice %arg7[%dma_wait3A_121, %dma_wait3A_127] : memref<48x128xi32, #tpu.memory_space<vmem>> -> memref<1x128xi32, #tpu.memory_space<vmem>>
      %dma_wait3A_129 = tpu.memref_squeeze %dma_wait3A_128 : memref<1x128xi32, #tpu.memory_space<vmem>> -> memref<128xi32, #tpu.memory_space<vmem>>
      %dma_wait3A_130 = arith.constant 0 : i32
      %dma_wait3A_131 = arith.constant 0 : i32
      %dma_wait3A_132 = tpu.memref_slice %arg2[%dma_wait3A_130, %dma_wait3A_131] : memref<10000x128xf32, #tpu.memory_space<hbm>> -> memref<10000x128xf32, #tpu.memory_space<hbm>>
      tpu.wait_indirect_dma semaphore(%arg12 : memref<!tpu.dma_semaphore, #tpu.memory_space<semaphore_mem>>) src(%dma_wait3A_132 : memref<10000x128xf32, #tpu.memory_space<hbm>>) dst(%dma_wait3A_126 : memref<128x128xf32, #tpu.memory_space<vmem>>)
      %dma_start3A_133 = arith.constant 1 : i32
      %dma_start3A_134 = arith.constant 0 : i32
      %dma_start3A_135 = arith.constant 0 : i32
      %dma_start3A_136 = tpu.memref_slice %arg9[%dma_start3A_133, %dma_start3A_134, %dma_start3A_135] : memref<2x128x128xf32, #tpu.memory_space<vmem>> -> memref<1x128x128xf32, #tpu.memory_space<vmem>>
      %dma_start3A_137 = tpu.memref_squeeze %dma_start3A_136 : memref<1x128x128xf32, #tpu.memory_space<vmem>> -> memref<128x128xf32, #tpu.memory_space<vmem>>
      %dma_start3A_138 = arith.constant 0 : i32
      %dma_start3A_139 = tpu.memref_slice %arg8[%add3A_120, %dma_start3A_138] : memref<48x128xi32, #tpu.memory_space<vmem>> -> memref<1x128xi32, #tpu.memory_space<vmem>>
      %dma_start3A_140 = tpu.memref_squeeze %dma_start3A_139 : memref<1x128xi32, #tpu.memory_space<vmem>> -> memref<128xi32, #tpu.memory_space<vmem>>
      %dma_start3A_141 = arith.constant 0 : i32
      %dma_start3A_142 = arith.constant 0 : i32
      %dma_start3A_143 = tpu.memref_slice %arg10[%dma_start3A_141, %dma_start3A_142] : memref<10240x128xf32, #tpu.memory_space<vmem_shared>> -> memref<10240x128xf32, #tpu.memory_space<vmem_shared>>
      tpu.enqueue_indirect_dma source(%dma_start3A_137 : memref<128x128xf32, #tpu.memory_space<vmem>>) target(%dma_start3A_143 : memref<10240x128xf32, #tpu.memory_space<vmem_shared>>) offsets(%dma_start3A_140 : memref<128xi32, #tpu.memory_space<vmem>>) semaphore(%arg14 : memref<!tpu.dma_semaphore, #tpu.memory_space<semaphore_mem>>) {add = true}
      %dma_wait3A_144 = arith.constant 1 : i32
      %dma_wait3A_145 = arith.constant 0 : i32
      %dma_wait3A_146 = arith.constant 0 : i32
      %dma_wait3A_147 = tpu.memref_slice %arg9[%dma_wait3A_144, %dma_wait3A_145, %dma_wait3A_146] : memref<2x128x128xf32, #tpu.memory_space<vmem>> -> memref<1x128x128xf32, #tpu.memory_space<vmem>>
      %dma_wait3A_148 = tpu.memref_squeeze %dma_wait3A_147 : memref<1x128x128xf32, #tpu.memory_space<vmem>> -> memref<128x128xf32, #tpu.memory_space<vmem>>
      %dma_wait3A_149 = arith.constant 0 : i32
      %dma_wait3A_150 = tpu.memref_slice %arg8[%add3A_120, %dma_wait3A_149] : memref<48x128xi32, #tpu.memory_space<vmem>> -> memref<1x128xi32, #tpu.memory_space<vmem>>
      %dma_wait3A_151 = tpu.memref_squeeze %dma_wait3A_150 : memref<1x128xi32, #tpu.memory_space<vmem>> -> memref<128xi32, #tpu.memory_space<vmem>>
      %dma_wait3A_152 = arith.constant 0 : i32
      %dma_wait3A_153 = arith.constant 0 : i32
      %dma_wait3A_154 = tpu.memref_slice %arg10[%dma_wait3A_152, %dma_wait3A_153] : memref<10240x128xf32, #tpu.memory_space<vmem_shared>> -> memref<10240x128xf32, #tpu.memory_space<vmem_shared>>
      tpu.wait_indirect_dma semaphore(%arg14 : memref<!tpu.dma_semaphore, #tpu.memory_space<semaphore_mem>>) src(%dma_wait3A_148 : memref<128x128xf32, #tpu.memory_space<vmem>>) dst(%dma_wait3A_154 : memref<10240x128xf32, #tpu.memory_space<vmem_shared>>)
      %add3A_155 = arith.constant 2 : i32
      %add3A_156 = arith.addi %add3A_120, %add3A_155 : i32
      %dma_start3A_157 = arith.constant 1 : i32
      %dma_start3A_158 = arith.constant 0 : i32
      %dma_start3A_159 = arith.constant 0 : i32
      %dma_start3A_160 = tpu.memref_slice %arg9[%dma_start3A_157, %dma_start3A_158, %dma_start3A_159] : memref<2x128x128xf32, #tpu.memory_space<vmem>> -> memref<1x128x128xf32, #tpu.memory_space<vmem>>
      %dma_start3A_161 = tpu.memref_squeeze %dma_start3A_160 : memref<1x128x128xf32, #tpu.memory_space<vmem>> -> memref<128x128xf32, #tpu.memory_space<vmem>>
      %dma_start3A_162 = arith.constant 0 : i32
      %dma_start3A_163 = tpu.memref_slice %arg7[%add3A_156, %dma_start3A_162] : memref<48x128xi32, #tpu.memory_space<vmem>> -> memref<1x128xi32, #tpu.memory_space<vmem>>
      %dma_start3A_164 = tpu.memref_squeeze %dma_start3A_163 : memref<1x128xi32, #tpu.memory_space<vmem>> -> memref<128xi32, #tpu.memory_space<vmem>>
      %dma_start3A_165 = arith.constant 0 : i32
      %dma_start3A_166 = arith.constant 0 : i32
      %dma_start3A_167 = tpu.memref_slice %arg2[%dma_start3A_165, %dma_start3A_166] : memref<10000x128xf32, #tpu.memory_space<hbm>> -> memref<10000x128xf32, #tpu.memory_space<hbm>>
      tpu.enqueue_indirect_dma source(%dma_start3A_167 : memref<10000x128xf32, #tpu.memory_space<hbm>>) target(%dma_start3A_161 : memref<128x128xf32, #tpu.memory_space<vmem>>) offsets(%dma_start3A_164 : memref<128xi32, #tpu.memory_space<vmem>>) semaphore(%arg12 : memref<!tpu.dma_semaphore, #tpu.memory_space<semaphore_mem>>)
    }
    %scan3A_36 = arith.constant 20 : i32
    %dma_wait3A = arith.constant 0 : i32
    %dma_wait3A_37 = arith.constant 0 : i32
    %dma_wait3A_38 = arith.constant 0 : i32
    %dma_wait3A_39 = arith.constant 0 : i32
    %dma_wait3A_40 = tpu.memref_slice %arg9[%dma_wait3A_37, %dma_wait3A_38, %dma_wait3A_39] : memref<2x128x128xf32, #tpu.memory_space<vmem>> -> memref<1x128x128xf32, #tpu.memory_space<vmem>>
    %dma_wait3A_41 = tpu.memref_squeeze %dma_wait3A_40 : memref<1x128x128xf32, #tpu.memory_space<vmem>> -> memref<128x128xf32, #tpu.memory_space<vmem>>
    %dma_wait3A_42 = arith.constant 0 : i32
    %dma_wait3A_43 = tpu.memref_slice %arg7[%dma_wait3A, %dma_wait3A_42] : memref<48x128xi32, #tpu.memory_space<vmem>> -> memref<1x128xi32, #tpu.memory_space<vmem>>
    %dma_wait3A_44 = tpu.memref_squeeze %dma_wait3A_43 : memref<1x128xi32, #tpu.memory_space<vmem>> -> memref<128xi32, #tpu.memory_space<vmem>>
    %dma_wait3A_45 = arith.constant 0 : i32
    %dma_wait3A_46 = arith.constant 0 : i32
    %dma_wait3A_47 = tpu.memref_slice %arg2[%dma_wait3A_45, %dma_wait3A_46] : memref<10000x128xf32, #tpu.memory_space<hbm>> -> memref<10000x128xf32, #tpu.memory_space<hbm>>
    tpu.wait_indirect_dma semaphore(%arg11 : memref<!tpu.dma_semaphore, #tpu.memory_space<semaphore_mem>>) src(%dma_wait3A_47 : memref<10000x128xf32, #tpu.memory_space<hbm>>) dst(%dma_wait3A_41 : memref<128x128xf32, #tpu.memory_space<vmem>>)
    %dma_wait3A_48 = arith.constant 0 : i32
    %dma_wait3A_49 = arith.constant 1 : i32
    %dma_wait3A_50 = arith.constant 0 : i32
    %dma_wait3A_51 = arith.constant 0 : i32
    %dma_wait3A_52 = tpu.memref_slice %arg9[%dma_wait3A_49, %dma_wait3A_50, %dma_wait3A_51] : memref<2x128x128xf32, #tpu.memory_space<vmem>> -> memref<1x128x128xf32, #tpu.memory_space<vmem>>
    %dma_wait3A_53 = tpu.memref_squeeze %dma_wait3A_52 : memref<1x128x128xf32, #tpu.memory_space<vmem>> -> memref<128x128xf32, #tpu.memory_space<vmem>>
    %dma_wait3A_54 = arith.constant 0 : i32
    %dma_wait3A_55 = tpu.memref_slice %arg7[%dma_wait3A_48, %dma_wait3A_54] : memref<48x128xi32, #tpu.memory_space<vmem>> -> memref<1x128xi32, #tpu.memory_space<vmem>>
    %dma_wait3A_56 = tpu.memref_squeeze %dma_wait3A_55 : memref<1x128xi32, #tpu.memory_space<vmem>> -> memref<128xi32, #tpu.memory_space<vmem>>
    %dma_wait3A_57 = arith.constant 0 : i32
    %dma_wait3A_58 = arith.constant 0 : i32
    %dma_wait3A_59 = tpu.memref_slice %arg2[%dma_wait3A_57, %dma_wait3A_58] : memref<10000x128xf32, #tpu.memory_space<hbm>> -> memref<10000x128xf32, #tpu.memory_space<hbm>>
    tpu.wait_indirect_dma semaphore(%arg12 : memref<!tpu.dma_semaphore, #tpu.memory_space<semaphore_mem>>) src(%dma_wait3A_59 : memref<10000x128xf32, #tpu.memory_space<hbm>>) dst(%dma_wait3A_53 : memref<128x128xf32, #tpu.memory_space<vmem>>)
    %barrier3A_60 = arith.constant 0 : index
    tpu.barrier barrier_id(%barrier3A_60)
    %mul3A_61 = arith.constant 640 : i32
    %mul3A_62 = arith.muli %arg1, %mul3A_61 : i32
    %mul3A_63 = arith.constant 640 : i32
    %mul3A_64 = arith.muli %arg1, %mul3A_63 : i32
    "tpu.region"() ({
      %run_scoped3A_65 = tpu.sem_alloc : memref<!tpu.dma_semaphore, #tpu.memory_space<semaphore_mem>>
      %dma_start3A_66 = arith.constant 0 : i32
      %dma_start3A_67 = tpu.memref_slice %arg6[%arg0, %mul3A_64, %dma_start3A_66] : memref<2x10240x128xf32, #tpu.memory_space<hbm>> -> memref<1x640x128xf32, #tpu.memory_space<hbm>>
      %dma_start3A_68 = tpu.memref_squeeze %dma_start3A_67 : memref<1x640x128xf32, #tpu.memory_space<hbm>> -> memref<640x128xf32, #tpu.memory_space<hbm>>
      %dma_start3A_69 = arith.constant 0 : i32
      %dma_start3A_70 = tpu.memref_slice %arg10[%mul3A_62, %dma_start3A_69] : memref<10240x128xf32, #tpu.memory_space<vmem_shared>> -> memref<640x128xf32, #tpu.memory_space<vmem_shared>>
      tpu.enqueue_dma source(%dma_start3A_70 : memref<640x128xf32, #tpu.memory_space<vmem_shared>>) target(%dma_start3A_68 : memref<640x128xf32, #tpu.memory_space<hbm>>) target_semaphore(%run_scoped3A_65 : memref<!tpu.dma_semaphore, #tpu.memory_space<semaphore_mem>>)
      %dma_wait3A_71 = arith.constant 0 : i32
      %dma_wait3A_72 = tpu.memref_slice %arg6[%arg0, %mul3A_64, %dma_wait3A_71] : memref<2x10240x128xf32, #tpu.memory_space<hbm>> -> memref<1x640x128xf32, #tpu.memory_space<hbm>>
      %dma_wait3A_73 = tpu.memref_squeeze %dma_wait3A_72 : memref<1x640x128xf32, #tpu.memory_space<hbm>> -> memref<640x128xf32, #tpu.memory_space<hbm>>
      %dma_wait3A_74 = arith.constant 0 : i32
      %dma_wait3A_75 = tpu.memref_slice %arg10[%mul3A_62, %dma_wait3A_74] : memref<10240x128xf32, #tpu.memory_space<vmem_shared>> -> memref<640x128xf32, #tpu.memory_space<vmem_shared>>
      tpu.wait_dma2 semaphore(%run_scoped3A_65 : memref<!tpu.dma_semaphore, #tpu.memory_space<semaphore_mem>>) src(%dma_wait3A_75 : memref<640x128xf32, #tpu.memory_space<vmem_shared>>) dst(%dma_wait3A_73 : memref<640x128xf32, #tpu.memory_space<hbm>>)
      tpu.yield
    }) : () -> ()
    return
  }
}

#map = affine_map<(d0, d1) -> (0, 0)>
#map1 = affine_map<(d0, d1) -> (0, 0, 0)>
module attributes {stable_mosaic.version = 14 : i64} {
  func.func @k(%arg0: i32, %arg1: i32, %arg2: memref<10000x128xf32, #tpu.memory_space<hbm>>, %arg3: memref<2x1288x128xi32, #tpu.memory_space<hbm>>, %arg4: memref<1288x128xi32, #tpu.memory_space<hbm>>, %arg5: memref<10240x128xf32, #tpu.memory_space<hbm>>, %arg6: memref<2x10240x128xf32, #tpu.memory_space<hbm>>, %arg7: memref<48x128xi32, #tpu.memory_space<vmem>>, %arg8: memref<48x128xi32, #tpu.memory_space<vmem>>, %arg9: memref<2x128x128xf32, #tpu.memory_space<vmem>>, %arg10: memref<10240x128xf32, #tpu.memory_space<vmem_shared>>, %arg11: memref<!tpu.dma_semaphore, #tpu.memory_space<semaphore_mem>>, %arg12: memref<!tpu.dma_semaphore, #tpu.memory_space<semaphore_mem>>, %arg13: memref<!tpu.dma_semaphore, #tpu.memory_space<semaphore_mem>>, %arg14: memref<!tpu.dma_semaphore, #tpu.memory_space<semaphore_mem>>) attributes {dimension_semantics = [#tpu.dimension_semantics<core_parallel>, #tpu.dimension_semantics<subcore_parallel>], iteration_bounds = array<i64: 2, 16>, scalar_prefetch = 0 : i64, scratch_operands = 8 : i64, tpu.core_type = #tpu.core_type<sc_vector_subcore>, window_params = [{transform_indices = #map}, {transform_indices = #map1}, {transform_indices = #map}, {transform_indices = #map}, {transform_indices = #map1}]} {
    %mul3A = arith.constant 640 : i32
    %mul3A_0 = arith.muli %arg1, %mul3A : i32
    %mul3A_1 = arith.constant 640 : i32
    %mul3A_2 = arith.muli %arg1, %mul3A_1 : i32
    "tpu.region"() ({
      %run_scoped3A_65 = tpu.sem_alloc : memref<!tpu.dma_semaphore, #tpu.memory_space<semaphore_mem>>
      %dma_start3A_66 = arith.constant 0 : i32
      %dma_start3A_67 = tpu.memref_slice %arg10[%mul3A_2, %dma_start3A_66] : memref<10240x128xf32, #tpu.memory_space<vmem_shared>> -> memref<640x128xf32, #tpu.memory_space<vmem_shared>>
      %dma_start3A_68 = arith.constant 0 : i32
      %dma_start3A_69 = tpu.memref_slice %arg5[%mul3A_0, %dma_start3A_68] : memref<10240x128xf32, #tpu.memory_space<hbm>> -> memref<640x128xf32, #tpu.memory_space<hbm>>
      tpu.enqueue_dma source(%dma_start3A_69 : memref<640x128xf32, #tpu.memory_space<hbm>>) target(%dma_start3A_67 : memref<640x128xf32, #tpu.memory_space<vmem_shared>>) target_semaphore(%run_scoped3A_65 : memref<!tpu.dma_semaphore, #tpu.memory_space<semaphore_mem>>)
      %dma_wait3A_70 = arith.constant 0 : i32
      %dma_wait3A_71 = tpu.memref_slice %arg10[%mul3A_2, %dma_wait3A_70] : memref<10240x128xf32, #tpu.memory_space<vmem_shared>> -> memref<640x128xf32, #tpu.memory_space<vmem_shared>>
      %dma_wait3A_72 = arith.constant 0 : i32
      %dma_wait3A_73 = tpu.memref_slice %arg5[%mul3A_0, %dma_wait3A_72] : memref<10240x128xf32, #tpu.memory_space<hbm>> -> memref<640x128xf32, #tpu.memory_space<hbm>>
      tpu.wait_dma2 semaphore(%run_scoped3A_65 : memref<!tpu.dma_semaphore, #tpu.memory_space<semaphore_mem>>) src(%dma_wait3A_73 : memref<640x128xf32, #tpu.memory_space<hbm>>) dst(%dma_wait3A_71 : memref<640x128xf32, #tpu.memory_space<vmem_shared>>)
      tpu.yield
    }) : () -> ()
    %barrier3A = arith.constant 0 : index
    tpu.barrier barrier_id(%barrier3A)
    %mul3A_3 = arith.constant 640 : i32
    %mul3A_4 = arith.muli %arg0, %mul3A_3 : i32
    %mul3A_5 = arith.constant 40 : i32
    %mul3A_6 = arith.muli %arg1, %mul3A_5 : i32
    %add3A = arith.addi %mul3A_4, %mul3A_6 : i32
    %add3A_7 = arith.constant 0 : i32
    %add3A_8 = arith.addi %add3A, %add3A_7 : i32
    %run_scoped3A = arith.constant 0 : i32
    "tpu.region"() ({
      %run_scoped3A_65 = tpu.sem_alloc : memref<!tpu.dma_semaphore, #tpu.memory_space<semaphore_mem>>
      %dma_start3A_66 = arith.constant 0 : i32
      %dma_start3A_67 = tpu.memref_slice %arg3[%run_scoped3A, %add3A_8, %dma_start3A_66] : memref<2x1288x128xi32, #tpu.memory_space<hbm>> -> memref<1x48x128xi32, #tpu.memory_space<hbm>>
      %dma_start3A_68 = tpu.memref_squeeze %dma_start3A_67 : memref<1x48x128xi32, #tpu.memory_space<hbm>> -> memref<48x128xi32, #tpu.memory_space<hbm>>
      %dma_start3A_69 = arith.constant 0 : i32
      %dma_start3A_70 = tpu.memref_slice %arg3[%run_scoped3A, %add3A_8, %dma_start3A_69] : memref<2x1288x128xi32, #tpu.memory_space<hbm>> -> memref<1x48x128xi32, #tpu.memory_space<hbm>>
      %dma_start3A_71 = tpu.memref_squeeze %dma_start3A_70 : memref<1x48x128xi32, #tpu.memory_space<hbm>> -> memref<48x128xi32, #tpu.memory_space<hbm>>
      tpu.enqueue_dma source(%dma_start3A_71 : memref<48x128xi32, #tpu.memory_space<hbm>>) target(%arg7 : memref<48x128xi32, #tpu.memory_space<vmem>>) target_semaphore(%run_scoped3A_65 : memref<!tpu.dma_semaphore, #tpu.memory_space<semaphore_mem>>)
      %dma_wait3A_72 = arith.constant 0 : i32
      %dma_wait3A_73 = tpu.memref_slice %arg3[%run_scoped3A, %add3A_8, %dma_wait3A_72] : memref<2x1288x128xi32, #tpu.memory_space<hbm>> -> memref<1x48x128xi32, #tpu.memory_space<hbm>>
      %dma_wait3A_74 = tpu.memref_squeeze %dma_wait3A_73 : memref<1x48x128xi32, #tpu.memory_space<hbm>> -> memref<48x128xi32, #tpu.memory_space<hbm>>
      %dma_wait3A_75 = arith.constant 0 : i32
      %dma_wait3A_76 = tpu.memref_slice %arg3[%run_scoped3A, %add3A_8, %dma_wait3A_75] : memref<2x1288x128xi32, #tpu.memory_space<hbm>> -> memref<1x48x128xi32, #tpu.memory_space<hbm>>
      %dma_wait3A_77 = tpu.memref_squeeze %dma_wait3A_76 : memref<1x48x128xi32, #tpu.memory_space<hbm>> -> memref<48x128xi32, #tpu.memory_space<hbm>>
      tpu.wait_dma2 semaphore(%run_scoped3A_65 : memref<!tpu.dma_semaphore, #tpu.memory_space<semaphore_mem>>) src(%dma_wait3A_77 : memref<48x128xi32, #tpu.memory_space<hbm>>) dst(%arg7 : memref<48x128xi32, #tpu.memory_space<vmem>>)
      tpu.yield
    }) : () -> ()
    "tpu.region"() ({
      %run_scoped3A_65 = tpu.sem_alloc : memref<!tpu.dma_semaphore, #tpu.memory_space<semaphore_mem>>
      %dma_start3A_66 = arith.constant 0 : i32
      %dma_start3A_67 = tpu.memref_slice %arg4[%add3A_8, %dma_start3A_66] : memref<1288x128xi32, #tpu.memory_space<hbm>> -> memref<48x128xi32, #tpu.memory_space<hbm>>
      %dma_start3A_68 = arith.constant 0 : i32
      %dma_start3A_69 = tpu.memref_slice %arg4[%add3A_8, %dma_start3A_68] : memref<1288x128xi32, #tpu.memory_space<hbm>> -> memref<48x128xi32, #tpu.memory_space<hbm>>
      tpu.enqueue_dma source(%dma_start3A_69 : memref<48x128xi32, #tpu.memory_space<hbm>>) target(%arg8 : memref<48x128xi32, #tpu.memory_space<vmem>>) target_semaphore(%run_scoped3A_65 : memref<!tpu.dma_semaphore, #tpu.memory_space<semaphore_mem>>)
      %dma_wait3A_70 = arith.constant 0 : i32
      %dma_wait3A_71 = tpu.memref_slice %arg4[%add3A_8, %dma_wait3A_70] : memref<1288x128xi32, #tpu.memory_space<hbm>> -> memref<48x128xi32, #tpu.memory_space<hbm>>
      %dma_wait3A_72 = arith.constant 0 : i32
      %dma_wait3A_73 = tpu.memref_slice %arg4[%add3A_8, %dma_wait3A_72] : memref<1288x128xi32, #tpu.memory_space<hbm>> -> memref<48x128xi32, #tpu.memory_space<hbm>>
      tpu.wait_dma2 semaphore(%run_scoped3A_65 : memref<!tpu.dma_semaphore, #tpu.memory_space<semaphore_mem>>) src(%dma_wait3A_73 : memref<48x128xi32, #tpu.memory_space<hbm>>) dst(%arg8 : memref<48x128xi32, #tpu.memory_space<vmem>>)
      tpu.yield
    }) : () -> ()
    %dma_start3A = arith.constant 0 : i32
    %dma_start3A_9 = arith.constant 0 : i32
    %dma_start3A_10 = arith.constant 0 : i32
    %dma_start3A_11 = arith.constant 0 : i32
    %dma_start3A_12 = tpu.memref_slice %arg9[%dma_start3A_9, %dma_start3A_10, %dma_start3A_11] : memref<2x128x128xf32, #tpu.memory_space<vmem>> -> memref<1x128x128xf32, #tpu.memory_space<vmem>>
    %dma_start3A_13 = tpu.memref_squeeze %dma_start3A_12 : memref<1x128x128xf32, #tpu.memory_space<vmem>> -> memref<128x128xf32, #tpu.memory_space<vmem>>
    %dma_start3A_14 = arith.constant 0 : i32
    %dma_start3A_15 = tpu.memref_slice %arg7[%dma_start3A, %dma_start3A_14] : memref<48x128xi32, #tpu.memory_space<vmem>> -> memref<1x128xi32, #tpu.memory_space<vmem>>
    %dma_start3A_16 = tpu.memref_squeeze %dma_start3A_15 : memref<1x128xi32, #tpu.memory_space<vmem>> -> memref<128xi32, #tpu.memory_space<vmem>>
    %dma_start3A_17 = arith.constant 0 : i32
    %dma_start3A_18 = arith.constant 0 : i32
    %dma_start3A_19 = tpu.memref_slice %arg2[%dma_start3A_17, %dma_start3A_18] : memref<10000x128xf32, #tpu.memory_space<hbm>> -> memref<10000x128xf32, #tpu.memory_space<hbm>>
    tpu.enqueue_indirect_dma source(%dma_start3A_19 : memref<10000x128xf32, #tpu.memory_space<hbm>>) target(%dma_start3A_13 : memref<128x128xf32, #tpu.memory_space<vmem>>) offsets(%dma_start3A_16 : memref<128xi32, #tpu.memory_space<vmem>>) semaphore(%arg11 : memref<!tpu.dma_semaphore, #tpu.memory_space<semaphore_mem>>)
    %dma_start3A_20 = arith.constant 1 : i32
    %dma_start3A_21 = arith.constant 1 : i32
    %dma_start3A_22 = arith.constant 0 : i32
    %dma_start3A_23 = arith.constant 0 : i32
    %dma_start3A_24 = tpu.memref_slice %arg9[%dma_start3A_21, %dma_start3A_22, %dma_start3A_23] : memref<2x128x128xf32, #tpu.memory_space<vmem>> -> memref<1x128x128xf32, #tpu.memory_space<vmem>>
    %dma_start3A_25 = tpu.memref_squeeze %dma_start3A_24 : memref<1x128x128xf32, #tpu.memory_space<vmem>> -> memref<128x128xf32, #tpu.memory_space<vmem>>
    %dma_start3A_26 = arith.constant 0 : i32
    %dma_start3A_27 = tpu.memref_slice %arg7[%dma_start3A_20, %dma_start3A_26] : memref<48x128xi32, #tpu.memory_space<vmem>> -> memref<1x128xi32, #tpu.memory_space<vmem>>
    %dma_start3A_28 = tpu.memref_squeeze %dma_start3A_27 : memref<1x128xi32, #tpu.memory_space<vmem>> -> memref<128xi32, #tpu.memory_space<vmem>>
    %dma_start3A_29 = arith.constant 0 : i32
    %dma_start3A_30 = arith.constant 0 : i32
    %dma_start3A_31 = tpu.memref_slice %arg2[%dma_start3A_29, %dma_start3A_30] : memref<10000x128xf32, #tpu.memory_space<hbm>> -> memref<10000x128xf32, #tpu.memory_space<hbm>>
    tpu.enqueue_indirect_dma source(%dma_start3A_31 : memref<10000x128xf32, #tpu.memory_space<hbm>>) target(%dma_start3A_25 : memref<128x128xf32, #tpu.memory_space<vmem>>) offsets(%dma_start3A_28 : memref<128xi32, #tpu.memory_space<vmem>>) semaphore(%arg12 : memref<!tpu.dma_semaphore, #tpu.memory_space<semaphore_mem>>)
    %scan3A = arith.constant 0 : i32
    %scan3A_32 = arith.constant 0 : i32
    %scan3A_33 = arith.constant 20 : i32
    %scan3A_34 = arith.addi %scan3A_32, %scan3A_33 : i32
    %scan3A_35 = arith.constant 1 : i32
    scf.for %scan3A_65 = %scan3A_32 to %scan3A_34 step %scan3A_35  : i32 {
      %mul3A_66 = arith.constant 2 : i32
      %mul3A_67 = arith.muli %mul3A_66, %scan3A_65 : i32
      %add3A_68 = arith.constant 0 : i32
      %add3A_69 = arith.addi %mul3A_67, %add3A_68 : i32
      %dma_wait3A_70 = arith.constant 0 : i32
      %dma_wait3A_71 = arith.constant 0 : i32
      %dma_wait3A_72 = arith.constant 0 : i32
      %dma_wait3A_73 = arith.constant 0 : i32
      %dma_wait3A_74 = tpu.memref_slice %arg9[%dma_wait3A_71, %dma_wait3A_72, %dma_wait3A_73] : memref<2x128x128xf32, #tpu.memory_space<vmem>> -> memref<1x128x128xf32, #tpu.memory_space<vmem>>
      %dma_wait3A_75 = tpu.memref_squeeze %dma_wait3A_74 : memref<1x128x128xf32, #tpu.memory_space<vmem>> -> memref<128x128xf32, #tpu.memory_space<vmem>>
      %dma_wait3A_76 = arith.constant 0 : i32
      %dma_wait3A_77 = tpu.memref_slice %arg7[%dma_wait3A_70, %dma_wait3A_76] : memref<48x128xi32, #tpu.memory_space<vmem>> -> memref<1x128xi32, #tpu.memory_space<vmem>>
      %dma_wait3A_78 = tpu.memref_squeeze %dma_wait3A_77 : memref<1x128xi32, #tpu.memory_space<vmem>> -> memref<128xi32, #tpu.memory_space<vmem>>
      %dma_wait3A_79 = arith.constant 0 : i32
      %dma_wait3A_80 = arith.constant 0 : i32
      %dma_wait3A_81 = tpu.memref_slice %arg2[%dma_wait3A_79, %dma_wait3A_80] : memref<10000x128xf32, #tpu.memory_space<hbm>> -> memref<10000x128xf32, #tpu.memory_space<hbm>>
      tpu.wait_indirect_dma semaphore(%arg11 : memref<!tpu.dma_semaphore, #tpu.memory_space<semaphore_mem>>) src(%dma_wait3A_81 : memref<10000x128xf32, #tpu.memory_space<hbm>>) dst(%dma_wait3A_75 : memref<128x128xf32, #tpu.memory_space<vmem>>)
      %dma_start3A_82 = arith.constant 0 : i32
      %dma_start3A_83 = arith.constant 0 : i32
      %dma_start3A_84 = arith.constant 0 : i32
      %dma_start3A_85 = tpu.memref_slice %arg9[%dma_start3A_82, %dma_start3A_83, %dma_start3A_84] : memref<2x128x128xf32, #tpu.memory_space<vmem>> -> memref<1x128x128xf32, #tpu.memory_space<vmem>>
      %dma_start3A_86 = tpu.memref_squeeze %dma_start3A_85 : memref<1x128x128xf32, #tpu.memory_space<vmem>> -> memref<128x128xf32, #tpu.memory_space<vmem>>
      %dma_start3A_87 = arith.constant 0 : i32
      %dma_start3A_88 = tpu.memref_slice %arg8[%add3A_69, %dma_start3A_87] : memref<48x128xi32, #tpu.memory_space<vmem>> -> memref<1x128xi32, #tpu.memory_space<vmem>>
      %dma_start3A_89 = tpu.memref_squeeze %dma_start3A_88 : memref<1x128xi32, #tpu.memory_space<vmem>> -> memref<128xi32, #tpu.memory_space<vmem>>
      %dma_start3A_90 = arith.constant 0 : i32
      %dma_start3A_91 = arith.constant 0 : i32
      %dma_start3A_92 = tpu.memref_slice %arg10[%dma_start3A_90, %dma_start3A_91] : memref<10240x128xf32, #tpu.memory_space<vmem_shared>> -> memref<10240x128xf32, #tpu.memory_space<vmem_shared>>
      tpu.enqueue_indirect_dma source(%dma_start3A_86 : memref<128x128xf32, #tpu.memory_space<vmem>>) target(%dma_start3A_92 : memref<10240x128xf32, #tpu.memory_space<vmem_shared>>) offsets(%dma_start3A_89 : memref<128xi32, #tpu.memory_space<vmem>>) semaphore(%arg13 : memref<!tpu.dma_semaphore, #tpu.memory_space<semaphore_mem>>) {add = true}
      %dma_wait3A_93 = arith.constant 0 : i32
      %dma_wait3A_94 = arith.constant 0 : i32
      %dma_wait3A_95 = arith.constant 0 : i32
      %dma_wait3A_96 = tpu.memref_slice %arg9[%dma_wait3A_93, %dma_wait3A_94, %dma_wait3A_95] : memref<2x128x128xf32, #tpu.memory_space<vmem>> -> memref<1x128x128xf32, #tpu.memory_space<vmem>>
      %dma_wait3A_97 = tpu.memref_squeeze %dma_wait3A_96 : memref<1x128x128xf32, #tpu.memory_space<vmem>> -> memref<128x128xf32, #tpu.memory_space<vmem>>
      %dma_wait3A_98 = arith.constant 0 : i32
      %dma_wait3A_99 = tpu.memref_slice %arg8[%add3A_69, %dma_wait3A_98] : memref<48x128xi32, #tpu.memory_space<vmem>> -> memref<1x128xi32, #tpu.memory_space<vmem>>
      %dma_wait3A_100 = tpu.memref_squeeze %dma_wait3A_99 : memref<1x128xi32, #tpu.memory_space<vmem>> -> memref<128xi32, #tpu.memory_space<vmem>>
      %dma_wait3A_101 = arith.constant 0 : i32
      %dma_wait3A_102 = arith.constant 0 : i32
      %dma_wait3A_103 = tpu.memref_slice %arg10[%dma_wait3A_101, %dma_wait3A_102] : memref<10240x128xf32, #tpu.memory_space<vmem_shared>> -> memref<10240x128xf32, #tpu.memory_space<vmem_shared>>
      tpu.wait_indirect_dma semaphore(%arg13 : memref<!tpu.dma_semaphore, #tpu.memory_space<semaphore_mem>>) src(%dma_wait3A_97 : memref<128x128xf32, #tpu.memory_space<vmem>>) dst(%dma_wait3A_103 : memref<10240x128xf32, #tpu.memory_space<vmem_shared>>)
      %add3A_104 = arith.constant 2 : i32
      %add3A_105 = arith.addi %add3A_69, %add3A_104 : i32
      %dma_start3A_106 = arith.constant 0 : i32
      %dma_start3A_107 = arith.constant 0 : i32
      %dma_start3A_108 = arith.constant 0 : i32
      %dma_start3A_109 = tpu.memref_slice %arg9[%dma_start3A_106, %dma_start3A_107, %dma_start3A_108] : memref<2x128x128xf32, #tpu.memory_space<vmem>> -> memref<1x128x128xf32, #tpu.memory_space<vmem>>
      %dma_start3A_110 = tpu.memref_squeeze %dma_start3A_109 : memref<1x128x128xf32, #tpu.memory_space<vmem>> -> memref<128x128xf32, #tpu.memory_space<vmem>>
      %dma_start3A_111 = arith.constant 0 : i32
      %dma_start3A_112 = tpu.memref_slice %arg7[%add3A_105, %dma_start3A_111] : memref<48x128xi32, #tpu.memory_space<vmem>> -> memref<1x128xi32, #tpu.memory_space<vmem>>
      %dma_start3A_113 = tpu.memref_squeeze %dma_start3A_112 : memref<1x128xi32, #tpu.memory_space<vmem>> -> memref<128xi32, #tpu.memory_space<vmem>>
      %dma_start3A_114 = arith.constant 0 : i32
      %dma_start3A_115 = arith.constant 0 : i32
      %dma_start3A_116 = tpu.memref_slice %arg2[%dma_start3A_114, %dma_start3A_115] : memref<10000x128xf32, #tpu.memory_space<hbm>> -> memref<10000x128xf32, #tpu.memory_space<hbm>>
      tpu.enqueue_indirect_dma source(%dma_start3A_116 : memref<10000x128xf32, #tpu.memory_space<hbm>>) target(%dma_start3A_110 : memref<128x128xf32, #tpu.memory_space<vmem>>) offsets(%dma_start3A_113 : memref<128xi32, #tpu.memory_space<vmem>>) semaphore(%arg11 : memref<!tpu.dma_semaphore, #tpu.memory_space<semaphore_mem>>)
      %mul3A_117 = arith.constant 2 : i32
      %mul3A_118 = arith.muli %mul3A_117, %scan3A_65 : i32
      %add3A_119 = arith.constant 1 : i32
      %add3A_120 = arith.addi %mul3A_118, %add3A_119 : i32
      %dma_wait3A_121 = arith.constant 0 : i32
      %dma_wait3A_122 = arith.constant 1 : i32
      %dma_wait3A_123 = arith.constant 0 : i32
      %dma_wait3A_124 = arith.constant 0 : i32
      %dma_wait3A_125 = tpu.memref_slice %arg9[%dma_wait3A_122, %dma_wait3A_123, %dma_wait3A_124] : memref<2x128x128xf32, #tpu.memory_space<vmem>> -> memref<1x128x128xf32, #tpu.memory_space<vmem>>
      %dma_wait3A_126 = tpu.memref_squeeze %dma_wait3A_125 : memref<1x128x128xf32, #tpu.memory_space<vmem>> -> memref<128x128xf32, #tpu.memory_space<vmem>>
      %dma_wait3A_127 = arith.constant 0 : i32
      %dma_wait3A_128 = tpu.memref_slice %arg7[%dma_wait3A_121, %dma_wait3A_127] : memref<48x128xi32, #tpu.memory_space<vmem>> -> memref<1x128xi32, #tpu.memory_space<vmem>>
      %dma_wait3A_129 = tpu.memref_squeeze %dma_wait3A_128 : memref<1x128xi32, #tpu.memory_space<vmem>> -> memref<128xi32, #tpu.memory_space<vmem>>
      %dma_wait3A_130 = arith.constant 0 : i32
      %dma_wait3A_131 = arith.constant 0 : i32
      %dma_wait3A_132 = tpu.memref_slice %arg2[%dma_wait3A_130, %dma_wait3A_131] : memref<10000x128xf32, #tpu.memory_space<hbm>> -> memref<10000x128xf32, #tpu.memory_space<hbm>>
      tpu.wait_indirect_dma semaphore(%arg12 : memref<!tpu.dma_semaphore, #tpu.memory_space<semaphore_mem>>) src(%dma_wait3A_132 : memref<10000x128xf32, #tpu.memory_space<hbm>>) dst(%dma_wait3A_126 : memref<128x128xf32, #tpu.memory_space<vmem>>)
      %dma_start3A_133 = arith.constant 1 : i32
      %dma_start3A_134 = arith.constant 0 : i32
      %dma_start3A_135 = arith.constant 0 : i32
      %dma_start3A_136 = tpu.memref_slice %arg9[%dma_start3A_133, %dma_start3A_134, %dma_start3A_135] : memref<2x128x128xf32, #tpu.memory_space<vmem>> -> memref<1x128x128xf32, #tpu.memory_space<vmem>>
      %dma_start3A_137 = tpu.memref_squeeze %dma_start3A_136 : memref<1x128x128xf32, #tpu.memory_space<vmem>> -> memref<128x128xf32, #tpu.memory_space<vmem>>
      %dma_start3A_138 = arith.constant 0 : i32
      %dma_start3A_139 = tpu.memref_slice %arg8[%add3A_120, %dma_start3A_138] : memref<48x128xi32, #tpu.memory_space<vmem>> -> memref<1x128xi32, #tpu.memory_space<vmem>>
      %dma_start3A_140 = tpu.memref_squeeze %dma_start3A_139 : memref<1x128xi32, #tpu.memory_space<vmem>> -> memref<128xi32, #tpu.memory_space<vmem>>
      %dma_start3A_141 = arith.constant 0 : i32
      %dma_start3A_142 = arith.constant 0 : i32
      %dma_start3A_143 = tpu.memref_slice %arg10[%dma_start3A_141, %dma_start3A_142] : memref<10240x128xf32, #tpu.memory_space<vmem_shared>> -> memref<10240x128xf32, #tpu.memory_space<vmem_shared>>
      tpu.enqueue_indirect_dma source(%dma_start3A_137 : memref<128x128xf32, #tpu.memory_space<vmem>>) target(%dma_start3A_143 : memref<10240x128xf32, #tpu.memory_space<vmem_shared>>) offsets(%dma_start3A_140 : memref<128xi32, #tpu.memory_space<vmem>>) semaphore(%arg14 : memref<!tpu.dma_semaphore, #tpu.memory_space<semaphore_mem>>) {add = true}
      %dma_wait3A_144 = arith.constant 1 : i32
      %dma_wait3A_145 = arith.constant 0 : i32
      %dma_wait3A_146 = arith.constant 0 : i32
      %dma_wait3A_147 = tpu.memref_slice %arg9[%dma_wait3A_144, %dma_wait3A_145, %dma_wait3A_146] : memref<2x128x128xf32, #tpu.memory_space<vmem>> -> memref<1x128x128xf32, #tpu.memory_space<vmem>>
      %dma_wait3A_148 = tpu.memref_squeeze %dma_wait3A_147 : memref<1x128x128xf32, #tpu.memory_space<vmem>> -> memref<128x128xf32, #tpu.memory_space<vmem>>
      %dma_wait3A_149 = arith.constant 0 : i32
      %dma_wait3A_150 = tpu.memref_slice %arg8[%add3A_120, %dma_wait3A_149] : memref<48x128xi32, #tpu.memory_space<vmem>> -> memref<1x128xi32, #tpu.memory_space<vmem>>
      %dma_wait3A_151 = tpu.memref_squeeze %dma_wait3A_150 : memref<1x128xi32, #tpu.memory_space<vmem>> -> memref<128xi32, #tpu.memory_space<vmem>>
      %dma_wait3A_152 = arith.constant 0 : i32
      %dma_wait3A_153 = arith.constant 0 : i32
      %dma_wait3A_154 = tpu.memref_slice %arg10[%dma_wait3A_152, %dma_wait3A_153] : memref<10240x128xf32, #tpu.memory_space<vmem_shared>> -> memref<10240x128xf32, #tpu.memory_space<vmem_shared>>
      tpu.wait_indirect_dma semaphore(%arg14 : memref<!tpu.dma_semaphore, #tpu.memory_space<semaphore_mem>>) src(%dma_wait3A_148 : memref<128x128xf32, #tpu.memory_space<vmem>>) dst(%dma_wait3A_154 : memref<10240x128xf32, #tpu.memory_space<vmem_shared>>)
      %add3A_155 = arith.constant 2 : i32
      %add3A_156 = arith.addi %add3A_120, %add3A_155 : i32
      %dma_start3A_157 = arith.constant 1 : i32
      %dma_start3A_158 = arith.constant 0 : i32
      %dma_start3A_159 = arith.constant 0 : i32
      %dma_start3A_160 = tpu.memref_slice %arg9[%dma_start3A_157, %dma_start3A_158, %dma_start3A_159] : memref<2x128x128xf32, #tpu.memory_space<vmem>> -> memref<1x128x128xf32, #tpu.memory_space<vmem>>
      %dma_start3A_161 = tpu.memref_squeeze %dma_start3A_160 : memref<1x128x128xf32, #tpu.memory_space<vmem>> -> memref<128x128xf32, #tpu.memory_space<vmem>>
      %dma_start3A_162 = arith.constant 0 : i32
      %dma_start3A_163 = tpu.memref_slice %arg7[%add3A_156, %dma_start3A_162] : memref<48x128xi32, #tpu.memory_space<vmem>> -> memref<1x128xi32, #tpu.memory_space<vmem>>
      %dma_start3A_164 = tpu.memref_squeeze %dma_start3A_163 : memref<1x128xi32, #tpu.memory_space<vmem>> -> memref<128xi32, #tpu.memory_space<vmem>>
      %dma_start3A_165 = arith.constant 0 : i32
      %dma_start3A_166 = arith.constant 0 : i32
      %dma_start3A_167 = tpu.memref_slice %arg2[%dma_start3A_165, %dma_start3A_166] : memref<10000x128xf32, #tpu.memory_space<hbm>> -> memref<10000x128xf32, #tpu.memory_space<hbm>>
      tpu.enqueue_indirect_dma source(%dma_start3A_167 : memref<10000x128xf32, #tpu.memory_space<hbm>>) target(%dma_start3A_161 : memref<128x128xf32, #tpu.memory_space<vmem>>) offsets(%dma_start3A_164 : memref<128xi32, #tpu.memory_space<vmem>>) semaphore(%arg12 : memref<!tpu.dma_semaphore, #tpu.memory_space<semaphore_mem>>)
    }
    %scan3A_36 = arith.constant 20 : i32
    %dma_wait3A = arith.constant 0 : i32
    %dma_wait3A_37 = arith.constant 0 : i32
    %dma_wait3A_38 = arith.constant 0 : i32
    %dma_wait3A_39 = arith.constant 0 : i32
    %dma_wait3A_40 = tpu.memref_slice %arg9[%dma_wait3A_37, %dma_wait3A_38, %dma_wait3A_39] : memref<2x128x128xf32, #tpu.memory_space<vmem>> -> memref<1x128x128xf32, #tpu.memory_space<vmem>>
    %dma_wait3A_41 = tpu.memref_squeeze %dma_wait3A_40 : memref<1x128x128xf32, #tpu.memory_space<vmem>> -> memref<128x128xf32, #tpu.memory_space<vmem>>
    %dma_wait3A_42 = arith.constant 0 : i32
    %dma_wait3A_43 = tpu.memref_slice %arg7[%dma_wait3A, %dma_wait3A_42] : memref<48x128xi32, #tpu.memory_space<vmem>> -> memref<1x128xi32, #tpu.memory_space<vmem>>
    %dma_wait3A_44 = tpu.memref_squeeze %dma_wait3A_43 : memref<1x128xi32, #tpu.memory_space<vmem>> -> memref<128xi32, #tpu.memory_space<vmem>>
    %dma_wait3A_45 = arith.constant 0 : i32
    %dma_wait3A_46 = arith.constant 0 : i32
    %dma_wait3A_47 = tpu.memref_slice %arg2[%dma_wait3A_45, %dma_wait3A_46] : memref<10000x128xf32, #tpu.memory_space<hbm>> -> memref<10000x128xf32, #tpu.memory_space<hbm>>
    tpu.wait_indirect_dma semaphore(%arg11 : memref<!tpu.dma_semaphore, #tpu.memory_space<semaphore_mem>>) src(%dma_wait3A_47 : memref<10000x128xf32, #tpu.memory_space<hbm>>) dst(%dma_wait3A_41 : memref<128x128xf32, #tpu.memory_space<vmem>>)
    %dma_wait3A_48 = arith.constant 0 : i32
    %dma_wait3A_49 = arith.constant 1 : i32
    %dma_wait3A_50 = arith.constant 0 : i32
    %dma_wait3A_51 = arith.constant 0 : i32
    %dma_wait3A_52 = tpu.memref_slice %arg9[%dma_wait3A_49, %dma_wait3A_50, %dma_wait3A_51] : memref<2x128x128xf32, #tpu.memory_space<vmem>> -> memref<1x128x128xf32, #tpu.memory_space<vmem>>
    %dma_wait3A_53 = tpu.memref_squeeze %dma_wait3A_52 : memref<1x128x128xf32, #tpu.memory_space<vmem>> -> memref<128x128xf32, #tpu.memory_space<vmem>>
    %dma_wait3A_54 = arith.constant 0 : i32
    %dma_wait3A_55 = tpu.memref_slice %arg7[%dma_wait3A_48, %dma_wait3A_54] : memref<48x128xi32, #tpu.memory_space<vmem>> -> memref<1x128xi32, #tpu.memory_space<vmem>>
    %dma_wait3A_56 = tpu.memref_squeeze %dma_wait3A_55 : memref<1x128xi32, #tpu.memory_space<vmem>> -> memref<128xi32, #tpu.memory_space<vmem>>
    %dma_wait3A_57 = arith.constant 0 : i32
    %dma_wait3A_58 = arith.constant 0 : i32
    %dma_wait3A_59 = tpu.memref_slice %arg2[%dma_wait3A_57, %dma_wait3A_58] : memref<10000x128xf32, #tpu.memory_space<hbm>> -> memref<10000x128xf32, #tpu.memory_space<hbm>>
    tpu.wait_indirect_dma semaphore(%arg12 : memref<!tpu.dma_semaphore, #tpu.memory_space<semaphore_mem>>) src(%dma_wait3A_59 : memref<10000x128xf32, #tpu.memory_space<hbm>>) dst(%dma_wait3A_53 : memref<128x128xf32, #tpu.memory_space<vmem>>)
    %barrier3A_60 = arith.constant 0 : index
    tpu.barrier barrier_id(%barrier3A_60)
    %mul3A_61 = arith.constant 640 : i32
    %mul3A_62 = arith.muli %arg1, %mul3A_61 : i32
    %mul3A_63 = arith.constant 640 : i32
    %mul3A_64 = arith.muli %arg1, %mul3A_63 : i32
    "tpu.region"() ({
      %run_scoped3A_65 = tpu.sem_alloc : memref<!tpu.dma_semaphore, #tpu.memory_space<semaphore_mem>>
      %dma_start3A_66 = arith.constant 0 : i32
      %dma_start3A_67 = tpu.memref_slice %arg6[%arg0, %mul3A_64, %dma_start3A_66] : memref<2x10240x128xf32, #tpu.memory_space<hbm>> -> memref<1x640x128xf32, #tpu.memory_space<hbm>>
      %dma_start3A_68 = tpu.memref_squeeze %dma_start3A_67 : memref<1x640x128xf32, #tpu.memory_space<hbm>> -> memref<640x128xf32, #tpu.memory_space<hbm>>
      %dma_start3A_69 = arith.constant 0 : i32
      %dma_start3A_70 = tpu.memref_slice %arg10[%mul3A_62, %dma_start3A_69] : memref<10240x128xf32, #tpu.memory_space<vmem_shared>> -> memref<640x128xf32, #tpu.memory_space<vmem_shared>>
      tpu.enqueue_dma source(%dma_start3A_70 : memref<640x128xf32, #tpu.memory_space<vmem_shared>>) target(%dma_start3A_68 : memref<640x128xf32, #tpu.memory_space<hbm>>) target_semaphore(%run_scoped3A_65 : memref<!tpu.dma_semaphore, #tpu.memory_space<semaphore_mem>>)
      %dma_wait3A_71 = arith.constant 0 : i32
      %dma_wait3A_72 = tpu.memref_slice %arg6[%arg0, %mul3A_64, %dma_wait3A_71] : memref<2x10240x128xf32, #tpu.memory_space<hbm>> -> memref<1x640x128xf32, #tpu.memory_space<hbm>>
      %dma_wait3A_73 = tpu.memref_squeeze %dma_wait3A_72 : memref<1x640x128xf32, #tpu.memory_space<hbm>> -> memref<640x128xf32, #tpu.memory_space<hbm>>
      %dma_wait3A_74 = arith.constant 0 : i32
      %dma_wait3A_75 = tpu.memref_slice %arg10[%mul3A_62, %dma_wait3A_74] : memref<10240x128xf32, #tpu.memory_space<vmem_shared>> -> memref<640x128xf32, #tpu.memory_space<vmem_shared>>
      tpu.wait_dma2 semaphore(%run_scoped3A_65 : memref<!tpu.dma_semaphore, #tpu.memory_space<semaphore_mem>>) src(%dma_wait3A_75 : memref<640x128xf32, #tpu.memory_space<vmem_shared>>) dst(%dma_wait3A_73 : memref<640x128xf32, #tpu.memory_space<hbm>>)
      tpu.yield
    }) : () -> ()
    return
  }
}

module attributes {stable_mosaic.version = 14 : i64} {
  func.func @body(%arg0: memref<10240x32xf32, #tpu.memory_space<vmem>>, %arg1: memref<10000x256xf32, #tpu.memory_space<vmem>>, %arg2: memref<10000x1xf32, #tpu.memory_space<vmem>>, %arg3: memref<20000x128xf32, #tpu.memory_space<vmem>>) attributes {dimension_semantics = [], scalar_prefetch = 0 : i64, scratch_operands = 0 : i64, tpu.core_type = #tpu.core_type<tc>} {
    %get3A = arith.constant 0 : index
    %get3A_0 = arith.constant 0 : index
    %get3A_1 = vector.load %arg0[%get3A, %get3A_0] : memref<10240x32xf32, #tpu.memory_space<vmem>>, vector<10000x32xf32>
    %reduce_sum3A = arith.constant dense<0.000000e+00> : vector<10000xf32>
    %reduce_sum3A_2 = vector.multi_reduction <add>, %get3A_1, %reduce_sum3A [1] : vector<10000x32xf32> to vector<10000xf32>
    %broadcast_in_dim3A = vector.shape_cast %reduce_sum3A_2 : vector<10000xf32> to vector<10000x1xf32>
    %add3A = arith.constant 1.000000e+00 : f32
    %add3A_3 = vector.broadcast %add3A : f32 to vector<10000x1xf32>
    %add3A_4 = arith.addf %broadcast_in_dim3A, %add3A_3 : vector<10000x1xf32>
    %rsqrt3A = math.rsqrt %add3A_4 : vector<10000x1xf32>
    %get3A_5 = arith.constant 0 : index
    %get3A_6 = arith.constant 0 : index
    %get3A_7 = vector.load %arg1[%get3A_5, %get3A_6] : memref<10000x256xf32, #tpu.memory_space<vmem>>, vector<10000x256xf32>
    %mul3A = vector.broadcast %rsqrt3A : vector<10000x1xf32> to vector<10000x256xf32>
    %mul3A_8 = arith.mulf %get3A_7, %mul3A : vector<10000x256xf32>
    %swap3A = arith.constant 0 : index
    %swap3A_9 = arith.constant 0 : index
    %swap3A_10 = vector.load %arg2[%swap3A, %swap3A_9] : memref<10000x1xf32, #tpu.memory_space<vmem>>, vector<10000x1xf32>
    tpu.vector_store %arg2[%swap3A, %swap3A_9], %rsqrt3A {strides = array<i32>} : memref<10000x1xf32, #tpu.memory_space<vmem>>, vector<10000x1xf32>,
    %slice3A = vector.extract_strided_slice %mul3A_8 {offsets = [0, 0], sizes = [10000, 128], strides = [1, 1]} : vector<10000x256xf32> to vector<10000x128xf32>
    %swap3A_11 = arith.constant 0 : index
    %swap3A_12 = arith.constant 0 : index
    %swap3A_13 = vector.load %arg3[%swap3A_11, %swap3A_12] : memref<20000x128xf32, #tpu.memory_space<vmem>>, vector<10000x128xf32>
    tpu.vector_store %arg3[%swap3A_11, %swap3A_12], %slice3A {strides = array<i32>} : memref<20000x128xf32, #tpu.memory_space<vmem>>, vector<10000x128xf32>,
    %slice3A_14 = vector.extract_strided_slice %mul3A_8 {offsets = [0, 128], sizes = [10000, 128], strides = [1, 1]} : vector<10000x256xf32> to vector<10000x128xf32>
    %swap3A_15 = arith.constant 10000 : index
    %swap3A_16 = arith.constant 0 : index
    %swap3A_17 = vector.load %arg3[%swap3A_15, %swap3A_16] : memref<20000x128xf32, #tpu.memory_space<vmem>>, vector<10000x128xf32>
    tpu.vector_store %arg3[%swap3A_15, %swap3A_16], %slice3A_14 {strides = array<i32>} : memref<20000x128xf32, #tpu.memory_space<vmem>>, vector<10000x128xf32>,
    return
  }
}

module attributes {stable_mosaic.version = 14 : i64} {
  func.func @body(%arg0: memref<10240x256xf32, #tpu.memory_space<vmem>>, %arg1: memref<20000x128xf32, #tpu.memory_space<vmem>>, %arg2: memref<10000x1xf32, #tpu.memory_space<vmem>>, %arg3: memref<20000x128xf32, #tpu.memory_space<vmem>>) attributes {dimension_semantics = [], scalar_prefetch = 0 : i64, scratch_operands = 0 : i64, tpu.core_type = #tpu.core_type<tc>} {
    %get3A = arith.constant 0 : index
    %get3A_0 = arith.constant 0 : index
    %get3A_1 = vector.load %arg2[%get3A, %get3A_0] : memref<10000x1xf32, #tpu.memory_space<vmem>>, vector<10000x1xf32>
    %get3A_2 = arith.constant 0 : index
    %get3A_3 = arith.constant 0 : index
    %get3A_4 = vector.load %arg2[%get3A_2, %get3A_3] : memref<10000x1xf32, #tpu.memory_space<vmem>>, vector<10000x1xf32>
    %mul3A = arith.mulf %get3A_1, %get3A_4 : vector<10000x1xf32>
    %get3A_5 = arith.constant 0 : index
    %get3A_6 = arith.constant 0 : index
    %get3A_7 = vector.load %arg0[%get3A_5, %get3A_6] : memref<10240x256xf32, #tpu.memory_space<vmem>>, vector<10000x128xf32>
    %get3A_8 = arith.constant 0 : index
    %get3A_9 = arith.constant 0 : index
    %get3A_10 = vector.load %arg1[%get3A_8, %get3A_9] : memref<20000x128xf32, #tpu.memory_space<vmem>>, vector<10000x128xf32>
    %add3A = arith.addf %get3A_7, %get3A_10 : vector<10000x128xf32>
    %mul3A_11 = vector.broadcast %mul3A : vector<10000x1xf32> to vector<10000x128xf32>
    %mul3A_12 = arith.mulf %add3A, %mul3A_11 : vector<10000x128xf32>
    %swap3A = arith.constant 0 : index
    %swap3A_13 = arith.constant 0 : index
    %swap3A_14 = vector.load %arg3[%swap3A, %swap3A_13] : memref<20000x128xf32, #tpu.memory_space<vmem>>, vector<10000x128xf32>
    tpu.vector_store %arg3[%swap3A, %swap3A_13], %mul3A_12 {strides = array<i32>} : memref<20000x128xf32, #tpu.memory_space<vmem>>, vector<10000x128xf32>,
    %get3A_15 = arith.constant 0 : index
    %get3A_16 = arith.constant 128 : index
    %get3A_17 = vector.load %arg0[%get3A_15, %get3A_16] : memref<10240x256xf32, #tpu.memory_space<vmem>>, vector<10000x128xf32>
    %get3A_18 = arith.constant 10000 : index
    %get3A_19 = arith.constant 0 : index
    %get3A_20 = vector.load %arg1[%get3A_18, %get3A_19] : memref<20000x128xf32, #tpu.memory_space<vmem>>, vector<10000x128xf32>
    %add3A_21 = arith.addf %get3A_17, %get3A_20 : vector<10000x128xf32>
    %mul3A_22 = vector.broadcast %mul3A : vector<10000x1xf32> to vector<10000x128xf32>
    %mul3A_23 = arith.mulf %add3A_21, %mul3A_22 : vector<10000x128xf32>
    %swap3A_24 = arith.constant 10000 : index
    %swap3A_25 = arith.constant 0 : index
    %swap3A_26 = vector.load %arg3[%swap3A_24, %swap3A_25] : memref<20000x128xf32, #tpu.memory_space<vmem>>, vector<10000x128xf32>
    tpu.vector_store %arg3[%swap3A_24, %swap3A_25], %mul3A_23 {strides = array<i32>} : memref<20000x128xf32, #tpu.memory_space<vmem>>, vector<10000x128xf32>,
    return
  }
}

module attributes {stable_mosaic.version = 14 : i64} {
  func.func @body(%arg0: memref<10240x256xf32, #tpu.memory_space<vmem>>, %arg1: memref<20000x128xf32, #tpu.memory_space<vmem>>, %arg2: memref<10000x1xf32, #tpu.memory_space<vmem>>, %arg3: memref<256x256xf32, #tpu.memory_space<vmem>>, %arg4: memref<1x256xf32, #tpu.memory_space<vmem>>, %arg5: memref<256x256xf32, #tpu.memory_space<vmem>>, %arg6: memref<1x256xf32, #tpu.memory_space<vmem>>, %arg7: memref<256x64xf32, #tpu.memory_space<vmem>>, %arg8: memref<1x64xf32, #tpu.memory_space<vmem>>, %arg9: memref<10000x128xf32, #tpu.memory_space<vmem>>, %arg10: memref<1x64xf32, #tpu.memory_space<vmem>>) attributes {dimension_semantics = [], scalar_prefetch = 0 : i64, scratch_operands = 0 : i64, tpu.core_type = #tpu.core_type<tc>} {
    %get3A = arith.constant 0 : index
    %get3A_0 = arith.constant 0 : index
    %get3A_1 = vector.load %arg2[%get3A, %get3A_0] : memref<10000x1xf32, #tpu.memory_space<vmem>>, vector<10000x1xf32>
    %get3A_2 = arith.constant 0 : index
    %get3A_3 = arith.constant 0 : index
    %get3A_4 = vector.load %arg1[%get3A_2, %get3A_3] : memref<20000x128xf32, #tpu.memory_space<vmem>>, vector<10000x128xf32>
    %get3A_5 = arith.constant 10000 : index
    %get3A_6 = arith.constant 0 : index
    %get3A_7 = vector.load %arg1[%get3A_5, %get3A_6] : memref<20000x128xf32, #tpu.memory_space<vmem>>, vector<10000x128xf32>
    %concatenate3A = tpu.concatenate %get3A_4, %get3A_7 in 1 : vector<10000x128xf32>, vector<10000x128xf32> -> vector<10000x256xf32>
    %get3A_8 = arith.constant 0 : index
    %get3A_9 = arith.constant 0 : index
    %get3A_10 = vector.load %arg0[%get3A_8, %get3A_9] : memref<10240x256xf32, #tpu.memory_space<vmem>>, vector<10000x256xf32>
    %add3A = arith.addf %get3A_10, %concatenate3A : vector<10000x256xf32>
    %mul3A = vector.broadcast %get3A_1 : vector<10000x1xf32> to vector<10000x256xf32>
    %mul3A_11 = arith.mulf %add3A, %mul3A : vector<10000x256xf32>
    %get3A_12 = arith.constant 0 : index
    %get3A_13 = arith.constant 0 : index
    %get3A_14 = vector.load %arg3[%get3A_12, %get3A_13] : memref<256x256xf32, #tpu.memory_space<vmem>>, vector<256x256xf32>
    %dot_general3A = arith.constant dense<0.000000e+00> : vector<10000x256xf32>
    %dot_general3A_15 = tpu.matmul %mul3A_11, %get3A_14, %dot_general3A {dimension_numbers = #tpu.dot_dimension_numbers<[1], [0], [0], [1], [0, 0, 1, 1], [], []>, transpose_lhs_hint = false} : vector<10000x256xf32>, vector<256x256xf32>, vector<10000x256xf32> -> vector<10000x256xf32>
    %get3A_16 = arith.constant 0 : index
    %get3A_17 = arith.constant 0 : index
    %get3A_18 = vector.load %arg4[%get3A_16, %get3A_17] : memref<1x256xf32, #tpu.memory_space<vmem>>, vector<1x256xf32>
    %add3A_19 = vector.broadcast %get3A_18 : vector<1x256xf32> to vector<10000x256xf32>
    %add3A_20 = arith.addf %dot_general3A_15, %add3A_19 : vector<10000x256xf32>
    %max3A = arith.constant 0.000000e+00 : f32
    %max3A_21 = vector.broadcast %max3A : f32 to vector<10000x256xf32>
    %max3A_22 = arith.maximumf %add3A_20, %max3A_21 : vector<10000x256xf32>
    %get3A_23 = arith.constant 0 : index
    %get3A_24 = arith.constant 0 : index
    %get3A_25 = vector.load %arg5[%get3A_23, %get3A_24] : memref<256x256xf32, #tpu.memory_space<vmem>>, vector<256x256xf32>
    %get3A_26 = arith.constant 0 : index
    %get3A_27 = arith.constant 0 : index
    %get3A_28 = vector.load %arg7[%get3A_26, %get3A_27] : memref<256x64xf32, #tpu.memory_space<vmem>>, vector<256x64xf32>
    %dot_general3A_29 = arith.constant dense<0.000000e+00> : vector<256x64xf32>
    %dot_general3A_30 = tpu.matmul %get3A_25, %get3A_28, %dot_general3A_29 {dimension_numbers = #tpu.dot_dimension_numbers<[1], [0], [0], [1], [0, 0, 1, 1], [], []>, transpose_lhs_hint = false} : vector<256x256xf32>, vector<256x64xf32>, vector<256x64xf32> -> vector<256x64xf32>
    %dot_general3A_31 = arith.constant dense<0.000000e+00> : vector<10000x64xf32>
    %dot_general3A_32 = tpu.matmul %max3A_22, %dot_general3A_30, %dot_general3A_31 {dimension_numbers = #tpu.dot_dimension_numbers<[1], [0], [0], [1], [0, 0, 1, 1], [], []>, transpose_lhs_hint = false} : vector<10000x256xf32>, vector<256x64xf32>, vector<10000x64xf32> -> vector<10000x64xf32>
    %mul3A_33 = vector.broadcast %get3A_1 : vector<10000x1xf32> to vector<10000x64xf32>
    %mul3A_34 = arith.mulf %dot_general3A_32, %mul3A_33 : vector<10000x64xf32>
    %broadcast_in_dim3A = arith.constant 0.000000e+00 : f32
    %broadcast_in_dim3A_35 = vector.broadcast %broadcast_in_dim3A : f32 to vector<10000x64xf32>
    %concatenate3A_36 = tpu.concatenate %mul3A_34, %broadcast_in_dim3A_35 in 1 : vector<10000x64xf32>, vector<10000x64xf32> -> vector<10000x128xf32>
    %swap3A = arith.constant 0 : index
    %swap3A_37 = arith.constant 0 : index
    %swap3A_38 = vector.load %arg9[%swap3A, %swap3A_37] : memref<10000x128xf32, #tpu.memory_space<vmem>>, vector<10000x128xf32>
    tpu.vector_store %arg9[%swap3A, %swap3A_37], %concatenate3A_36 {strides = array<i32>} : memref<10000x128xf32, #tpu.memory_space<vmem>>, vector<10000x128xf32>,
    %get3A_39 = arith.constant 0 : index
    %get3A_40 = arith.constant 0 : index
    %get3A_41 = vector.load %arg6[%get3A_39, %get3A_40] : memref<1x256xf32, #tpu.memory_space<vmem>>, vector<1x256xf32>
    %get3A_42 = arith.constant 0 : index
    %get3A_43 = arith.constant 0 : index
    %get3A_44 = vector.load %arg7[%get3A_42, %get3A_43] : memref<256x64xf32, #tpu.memory_space<vmem>>, vector<256x64xf32>
    %dot_general3A_45 = arith.constant dense<0.000000e+00> : vector<1x64xf32>
    %dot_general3A_46 = tpu.matmul %get3A_41, %get3A_44, %dot_general3A_45 {dimension_numbers = #tpu.dot_dimension_numbers<[1], [0], [0], [1], [0, 0, 1, 1], [], []>, transpose_lhs_hint = false} : vector<1x256xf32>, vector<256x64xf32>, vector<1x64xf32> -> vector<1x64xf32>
    %get3A_47 = arith.constant 0 : index
    %get3A_48 = arith.constant 0 : index
    %get3A_49 = vector.load %arg8[%get3A_47, %get3A_48] : memref<1x64xf32, #tpu.memory_space<vmem>>, vector<1x64xf32>
    %add3A_50 = arith.addf %dot_general3A_46, %get3A_49 : vector<1x64xf32>
    %swap3A_51 = arith.constant 0 : index
    %swap3A_52 = arith.constant 0 : index
    %swap3A_53 = vector.load %arg10[%swap3A_51, %swap3A_52] : memref<1x64xf32, #tpu.memory_space<vmem>>, vector<1x64xf32>
    tpu.vector_store %arg10[%swap3A_51, %swap3A_52], %add3A_50 {strides = array<i32>} : memref<1x64xf32, #tpu.memory_space<vmem>>, vector<1x64xf32>,
    return
  }
}

module attributes {stable_mosaic.version = 14 : i64} {
  func.func @body(%arg0: memref<2x10240x128xf32, #tpu.memory_space<vmem>>, %arg1: memref<10000x128xf32, #tpu.memory_space<vmem>>, %arg2: memref<10000x1xf32, #tpu.memory_space<vmem>>, %arg3: memref<10000x128xf32, #tpu.memory_space<vmem>>) attributes {dimension_semantics = [], scalar_prefetch = 0 : i64, scratch_operands = 0 : i64, tpu.core_type = #tpu.core_type<tc>} {
    %get3A = arith.constant 0 : index
    %get3A_0 = arith.constant 0 : index
    %get3A_1 = vector.load %arg2[%get3A, %get3A_0] : memref<10000x1xf32, #tpu.memory_space<vmem>>, vector<10000x1xf32>
    %get3A_2 = arith.constant 0 : index
    %get3A_3 = arith.constant 0 : index
    %get3A_4 = vector.load %arg2[%get3A_2, %get3A_3] : memref<10000x1xf32, #tpu.memory_space<vmem>>, vector<10000x1xf32>
    %mul3A = arith.mulf %get3A_1, %get3A_4 : vector<10000x1xf32>
    %get3A_5 = arith.constant 0 : index
    %get3A_6 = arith.constant 0 : index
    %get3A_7 = arith.constant 0 : index
    %get3A_8 = vector.load %arg0[%get3A_5, %get3A_6, %get3A_7] : memref<2x10240x128xf32, #tpu.memory_space<vmem>>, vector<1x10000x128xf32>
    %get3A_9 = vector.shape_cast %get3A_8 : vector<1x10000x128xf32> to vector<10000x128xf32>
    %get3A_10 = arith.constant 1 : index
    %get3A_11 = arith.constant 0 : index
    %get3A_12 = arith.constant 0 : index
    %get3A_13 = vector.load %arg0[%get3A_10, %get3A_11, %get3A_12] : memref<2x10240x128xf32, #tpu.memory_space<vmem>>, vector<1x10000x128xf32>
    %get3A_14 = vector.shape_cast %get3A_13 : vector<1x10000x128xf32> to vector<10000x128xf32>
    %add3A = arith.addf %get3A_9, %get3A_14 : vector<10000x128xf32>
    %get3A_15 = arith.constant 0 : index
    %get3A_16 = arith.constant 0 : index
    %get3A_17 = vector.load %arg1[%get3A_15, %get3A_16] : memref<10000x128xf32, #tpu.memory_space<vmem>>, vector<10000x128xf32>
    %add3A_18 = arith.addf %add3A, %get3A_17 : vector<10000x128xf32>
    %mul3A_19 = vector.broadcast %mul3A : vector<10000x1xf32> to vector<10000x128xf32>
    %mul3A_20 = arith.mulf %add3A_18, %mul3A_19 : vector<10000x128xf32>
    %swap3A = arith.constant 0 : index
    %swap3A_21 = arith.constant 0 : index
    %swap3A_22 = vector.load %arg3[%swap3A, %swap3A_21] : memref<10000x128xf32, #tpu.memory_space<vmem>>, vector<10000x128xf32>
    tpu.vector_store %arg3[%swap3A, %swap3A_21], %mul3A_20 {strides = array<i32>} : memref<10000x128xf32, #tpu.memory_space<vmem>>, vector<10000x128xf32>,
    return
  }
}

module attributes {stable_mosaic.version = 14 : i64} {
  func.func @body(%arg0: memref<2x10240x128xf32, #tpu.memory_space<vmem>>, %arg1: memref<10000x128xf32, #tpu.memory_space<vmem>>, %arg2: memref<10000x1xf32, #tpu.memory_space<vmem>>, %arg3: memref<1x64xf32, #tpu.memory_space<vmem>>, %arg4: memref<10000x64xf32, #tpu.memory_space<vmem>>) attributes {dimension_semantics = [], scalar_prefetch = 0 : i64, scratch_operands = 0 : i64, tpu.core_type = #tpu.core_type<tc>} {
    %get3A = arith.constant 0 : index
    %get3A_0 = arith.constant 0 : index
    %get3A_1 = arith.constant 0 : index
    %get3A_2 = vector.load %arg0[%get3A, %get3A_0, %get3A_1] : memref<2x10240x128xf32, #tpu.memory_space<vmem>>, vector<1x10000x128xf32>
    %get3A_3 = vector.shape_cast %get3A_2 : vector<1x10000x128xf32> to vector<10000x128xf32>
    %get3A_4 = arith.constant 1 : index
    %get3A_5 = arith.constant 0 : index
    %get3A_6 = arith.constant 0 : index
    %get3A_7 = vector.load %arg0[%get3A_4, %get3A_5, %get3A_6] : memref<2x10240x128xf32, #tpu.memory_space<vmem>>, vector<1x10000x128xf32>
    %get3A_8 = vector.shape_cast %get3A_7 : vector<1x10000x128xf32> to vector<10000x128xf32>
    %add3A = arith.addf %get3A_3, %get3A_8 : vector<10000x128xf32>
    %get3A_9 = arith.constant 0 : index
    %get3A_10 = arith.constant 0 : index
    %get3A_11 = vector.load %arg1[%get3A_9, %get3A_10] : memref<10000x128xf32, #tpu.memory_space<vmem>>, vector<10000x128xf32>
    %add3A_12 = arith.addf %add3A, %get3A_11 : vector<10000x128xf32>
    %slice3A = vector.extract_strided_slice %add3A_12 {offsets = [0, 0], sizes = [10000, 64], strides = [1, 1]} : vector<10000x128xf32> to vector<10000x64xf32>
    %get3A_13 = arith.constant 0 : index
    %get3A_14 = arith.constant 0 : index
    %get3A_15 = vector.load %arg2[%get3A_13, %get3A_14] : memref<10000x1xf32, #tpu.memory_space<vmem>>, vector<10000x1xf32>
    %mul3A = vector.broadcast %get3A_15 : vector<10000x1xf32> to vector<10000x64xf32>
    %mul3A_16 = arith.mulf %slice3A, %mul3A : vector<10000x64xf32>
    %get3A_17 = arith.constant 0 : index
    %get3A_18 = arith.constant 0 : index
    %get3A_19 = vector.load %arg3[%get3A_17, %get3A_18] : memref<1x64xf32, #tpu.memory_space<vmem>>, vector<1x64xf32>
    %add3A_20 = vector.broadcast %get3A_19 : vector<1x64xf32> to vector<10000x64xf32>
    %add3A_21 = arith.addf %mul3A_16, %add3A_20 : vector<10000x64xf32>
    %swap3A = arith.constant 0 : index
    %swap3A_22 = arith.constant 0 : index
    %swap3A_23 = vector.load %arg4[%swap3A, %swap3A_22] : memref<10000x64xf32, #tpu.memory_space<vmem>>, vector<10000x64xf32>
    tpu.vector_store %arg4[%swap3A, %swap3A_22], %add3A_21 {strides = array<i32>} : memref<10000x64xf32, #tpu.memory_space<vmem>>, vector<10000x64xf32>,
    return
  }
}

</mosaic_0001>

<sc_bundles>
// kernel: kernel.13.cloned.1.call-start
scs
__scs_entry_jumppad:
0x0: {  	(pc) =	sbr.rel $0x88, $3  }
0x1: {  	(tag) =	ssettag $0x0;
	lr =	simm.s32 $0x1  }
0x2: {  	[smem:$0x3F99] =	sst lr;
	_ =	strace $0xD0000000  }
0x3: {  	_ = 	snop  }
0x4: {  	_ = 	snop  }
0x5: {  	_ = 	snop  }
0x6: {  	_ = 	snop  }
0x7: {  	_ = 	snop  }
__scs_overlays_trampoline_lowered:
0x8: {  	[smem:$0x3FA8] =	sst s0  }
0x9: {  	[smem:$0x3FA9] =	sst s1  }
0xa: {  	[smem:$0x3FAA] =	sst s2  }
0xb: {  	[smem:$0x3FAB] =	sst s3  }
0xc: {  	[smem:$0x3FAC] =	sst s4  }
0xd: {  	[smem:$0x3FAD] =	sst s5  }
0xe: {  	[smem:$0x3FAE] =	sst s6  }
0xf: {  	[smem:$0x3FAF] =	sst s7  }
0x10: {  	[smem:$0x3FB0] =	sst s8  }
0x11: {  	[smem:$0x3FB1] =	sst s9;
	s0 =	simm.s32 @!p0 $0x0  }
0x12: {  	s1 =	sld [smem:$0x3F97];
	s0 =	simm.s32 @p0 $0x1  }
0x13: {  	[smem:$0x3FB2] =	sst s0;
	s0 =	simm.s32 @!p1 $0x0  }
0x14: {  	s2 =	sld [smem:$0x3F96];
	s0 =	simm.s32 @p1 $0x1  }
0x15: {  	[smem:$0x3FB3] =	sst s0;
	s0 =	simm.s32 @!p2 $0x0  }
0x16: {  	s3 =	sld [smem:$0x3FDB];
	s0 =	simm.s32 @p2 $0x1  }
0x17: {  	s4 =	simm.s32 $0x1BF5;
	[smem:$0x3FB5] =	sst s0  }
0x18: {  	s0 =	sld [smem:$0x3F98];
	_ =	swait.ge [sflag:s4], $0x0  }
0x19: {  	s7 =	sld [smem:$0x3F99]  }
0x1a: {  	s8 =	sadd.s32 $0xFFFFE003, lr  }
0x1b: {  	s9 =	sadd.s32 $0xFFFFFEF7, lr;
	s5 =	simm.s32 $0xFFFFFFFF;
	p2 =	slt.u32 s8, $0xFFFFF086  }
0x1c: {  	p1 =	slt.u32 s9, $0xF7A;
	s5 =	simm.s32 @!p2 $0x0  }
0x1d: {  	s5 =	simm.s32 @p1 $0x1;
	p0 =	seq.s32 s7, s2  }
0x1e: {  	s7 =	smul.u32 @!p0 $0xF7A, s2;
	p2 =	seq.s32 @!p0 s5, $0x0  }
0x1f: {  	s9 =	smul.u32 $0xF7A, s1;
	s8 =	simm.s32 @!p0 $0x1BF5;
	p2 =	por !p2, p0  }
0x20: {  	[sflag:s8] =	ssyncset.s32 @!p0 $0xFFFFF086;
	s6 =	sadd.s32 @!p0 s3, s7;
	s7 =	simm.s32 @!p0 $0x108  }
0x21: {  	s3 =	sadd.s32 s3, s9;
	s6 =	sadd.s32 @!p0 $0x88, s6;
	s7 =	simm.s32 @p2 $0x1082  }
0x22: {  	[simem:s7], [sflag:s8] =	dma.local @!p0 [hbm:s6], $0xF7A  }
0x23: {  	s9 =	sor.u32 $0xD0000000, s2;
	s6 =	simm.s32 $0x108;
	_ =	swait.ge @!p0 [sflag:s8], $0x0  }
0x24: {  	s3 =	sadd.s32 $0x88, s3;
	s6 =	simm.s32 @!p1 $0x1082;
	[sflag:s4] =	ssyncset.s32 $0xFFFFF086  }
0x25: {  	[simem:s6], [sflag:s4] =	dma.local [hbm:s3], $0xF7A  }
0x26: {  	[smem:$0x3F99] =	sst s1;
	(tag) =	ssettag s2;
	_ =	strace s9  }
0x27: {  	s1 =	sld [smem:$0x3FA9]  }
0x28: {  	s2 =	sld [smem:$0x3FAA]  }
0x29: {  	s4 =	sld [smem:$0x3FAC]  }
0x2a: {  	p0 =	seq.s32 s5, $0x0;
	s5 =	sld [smem:$0x3FAD]  }
0x2b: {  	s6 =	sld [smem:$0x3FAE]  }
0x2c: {  	s7 =	sld [smem:$0x3FAF]  }
0x2d: {  	s3 =	simm.s32 $0x108;
	s8 =	sld [smem:$0x3FB0]  }
0x2e: {  	s3 =	simm.s32 @!p0 $0x1082;
	s9 =	sld [smem:$0x3FB1]  }
0x2f: {  	lr =	sadd.s32 s0, s3;
	s0 =	sld [smem:$0x3FA8]  }
0x30: {  	s3 =	sld [smem:$0x3FAB]  }
0x31: {  	[smem:$0x3FB4] =	sst s10  }
0x32: {  	s10 =	sld [smem:$0x3FB2];
	_ =	sdelay $0x3  }
0x33: {  	p0 =	seq.s32 s10, $0x1;
	s10 =	sld [smem:$0x3FB4];
	_ =	sdelay $0x3  }
0x34: {  	[smem:$0x3FB4] =	sst s10  }
0x35: {  	s10 =	sld [smem:$0x3FB3];
	_ =	sdelay $0x3  }
0x36: {  	p1 =	seq.s32 s10, $0x1;
	s10 =	sld [smem:$0x3FB4];
	_ =	sdelay $0x3  }
0x37: {  	[smem:$0x3FB4] =	sst s10  }
0x38: {  	s10 =	sld [smem:$0x3FB5]  }
0x39: {  	_ = 	snop;
	(pc) =	sbr.ind lr, $3  }
0x3a: {  	_ = 	snop  }
0x3b: {  	_ = 	snop  }
0x3c: {  	p2 =	seq.s32 s10, $0x1;
	s10 =	sld [smem:$0x3FB4]  }
0x3d: {  	_ =	shalt  }
0x3e: {  	_ =	shalt  }
0x3f: {  	_ =	shalt  }
0x40: {  	_ =	shalt  }
0x41: {  	_ =	shalt  }
0x42: {  	_ =	shalt  }
0x43: {  	_ =	shalt  }
0x44: {  	_ =	shalt  }
0x45: {  	_ =	shalt  }
0x46: {  	_ =	shalt  }
0x47: {  	_ =	shalt  }
0x48: {  	_ =	shalt  }
0x49: {  	_ =	shalt  }
0x4a: {  	_ =	shalt  }
0x4b: {  	_ =	shalt  }
0x4c: {  	_ =	shalt  }
0x4d: {  	_ =	shalt  }
0x4e: {  	_ =	shalt  }
0x4f: {  	_ =	shalt  }
0x50: {  	_ =	shalt  }
0x51: {  	_ =	shalt  }
0x52: {  	_ =	shalt  }
0x53: {  	_ =	shalt  }
0x54: {  	_ =	shalt  }
0x55: {  	_ =	shalt  }
0x56: {  	_ =	shalt  }
0x57: {  	_ =	shalt  }
0x58: {  	_ =	shalt  }
0x59: {  	_ =	shalt  }
0x5a: {  	_ =	shalt  }
0x5b: {  	_ =	shalt  }
0x5c: {  	_ =	shalt  }
0x5d: {  	_ =	shalt  }
0x5e: {  	_ =	shalt  }
0x5f: {  	_ =	shalt  }
0x60: {  	_ =	shalt  }
0x61: {  	_ =	shalt  }
0x62: {  	_ =	shalt  }
0x63: {  	_ =	shalt  }
0x64: {  	_ =	shalt  }
0x65: {  	_ =	shalt  }
0x66: {  	_ =	shalt  }
0x67: {  	_ =	shalt  }
0x68: {  	_ =	shalt  }
0x69: {  	_ =	shalt  }
0x6a: {  	_ =	shalt  }
0x6b: {  	_ =	shalt  }
0x6c: {  	_ =	shalt  }
0x6d: {  	_ =	shalt  }
0x6e: {  	_ =	shalt  }
0x6f: {  	_ =	shalt  }
0x70: {  	_ =	shalt  }
0x71: {  	_ =	shalt  }
0x72: {  	_ =	shalt  }
0x73: {  	_ =	shalt  }
0x74: {  	_ =	shalt  }
0x75: {  	_ =	shalt  }
0x76: {  	_ =	shalt  }
0x77: {  	_ =	shalt  }
0x78: {  	_ =	shalt  }
0x79: {  	_ =	shalt  }
0x7a: {  	_ =	shalt  }
0x7b: {  	_ =	shalt  }
0x7c: {  	_ =	shalt  }
0x7d: {  	_ =	shalt  }
0x7e: {  	_ =	shalt  }
0x7f: {  	_ =	shalt  }
0x80: {  	_ =	shalt  }
0x81: {  	_ =	shalt  }
0x82: {  	_ =	shalt  }
0x83: {  	_ =	shalt  }
0x84: {  	_ =	shalt  }
0x85: {  	_ =	shalt  }
0x86: {  	_ =	shalt  }
0x87: {  	_ =	shalt  }
.Lfunc_end0:
.L_simem_size_0:
called_computation_lowered:
.L_overlay_start_0:
0x88: {  	s2 =	sld [smem:$0x3FD9]  }
0x89: {  	s3 =	sld [smem:$0x3FFE];
	_ =	sdelay $0x1  }
0x8a: {  	s1 =	srdreg.scid  }
0x8b: {  	s0 =	sand.u32 $0x1, s1  }
0x8c: {  	s16 =	sshll.u32 s0, $0xA;
	s2 =	sadd.s32 s3, s2  }
0x8d: {  	s2 =	sadd.s32 s2, s16  }
0x8e: {  	[smem:$0x3FC0] =	sst s2  }
0x8f: {  	_ = 	snop  }
0x90: {  	(tm) =	ssettm $0x1  }
0x91: {  	s17 =	sld [smem:$0x3FFB];
	_ =	sdelay $0x3  }
0x92: {  	_ =	strace s17  }
0x93: {  	s2 =	sld [smem:$0x3FFC];
	_ =	sdelay $0x3  }
0x94: {  	_ =	strace s2  }
0x95: {  	s2 =	sld [smem:$0x3FFD];
	_ =	sdelay $0x3  }
0x96: {  	_ =	strace s2  }
0x97: {  	_ =	strace $0x8FFFFFFF  }
0x98: {  	s18 =	sld [smem:$0x3FDB];
	_ =	sdelay $0x1  }
0x99: {  	s19 =	simm.s32 $_scs_section_size  }
0x9a: {  	s4 =	simm.s32 $_size__tile_overlayer_lowered;
	s5 =	simm.s32 $_tile_overlayer_lowered  }
0x9b: {  	s22 =	simm.s32 $0x1BFF;
	s21 =	sshll.u32 s5, $0x1;
	s2 =	sadd.s32 s19, s18  }
0x9c: {  	s6 =	simm.s32 $0x0;
	s20 =	sshll.u32 s4, $0x1;
	s4 =	sadd.s32 s21, s2  }
0x9d: {  	[timem:s6], [sflag:s22] =	dma.local [hbm:s4], s20  }
0x9e: {  	_ =	swait.ge [sflag:s22], s20  }
0x9f: {  	s3 =	ssub.s32 $0x0, s20;
	[sflag:s22] =	ssyncset.done $0x0  }
0xa0: {  	[sflag:s22] =	ssyncadd.s32 s3;
	_ =	sdelay $0x1  }
0xa1: {  	s23 =	simm.s32 $0x1B8B  }
0xa2: {  	_ =	swait.ge [sflag:s23], $0x1  }
0xa3: {  	[sflag:s23] =	ssyncset.done $0x0  }
0xa4: {  	s25 =	simm.s32 $0x1B8E;
	s24 =	sld [smem:$0x3FFE];
	[sflag:s23] =	ssyncadd.s32 $0xFFFFFFFF  }
0xa5: {  	s26 =	simm.s32 $execute0_lowered;
	[smem:$0x3FD2] =	sst s25  }
0xa6: {  	s4 =	sshll.u32 s26, $0x1;
	_ =	strace $0x80000046;
	[dreg:$0x1] =	wrdreg $0xFFFFFFFF  }
0xa7: {  	s28 =	simm.s32 $_size_execute0_lowered;
	s2 =	sadd.s32 s2, s4;
	[dreg:$0x0] =	wrdreg $0x0  }
0xa8: {  	s4 =	sshll.u32 s28, $0x1;
	[dreg:$0x2] =	wrdreg s2  }
0xa9: {  	[dreg:$0x3] =	wrdreg s4  }
0xaa: {  	[dreg:$0x4] =	wrdreg $0xC0  }
0xab: {  	_ =	task [dreg:s6], $0x5FFFF  }
0xac: {  	[dreg:$0x1] =	wrdreg $0xFFFFFFFF  }
0xad: {  	[dreg:$0x0] =	wrdreg $0x60  }
0xae: {  	[dreg:$0x2] =	wrdreg s24  }
0xaf: {  	[dreg:$0x3] =	wrdreg $0x9  }
0xb0: {  	_ =	task.clear_ibuf [dreg:s6], $0x4FFFF;
	_ =	strace $0x90000046  }
0xb1: {  	s29 =	simm.s32 $0x9;
	_ =	strace $0x80000048  }
0xb2: {  	_ =	swait.ge [sflag:s29], $0x1  }
0xb3: {  	[sflag:s29] =	ssyncadd.s32 $0xFFFFFFFF  }
0xb4: {  	_ =	strace $0x90000048  }
0xb5: {  	_ =	sfence  }
0xb6: {  	s30 =	sld [smem:$0x0];
	_ =	sdelay $0x2  }
0xb7: {  	s31 =	sshll.u32 s1, $0xD;
	s1 =	sshrl.u32 s1, $0x2  }
0xb8: {  	s3 =	sand.u32 $0x4000, s31;
	s1 =	sadd.s32 s1, s30  }
0xb9: {  	s0 =	sor.u32 s3, s0;
	s1 =	sshll.u32 s1, $0x11  }
0xba: {  	s0 =	sor.u32 s1, s0  }
0xbb: {  	s0 =	sadd.s32 $0x8F2B, s0  }
0xbc: {  	[sflag:s0] =	ssyncadd.remote.s32 $0x1  }
0xbd: {  	_ =	sfence.sel $0xFFFF  }
0xbe: {  	[dreg:$0x0] =	wrdreg $0xFFFFFFFF;
	(pc) =	sbr.abs _section_cstart, $3  }
0xbf: {  	[dreg:$0x1] =	wrdreg $0xFFFFFFFF  }
0xc0: {  	_ =	task.clear_ibuf [dreg:s6], $0x2FFFF;
	_ =	strace $0x9FFFFFFF  }
0xc1: {  	(tm) =	ssettm $0x7FFFFFFF  }
tec
execute0_lowered:
.L_overlay_start_1:
0x0: {  	(tag) =	ssettag $0x1  }
0x1: {  	s0 =	srdreg.scid  }
0x2: {  	s4 =	rddreg [dreg:$0x0];
	s1 =	stileid.u32  }
0x3: {  	s7 =	simm.s32 $0x1;
	s8 =	simm.s32 $0x1400;
	s3 =	sand.u32 $0x1, s0  }
0x4: {  	s9 =	simm.s32 $0x3C00;
	s10 =	simm.s32 $0x2800;
	s2 =	sshll.u32 s3, $0x4  }
0x5: {  	s0 =	rddreg [dreg:$0x1];
	s3 =	ssub.s32 $0x2, s3;
	s5 =	sor.u32 s1, s2  }
0x6: {  	v0 =	vimm.s32 $0x0;
	vm7 =	vcmask $0x3F04;
	vm5 =	vcmask $0x3F08;
	s2 =	simm.s32 $0x0;
	s6 =	sshrl.u32 s3, $0x1;
	s5 =	smul.u32 $0x280, s5  }
0x7: {  	vm6 =	vcmask $0x3F0C;
	vm4 =	vcmask $0x3F10;
	vm8 =	vcmask $0x3F14;
	s11 =	simm.s32 $0x0;
	[smem:$0x7FF] =	sst s2;
	s6 =	ssub.s32 s3, s6  }
0x8: {  	vm15 =	vcmask $0x3F18;
	vm10 =	vcmask $0x3F1C;
	vm12 =	vcmask $0x3F20;
	_ =	strace $0x80000047;
	s6 =	smax.u32 s6, $0x1;
	s5 =	sadd.s32 s5, s4  }
0x9: {  	vm11 =	vcmask $0x3F24;
	vm13 =	vcmask $0x3F28;
	vm14 =	vcmask $0x3F2C;
	s3 =	sadd.s32 $0x8000, s5;
	s4 =	sadd.s32 $0x3000, s5;
	s5 =	sadd.s32 $0xD000, s5  }
.LBB2_1:
0xa: {  	[tilespmem:s2], [sflag:$0x1] =	stream.linear.gather [hbm4b:s3+s2], $0x1400, $0x38;
	[tilespmem:$0x3C80] =	vst v63  }
0xb: {  	_ =	swait.ge [sflag:s7], $0x1400  }
0xc: {  	[sflag:s7] =	ssyncset.done $0x0  }
0xd: {  	[sflag:s7] =	ssyncadd.s32 $0xFFFFEC00  }
0xe: {  	[tilespmem:s8], [sflag:$0x1] =	stream.linear.gather [hbm4b:s4+s2], $0x1400, $0x38;
	[tilespmem:$0x3C80] =	vst v63  }
0xf: {  	_ =	swait.ge [sflag:s7], $0x1400  }
0x10: {  	[sflag:s7] =	ssyncset.done $0x0  }
0x11: {  	[sflag:s7] =	ssyncadd.s32 $0xFFFFEC00  }
0x12: {  	[tilespmem:$0x3C00] =	vst v0  }
0x13: {  	s13 =	simm.s32 $0x0;
	s12 =	simm.s32 $0x40;
	[tilespmem:$0x3C10] =	vst v0  }
.LBB2_2:
0x14: {  	p0 =	sne.s32 s12, $0x4FC0;
	v1 =	vld [tilespmem:s13+$0x0];
	_ =	sdelay $0x4  }
0x15: {  	v1 =	vshra.s32 v1, $0x9;
	_ =	sdelay $0x1  }
0x16: {  	v2 =	vbroadcast v1, $0xF  }
0x17: {  	v3 =	vbroadcast v1, $0xD;
	v4 =	vbroadcast v1, $0xE  }
0x18: {  	v5 =	vbroadcast v1, $0xB;
	v6 =	vbroadcast v1, $0xC  }
0x19: {  	v7 =	vbroadcast v1, $0x9;
	v8 =	vbroadcast v1, $0xA;
	v9 =	vld.idx.msk [tilespmem:v1+s9+$0x0], $0xffff  }
0x1a: {  	v10 =	vbroadcast v1, $0x7;
	v11 =	vbroadcast v1, $0x8  }
0x1b: {  	v12 =	vbroadcast v1, $0x1;
	v13 =	vbroadcast v1, $0x6  }
0x1c: {  	v14 =	vbroadcast v1, $0x0;
	v15 =	vbroadcast v1, $0x5  }
0x1d: {  	v16 =	vbroadcast v1, $0x4;
	vm0 =	veq.s32 v1, v12;
	v12 =	vbroadcast v1, $0x2  }
0x1e: {  	v17 =	vbroadcast v1, $0x3;
	vm1 =	veq.s32 v1, v14;
	v14 =	vsel vm0, $0x1, v0  }
0x1f: {  	v18 =	vsel vm1, $0x1, v0;
	vm0 =	veq.s32 v1, v12;
	v9 =	vadd.s32 v14, v9  }
0x20: {  	v12 =	vsel vm0, $0x1, v0;
	vm0 =	veq.s32 v1, v17;
	v9 =	vadd.s32 v18, v9  }
0x21: {  	v14 =	vsel vm0, $0x1, v0;
	vm0 =	veq.s32 v1, v16;
	v9 =	vadd.s32 v12, v9  }
0x22: {  	v12 =	vsel vm0, $0x1, v0;
	vm0 =	veq.s32 v1, v15;
	v9 =	vadd.s32 v14, v9  }
0x23: {  	v14 =	vsel vm0, $0x1, v0;
	vm0 =	veq.s32 v1, v13;
	v9 =	vadd.s32 v12, v9  }
0x24: {  	v12 =	vsel vm0, $0x1, v0;
	vm0 =	veq.s32 v1, v10;
	v9 =	vadd.s32 v14, v9  }
0x25: {  	v10 =	vsel vm0, $0x1, v0;
	vm0 =	veq.s32 v1, v11;
	v9 =	vadd.s32 v12, v9  }
0x26: {  	v11 =	vsel vm0, $0x1, v0;
	vm0 =	veq.s32 v1, v7;
	v7 =	vadd.s32 v10, v9  }
0x27: {  	v9 =	vsel vm0, $0x1, v0;
	vm0 =	veq.s32 v1, v8;
	v7 =	vadd.s32 v11, v7  }
0x28: {  	v8 =	vsel vm0, $0x1, v0;
	vm0 =	veq.s32 v1, v5;
	v5 =	vadd.s32 v9, v7  }
0x29: {  	v7 =	vsel vm0, $0x1, v0;
	vm0 =	veq.s32 v1, v6;
	v5 =	vadd.s32 v8, v5  }
0x2a: {  	v6 =	vsel vm0, $0x1, v0;
	vm0 =	veq.s32 v1, v3;
	v3 =	vadd.s32 v7, v5  }
.Ltmp0:
0x2b: {  	v5 =	vsel vm0, $0x1, v0;
	vm0 =	veq.s32 v1, v4;
	v3 =	vadd.s32 v6, v3;
	(pc) =	sbr.rel @p0 .LBB2_2-.Ltmp0, $4  }
0x2c: {  	v4 =	vsel vm0, $0x1, v0;
	vm0 =	veq.s32 v1, v2;
	v2 =	vadd.s32 v5, v3  }
0x2d: {  	v3 =	vsel vm0, $0x1, v0;
	v2 =	vadd.s32 v4, v2  }
0x2e: {  	v2 =	vadd.s32 v3, v2  }
0x2f: {  	s13 =	sshra.s32 s12, $0x2;
	s12 =	sadd.s32 $0x40, s12;
	[tilespmem:v1+s9+$0x0] =	vst.idx.msk $0xffff, v2  }
0x30: {  	v1 =	vld [tilespmem:s13+$0x0];
	_ =	sdelay $0x4  }
0x31: {  	v1 =	vshra.s32 v1, $0x9  }
0x32: {  	v2 =	vbroadcast v1, $0xF  }
0x33: {  	v3 =	vbroadcast v1, $0xD;
	v4 =	vbroadcast v1, $0xE  }
0x34: {  	v5 =	vbroadcast v1, $0xB;
	v6 =	vbroadcast v1, $0xC  }
0x35: {  	v7 =	vbroadcast v1, $0x9;
	v8 =	vbroadcast v1, $0xA  }
0x36: {  	v10 =	vbroadcast v1, $0x7;
	v11 =	vbroadcast v1, $0x8;
	v9 =	vld.idx.msk [tilespmem:v1+s9+$0x0], $0xffff  }
0x37: {  	v12 =	vbroadcast v1, $0x1;
	v13 =	vbroadcast v1, $0x6  }
0x38: {  	v14 =	vbroadcast v1, $0x0;
	v15 =	vbroadcast v1, $0x5  }
0x39: {  	v16 =	vbroadcast v1, $0x4;
	vm0 =	veq.s32 v1, v12;
	v12 =	vbroadcast v1, $0x2  }
0x3a: {  	v17 =	vbroadcast v1, $0x3;
	vm1 =	veq.s32 v1, v14;
	v14 =	vsel vm0, $0x1, v0  }
0x3b: {  	v18 =	vsel vm1, $0x1, v0;
	vm0 =	veq.s32 v1, v12;
	v9 =	vadd.s32 v14, v9  }
0x3c: {  	v12 =	vsel vm0, $0x1, v0;
	vm0 =	veq.s32 v1, v17;
	v9 =	vadd.s32 v18, v9  }
0x3d: {  	v14 =	vsel vm0, $0x1, v0;
	vm0 =	veq.s32 v1, v16;
	v9 =	vadd.s32 v12, v9  }
0x3e: {  	v12 =	vsel vm0, $0x1, v0;
	vm0 =	veq.s32 v1, v15;
	v9 =	vadd.s32 v14, v9  }
0x3f: {  	v14 =	vsel vm0, $0x1, v0;
	vm0 =	veq.s32 v1, v13;
	v9 =	vadd.s32 v12, v9  }
0x40: {  	v12 =	vsel vm0, $0x1, v0;
	vm0 =	veq.s32 v1, v10;
	v9 =	vadd.s32 v14, v9  }
0x41: {  	v10 =	vsel vm0, $0x1, v0;
	vm0 =	veq.s32 v1, v11;
	v9 =	vadd.s32 v12, v9  }
0x42: {  	v11 =	vsel vm0, $0x1, v0;
	vm0 =	veq.s32 v1, v7;
	v7 =	vadd.s32 v10, v9  }
0x43: {  	v9 =	vsel vm0, $0x1, v0;
	vm0 =	veq.s32 v1, v8;
	v7 =	vadd.s32 v11, v7  }
0x44: {  	v8 =	vsel vm0, $0x1, v0;
	vm0 =	veq.s32 v1, v5;
	v5 =	vadd.s32 v9, v7  }
0x45: {  	v7 =	vsel vm0, $0x1, v0;
	vm0 =	veq.s32 v1, v6;
	v5 =	vadd.s32 v8, v5  }
0x46: {  	v6 =	vsel vm0, $0x1, v0;
	vm0 =	veq.s32 v1, v3;
	v3 =	vadd.s32 v7, v5  }
0x47: {  	v5 =	vsel vm0, $0x1, v0;
	vm0 =	veq.s32 v1, v4;
	v3 =	vadd.s32 v6, v3  }
0x48: {  	v4 =	vsel vm0, $0x1, v0;
	vm0 =	veq.s32 v1, v2;
	v2 =	vadd.s32 v5, v3  }
0x49: {  	v3 =	vsel vm0, $0x1, v0;
	v2 =	vadd.s32 v4, v2  }
0x4a: {  	v2 =	vadd.s32 v3, v2  }
0x4b: {  	[tilespmem:v1+s9+$0x0] =	vst.idx.msk $0xffff, v2  }
0x4c: {  	v1 =	vld [tilespmem:$0x3C00];
	_ =	sdelay $0x2  }
0x4d: {  	v2 =	vld [tilespmem:$0x3C10];
	_ =	sdelay $0x1  }
0x4e: {  	(xrf0) =	vadd.scan.msk.s32 $0xffff, v1;
	_ =	sdelay $0x2  }
0x4f: {  	(xrf0) =	vadd.scan.msk.s32 $0xffff, v2;
	_ =	sdelay $0x2  }
0x50: {  	v3, _, _ =	vpop (xrf0)  }
0x51: {  	v4 =	vbroadcast v3, $0xF;
	_ =	sdelay $0x1  }
0x52: {  	v1 =	vsub.s32 v3, v1;
	v3, _, _ =	vpop (xrf0);
	v2 =	vsub.s32 v4, v2  }
0x53: {  	[tilespmem:$0x3C00] =	vst v1;
	v1 =	vadd.s32 v3, v2  }
0x54: {  	s12 =	simm.s32 $0x0;
	[tilespmem:$0x3C10] =	vst v1  }
0x55: {  	v1 =	vld [tilespmem:s12+$0x0];
	_ =	sdelay $0x4  }
0x56: {  	v2 =	vshra.s32 v1, $0x9  }
0x57: {  	v3 =	vbroadcast v2, $0x1;
	v4 =	vbroadcast v2, $0xE  }
0x58: {  	v5 =	vbroadcast v2, $0x2;
	v13 =	vbroadcast v2, $0xD  }
0x59: {  	v8 =	vbroadcast v2, $0xB;
	v7 =	vbroadcast v2, $0x0  }
0x5a: {  	v10 =	vbroadcast v2, $0xA;
	v11 =	vbroadcast v2, $0x6  }
0x5b: {  	v12 =	vbroadcast v2, $0x9;
	v15 =	vbroadcast v2, $0x3  }
0x5c: {  	v59 =	vbroadcast v2, $0x5;
	vm0 =	veq.s32 v2, v3;
	v3 =	vbroadcast v2, $0x4  }
0x5d: {  	vm9 =	veq.s32 v2, v4;
	vm3 =	veq.s32 v2, v5;
	v4 =	vbroadcast v2, $0xC  }
0x5e: {  	v5 =	vbroadcast v2, $0x7;
	vm2 =	vmand vm0, vm5;
	vm1 =	vmand vm3, vm6;
	v6 =	vld.idx.msk [tilespmem:v2+s9+$0x0], $0xffff  }
0x5f: {  	v14 =	vsel vm0, $0x1, v0;
	vm0 =	veq.s32 v2, v7;
	v9 =	vsel vm1, $0x1, v0  }
0x60: {  	vm1 =	veq.s32 v2, v3;
	v3 =	vsel vm3, $0x1, v0;
	v7 =	vsel vm2, $0x1, v0  }
0x61: {  	vm2 =	vmand vm0, vm7;
	v61 =	vsel vm0, $0x1, v0;
	vm3 =	vmand vm1, vm8  }
0x62: {  	v60 =	vsel vm2, $0x1, v0;
	vm2 =	veq.s32 v2, v15;
	v15 =	vsel vm3, $0x1, v0  }
0x63: {  	vm3 =	vmand vm2, vm4;
	vm4 =	veq.s32 v2, v59;
	v14 =	vadd.s32 v14, v6  }
0x64: {  	v6 =	vadd.s32 v7, v6;
	v7 =	vsel vm3, $0x1, v0;
	vm3 =	vmand vm4, vm15  }
0x65: {  	vm0 =	veq.s32 v2, v12;
	v62 =	vsel vm3, $0x1, v0;
	vm3 =	veq.s32 v2, v11  }
0x66: {  	v6 =	vadd.s32 v60, v6;
	v12 =	vadd.s32 v61, v14;
	v14 =	vsel vm1, $0x1, v0  }
0x67: {  	v63 =	vsel vm3, $0x1, v0;
	v6 =	vadd.s32 v9, v6;
	vm3 =	vmand vm3, vm10  }
0x68: {  	v9 =	vbroadcast v2, $0x8;
	v3 =	vadd.s32 v3, v12;
	v11 =	vsel vm3, $0x1, v0  }
0x69: {  	vm3 =	veq.s32 v2, v5;
	v5 =	vsel vm2, $0x1, v0;
	v6 =	vadd.s32 v7, v6  }
0x6a: {  	vm1 =	vmand vm3, vm12;
	v5 =	vadd.s32 v5, v3;
	v6 =	vadd.s32 v15, v6  }
0x6b: {  	v7 =	vsel vm3, $0x1, v0;
	v15 =	vsel vm4, $0x1, v0;
	vm3 =	vcmask $0x3F30  }
0x6c: {  	v12 =	vsel vm1, $0x1, v0;
	vm1 =	veq.s32 v2, v9;
	v6 =	vadd.s32 v62, v6  }
0x6d: {  	v14 =	vadd.s32 v14, v5;
	v3 =	vsel vm1, $0x1, v0;
	vm1 =	vmand vm1, vm11  }
0x6e: {  	v5 =	vadd.s32 v11, v6;
	v14 =	vadd.s32 v15, v14;
	v9 =	vsel vm1, $0x1, v0  }
0x6f: {  	vm1 =	veq.s32 v2, v10;
	v10 =	vadd.s32 v12, v5;
	v12 =	vsel vm0, $0x1, v0  }
0x70: {  	vm2 =	vmand vm1, vm14;
	v5 =	vsel vm1, $0x1, v0;
	vm1 =	veq.s32 v2, v8  }
0x71: {  	v9 =	vadd.s32 v9, v10;
	v6 =	vsel vm2, $0x1, v0;
	vm2 =	vmand vm0, vm13  }
0x72: {  	vm3 =	vmand vm1, vm3;
	v8 =	vsel vm1, $0x1, v0;
	vm1 =	veq.s32 v2, v4  }
0x73: {  	v4 =	vbroadcast v2, $0xF;
	vm0 =	vcmask $0x3F34;
	v11 =	vsel vm2, $0x1, v0  }
0x74: {  	vm2 =	vcmask $0x3F3C;
	v10 =	vsel vm3, $0x1, v0;
	vm3 =	vmand vm1, vm0  }
0x75: {  	s13 =	simm.s32 $0x40;
	vm0 =	veq.s32 v2, v13;
	v13 =	vadd.s32 v63, v14;
	vm2 =	vmand vm9, vm2  }
.LBB2_4:
0x76: {  	vm4 =	vcmask $0x3F38  }
0x77: {  	p0 =	sne.s32 s13, $0x4FC0;
	v14 =	vsel vm2, $0x1, v0;
	v7 =	vadd.s32 v7, v13;
	s14 =	smov.u32 s13;
	s13 =	sadd.s32 $0x40, s13;
	vm4 =	vmand vm0, vm4  }
0x78: {  	v13 =	vsel vm3, $0x1, v0;
	v3 =	vadd.s32 v3, v7;
	v7 =	vadd.s32 v11, v9  }
0x79: {  	v9 =	vsel vm4, $0x1, v0;
	v3 =	vadd.s32 v12, v3;
	v6 =	vadd.s32 v6, v7  }
0x7a: {  	v11 =	vsel vm1, $0x1, v0;
	v3 =	vadd.s32 v5, v3;
	v5 =	vadd.s32 v10, v6;
	v7 =	vld [tilespmem:s12+$0x1400]  }
0x7b: {  	v6 =	vsel vm0, $0x1, v0;
	v3 =	vadd.s32 v8, v3;
	v5 =	vadd.s32 v13, v5  }
0x7c: {  	vm0 =	veq.s32 v2, v4;
	v3 =	vadd.s32 v11, v3;
	v4 =	vadd.s32 v9, v5  }
0x7d: {  	v5 =	vsel vm9, $0x1, v0;
	v3 =	vadd.s32 v6, v3;
	v4 =	vadd.s32 v14, v4  }
0x7e: {  	v6 =	vsel vm0, $0x1, v0;
	v3 =	vadd.s32 v5, v3  }
0x7f: {  	v3 =	vadd.s32 v6, v3;
	v5 =	vshll.u32 v7, $0xE  }
0x80: {  	[tilespmem:v2+s9+$0x0] =	vst.idx.msk $0xffff, v3;
	v1 =	vor.u32 v1, v5;
	_ =	sdelay $0x1  }
0x81: {  	s12 =	sshra.s32 s14, $0x2;
	[tilespmem:v4+s10+$0x0] =	vst.idx.msk $0xffff, v1  }
0x82: {  	v1 =	vld [tilespmem:s12+$0x0];
	_ =	sdelay $0x4  }
0x83: {  	vm10 =	vmmov vm6;
	v2 =	vshra.s32 v1, $0x9  }
0x84: {  	vm15 =	vmmov vm14;
	vm14 =	vmmov vm13;
	v3 =	vbroadcast v2, $0x1  }
0x85: {  	vm13 =	vmmov vm11;
	v4 =	vbroadcast v2, $0xE;
	v5 =	vbroadcast v2, $0x2  }
0x86: {  	vm11 =	vmmov vm12;
	v13 =	vbroadcast v2, $0xD;
	v6 =	vbroadcast v2, $0xB  }
0x87: {  	vm12 =	vmmov vm8;
	v8 =	vbroadcast v2, $0x0;
	v9 =	vbroadcast v2, $0xA  }
0x88: {  	v10 =	vbroadcast v2, $0x9;
	v15 =	vbroadcast v2, $0x5;
	vm0 =	veq.s32 v2, v3  }
0x89: {  	v3 =	vbroadcast v2, $0x4;
	vm9 =	veq.s32 v2, v4;
	vm1 =	veq.s32 v2, v5  }
0x8a: {  	v4 =	vbroadcast v2, $0xC;
	v5 =	vbroadcast v2, $0x7;
	vm3 =	vmand vm0, vm5  }
0x8b: {  	vm4 =	vmand vm1, vm6;
	vm6 =	veq.s32 v2, v8;
	v12 =	vsel vm1, $0x1, v0  }
0x8c: {  	v7 =	vld.idx.msk [tilespmem:v2+s9+$0x0], $0xffff;
	vm2 =	veq.s32 v2, v3;
	v8 =	vsel vm4, $0x1, v0;
	vm1 =	veq.s32 v2, v5  }
0x8d: {  	v5 =	vsel vm0, $0x1, v0;
	vm0 =	veq.s32 v2, v10;
	v10 =	vbroadcast v2, $0x3  }
0x8e: {  	vm4 =	vmand vm6, vm7;
	v14 =	vsel vm3, $0x1, v0;
	vm3 =	vcmask $0x3F10  }
0x8f: {  	vm5 =	vmand vm2, vm8;
	vm8 =	vmmov vm7;
	vm7 =	veq.s32 v2, v10  }
0x90: {  	v11 =	vbroadcast v2, $0x8;
	v3 =	vbroadcast v2, $0x6;
	vm3 =	vmand vm7, vm3  }
0x91: {  	v10 =	vsel vm3, $0x1, v0;
	vm3 =	veq.s32 v2, v15;
	v5 =	vadd.s32 v5, v7  }
0x92: {  	v7 =	vadd.s32 v14, v7;
	v14 =	vsel vm4, $0x1, v0;
	vm4 =	veq.s32 v2, v3  }
0x93: {  	v3 =	vadd.s32 v14, v7;
	v7 =	vsel vm5, $0x1, v0;
	vm5 =	vcmask $0x3F18  }
0x94: {  	v3 =	vadd.s32 v8, v3;
	v8 =	vsel vm6, $0x1, v0;
	vm6 =	vcmask $0x3F1C  }
0x95: {  	v16 =	vsel vm4, $0x1, v0;
	vm5 =	vmand vm3, vm5;
	vm4 =	vmand vm4, vm6  }
0x96: {  	v5 =	vadd.s32 v8, v5;
	v8 =	vsel vm5, $0x1, v0;
	v10 =	vadd.s32 v10, v3  }
0x97: {  	v3 =	vsel vm7, $0x1, v0;
	vm7 =	vmmov vm8;
	vm8 =	vmmov vm12  }
0x98: {  	vm12 =	vmmov vm11;
	vm11 =	vmmov vm13;
	vm13 =	vmmov vm14  }
0x99: {  	vm14 =	vmmov vm15;
	vm5 =	veq.s32 v2, v6;
	v14 =	vsel vm4, $0x1, v0  }
0x9a: {  	v5 =	vadd.s32 v12, v5;
	v12 =	vsel vm2, $0x1, v0;
	vm2 =	veq.s32 v2, v11  }
0x9b: {  	vm4 =	vmand vm1, vm12;
	v5 =	vadd.s32 v3, v5;
	v3 =	vsel vm2, $0x1, v0  }
0x9c: {  	vm2 =	vmand vm2, vm11;
	v15 =	vadd.s32 v12, v5;
	v5 =	vadd.s32 v7, v10  }
0x9d: {  	v10 =	vsel vm4, $0x1, v0;
	vm4 =	vmand vm0, vm13;
	v7 =	vsel vm1, $0x1, v0  }
0x9e: {  	vm1 =	veq.s32 v2, v9;
	v12 =	vsel vm0, $0x1, v0;
	v5 =	vadd.s32 v8, v5  }
0x9f: {  	v8 =	vsel vm2, $0x1, v0;
	vm2 =	vmand vm1, vm15;
	v5 =	vadd.s32 v14, v5  }
0xa0: {  	v6 =	vsel vm2, $0x1, v0;
	vm2 =	vcmask $0x3F30;
	v5 =	vadd.s32 v10, v5  }
0xa1: {  	vm6 =	vmand vm5, vm2;
	vm2 =	vcmask $0x3F3C;
	v9 =	vadd.s32 v8, v5  }
.Ltmp1:
0xa2: {  	vm0 =	vcmask $0x3F34;
	v11 =	vsel vm4, $0x1, v0;
	vm2 =	vmand vm9, vm2;
	(pc) =	sbr.rel @p0 .LBB2_4-.Ltmp1, $4  }
0xa3: {  	v5 =	vsel vm1, $0x1, v0;
	vm1 =	veq.s32 v2, v4;
	v4 =	vbroadcast v2, $0xF  }
0xa4: {  	v14 =	vsel vm3, $0x1, v0;
	v8 =	vsel vm5, $0x1, v0;
	vm5 =	vcmask $0x3F08  }
0xa5: {  	v14 =	vadd.s32 v14, v15;
	v10 =	vsel vm6, $0x1, v0;
	vm6 =	vmmov vm10  }
0xa6: {  	vm3 =	vmand vm1, vm0;
	vm0 =	veq.s32 v2, v13;
	v13 =	vadd.s32 v16, v14  }
0xa7: {  	vm4 =	vcmask $0x3F38  }
0xa8: {  	v7 =	vadd.s32 v7, v13;
	v9 =	vadd.s32 v11, v9;
	v54 =	vsel vm2, $0x1, v0  }
0xa9: {  	v55 =	vsel vm3, $0x1, v0;
	v3 =	vadd.s32 v3, v7;
	v6 =	vadd.s32 v6, v9  }
0xaa: {  	vm4 =	vmand vm0, vm4;
	v3 =	vadd.s32 v12, v3;
	v6 =	vadd.s32 v10, v6  }
0xab: {  	v57 =	vld [tilespmem:s12+$0x1400];
	v56 =	vsel vm4, $0x1, v0;
	v3 =	vadd.s32 v5, v3;
	v58 =	vadd.s32 v55, v6  }
0xac: {  	v59 =	vsel vm1, $0x1, v0;
	v3 =	vadd.s32 v8, v3;
	v5 =	vadd.s32 v56, v58  }
0xad: {  	v60 =	vsel vm0, $0x1, v0;
	v3 =	vadd.s32 v59, v3;
	v5 =	vadd.s32 v54, v5  }
0xae: {  	v61 =	vsel vm9, $0x1, v0;
	vm0 =	veq.s32 v2, v4;
	v3 =	vadd.s32 v60, v3  }
0xaf: {  	v62 =	vsel vm0, $0x1, v0;
	v3 =	vadd.s32 v61, v3  }
0xb0: {  	s11 =	sadd.s32 $0x1, s11;
	v63 =	vshll.u32 v57, $0xE;
	v3 =	vadd.s32 v62, v3  }
0xb1: {  	p0 =	sne.s32 s11, s6;
	v1 =	vor.u32 v1, v63;
	[tilespmem:v2+s9+$0x0] =	vst.idx.msk $0xffff, v3  }
.Ltmp2:
0xb2: {  	[tilespmem:v5+s10+$0x0] =	vst.idx.msk $0xffff, v1;
	(pc) =	sbr.rel @p0 .LBB2_1-.Ltmp2, $4  }
0xb3: {  	[hbm4b:s5+s2] =	stream.linear.scatter [tilespmem:s10], [sflag:$0x1], $0x1400, $0x38;
	[tilespmem:$0x3C80] =	vst v63  }
0xb4: {  	_ =	swait.ge [sflag:s7], $0x1400  }
0xb5: {  	[sflag:s7] =	ssyncset.done $0x0  }
0xb6: {  	vm15 =	vcmask $0x3F18;
	vm10 =	vcmask $0x3F1C;
	vm4 =	vcmask $0x3F10;
	[sflag:s7] =	ssyncadd.s32 $0xFFFFEC00  }
0xb7: {  	_ =	sfence.sel $0x180000  }
0xb8: {  	[bflag:$0x0] =	sbarrier.arrive $0xFFFF  }
0xb9: {  	p0 =	sne.s32 s1, $0x0;
	_ =	strace $0x90000047  }
0xba: {  	s0 =	sadd.s32 @!p0 $0x100000, s0;
	[bflag:$0x2] =	sbarrier.arrive $0xFFFF  }
0xbb: {  	[sflag:s0] =	ssyncadd.tile.s32 @!p0 $0x1;
	_ =	shalt  }
.Lfunc_end2:
_tile_overlayer_lowered:
.L_overlay_start_2:
0xbc: {  	(tag) =	ssettag $0x2  }
0xbd: {  	s0 =	rddreg [dreg:$0x0];
	s2 =	stileid.u32  }
0xbe: {  	s1 =	rddreg [dreg:$0x1];
	p0 =	sne.s32 s2, $0x0  }
0xbf: {  	s3 =	rddreg [dreg:$0x2];
	[bflag:$0x3] =	sbarrier.arrive $0xFFFF;
	s2 =	simm.s32 @!p0 $0x1C01  }
0xc0: {  	[timem:s3], [sflag:s2] =	dma.local @!p0 [hbm:s0], s1  }
0xc1: {  	s0 =	simm.s32 @!p0 $0x1  }
0xc2: {  	_ =	swait.ge @!p0 [sflag:s0], s1  }
0xc3: {  	s1 =	ssub.s32 @!p0 $0x0, s1;
	[sflag:s0] =	ssyncset.done @!p0 $0x0  }
0xc4: {  	[sflag:s0] =	ssyncadd.s32 @!p0 s1  }
0xc5: {  	[bflag:$0x3] =	sbarrier.arrive $0xFFFF  }
0xc6: {  	_ =	shalt  }

// kernel: kernel.16.cloned.1.call-start
scs
__scs_entry_jumppad:
0x0: {  	(pc) =	sbr.rel $0x88, $3  }
0x1: {  	(tag) =	ssettag $0x0;
	lr =	simm.s32 $0x1  }
0x2: {  	[smem:$0x3F99] =	sst lr;
	_ =	strace $0xD0000000  }
0x3: {  	_ = 	snop  }
0x4: {  	_ = 	snop  }
0x5: {  	_ = 	snop  }
0x6: {  	_ = 	snop  }
0x7: {  	_ = 	snop  }
__scs_overlays_trampoline_lowered:
0x8: {  	[smem:$0x3FA8] =	sst s0  }
0x9: {  	[smem:$0x3FA9] =	sst s1  }
0xa: {  	[smem:$0x3FAA] =	sst s2  }
0xb: {  	[smem:$0x3FAB] =	sst s3  }
0xc: {  	[smem:$0x3FAC] =	sst s4  }
0xd: {  	[smem:$0x3FAD] =	sst s5  }
0xe: {  	[smem:$0x3FAE] =	sst s6  }
0xf: {  	[smem:$0x3FAF] =	sst s7  }
0x10: {  	[smem:$0x3FB0] =	sst s8  }
0x11: {  	[smem:$0x3FB1] =	sst s9;
	s0 =	simm.s32 @!p0 $0x0  }
0x12: {  	s1 =	sld [smem:$0x3F97];
	s0 =	simm.s32 @p0 $0x1  }
0x13: {  	[smem:$0x3FB2] =	sst s0;
	s0 =	simm.s32 @!p1 $0x0  }
0x14: {  	s2 =	sld [smem:$0x3F96];
	s0 =	simm.s32 @p1 $0x1  }
0x15: {  	[smem:$0x3FB3] =	sst s0;
	s0 =	simm.s32 @!p2 $0x0  }
0x16: {  	s3 =	sld [smem:$0x3FDB];
	s0 =	simm.s32 @p2 $0x1  }
0x17: {  	s4 =	simm.s32 $0x1BF5;
	[smem:$0x3FB5] =	sst s0  }
0x18: {  	s0 =	sld [smem:$0x3F98];
	_ =	swait.ge [sflag:s4], $0x0  }
0x19: {  	s7 =	sld [smem:$0x3F99]  }
0x1a: {  	s8 =	sadd.s32 $0xFFFFE003, lr  }
0x1b: {  	s9 =	sadd.s32 $0xFFFFFEF7, lr;
	s5 =	simm.s32 $0xFFFFFFFF;
	p2 =	slt.u32 s8, $0xFFFFF086  }
0x1c: {  	p1 =	slt.u32 s9, $0xF7A;
	s5 =	simm.s32 @!p2 $0x0  }
0x1d: {  	s5 =	simm.s32 @p1 $0x1;
	p0 =	seq.s32 s7, s2  }
0x1e: {  	s7 =	smul.u32 @!p0 $0xF7A, s2;
	p2 =	seq.s32 @!p0 s5, $0x0  }
0x1f: {  	s9 =	smul.u32 $0xF7A, s1;
	s8 =	simm.s32 @!p0 $0x1BF5;
	p2 =	por !p2, p0  }
0x20: {  	[sflag:s8] =	ssyncset.s32 @!p0 $0xFFFFF086;
	s6 =	sadd.s32 @!p0 s3, s7;
	s7 =	simm.s32 @!p0 $0x108  }
0x21: {  	s3 =	sadd.s32 s3, s9;
	s6 =	sadd.s32 @!p0 $0x88, s6;
	s7 =	simm.s32 @p2 $0x1082  }
0x22: {  	[simem:s7], [sflag:s8] =	dma.local @!p0 [hbm:s6], $0xF7A  }
0x23: {  	s9 =	sor.u32 $0xD0000000, s2;
	s6 =	simm.s32 $0x108;
	_ =	swait.ge @!p0 [sflag:s8], $0x0  }
0x24: {  	s3 =	sadd.s32 $0x88, s3;
	s6 =	simm.s32 @!p1 $0x1082;
	[sflag:s4] =	ssyncset.s32 $0xFFFFF086  }
0x25: {  	[simem:s6], [sflag:s4] =	dma.local [hbm:s3], $0xF7A  }
0x26: {  	[smem:$0x3F99] =	sst s1;
	(tag) =	ssettag s2;
	_ =	strace s9  }
0x27: {  	s1 =	sld [smem:$0x3FA9]  }
0x28: {  	s2 =	sld [smem:$0x3FAA]  }
0x29: {  	s4 =	sld [smem:$0x3FAC]  }
0x2a: {  	p0 =	seq.s32 s5, $0x0;
	s5 =	sld [smem:$0x3FAD]  }
0x2b: {  	s6 =	sld [smem:$0x3FAE]  }
0x2c: {  	s7 =	sld [smem:$0x3FAF]  }
0x2d: {  	s3 =	simm.s32 $0x108;
	s8 =	sld [smem:$0x3FB0]  }
0x2e: {  	s3 =	simm.s32 @!p0 $0x1082;
	s9 =	sld [smem:$0x3FB1]  }
0x2f: {  	lr =	sadd.s32 s0, s3;
	s0 =	sld [smem:$0x3FA8]  }
0x30: {  	s3 =	sld [smem:$0x3FAB]  }
0x31: {  	[smem:$0x3FB4] =	sst s10  }
0x32: {  	s10 =	sld [smem:$0x3FB2];
	_ =	sdelay $0x3  }
0x33: {  	p0 =	seq.s32 s10, $0x1;
	s10 =	sld [smem:$0x3FB4];
	_ =	sdelay $0x3  }
0x34: {  	[smem:$0x3FB4] =	sst s10  }
0x35: {  	s10 =	sld [smem:$0x3FB3];
	_ =	sdelay $0x3  }
0x36: {  	p1 =	seq.s32 s10, $0x1;
	s10 =	sld [smem:$0x3FB4];
	_ =	sdelay $0x3  }
0x37: {  	[smem:$0x3FB4] =	sst s10  }
0x38: {  	s10 =	sld [smem:$0x3FB5]  }
0x39: {  	_ = 	snop;
	(pc) =	sbr.ind lr, $3  }
0x3a: {  	_ = 	snop  }
0x3b: {  	_ = 	snop  }
0x3c: {  	p2 =	seq.s32 s10, $0x1;
	s10 =	sld [smem:$0x3FB4]  }
0x3d: {  	_ =	shalt  }
0x3e: {  	_ =	shalt  }
0x3f: {  	_ =	shalt  }
0x40: {  	_ =	shalt  }
0x41: {  	_ =	shalt  }
0x42: {  	_ =	shalt  }
0x43: {  	_ =	shalt  }
0x44: {  	_ =	shalt  }
0x45: {  	_ =	shalt  }
0x46: {  	_ =	shalt  }
0x47: {  	_ =	shalt  }
0x48: {  	_ =	shalt  }
0x49: {  	_ =	shalt  }
0x4a: {  	_ =	shalt  }
0x4b: {  	_ =	shalt  }
0x4c: {  	_ =	shalt  }
0x4d: {  	_ =	shalt  }
0x4e: {  	_ =	shalt  }
0x4f: {  	_ =	shalt  }
0x50: {  	_ =	shalt  }
0x51: {  	_ =	shalt  }
0x52: {  	_ =	shalt  }
0x53: {  	_ =	shalt  }
0x54: {  	_ =	shalt  }
0x55: {  	_ =	shalt  }
0x56: {  	_ =	shalt  }
0x57: {  	_ =	shalt  }
0x58: {  	_ =	shalt  }
0x59: {  	_ =	shalt  }
0x5a: {  	_ =	shalt  }
0x5b: {  	_ =	shalt  }
0x5c: {  	_ =	shalt  }
0x5d: {  	_ =	shalt  }
0x5e: {  	_ =	shalt  }
0x5f: {  	_ =	shalt  }
0x60: {  	_ =	shalt  }
0x61: {  	_ =	shalt  }
0x62: {  	_ =	shalt  }
0x63: {  	_ =	shalt  }
0x64: {  	_ =	shalt  }
0x65: {  	_ =	shalt  }
0x66: {  	_ =	shalt  }
0x67: {  	_ =	shalt  }
0x68: {  	_ =	shalt  }
0x69: {  	_ =	shalt  }
0x6a: {  	_ =	shalt  }
0x6b: {  	_ =	shalt  }
0x6c: {  	_ =	shalt  }
0x6d: {  	_ =	shalt  }
0x6e: {  	_ =	shalt  }
0x6f: {  	_ =	shalt  }
0x70: {  	_ =	shalt  }
0x71: {  	_ =	shalt  }
0x72: {  	_ =	shalt  }
0x73: {  	_ =	shalt  }
0x74: {  	_ =	shalt  }
0x75: {  	_ =	shalt  }
0x76: {  	_ =	shalt  }
0x77: {  	_ =	shalt  }
0x78: {  	_ =	shalt  }
0x79: {  	_ =	shalt  }
0x7a: {  	_ =	shalt  }
0x7b: {  	_ =	shalt  }
0x7c: {  	_ =	shalt  }
0x7d: {  	_ =	shalt  }
0x7e: {  	_ =	shalt  }
0x7f: {  	_ =	shalt  }
0x80: {  	_ =	shalt  }
0x81: {  	_ =	shalt  }
0x82: {  	_ =	shalt  }
0x83: {  	_ =	shalt  }
0x84: {  	_ =	shalt  }
0x85: {  	_ =	shalt  }
0x86: {  	_ =	shalt  }
0x87: {  	_ =	shalt  }
.Lfunc_end0:
.L_simem_size_0:
called_computation.1_lowered:
.L_overlay_start_0:
0x88: {  	s2 =	sld [smem:$0x3FD9]  }
0x89: {  	s3 =	sld [smem:$0x3FFE];
	_ =	sdelay $0x1  }
0x8a: {  	s1 =	srdreg.scid  }
0x8b: {  	s0 =	sand.u32 $0x1, s1  }
0x8c: {  	s17 =	sshll.u32 s0, $0xA;
	s2 =	sadd.s32 s3, s2  }
0x8d: {  	s2 =	sadd.s32 s2, s17  }
0x8e: {  	[smem:$0x3FC0] =	sst s2  }
0x8f: {  	_ = 	snop  }
0x90: {  	s18 =	sld [smem:$0x3FD0];
	(tm) =	ssettm $0x1  }
0x91: {  	s19 =	sld [smem:$0x3FFB];
	_ =	sdelay $0x3  }
0x92: {  	_ =	strace s19  }
0x93: {  	s2 =	sld [smem:$0x3FFC];
	_ =	sdelay $0x3  }
0x94: {  	_ =	strace s2  }
0x95: {  	s2 =	sld [smem:$0x3FFD];
	_ =	sdelay $0x3  }
0x96: {  	_ =	strace s2  }
0x97: {  	_ =	strace $0x8FFFFFFF  }
0x98: {  	s20 =	sld [smem:$0x3FDB];
	_ =	sdelay $0x1  }
0x99: {  	s4 =	simm.s32 $_scs_section_size  }
0x9a: {  	s5 =	simm.s32 $_size__tile_overlayer_lowered;
	s6 =	simm.s32 $_tile_overlayer_lowered  }
0x9b: {  	s7 =	simm.s32 $0x1BFF;
	s21 =	sshll.u32 s6, $0x1;
	s4 =	sadd.s32 s4, s20  }
0x9c: {  	s22 =	simm.s32 $0x0;
	s5 =	sshll.u32 s5, $0x1;
	s6 =	sadd.s32 s21, s4  }
0x9d: {  	[timem:s22], [sflag:s7] =	dma.local [hbm:s6], s5  }
0x9e: {  	_ =	swait.ge [sflag:s7], s5  }
0x9f: {  	s5 =	ssub.s32 $0x0, s5;
	[sflag:s7] =	ssyncset.done $0x0  }
0xa0: {  	[sflag:s7] =	ssyncadd.s32 s5;
	_ =	sdelay $0x1  }
0xa1: {  	s23 =	simm.s32 $0x1B8B  }
0xa2: {  	_ =	swait.ge [sflag:s23], $0x1  }
0xa3: {  	[sflag:s23] =	ssyncset.done $0x0  }
0xa4: {  	[sflag:s23] =	ssyncadd.s32 $0xFFFFFFFF  }
0xa5: {  	s5 =	sld [smem:$0x0]  }
0xa6: {  	s6 =	sand.u32 $0xFFFFFFFE, s1  }
0xa7: {  	p0 =	sne.s32 s1, s6  }
0xa8: {  	s6 =	sshll.u32 @p0 s6, $0xE  }
0xa9: {  	s6 =	sadd.s32 @p0 $0x11B8D, s6;
	s7 =	sshll.u32 @p0 s5, $0x11  }
0xaa: {  	s6 =	sor.u32 @p0 s7, s6  }
0xab: {  	[sflag:s6] =	ssyncadd.remote.s32 @p0 $0x1;
	_ =	sdelay $0x1  }
0xac: {  	s6 =	simm.s32 @p0 $0x1B8D  }
0xad: {  	_ =	swait.eq @p0 [sflag:s6], $0x1  }
0xae: {  	[sflag:s6] =	ssyncadd.s32 @p0 $0xFFFFFFFF  }
0xaf: {  	s7 =	sshll.u32 @!p0 s1, $0xE  }
0xb0: {  	s7 =	sor.u32 @!p0 $0x4000, s7;
	s6 =	simm.s32 @!p0 $0x1B8D  }
0xb1: {  	s5 =	sshll.u32 @!p0 s5, $0x11;
	s7 =	sadd.s32 @!p0 $0x11B8D, s7;
	_ =	swait.eq @!p0 [sflag:s6], $0x1  }
0xb2: {  	s5 =	sor.u32 @!p0 s5, s7;
	[sflag:s6] =	ssyncadd.s32 @!p0 $0xFFFFFFFF  }
0xb3: {  	s25 =	simm.s32 $0x1B8E;
	s24 =	sld [smem:$0x3FFE];
	[sflag:s5] =	ssyncadd.remote.s32 @!p0 $0x1  }
0xb4: {  	s26 =	simm.s32 $execute0_lowered;
	[smem:$0x3FD2] =	sst s25  }
0xb5: {  	s6 =	sshll.u32 s26, $0x1;
	_ =	strace $0x80000049;
	[dreg:$0x1] =	wrdreg $0xFFFFFFFF  }
0xb6: {  	s28 =	simm.s32 $_size_execute0_lowered;
	s4 =	sadd.s32 s4, s6;
	[dreg:$0x0] =	wrdreg $0x0  }
0xb7: {  	s6 =	sshll.u32 s28, $0x1;
	[dreg:$0x2] =	wrdreg s4  }
0xb8: {  	[dreg:$0x3] =	wrdreg s6  }
0xb9: {  	[dreg:$0x4] =	wrdreg $0xC0  }
0xba: {  	_ =	task [dreg:s22], $0x5FFFF  }
0xbb: {  	[dreg:$0x1] =	wrdreg $0xFFFFFFFF  }
0xbc: {  	[dreg:$0x0] =	wrdreg $0x60  }
0xbd: {  	[dreg:$0x2] =	wrdreg s24  }
0xbe: {  	[dreg:$0x3] =	wrdreg s18  }
0xbf: {  	[dreg:$0x4] =	wrdreg $0xA  }
0xc0: {  	_ =	task.clear_ibuf [dreg:s22], $0x5FFFF;
	_ =	strace $0x90000049  }
0xc1: {  	s29 =	simm.s32 $0xA;
	_ =	strace $0x8000004B  }
0xc2: {  	_ =	swait.ge [sflag:s29], $0x1  }
0xc3: {  	[sflag:s29] =	ssyncadd.s32 $0xFFFFFFFF  }
0xc4: {  	_ =	strace $0x9000004B  }
0xc5: {  	_ =	sfence  }
0xc6: {  	s30 =	sld [smem:$0x0];
	_ =	sdelay $0x2  }
0xc7: {  	s31 =	sshll.u32 s1, $0xD;
	s1 =	sshrl.u32 s1, $0x2  }
0xc8: {  	s4 =	sand.u32 $0x4000, s31;
	s1 =	sadd.s32 s1, s30  }
0xc9: {  	s0 =	sor.u32 s4, s0;
	s1 =	sshll.u32 s1, $0x11  }
0xca: {  	s0 =	sor.u32 s1, s0  }
0xcb: {  	s0 =	sadd.s32 $0x8F2B, s0  }
0xcc: {  	[sflag:s0] =	ssyncadd.remote.s32 $0x1  }
0xcd: {  	_ =	sfence.sel $0xFFFF  }
0xce: {  	[dreg:$0x0] =	wrdreg $0xFFFFFFFF;
	(pc) =	sbr.abs _section_cstart, $3  }
0xcf: {  	[dreg:$0x1] =	wrdreg $0xFFFFFFFF  }
0xd0: {  	_ =	task.clear_ibuf [dreg:s22], $0x2FFFF;
	_ =	strace $0x9FFFFFFF  }
0xd1: {  	(tm) =	ssettm $0x7FFFFFFF  }
tec
execute0_lowered:
.L_overlay_start_1:
0x0: {  	(tag) =	ssettag $0x1  }
0x1: {  	s0 =	srdreg.scid  }
0x2: {  	s3 =	rddreg [dreg:$0x0];
	s4 =	sand.u32 $0x1, s0  }
0x3: {  	s5 =	rddreg [dreg:$0x1];
	s1 =	stileid.u32;
	s2 =	sshll.u32 s4, $0x4  }
0x4: {  	s0 =	rddreg [dreg:$0x2];
	s6 =	sor.u32 s1, s2  }
0x5: {  	s4 =	ssub.s32 $0x2, s4;
	s2 =	simm.s32 $0x0;
	s7 =	smul.u32 $0x280, s6  }
0x6: {  	s8 =	sshrl.u32 s4, $0x1;
	[smem:$0x7FF] =	sst s2;
	s6 =	smul.u32 $0x500, s6  }
0x7: {  	s31 =	ssub.s32 s4, s8;
	s8 =	simm.s32 $0x0;
	_ =	strace $0x8000004A  }
0x8: {  	s3 =	sadd.s32 s7, s3;
	s4 =	sadd.s32 s5, s6;
	s5 =	smax.u32 s31, $0x1  }
0x9: {  	v0 =	vimm.f32 $0.0e+00;
	v1 =	vimm.f32 $1.000000000e+00;
	s6 =	simm.s32 $0x1;
	s7 =	simm.s32 $0x1400;
	s3 =	sadd.s32 $0x3000, s3  }
.LBB2_1:
0xa: {  	[tilespmem:s2], [sflag:$0x1] =	stream.linear.gather [hbm4b:s3+s2], $0x1400, $0x38;
	[tilespmem:$0x3C00] =	vst v63  }
0xb: {  	_ =	swait.ge [sflag:s6], $0x1400  }
0xc: {  	[sflag:s6] =	ssyncset.done $0x0  }
0xd: {  	s9 =	simm.s32 $0x0;
	[sflag:s6] =	ssyncadd.s32 $0xFFFFEC00  }
.LBB2_2:
0xe: {  	p0 =	sne.s32 s9, $0x9FC0  }
.Ltmp0:
0xf: {  	_ = 	snop;
	(pc) =	sbr.rel @p0 .LBB2_2-.Ltmp0, $3  }
0x10: {  	_ =	sdelay $0x1  }
0x11: {  	s10 =	sshra.s32 s9, $0x2  }
0x12: {  	s9 =	sadd.s32 $0x40, s9;
	[tilespmem:s10+$0x1400] =	vst v0  }
0x13: {  	s10 =	simm.s32 $0x0;
	s9 =	simm.s32 $0x40  }
.LBB2_4:
0x14: {  	p0 =	sne.s32 s9, $0x4FC0;
	v2 =	vld [tilespmem:s10+$0x0];
	_ =	sdelay $0x3  }
.Ltmp1:
0x15: {  	(pc) =	sbr.rel @p0 .LBB2_4-.Ltmp1, $2  }
0x16: {  	_ =	sdelay $0x2  }
0x17: {  	s10 =	sshra.s32 s9, $0x2;
	s9 =	sadd.s32 $0x40, s9;
	[tilespmem:v2+s7+$0x0] =	vst.idx.add.f32.msk $0xffff, v1  }
0x18: {  	v2 =	vld [tilespmem:s10+$0x0];
	_ =	sdelay $0x5  }
0x19: {  	s8 =	sadd.s32 $0x1, s8  }
0x1a: {  	p0 =	sne.s32 s8, s5  }
.Ltmp2:
0x1b: {  	[tilespmem:v2+s7+$0x0] =	vst.idx.add.f32.msk $0xffff, v1;
	(pc) =	sbr.rel @p0 .LBB2_1-.Ltmp2, $4  }
0x1c: {  	[hbm4b:s4+s2] =	stream.linear.scatter [tilespmem:s7], [sflag:$0x1], $0x2800, $0x38;
	[tilespmem:$0x3C00] =	vst v63  }
0x1d: {  	_ =	swait.ge [sflag:s6], $0x2800  }
0x1e: {  	[sflag:s6] =	ssyncset.done $0x0  }
0x1f: {  	[sflag:s6] =	ssyncadd.s32 $0xFFFFD800  }
0x20: {  	_ =	sfence.sel $0x180000  }
0x21: {  	[bflag:$0x0] =	sbarrier.arrive $0xFFFF  }
0x22: {  	p0 =	sne.s32 s1, $0x0;
	_ =	strace $0x9000004A  }
0x23: {  	s0 =	sadd.s32 @!p0 $0x100000, s0;
	[bflag:$0x2] =	sbarrier.arrive $0xFFFF  }
0x24: {  	[sflag:s0] =	ssyncadd.tile.s32 @!p0 $0x1;
	_ =	shalt  }
.Lfunc_end2:
_tile_overlayer_lowered:
.L_overlay_start_2:
0x25: {  	(tag) =	ssettag $0x2  }
0x26: {  	s0 =	rddreg [dreg:$0x0];
	s2 =	stileid.u32  }
0x27: {  	s1 =	rddreg [dreg:$0x1];
	p0 =	sne.s32 s2, $0x0  }
0x28: {  	s3 =	rddreg [dreg:$0x2];
	[bflag:$0x3] =	sbarrier.arrive $0xFFFF;
	s2 =	simm.s32 @!p0 $0x1C01  }
0x29: {  	[timem:s3], [sflag:s2] =	dma.local @!p0 [hbm:s0], s1  }
0x2a: {  	s0 =	simm.s32 @!p0 $0x1  }
0x2b: {  	_ =	swait.ge @!p0 [sflag:s0], s1  }
0x2c: {  	s1 =	ssub.s32 @!p0 $0x0, s1;
	[sflag:s0] =	ssyncset.done @!p0 $0x0  }
0x2d: {  	[sflag:s0] =	ssyncadd.s32 @!p0 s1  }
0x2e: {  	[bflag:$0x3] =	sbarrier.arrive $0xFFFF  }
0x2f: {  	_ =	shalt  }

// kernel: kernel.19.cloned.1.call-start
scs
__scs_entry_jumppad:
0x0: {  	(pc) =	sbr.rel $0x88, $3  }
0x1: {  	(tag) =	ssettag $0x0;
	lr =	simm.s32 $0x1  }
0x2: {  	[smem:$0x3F99] =	sst lr;
	_ =	strace $0xD0000000  }
0x3: {  	_ = 	snop  }
0x4: {  	_ = 	snop  }
0x5: {  	_ = 	snop  }
0x6: {  	_ = 	snop  }
0x7: {  	_ = 	snop  }
__scs_overlays_trampoline_lowered:
0x8: {  	[smem:$0x3FA8] =	sst s0  }
0x9: {  	[smem:$0x3FA9] =	sst s1  }
0xa: {  	[smem:$0x3FAA] =	sst s2  }
0xb: {  	[smem:$0x3FAB] =	sst s3  }
0xc: {  	[smem:$0x3FAC] =	sst s4  }
0xd: {  	[smem:$0x3FAD] =	sst s5  }
0xe: {  	[smem:$0x3FAE] =	sst s6  }
0xf: {  	[smem:$0x3FAF] =	sst s7  }
0x10: {  	[smem:$0x3FB0] =	sst s8  }
0x11: {  	[smem:$0x3FB1] =	sst s9;
	s0 =	simm.s32 @!p0 $0x0  }
0x12: {  	s1 =	sld [smem:$0x3F97];
	s0 =	simm.s32 @p0 $0x1  }
0x13: {  	[smem:$0x3FB2] =	sst s0;
	s0 =	simm.s32 @!p1 $0x0  }
0x14: {  	s2 =	sld [smem:$0x3F96];
	s0 =	simm.s32 @p1 $0x1  }
0x15: {  	[smem:$0x3FB3] =	sst s0;
	s0 =	simm.s32 @!p2 $0x0  }
0x16: {  	s3 =	sld [smem:$0x3FDB];
	s0 =	simm.s32 @p2 $0x1  }
0x17: {  	s4 =	simm.s32 $0x1BF5;
	[smem:$0x3FB5] =	sst s0  }
0x18: {  	s0 =	sld [smem:$0x3F98];
	_ =	swait.ge [sflag:s4], $0x0  }
0x19: {  	s7 =	sld [smem:$0x3F99]  }
0x1a: {  	s8 =	sadd.s32 $0xFFFFE003, lr  }
0x1b: {  	s9 =	sadd.s32 $0xFFFFFEF7, lr;
	s5 =	simm.s32 $0xFFFFFFFF;
	p2 =	slt.u32 s8, $0xFFFFF086  }
0x1c: {  	p1 =	slt.u32 s9, $0xF7A;
	s5 =	simm.s32 @!p2 $0x0  }
0x1d: {  	s5 =	simm.s32 @p1 $0x1;
	p0 =	seq.s32 s7, s2  }
0x1e: {  	s7 =	smul.u32 @!p0 $0xF7A, s2;
	p2 =	seq.s32 @!p0 s5, $0x0  }
0x1f: {  	s9 =	smul.u32 $0xF7A, s1;
	s8 =	simm.s32 @!p0 $0x1BF5;
	p2 =	por !p2, p0  }
0x20: {  	[sflag:s8] =	ssyncset.s32 @!p0 $0xFFFFF086;
	s6 =	sadd.s32 @!p0 s3, s7;
	s7 =	simm.s32 @!p0 $0x108  }
0x21: {  	s3 =	sadd.s32 s3, s9;
	s6 =	sadd.s32 @!p0 $0x88, s6;
	s7 =	simm.s32 @p2 $0x1082  }
0x22: {  	[simem:s7], [sflag:s8] =	dma.local @!p0 [hbm:s6], $0xF7A  }
0x23: {  	s9 =	sor.u32 $0xD0000000, s2;
	s6 =	simm.s32 $0x108;
	_ =	swait.ge @!p0 [sflag:s8], $0x0  }
0x24: {  	s3 =	sadd.s32 $0x88, s3;
	s6 =	simm.s32 @!p1 $0x1082;
	[sflag:s4] =	ssyncset.s32 $0xFFFFF086  }
0x25: {  	[simem:s6], [sflag:s4] =	dma.local [hbm:s3], $0xF7A  }
0x26: {  	[smem:$0x3F99] =	sst s1;
	(tag) =	ssettag s2;
	_ =	strace s9  }
0x27: {  	s1 =	sld [smem:$0x3FA9]  }
0x28: {  	s2 =	sld [smem:$0x3FAA]  }
0x29: {  	s4 =	sld [smem:$0x3FAC]  }
0x2a: {  	p0 =	seq.s32 s5, $0x0;
	s5 =	sld [smem:$0x3FAD]  }
0x2b: {  	s6 =	sld [smem:$0x3FAE]  }
0x2c: {  	s7 =	sld [smem:$0x3FAF]  }
0x2d: {  	s3 =	simm.s32 $0x108;
	s8 =	sld [smem:$0x3FB0]  }
0x2e: {  	s3 =	simm.s32 @!p0 $0x1082;
	s9 =	sld [smem:$0x3FB1]  }
0x2f: {  	lr =	sadd.s32 s0, s3;
	s0 =	sld [smem:$0x3FA8]  }
0x30: {  	s3 =	sld [smem:$0x3FAB]  }
0x31: {  	[smem:$0x3FB4] =	sst s10  }
0x32: {  	s10 =	sld [smem:$0x3FB2];
	_ =	sdelay $0x3  }
0x33: {  	p0 =	seq.s32 s10, $0x1;
	s10 =	sld [smem:$0x3FB4];
	_ =	sdelay $0x3  }
0x34: {  	[smem:$0x3FB4] =	sst s10  }
0x35: {  	s10 =	sld [smem:$0x3FB3];
	_ =	sdelay $0x3  }
0x36: {  	p1 =	seq.s32 s10, $0x1;
	s10 =	sld [smem:$0x3FB4];
	_ =	sdelay $0x3  }
0x37: {  	[smem:$0x3FB4] =	sst s10  }
0x38: {  	s10 =	sld [smem:$0x3FB5]  }
0x39: {  	_ = 	snop;
	(pc) =	sbr.ind lr, $3  }
0x3a: {  	_ = 	snop  }
0x3b: {  	_ = 	snop  }
0x3c: {  	p2 =	seq.s32 s10, $0x1;
	s10 =	sld [smem:$0x3FB4]  }
0x3d: {  	_ =	shalt  }
0x3e: {  	_ =	shalt  }
0x3f: {  	_ =	shalt  }
0x40: {  	_ =	shalt  }
0x41: {  	_ =	shalt  }
0x42: {  	_ =	shalt  }
0x43: {  	_ =	shalt  }
0x44: {  	_ =	shalt  }
0x45: {  	_ =	shalt  }
0x46: {  	_ =	shalt  }
0x47: {  	_ =	shalt  }
0x48: {  	_ =	shalt  }
0x49: {  	_ =	shalt  }
0x4a: {  	_ =	shalt  }
0x4b: {  	_ =	shalt  }
0x4c: {  	_ =	shalt  }
0x4d: {  	_ =	shalt  }
0x4e: {  	_ =	shalt  }
0x4f: {  	_ =	shalt  }
0x50: {  	_ =	shalt  }
0x51: {  	_ =	shalt  }
0x52: {  	_ =	shalt  }
0x53: {  	_ =	shalt  }
0x54: {  	_ =	shalt  }
0x55: {  	_ =	shalt  }
0x56: {  	_ =	shalt  }
0x57: {  	_ =	shalt  }
0x58: {  	_ =	shalt  }
0x59: {  	_ =	shalt  }
0x5a: {  	_ =	shalt  }
0x5b: {  	_ =	shalt  }
0x5c: {  	_ =	shalt  }
0x5d: {  	_ =	shalt  }
0x5e: {  	_ =	shalt  }
0x5f: {  	_ =	shalt  }
0x60: {  	_ =	shalt  }
0x61: {  	_ =	shalt  }
0x62: {  	_ =	shalt  }
0x63: {  	_ =	shalt  }
0x64: {  	_ =	shalt  }
0x65: {  	_ =	shalt  }
0x66: {  	_ =	shalt  }
0x67: {  	_ =	shalt  }
0x68: {  	_ =	shalt  }
0x69: {  	_ =	shalt  }
0x6a: {  	_ =	shalt  }
0x6b: {  	_ =	shalt  }
0x6c: {  	_ =	shalt  }
0x6d: {  	_ =	shalt  }
0x6e: {  	_ =	shalt  }
0x6f: {  	_ =	shalt  }
0x70: {  	_ =	shalt  }
0x71: {  	_ =	shalt  }
0x72: {  	_ =	shalt  }
0x73: {  	_ =	shalt  }
0x74: {  	_ =	shalt  }
0x75: {  	_ =	shalt  }
0x76: {  	_ =	shalt  }
0x77: {  	_ =	shalt  }
0x78: {  	_ =	shalt  }
0x79: {  	_ =	shalt  }
0x7a: {  	_ =	shalt  }
0x7b: {  	_ =	shalt  }
0x7c: {  	_ =	shalt  }
0x7d: {  	_ =	shalt  }
0x7e: {  	_ =	shalt  }
0x7f: {  	_ =	shalt  }
0x80: {  	_ =	shalt  }
0x81: {  	_ =	shalt  }
0x82: {  	_ =	shalt  }
0x83: {  	_ =	shalt  }
0x84: {  	_ =	shalt  }
0x85: {  	_ =	shalt  }
0x86: {  	_ =	shalt  }
0x87: {  	_ =	shalt  }
.Lfunc_end0:
.L_simem_size_0:
called_computation.2_lowered:
.L_overlay_start_0:
0x88: {  	s2 =	sld [smem:$0x3FD9]  }
0x89: {  	s3 =	sld [smem:$0x3FFE];
	_ =	sdelay $0x1  }
0x8a: {  	s1 =	srdreg.scid  }
0x8b: {  	s0 =	sand.u32 $0x1, s1  }
0x8c: {  	s17 =	sshll.u32 s0, $0xA;
	s2 =	sadd.s32 s3, s2  }
0x8d: {  	s2 =	sadd.s32 s2, s17  }
0x8e: {  	[smem:$0x3FC0] =	sst s2  }
0x8f: {  	_ = 	snop  }
0x90: {  	s2 =	sld [smem:$0x3FD0];
	(tm) =	ssettm $0x1  }
0x91: {  	s18 =	sld [smem:$0x3FFB];
	_ =	sdelay $0x3  }
0x92: {  	_ =	strace s18  }
0x93: {  	s3 =	sld [smem:$0x3FFC];
	_ =	sdelay $0x3  }
0x94: {  	_ =	strace s3  }
0x95: {  	s3 =	sld [smem:$0x3FFD];
	_ =	sdelay $0x3  }
0x96: {  	_ =	strace s3  }
0x97: {  	_ =	strace $0x8FFFFFFF  }
0x98: {  	s19 =	sld [smem:$0x3FDB];
	_ =	sdelay $0x1  }
0x99: {  	s4 =	simm.s32 $_scs_section_size  }
0x9a: {  	s5 =	simm.s32 $_size__tile_overlayer_lowered;
	s6 =	simm.s32 $_tile_overlayer_lowered  }
0x9b: {  	s22 =	simm.s32 $0x1BFF;
	s21 =	sshll.u32 s6, $0x1;
	s3 =	sadd.s32 s4, s19  }
0x9c: {  	s7 =	simm.s32 $0x0;
	s20 =	sshll.u32 s5, $0x1;
	s5 =	sadd.s32 s21, s3  }
0x9d: {  	[timem:s7], [sflag:s22] =	dma.local [hbm:s5], s20  }
0x9e: {  	_ =	swait.ge [sflag:s22], s20  }
0x9f: {  	s4 =	ssub.s32 $0x0, s20;
	[sflag:s22] =	ssyncset.done $0x0  }
0xa0: {  	[sflag:s22] =	ssyncadd.s32 s4;
	_ =	sdelay $0x1  }
0xa1: {  	s23 =	simm.s32 $0x1B8B  }
0xa2: {  	_ =	swait.ge [sflag:s23], $0x1  }
0xa3: {  	[sflag:s23] =	ssyncset.done $0x0  }
0xa4: {  	s25 =	simm.s32 $0x1B8E;
	s24 =	sld [smem:$0x3FFE];
	[sflag:s23] =	ssyncadd.s32 $0xFFFFFFFF  }
0xa5: {  	s26 =	simm.s32 $execute0_lowered;
	[smem:$0x3FD2] =	sst s25  }
0xa6: {  	s5 =	sshll.u32 s26, $0x1;
	_ =	strace $0x8000004C;
	[dreg:$0x1] =	wrdreg $0xFFFFFFFF  }
0xa7: {  	s28 =	simm.s32 $_size_execute0_lowered;
	s3 =	sadd.s32 s3, s5;
	[dreg:$0x0] =	wrdreg $0x0  }
0xa8: {  	s5 =	sshll.u32 s28, $0x1;
	[dreg:$0x2] =	wrdreg s3  }
0xa9: {  	[dreg:$0x3] =	wrdreg s5  }
0xaa: {  	[dreg:$0x4] =	wrdreg $0xC0  }
0xab: {  	_ =	task [dreg:s7], $0x5FFFF  }
0xac: {  	[dreg:$0x1] =	wrdreg $0xFFFFFFFF  }
0xad: {  	[dreg:$0x0] =	wrdreg $0x60  }
0xae: {  	[dreg:$0x2] =	wrdreg s24  }
0xaf: {  	[dreg:$0x3] =	wrdreg s2  }
0xb0: {  	[dreg:$0x4] =	wrdreg $0xB0000  }
0xb1: {  	[dreg:$0x5] =	wrdreg $0x9  }
0xb2: {  	_ =	task.clear_ibuf [dreg:s7], $0x6FFFF;
	_ =	strace $0x9000004C  }
0xb3: {  	s29 =	simm.s32 $0x9;
	_ =	strace $0x8000004E  }
0xb4: {  	_ =	swait.ge [sflag:s29], $0x1  }
0xb5: {  	[sflag:s29] =	ssyncadd.s32 $0xFFFFFFFF  }
0xb6: {  	_ =	strace $0x9000004E  }
0xb7: {  	_ =	sfence  }
0xb8: {  	s30 =	sld [smem:$0x0];
	_ =	sdelay $0x2  }
0xb9: {  	s31 =	sshll.u32 s1, $0xD;
	s1 =	sshrl.u32 s1, $0x2  }
0xba: {  	s3 =	sand.u32 $0x4000, s31;
	s1 =	sadd.s32 s1, s30  }
0xbb: {  	s0 =	sor.u32 s3, s0;
	s1 =	sshll.u32 s1, $0x11  }
0xbc: {  	s0 =	sor.u32 s1, s0  }
0xbd: {  	s0 =	sadd.s32 $0x8F2B, s0  }
0xbe: {  	[sflag:s0] =	ssyncadd.remote.s32 $0x1  }
0xbf: {  	_ =	sfence.sel $0xFFFF  }
0xc0: {  	[dreg:$0x0] =	wrdreg $0xFFFFFFFF;
	(pc) =	sbr.abs _section_cstart, $3  }
0xc1: {  	[dreg:$0x1] =	wrdreg $0xFFFFFFFF  }
0xc2: {  	_ =	task.clear_ibuf [dreg:s7], $0x2FFFF;
	_ =	strace $0x9FFFFFFF  }
0xc3: {  	(tm) =	ssettm $0x7FFFFFFF  }
tec
execute0_lowered:
.L_overlay_start_1:
0x0: {  	(tag) =	ssettag $0x1  }
0x1: {  	s5 =	rddreg [dreg:$0x0]  }
0x2: {  	s9 =	rddreg [dreg:$0x1]  }
0x3: {  	s2 =	rddreg [dreg:$0x2]  }
0x4: {  	s0 =	rddreg [dreg:$0x3]  }
0x5: {  	s3 =	simm.s32 $0x0;
	s1 =	stileid.u32;
	s6 =	srdreg.scid  }
0x6: {  	s17 =	simm.s32 $0x3000;
	s18 =	simm.s32 $0x7000;
	s19 =	simm.s32 $0x1  }
0x7: {  	s20 =	simm.s32 $0x3;
	s21 =	simm.s32 $0x2;
	s22 =	simm.s32 $0x4  }
0x8: {  	s23 =	simm.s32 $0x8;
	s24 =	simm.s32 $0x100;
	s8 =	smul.u32 $0x2800, s1  }
0x9: {  	[smem:$0x7FF] =	sst s3;
	s4 =	sadd.s32 $0xD200, s5;
	s7 =	smul.u32 $0x28000, s1  }
0xa: {  	s6 =	sand.u32 $0x1, s6;
	s10 =	sadd.s32 $0x8000, s5;
	s13 =	smul.u32 $0x50000, s1  }
0xb: {  	s28 =	sshll.u32 s1, $0x6;
	_ =	strace $0x8000004D;
	s12 =	sshll.u32 s6, $0xA  }
0xc: {  	s25 =	ssub.s32 $0x2, s6;
	s15 =	smul.u32 $0x28400, s6;
	s11 =	sadd.s32 s8, s5  }
0xd: {  	s7 =	sor.u32 s12, s7;
	s14 =	sshrl.u32 s25, $0x1;
	s26 =	sshrl.u32 s13, $0x2  }
0xe: {  	s30 =	sadd.s32 $0x1400, s8;
	s7 =	sshrl.u32 s7, $0x3;
	s12 =	ssub.s32 s25, s14  }
0xf: {  	s13 =	sadd.s32 s26, s2;
	s6 =	sadd.s32 s8, s15;
	s31 =	sadd.s32 s15, s30  }
0x10: {  	s8 =	sshrl.u32 s8, $0x3;
	s14 =	sshrl.u32 s30, $0x3;
	s15 =	simm.s32 $0x1800  }
0x11: {  	s25 =	simm.s32 $0x0;
	s16 =	sadd.s32 s7, s5;
	s5 =	sadd.s32 $0x5B400, s11  }
0x12: {  	s29 =	sshrl.u32 s6, $0x3;
	s6 =	sor.u32 $0x1C05, s28;
	s11 =	sshrl.u32 s31, $0x3  }
0x13: {  	s8 =	sadd.s32 s10, s8;
	s10 =	sadd.s32 s10, s14;
	s12 =	smax.u32 s12, $0x1  }
0x14: {  	s13 =	sshrl.u32 s13, $0x3;
	s14 =	simm.s32 $0x5;
	s7 =	sadd.s32 s9, s29  }
0x15: {  	s9 =	sadd.s32 s9, s11;
	s11 =	sadd.s32 $0x83400, s16;
	s16 =	simm.s32 $0x80  }
.LBB2_1:
0x16: {  	[spmem:s13], [sflag:s6] =	dma.local [hbm:s5], $0x2800  }
0x17: {  	_ =	swait.ge [sflag:s14], $0x2800  }
0x18: {  	[sflag:s14] =	ssyncset.done $0x0  }
0x19: {  	[sflag:s14] =	ssyncadd.s32 $0xFFFFD800  }
0x1a: {  	[bflag:$0x0] =	sbarrier.arrive $0xFFFF  }
0x1b: {  	[tilespmem:s3], [sflag:$0x5] =	stream.linear.gather [hbm4b:s7+s3], $0x1800, $0x38;
	[tilespmem:$0x1F000] =	vst v63  }
0x1c: {  	_ =	swait.ge [sflag:s14], $0x1800  }
0x1d: {  	[sflag:s14] =	ssyncset.done $0x0  }
0x1e: {  	[sflag:s14] =	ssyncadd.s32 $0xFFFFE800  }
0x1f: {  	[tilespmem:s15], [sflag:$0x5] =	stream.linear.gather [hbm4b:s8+s3], $0x1800, $0x38;
	[tilespmem:$0x1F000] =	vst v63  }
0x20: {  	_ =	swait.ge [sflag:s14], $0x1800  }
0x21: {  	[sflag:s14] =	ssyncset.done $0x0  }
0x22: {  	[sflag:s14] =	ssyncadd.s32 $0xFFFFE800  }
0x23: {  	[tilespmem:s17], [sflag:$0x1] =	stream.indirect.gather [hbm4b:s4+s16], $0x80, s3, s16, $0xb8;
	[tilespmem:$0x1F000] =	vst v63  }
0x24: {  	_ = 	snop  }
0x25: {  	[tilespmem:s18], [sflag:$0x2] =	stream.indirect.gather [hbm4b:s4+s16], $0x80, s16, s16, $0xb8;
	[tilespmem:$0x1F000] =	vst v63  }
0x26: {  	_ =	swait.ge [sflag:s19], $0x4000  }
0x27: {  	[sflag:s19] =	ssyncset.done $0x0  }
0x28: {  	s26 =	simm.s32 $0x1800;
	[sflag:s19] =	ssyncadd.s32 $0xFFFFC000  }
0x29: {  	[spmem:s2] =	stream.indirect.scatter.add.f32 [tilespmem:s17], [sflag:$0x3], $0x80, s26, s16, $0xb8;
	[tilespmem:$0x1F000] =	vst v63  }
0x2a: {  	_ =	swait.ge [sflag:s20], $0x4000  }
0x2b: {  	[sflag:s20] =	ssyncset.done $0x0  }
0x2c: {  	s30 =	simm.s32 $0x100;
	[sflag:s20] =	ssyncadd.s32 $0xFFFFC000  }
0x2d: {  	[tilespmem:s17], [sflag:$0x1] =	stream.indirect.gather [hbm4b:s4+s16], $0x80, s30, s16, $0xb8;
	[tilespmem:$0x1F000] =	vst v63  }
0x2e: {  	_ =	swait.ge [sflag:s21], $0x4000  }
0x2f: {  	[sflag:s21] =	ssyncset.done $0x0  }
0x30: {  	s31 =	simm.s32 $0x1880;
	[sflag:s21] =	ssyncadd.s32 $0xFFFFC000  }
0x31: {  	[spmem:s2] =	stream.indirect.scatter.add.f32 [tilespmem:s18], [sflag:$0x4], $0x80, s31, s16, $0xb8;
	[tilespmem:$0x1F000] =	vst v63  }
0x32: {  	_ =	swait.ge [sflag:s22], $0x4000  }
0x33: {  	[sflag:s22] =	ssyncset.done $0x0  }
0x34: {  	s28 =	simm.s32 $0x180;
	s26 =	simm.s32 $0x400;
	[sflag:s22] =	ssyncadd.s32 $0xFFFFC000  }
.LBB2_2:
0x35: {  	[tilespmem:s18], [sflag:$0x2] =	stream.indirect.gather [hbm4b:s4+s16], $0x80, s28, s16, $0xb8;
	[tilespmem:$0x1F000] =	vst v63  }
0x36: {  	s28 =	smov.u32 s26  }
0x37: {  	p0 =	sne.s32 s26, $0x4C00;
	s26 =	sadd.s32 $0x400, s26;
	_ =	swait.ge [sflag:s19], $0x4000  }
0x38: {  	s28 =	sshra.s32 s28, $0x2;
	[sflag:s19] =	ssyncset.done $0x0  }
0x39: {  	s29 =	sadd.s32 $0x1800, s28;
	[sflag:s19] =	ssyncadd.s32 $0xFFFFC000  }
0x3a: {  	[spmem:s2] =	stream.indirect.scatter.add.f32 [tilespmem:s17], [sflag:$0x3], $0x80, s29, s16, $0xb8;
	[tilespmem:$0x1F000] =	vst v63  }
0x3b: {  	_ =	swait.ge [sflag:s20], $0x4000  }
0x3c: {  	[sflag:s20] =	ssyncset.done $0x0  }
0x3d: {  	s29 =	sadd.s32 $0x100, s28;
	[sflag:s20] =	ssyncadd.s32 $0xFFFFC000  }
0x3e: {  	[tilespmem:s17], [sflag:$0x1] =	stream.indirect.gather [hbm4b:s4+s16], $0x80, s29, s16, $0xb8;
	[tilespmem:$0x1F000] =	vst v63  }
0x3f: {  	_ =	swait.ge [sflag:s21], $0x4000  }
0x40: {  	[sflag:s21] =	ssyncset.done $0x0  }
.Ltmp0:
0x41: {  	s29 =	sadd.s32 $0x1880, s28;
	[sflag:s21] =	ssyncadd.s32 $0xFFFFC000;
	(pc) =	sbr.rel @p0 .LBB2_2-.Ltmp0, $4  }
0x42: {  	[spmem:s2] =	stream.indirect.scatter.add.f32 [tilespmem:s18], [sflag:$0x4], $0x80, s29, s16, $0xb8;
	[tilespmem:$0x1F000] =	vst v63  }
0x43: {  	_ =	swait.ge [sflag:s22], $0x4000  }
0x44: {  	[sflag:s22] =	ssyncset.done $0x0  }
0x45: {  	s28 =	sadd.s32 $0x180, s28;
	[sflag:s22] =	ssyncadd.s32 $0xFFFFC000  }
0x46: {  	[tilespmem:s18], [sflag:$0x2] =	stream.indirect.gather [hbm4b:s4+s16], $0x80, s28, s16, $0xb8;
	[tilespmem:$0x1F000] =	vst v63  }
0x47: {  	_ =	swait.ge [sflag:s19], $0x4000  }
0x48: {  	[sflag:s19] =	ssyncset.done $0x0  }
0x49: {  	[sflag:s19] =	ssyncadd.s32 $0xFFFFC000  }
0x4a: {  	_ =	swait.ge [sflag:s21], $0x4000  }
0x4b: {  	[sflag:s21] =	ssyncset.done $0x0  }
0x4c: {  	s26 =	simm.s32 $0x0;
	[sflag:s21] =	ssyncadd.s32 $0xFFFFC000  }
0x4d: {  	[tilespmem:s26], [sflag:$0x5] =	stream.linear.gather [hbm4b:s9+s26], $0x1800, $0x38;
	[tilespmem:$0x1F000] =	vst v63  }
0x4e: {  	_ =	swait.ge [sflag:s14], $0x1800  }
0x4f: {  	[sflag:s14] =	ssyncset.done $0x0  }
0x50: {  	[sflag:s14] =	ssyncadd.s32 $0xFFFFE800  }
0x51: {  	[tilespmem:s15], [sflag:$0x5] =	stream.linear.gather [hbm4b:s10+s26], $0x1800, $0x38;
	[tilespmem:$0x1F000] =	vst v63  }
0x52: {  	_ =	swait.ge [sflag:s14], $0x1800  }
0x53: {  	[sflag:s14] =	ssyncset.done $0x0  }
0x54: {  	[sflag:s14] =	ssyncadd.s32 $0xFFFFE800  }
0x55: {  	[tilespmem:s17], [sflag:$0x1] =	stream.indirect.gather [hbm4b:s4+s16], $0x80, s26, s16, $0xb8;
	[tilespmem:$0x1F000] =	vst v63  }
0x56: {  	_ = 	snop  }
0x57: {  	[tilespmem:s18], [sflag:$0x2] =	stream.indirect.gather [hbm4b:s4+s16], $0x80, s16, s16, $0xb8;
	[tilespmem:$0x1F000] =	vst v63  }
0x58: {  	_ =	swait.ge [sflag:s19], $0x4000  }
0x59: {  	[sflag:s19] =	ssyncset.done $0x0  }
0x5a: {  	s29 =	simm.s32 $0x1800;
	[sflag:s19] =	ssyncadd.s32 $0xFFFFC000  }
0x5b: {  	[spmem:s2] =	stream.indirect.scatter.add.f32 [tilespmem:s17], [sflag:$0x3], $0x80, s29, s16, $0xb8;
	[tilespmem:$0x1F000] =	vst v63  }
0x5c: {  	_ =	swait.ge [sflag:s20], $0x4000  }
0x5d: {  	[sflag:s20] =	ssyncset.done $0x0  }
0x5e: {  	s30 =	simm.s32 $0x100;
	[sflag:s20] =	ssyncadd.s32 $0xFFFFC000  }
0x5f: {  	[tilespmem:s17], [sflag:$0x1] =	stream.indirect.gather [hbm4b:s4+s16], $0x80, s30, s16, $0xb8;
	[tilespmem:$0x1F000] =	vst v63  }
0x60: {  	_ =	swait.ge [sflag:s21], $0x4000  }
0x61: {  	[sflag:s21] =	ssyncset.done $0x0  }
0x62: {  	s31 =	simm.s32 $0x1880;
	[sflag:s21] =	ssyncadd.s32 $0xFFFFC000  }
0x63: {  	[spmem:s2] =	stream.indirect.scatter.add.f32 [tilespmem:s18], [sflag:$0x4], $0x80, s31, s16, $0xb8;
	[tilespmem:$0x1F000] =	vst v63  }
0x64: {  	_ =	swait.ge [sflag:s22], $0x4000  }
0x65: {  	[sflag:s22] =	ssyncset.done $0x0  }
0x66: {  	s28 =	simm.s32 $0x180;
	s26 =	simm.s32 $0x400;
	[sflag:s22] =	ssyncadd.s32 $0xFFFFC000  }
.LBB2_4:
0x67: {  	[tilespmem:s18], [sflag:$0x2] =	stream.indirect.gather [hbm4b:s4+s16], $0x80, s28, s16, $0xb8;
	[tilespmem:$0x1F000] =	vst v63  }
0x68: {  	s28 =	smov.u32 s26  }
0x69: {  	p0 =	sne.s32 s26, $0x4C00;
	s26 =	sadd.s32 $0x400, s26;
	_ =	swait.ge [sflag:s19], $0x4000  }
0x6a: {  	s28 =	sshra.s32 s28, $0x2;
	[sflag:s19] =	ssyncset.done $0x0  }
0x6b: {  	s29 =	sadd.s32 $0x1800, s28;
	[sflag:s19] =	ssyncadd.s32 $0xFFFFC000  }
0x6c: {  	[spmem:s2] =	stream.indirect.scatter.add.f32 [tilespmem:s17], [sflag:$0x3], $0x80, s29, s16, $0xb8;
	[tilespmem:$0x1F000] =	vst v63  }
0x6d: {  	_ =	swait.ge [sflag:s20], $0x4000  }
0x6e: {  	[sflag:s20] =	ssyncset.done $0x0  }
0x6f: {  	s29 =	sadd.s32 $0x100, s28;
	[sflag:s20] =	ssyncadd.s32 $0xFFFFC000  }
0x70: {  	[tilespmem:s17], [sflag:$0x1] =	stream.indirect.gather [hbm4b:s4+s16], $0x80, s29, s16, $0xb8;
	[tilespmem:$0x1F000] =	vst v63  }
0x71: {  	_ =	swait.ge [sflag:s21], $0x4000  }
0x72: {  	[sflag:s21] =	ssyncset.done $0x0  }
.Ltmp1:
0x73: {  	s29 =	sadd.s32 $0x1880, s28;
	[sflag:s21] =	ssyncadd.s32 $0xFFFFC000;
	(pc) =	sbr.rel @p0 .LBB2_4-.Ltmp1, $4  }
0x74: {  	[spmem:s2] =	stream.indirect.scatter.add.f32 [tilespmem:s18], [sflag:$0x4], $0x80, s29, s16, $0xb8;
	[tilespmem:$0x1F000] =	vst v63  }
0x75: {  	_ =	swait.ge [sflag:s22], $0x4000  }
0x76: {  	[sflag:s22] =	ssyncset.done $0x0  }
0x77: {  	s28 =	sadd.s32 $0x180, s28;
	[sflag:s22] =	ssyncadd.s32 $0xFFFFC000  }
0x78: {  	[tilespmem:s18], [sflag:$0x2] =	stream.indirect.gather [hbm4b:s4+s16], $0x80, s28, s16, $0xb8;
	[tilespmem:$0x1F000] =	vst v63  }
0x79: {  	_ =	swait.ge [sflag:s19], $0x4000  }
0x7a: {  	[sflag:s19] =	ssyncset.done $0x0  }
0x7b: {  	[sflag:s19] =	ssyncadd.s32 $0xFFFFC000  }
0x7c: {  	_ =	swait.ge [sflag:s21], $0x4000  }
0x7d: {  	s25 =	sadd.s32 $0x1, s25;
	[sflag:s21] =	ssyncset.done $0x0  }
0x7e: {  	p0 =	sne.s32 s25, s12;
	[sflag:s21] =	ssyncadd.s32 $0xFFFFC000  }
.Ltmp2:
0x7f: {  	[bflag:$0x0] =	sbarrier.arrive $0xFFFF;
	(pc) =	sbr.rel @p0 .LBB2_1-.Ltmp2, $4  }
0x80: {  	[hbm:s11@s24], [sflag:s6] =	dma.strided [spmem:s13@s16], $0x2800, s23, $0x10   }
0x81: {  	_ =	swait.ge [sflag:s14], $0x2800  }
0x82: {  	[sflag:s14] =	ssyncset.done $0x0  }
0x83: {  	[sflag:s14] =	ssyncadd.s32 $0xFFFFD800  }
0x84: {  	_ =	sfence.sel $0x180000  }
0x85: {  	[bflag:$0x0] =	sbarrier.arrive $0xFFFF  }
0x86: {  	p0 =	sne.s32 s1, $0x0;
	_ =	strace $0x9000004D  }
0x87: {  	s0 =	sadd.s32 @!p0 $0x100000, s0;
	[bflag:$0x2] =	sbarrier.arrive $0xFFFF  }
0x88: {  	[sflag:s0] =	ssyncadd.tile.s32 @!p0 $0x1;
	_ =	shalt  }
.Lfunc_end2:
_tile_overlayer_lowered:
.L_overlay_start_2:
0x89: {  	(tag) =	ssettag $0x2  }
0x8a: {  	s0 =	rddreg [dreg:$0x0];
	s2 =	stileid.u32  }
0x8b: {  	s1 =	rddreg [dreg:$0x1];
	p0 =	sne.s32 s2, $0x0  }
0x8c: {  	s3 =	rddreg [dreg:$0x2];
	[bflag:$0x3] =	sbarrier.arrive $0xFFFF;
	s2 =	simm.s32 @!p0 $0x1C05  }
0x8d: {  	[timem:s3], [sflag:s2] =	dma.local @!p0 [hbm:s0], s1  }
0x8e: {  	s0 =	simm.s32 @!p0 $0x5  }
0x8f: {  	_ =	swait.ge @!p0 [sflag:s0], s1  }
0x90: {  	s1 =	ssub.s32 @!p0 $0x0, s1;
	[sflag:s0] =	ssyncset.done @!p0 $0x0  }
0x91: {  	[sflag:s0] =	ssyncadd.s32 @!p0 s1  }
0x92: {  	[bflag:$0x3] =	sbarrier.arrive $0xFFFF  }
0x93: {  	_ =	shalt  }

// kernel: kernel.22.cloned.1.call-start
scs
__scs_entry_jumppad:
0x0: {  	(pc) =	sbr.rel $0x88, $3  }
0x1: {  	(tag) =	ssettag $0x0;
	lr =	simm.s32 $0x1  }
0x2: {  	[smem:$0x3F99] =	sst lr;
	_ =	strace $0xD0000000  }
0x3: {  	_ = 	snop  }
0x4: {  	_ = 	snop  }
0x5: {  	_ = 	snop  }
0x6: {  	_ = 	snop  }
0x7: {  	_ = 	snop  }
__scs_overlays_trampoline_lowered:
0x8: {  	[smem:$0x3FA8] =	sst s0  }
0x9: {  	[smem:$0x3FA9] =	sst s1  }
0xa: {  	[smem:$0x3FAA] =	sst s2  }
0xb: {  	[smem:$0x3FAB] =	sst s3  }
0xc: {  	[smem:$0x3FAC] =	sst s4  }
0xd: {  	[smem:$0x3FAD] =	sst s5  }
0xe: {  	[smem:$0x3FAE] =	sst s6  }
0xf: {  	[smem:$0x3FAF] =	sst s7  }
0x10: {  	[smem:$0x3FB0] =	sst s8  }
0x11: {  	[smem:$0x3FB1] =	sst s9;
	s0 =	simm.s32 @!p0 $0x0  }
0x12: {  	s1 =	sld [smem:$0x3F97];
	s0 =	simm.s32 @p0 $0x1  }
0x13: {  	[smem:$0x3FB2] =	sst s0;
	s0 =	simm.s32 @!p1 $0x0  }
0x14: {  	s2 =	sld [smem:$0x3F96];
	s0 =	simm.s32 @p1 $0x1  }
0x15: {  	[smem:$0x3FB3] =	sst s0;
	s0 =	simm.s32 @!p2 $0x0  }
0x16: {  	s3 =	sld [smem:$0x3FDB];
	s0 =	simm.s32 @p2 $0x1  }
0x17: {  	s4 =	simm.s32 $0x1BF5;
	[smem:$0x3FB5] =	sst s0  }
0x18: {  	s0 =	sld [smem:$0x3F98];
	_ =	swait.ge [sflag:s4], $0x0  }
0x19: {  	s7 =	sld [smem:$0x3F99]  }
0x1a: {  	s8 =	sadd.s32 $0xFFFFE003, lr  }
0x1b: {  	s9 =	sadd.s32 $0xFFFFFEF7, lr;
	s5 =	simm.s32 $0xFFFFFFFF;
	p2 =	slt.u32 s8, $0xFFFFF086  }
0x1c: {  	p1 =	slt.u32 s9, $0xF7A;
	s5 =	simm.s32 @!p2 $0x0  }
0x1d: {  	s5 =	simm.s32 @p1 $0x1;
	p0 =	seq.s32 s7, s2  }
0x1e: {  	s7 =	smul.u32 @!p0 $0xF7A, s2;
	p2 =	seq.s32 @!p0 s5, $0x0  }
0x1f: {  	s9 =	smul.u32 $0xF7A, s1;
	s8 =	simm.s32 @!p0 $0x1BF5;
	p2 =	por !p2, p0  }
0x20: {  	[sflag:s8] =	ssyncset.s32 @!p0 $0xFFFFF086;
	s6 =	sadd.s32 @!p0 s3, s7;
	s7 =	simm.s32 @!p0 $0x108  }
0x21: {  	s3 =	sadd.s32 s3, s9;
	s6 =	sadd.s32 @!p0 $0x88, s6;
	s7 =	simm.s32 @p2 $0x1082  }
0x22: {  	[simem:s7], [sflag:s8] =	dma.local @!p0 [hbm:s6], $0xF7A  }
0x23: {  	s9 =	sor.u32 $0xD0000000, s2;
	s6 =	simm.s32 $0x108;
	_ =	swait.ge @!p0 [sflag:s8], $0x0  }
0x24: {  	s3 =	sadd.s32 $0x88, s3;
	s6 =	simm.s32 @!p1 $0x1082;
	[sflag:s4] =	ssyncset.s32 $0xFFFFF086  }
0x25: {  	[simem:s6], [sflag:s4] =	dma.local [hbm:s3], $0xF7A  }
0x26: {  	[smem:$0x3F99] =	sst s1;
	(tag) =	ssettag s2;
	_ =	strace s9  }
0x27: {  	s1 =	sld [smem:$0x3FA9]  }
0x28: {  	s2 =	sld [smem:$0x3FAA]  }
0x29: {  	s4 =	sld [smem:$0x3FAC]  }
0x2a: {  	p0 =	seq.s32 s5, $0x0;
	s5 =	sld [smem:$0x3FAD]  }
0x2b: {  	s6 =	sld [smem:$0x3FAE]  }
0x2c: {  	s7 =	sld [smem:$0x3FAF]  }
0x2d: {  	s3 =	simm.s32 $0x108;
	s8 =	sld [smem:$0x3FB0]  }
0x2e: {  	s3 =	simm.s32 @!p0 $0x1082;
	s9 =	sld [smem:$0x3FB1]  }
0x2f: {  	lr =	sadd.s32 s0, s3;
	s0 =	sld [smem:$0x3FA8]  }
0x30: {  	s3 =	sld [smem:$0x3FAB]  }
0x31: {  	[smem:$0x3FB4] =	sst s10  }
0x32: {  	s10 =	sld [smem:$0x3FB2];
	_ =	sdelay $0x3  }
0x33: {  	p0 =	seq.s32 s10, $0x1;
	s10 =	sld [smem:$0x3FB4];
	_ =	sdelay $0x3  }
0x34: {  	[smem:$0x3FB4] =	sst s10  }
0x35: {  	s10 =	sld [smem:$0x3FB3];
	_ =	sdelay $0x3  }
0x36: {  	p1 =	seq.s32 s10, $0x1;
	s10 =	sld [smem:$0x3FB4];
	_ =	sdelay $0x3  }
0x37: {  	[smem:$0x3FB4] =	sst s10  }
0x38: {  	s10 =	sld [smem:$0x3FB5]  }
0x39: {  	_ = 	snop;
	(pc) =	sbr.ind lr, $3  }
0x3a: {  	_ = 	snop  }
0x3b: {  	_ = 	snop  }
0x3c: {  	p2 =	seq.s32 s10, $0x1;
	s10 =	sld [smem:$0x3FB4]  }
0x3d: {  	_ =	shalt  }
0x3e: {  	_ =	shalt  }
0x3f: {  	_ =	shalt  }
0x40: {  	_ =	shalt  }
0x41: {  	_ =	shalt  }
0x42: {  	_ =	shalt  }
0x43: {  	_ =	shalt  }
0x44: {  	_ =	shalt  }
0x45: {  	_ =	shalt  }
0x46: {  	_ =	shalt  }
0x47: {  	_ =	shalt  }
0x48: {  	_ =	shalt  }
0x49: {  	_ =	shalt  }
0x4a: {  	_ =	shalt  }
0x4b: {  	_ =	shalt  }
0x4c: {  	_ =	shalt  }
0x4d: {  	_ =	shalt  }
0x4e: {  	_ =	shalt  }
0x4f: {  	_ =	shalt  }
0x50: {  	_ =	shalt  }
0x51: {  	_ =	shalt  }
0x52: {  	_ =	shalt  }
0x53: {  	_ =	shalt  }
0x54: {  	_ =	shalt  }
0x55: {  	_ =	shalt  }
0x56: {  	_ =	shalt  }
0x57: {  	_ =	shalt  }
0x58: {  	_ =	shalt  }
0x59: {  	_ =	shalt  }
0x5a: {  	_ =	shalt  }
0x5b: {  	_ =	shalt  }
0x5c: {  	_ =	shalt  }
0x5d: {  	_ =	shalt  }
0x5e: {  	_ =	shalt  }
0x5f: {  	_ =	shalt  }
0x60: {  	_ =	shalt  }
0x61: {  	_ =	shalt  }
0x62: {  	_ =	shalt  }
0x63: {  	_ =	shalt  }
0x64: {  	_ =	shalt  }
0x65: {  	_ =	shalt  }
0x66: {  	_ =	shalt  }
0x67: {  	_ =	shalt  }
0x68: {  	_ =	shalt  }
0x69: {  	_ =	shalt  }
0x6a: {  	_ =	shalt  }
0x6b: {  	_ =	shalt  }
0x6c: {  	_ =	shalt  }
0x6d: {  	_ =	shalt  }
0x6e: {  	_ =	shalt  }
0x6f: {  	_ =	shalt  }
0x70: {  	_ =	shalt  }
0x71: {  	_ =	shalt  }
0x72: {  	_ =	shalt  }
0x73: {  	_ =	shalt  }
0x74: {  	_ =	shalt  }
0x75: {  	_ =	shalt  }
0x76: {  	_ =	shalt  }
0x77: {  	_ =	shalt  }
0x78: {  	_ =	shalt  }
0x79: {  	_ =	shalt  }
0x7a: {  	_ =	shalt  }
0x7b: {  	_ =	shalt  }
0x7c: {  	_ =	shalt  }
0x7d: {  	_ =	shalt  }
0x7e: {  	_ =	shalt  }
0x7f: {  	_ =	shalt  }
0x80: {  	_ =	shalt  }
0x81: {  	_ =	shalt  }
0x82: {  	_ =	shalt  }
0x83: {  	_ =	shalt  }
0x84: {  	_ =	shalt  }
0x85: {  	_ =	shalt  }
0x86: {  	_ =	shalt  }
0x87: {  	_ =	shalt  }
.Lfunc_end0:
.L_simem_size_0:
called_computation.3_lowered:
.L_overlay_start_0:
0x88: {  	s2 =	sld [smem:$0x3FD9]  }
0x89: {  	s3 =	sld [smem:$0x3FFE];
	_ =	sdelay $0x1  }
0x8a: {  	s1 =	srdreg.scid  }
0x8b: {  	s0 =	sand.u32 $0x1, s1  }
0x8c: {  	s17 =	sshll.u32 s0, $0xA;
	s2 =	sadd.s32 s3, s2  }
0x8d: {  	s2 =	sadd.s32 s2, s17  }
0x8e: {  	[smem:$0x3FC0] =	sst s2  }
0x8f: {  	_ = 	snop  }
0x90: {  	s2 =	sld [smem:$0x3FD0];
	(tm) =	ssettm $0x1  }
0x91: {  	s18 =	sld [smem:$0x3FFB];
	_ =	sdelay $0x3  }
0x92: {  	_ =	strace s18  }
0x93: {  	s3 =	sld [smem:$0x3FFC];
	_ =	sdelay $0x3  }
0x94: {  	_ =	strace s3  }
0x95: {  	s3 =	sld [smem:$0x3FFD];
	_ =	sdelay $0x3  }
0x96: {  	_ =	strace s3  }
0x97: {  	_ =	strace $0x8FFFFFFF  }
0x98: {  	s19 =	sld [smem:$0x3FDB];
	_ =	sdelay $0x1  }
0x99: {  	s4 =	simm.s32 $_scs_section_size  }
0x9a: {  	s5 =	simm.s32 $_size__tile_overlayer_lowered;
	s6 =	simm.s32 $_tile_overlayer_lowered  }
0x9b: {  	s22 =	simm.s32 $0x1BFF;
	s21 =	sshll.u32 s6, $0x1;
	s3 =	sadd.s32 s4, s19  }
0x9c: {  	s7 =	simm.s32 $0x0;
	s20 =	sshll.u32 s5, $0x1;
	s5 =	sadd.s32 s21, s3  }
0x9d: {  	[timem:s7], [sflag:s22] =	dma.local [hbm:s5], s20  }
0x9e: {  	_ =	swait.ge [sflag:s22], s20  }
0x9f: {  	s4 =	ssub.s32 $0x0, s20;
	[sflag:s22] =	ssyncset.done $0x0  }
0xa0: {  	[sflag:s22] =	ssyncadd.s32 s4;
	_ =	sdelay $0x1  }
0xa1: {  	s23 =	simm.s32 $0x1B8B  }
0xa2: {  	_ =	swait.ge [sflag:s23], $0x1  }
0xa3: {  	[sflag:s23] =	ssyncset.done $0x0  }
0xa4: {  	s25 =	simm.s32 $0x1B8E;
	s24 =	sld [smem:$0x3FFE];
	[sflag:s23] =	ssyncadd.s32 $0xFFFFFFFF  }
0xa5: {  	s26 =	simm.s32 $execute0_lowered;
	[smem:$0x3FD2] =	sst s25  }
0xa6: {  	s5 =	sshll.u32 s26, $0x1;
	_ =	strace $0x8000004F;
	[dreg:$0x1] =	wrdreg $0xFFFFFFFF  }
0xa7: {  	s28 =	simm.s32 $_size_execute0_lowered;
	s3 =	sadd.s32 s3, s5;
	[dreg:$0x0] =	wrdreg $0x0  }
0xa8: {  	s5 =	sshll.u32 s28, $0x1;
	[dreg:$0x2] =	wrdreg s3  }
0xa9: {  	[dreg:$0x3] =	wrdreg s5  }
0xaa: {  	[dreg:$0x4] =	wrdreg $0xC0  }
0xab: {  	_ =	task [dreg:s7], $0x5FFFF  }
0xac: {  	[dreg:$0x1] =	wrdreg $0xFFFFFFFF  }
0xad: {  	[dreg:$0x0] =	wrdreg $0x60  }
0xae: {  	[dreg:$0x2] =	wrdreg s24  }
0xaf: {  	[dreg:$0x3] =	wrdreg s2  }
0xb0: {  	[dreg:$0x4] =	wrdreg $0xB0000  }
0xb1: {  	[dreg:$0x5] =	wrdreg $0x9  }
0xb2: {  	_ =	task.clear_ibuf [dreg:s7], $0x6FFFF;
	_ =	strace $0x9000004F  }
0xb3: {  	s29 =	simm.s32 $0x9;
	_ =	strace $0x80000051  }
0xb4: {  	_ =	swait.ge [sflag:s29], $0x1  }
0xb5: {  	[sflag:s29] =	ssyncadd.s32 $0xFFFFFFFF  }
0xb6: {  	_ =	strace $0x90000051  }
0xb7: {  	_ =	sfence  }
0xb8: {  	s30 =	sld [smem:$0x0];
	_ =	sdelay $0x2  }
0xb9: {  	s31 =	sshll.u32 s1, $0xD;
	s1 =	sshrl.u32 s1, $0x2  }
0xba: {  	s3 =	sand.u32 $0x4000, s31;
	s1 =	sadd.s32 s1, s30  }
0xbb: {  	s0 =	sor.u32 s3, s0;
	s1 =	sshll.u32 s1, $0x11  }
0xbc: {  	s0 =	sor.u32 s1, s0  }
0xbd: {  	s0 =	sadd.s32 $0x8F2B, s0  }
0xbe: {  	[sflag:s0] =	ssyncadd.remote.s32 $0x1  }
0xbf: {  	_ =	sfence.sel $0xFFFF  }
0xc0: {  	[dreg:$0x0] =	wrdreg $0xFFFFFFFF;
	(pc) =	sbr.abs _section_cstart, $3  }
0xc1: {  	[dreg:$0x1] =	wrdreg $0xFFFFFFFF  }
0xc2: {  	_ =	task.clear_ibuf [dreg:s7], $0x2FFFF;
	_ =	strace $0x9FFFFFFF  }
0xc3: {  	(tm) =	ssettm $0x7FFFFFFF  }
tec
execute0_lowered:
.L_overlay_start_1:
0x0: {  	(tag) =	ssettag $0x1  }
0x1: {  	s5 =	rddreg [dreg:$0x0]  }
0x2: {  	s9 =	rddreg [dreg:$0x1]  }
0x3: {  	s2 =	rddreg [dreg:$0x2]  }
0x4: {  	s0 =	rddreg [dreg:$0x3]  }
0x5: {  	s3 =	simm.s32 $0x0;
	s1 =	stileid.u32;
	s6 =	srdreg.scid  }
0x6: {  	s17 =	simm.s32 $0x3000;
	s18 =	simm.s32 $0x7000;
	s19 =	simm.s32 $0x1  }
0x7: {  	s20 =	simm.s32 $0x3;
	s21 =	simm.s32 $0x2;
	s22 =	simm.s32 $0x4  }
0x8: {  	s23 =	simm.s32 $0x8;
	s24 =	simm.s32 $0x100;
	s8 =	smul.u32 $0x2800, s1  }
0x9: {  	[smem:$0x7FF] =	sst s3;
	s4 =	sadd.s32 $0xD200, s5;
	s7 =	smul.u32 $0x28000, s1  }
0xa: {  	s6 =	sand.u32 $0x1, s6;
	s10 =	sadd.s32 $0x8000, s5;
	s13 =	smul.u32 $0x50000, s1  }
0xb: {  	s28 =	sshll.u32 s1, $0x6;
	_ =	strace $0x80000050;
	s12 =	sshll.u32 s6, $0xA  }
0xc: {  	s25 =	ssub.s32 $0x2, s6;
	s15 =	smul.u32 $0x28400, s6;
	s11 =	sadd.s32 s8, s5  }
0xd: {  	s7 =	sor.u32 s12, s7;
	s14 =	sshrl.u32 s25, $0x1;
	s26 =	sshrl.u32 s13, $0x2  }
0xe: {  	s30 =	sadd.s32 $0x1400, s8;
	s7 =	sshrl.u32 s7, $0x3;
	s12 =	ssub.s32 s25, s14  }
0xf: {  	s13 =	sadd.s32 s26, s2;
	s6 =	sadd.s32 s8, s15;
	s31 =	sadd.s32 s15, s30  }
0x10: {  	s8 =	sshrl.u32 s8, $0x3;
	s14 =	sshrl.u32 s30, $0x3;
	s15 =	simm.s32 $0x1800  }
0x11: {  	s25 =	simm.s32 $0x0;
	s16 =	sadd.s32 s7, s5;
	s5 =	sadd.s32 $0x5B400, s11  }
0x12: {  	s29 =	sshrl.u32 s6, $0x3;
	s6 =	sor.u32 $0x1C05, s28;
	s11 =	sshrl.u32 s31, $0x3  }
0x13: {  	s8 =	sadd.s32 s10, s8;
	s10 =	sadd.s32 s10, s14;
	s12 =	smax.u32 s12, $0x1  }
0x14: {  	s13 =	sshrl.u32 s13, $0x3;
	s14 =	simm.s32 $0x5;
	s7 =	sadd.s32 s9, s29  }
0x15: {  	s9 =	sadd.s32 s9, s11;
	s11 =	sadd.s32 $0x83400, s16;
	s16 =	simm.s32 $0x80  }
.LBB2_1:
0x16: {  	[spmem:s13], [sflag:s6] =	dma.local [hbm:s5], $0x2800  }
0x17: {  	_ =	swait.ge [sflag:s14], $0x2800  }
0x18: {  	[sflag:s14] =	ssyncset.done $0x0  }
0x19: {  	[sflag:s14] =	ssyncadd.s32 $0xFFFFD800  }
0x1a: {  	[bflag:$0x0] =	sbarrier.arrive $0xFFFF  }
0x1b: {  	[tilespmem:s3], [sflag:$0x5] =	stream.linear.gather [hbm4b:s7+s3], $0x1800, $0x38;
	[tilespmem:$0x1F000] =	vst v63  }
0x1c: {  	_ =	swait.ge [sflag:s14], $0x1800  }
0x1d: {  	[sflag:s14] =	ssyncset.done $0x0  }
0x1e: {  	[sflag:s14] =	ssyncadd.s32 $0xFFFFE800  }
0x1f: {  	[tilespmem:s15], [sflag:$0x5] =	stream.linear.gather [hbm4b:s8+s3], $0x1800, $0x38;
	[tilespmem:$0x1F000] =	vst v63  }
0x20: {  	_ =	swait.ge [sflag:s14], $0x1800  }
0x21: {  	[sflag:s14] =	ssyncset.done $0x0  }
0x22: {  	[sflag:s14] =	ssyncadd.s32 $0xFFFFE800  }
0x23: {  	[tilespmem:s17], [sflag:$0x1] =	stream.indirect.gather [hbm4b:s4+s16], $0x80, s3, s16, $0xb8;
	[tilespmem:$0x1F000] =	vst v63  }
0x24: {  	_ = 	snop  }
0x25: {  	[tilespmem:s18], [sflag:$0x2] =	stream.indirect.gather [hbm4b:s4+s16], $0x80, s16, s16, $0xb8;
	[tilespmem:$0x1F000] =	vst v63  }
0x26: {  	_ =	swait.ge [sflag:s19], $0x4000  }
0x27: {  	[sflag:s19] =	ssyncset.done $0x0  }
0x28: {  	s26 =	simm.s32 $0x1800;
	[sflag:s19] =	ssyncadd.s32 $0xFFFFC000  }
0x29: {  	[spmem:s2] =	stream.indirect.scatter.add.f32 [tilespmem:s17], [sflag:$0x3], $0x80, s26, s16, $0xb8;
	[tilespmem:$0x1F000] =	vst v63  }
0x2a: {  	_ =	swait.ge [sflag:s20], $0x4000  }
0x2b: {  	[sflag:s20] =	ssyncset.done $0x0  }
0x2c: {  	s30 =	simm.s32 $0x100;
	[sflag:s20] =	ssyncadd.s32 $0xFFFFC000  }
0x2d: {  	[tilespmem:s17], [sflag:$0x1] =	stream.indirect.gather [hbm4b:s4+s16], $0x80, s30, s16, $0xb8;
	[tilespmem:$0x1F000] =	vst v63  }
0x2e: {  	_ =	swait.ge [sflag:s21], $0x4000  }
0x2f: {  	[sflag:s21] =	ssyncset.done $0x0  }
0x30: {  	s31 =	simm.s32 $0x1880;
	[sflag:s21] =	ssyncadd.s32 $0xFFFFC000  }
0x31: {  	[spmem:s2] =	stream.indirect.scatter.add.f32 [tilespmem:s18], [sflag:$0x4], $0x80, s31, s16, $0xb8;
	[tilespmem:$0x1F000] =	vst v63  }
0x32: {  	_ =	swait.ge [sflag:s22], $0x4000  }
0x33: {  	[sflag:s22] =	ssyncset.done $0x0  }
0x34: {  	s28 =	simm.s32 $0x180;
	s26 =	simm.s32 $0x400;
	[sflag:s22] =	ssyncadd.s32 $0xFFFFC000  }
.LBB2_2:
0x35: {  	[tilespmem:s18], [sflag:$0x2] =	stream.indirect.gather [hbm4b:s4+s16], $0x80, s28, s16, $0xb8;
	[tilespmem:$0x1F000] =	vst v63  }
0x36: {  	s28 =	smov.u32 s26  }
0x37: {  	p0 =	sne.s32 s26, $0x4C00;
	s26 =	sadd.s32 $0x400, s26;
	_ =	swait.ge [sflag:s19], $0x4000  }
0x38: {  	s28 =	sshra.s32 s28, $0x2;
	[sflag:s19] =	ssyncset.done $0x0  }
0x39: {  	s29 =	sadd.s32 $0x1800, s28;
	[sflag:s19] =	ssyncadd.s32 $0xFFFFC000  }
0x3a: {  	[spmem:s2] =	stream.indirect.scatter.add.f32 [tilespmem:s17], [sflag:$0x3], $0x80, s29, s16, $0xb8;
	[tilespmem:$0x1F000] =	vst v63  }
0x3b: {  	_ =	swait.ge [sflag:s20], $0x4000  }
0x3c: {  	[sflag:s20] =	ssyncset.done $0x0  }
0x3d: {  	s29 =	sadd.s32 $0x100, s28;
	[sflag:s20] =	ssyncadd.s32 $0xFFFFC000  }
0x3e: {  	[tilespmem:s17], [sflag:$0x1] =	stream.indirect.gather [hbm4b:s4+s16], $0x80, s29, s16, $0xb8;
	[tilespmem:$0x1F000] =	vst v63  }
0x3f: {  	_ =	swait.ge [sflag:s21], $0x4000  }
0x40: {  	[sflag:s21] =	ssyncset.done $0x0  }
.Ltmp0:
0x41: {  	s29 =	sadd.s32 $0x1880, s28;
	[sflag:s21] =	ssyncadd.s32 $0xFFFFC000;
	(pc) =	sbr.rel @p0 .LBB2_2-.Ltmp0, $4  }
0x42: {  	[spmem:s2] =	stream.indirect.scatter.add.f32 [tilespmem:s18], [sflag:$0x4], $0x80, s29, s16, $0xb8;
	[tilespmem:$0x1F000] =	vst v63  }
0x43: {  	_ =	swait.ge [sflag:s22], $0x4000  }
0x44: {  	[sflag:s22] =	ssyncset.done $0x0  }
0x45: {  	s28 =	sadd.s32 $0x180, s28;
	[sflag:s22] =	ssyncadd.s32 $0xFFFFC000  }
0x46: {  	[tilespmem:s18], [sflag:$0x2] =	stream.indirect.gather [hbm4b:s4+s16], $0x80, s28, s16, $0xb8;
	[tilespmem:$0x1F000] =	vst v63  }
0x47: {  	_ =	swait.ge [sflag:s19], $0x4000  }
0x48: {  	[sflag:s19] =	ssyncset.done $0x0  }
0x49: {  	[sflag:s19] =	ssyncadd.s32 $0xFFFFC000  }
0x4a: {  	_ =	swait.ge [sflag:s21], $0x4000  }
0x4b: {  	[sflag:s21] =	ssyncset.done $0x0  }
0x4c: {  	s26 =	simm.s32 $0x0;
	[sflag:s21] =	ssyncadd.s32 $0xFFFFC000  }
0x4d: {  	[tilespmem:s26], [sflag:$0x5] =	stream.linear.gather [hbm4b:s9+s26], $0x1800, $0x38;
	[tilespmem:$0x1F000] =	vst v63  }
0x4e: {  	_ =	swait.ge [sflag:s14], $0x1800  }
0x4f: {  	[sflag:s14] =	ssyncset.done $0x0  }
0x50: {  	[sflag:s14] =	ssyncadd.s32 $0xFFFFE800  }
0x51: {  	[tilespmem:s15], [sflag:$0x5] =	stream.linear.gather [hbm4b:s10+s26], $0x1800, $0x38;
	[tilespmem:$0x1F000] =	vst v63  }
0x52: {  	_ =	swait.ge [sflag:s14], $0x1800  }
0x53: {  	[sflag:s14] =	ssyncset.done $0x0  }
0x54: {  	[sflag:s14] =	ssyncadd.s32 $0xFFFFE800  }
0x55: {  	[tilespmem:s17], [sflag:$0x1] =	stream.indirect.gather [hbm4b:s4+s16], $0x80, s26, s16, $0xb8;
	[tilespmem:$0x1F000] =	vst v63  }
0x56: {  	_ = 	snop  }
0x57: {  	[tilespmem:s18], [sflag:$0x2] =	stream.indirect.gather [hbm4b:s4+s16], $0x80, s16, s16, $0xb8;
	[tilespmem:$0x1F000] =	vst v63  }
0x58: {  	_ =	swait.ge [sflag:s19], $0x4000  }
0x59: {  	[sflag:s19] =	ssyncset.done $0x0  }
0x5a: {  	s29 =	simm.s32 $0x1800;
	[sflag:s19] =	ssyncadd.s32 $0xFFFFC000  }
0x5b: {  	[spmem:s2] =	stream.indirect.scatter.add.f32 [tilespmem:s17], [sflag:$0x3], $0x80, s29, s16, $0xb8;
	[tilespmem:$0x1F000] =	vst v63  }
0x5c: {  	_ =	swait.ge [sflag:s20], $0x4000  }
0x5d: {  	[sflag:s20] =	ssyncset.done $0x0  }
0x5e: {  	s30 =	simm.s32 $0x100;
	[sflag:s20] =	ssyncadd.s32 $0xFFFFC000  }
0x5f: {  	[tilespmem:s17], [sflag:$0x1] =	stream.indirect.gather [hbm4b:s4+s16], $0x80, s30, s16, $0xb8;
	[tilespmem:$0x1F000] =	vst v63  }
0x60: {  	_ =	swait.ge [sflag:s21], $0x4000  }
0x61: {  	[sflag:s21] =	ssyncset.done $0x0  }
0x62: {  	s31 =	simm.s32 $0x1880;
	[sflag:s21] =	ssyncadd.s32 $0xFFFFC000  }
0x63: {  	[spmem:s2] =	stream.indirect.scatter.add.f32 [tilespmem:s18], [sflag:$0x4], $0x80, s31, s16, $0xb8;
	[tilespmem:$0x1F000] =	vst v63  }
0x64: {  	_ =	swait.ge [sflag:s22], $0x4000  }
0x65: {  	[sflag:s22] =	ssyncset.done $0x0  }
0x66: {  	s28 =	simm.s32 $0x180;
	s26 =	simm.s32 $0x400;
	[sflag:s22] =	ssyncadd.s32 $0xFFFFC000  }
.LBB2_4:
0x67: {  	[tilespmem:s18], [sflag:$0x2] =	stream.indirect.gather [hbm4b:s4+s16], $0x80, s28, s16, $0xb8;
	[tilespmem:$0x1F000] =	vst v63  }
0x68: {  	s28 =	smov.u32 s26  }
0x69: {  	p0 =	sne.s32 s26, $0x4C00;
	s26 =	sadd.s32 $0x400, s26;
	_ =	swait.ge [sflag:s19], $0x4000  }
0x6a: {  	s28 =	sshra.s32 s28, $0x2;
	[sflag:s19] =	ssyncset.done $0x0  }
0x6b: {  	s29 =	sadd.s32 $0x1800, s28;
	[sflag:s19] =	ssyncadd.s32 $0xFFFFC000  }
0x6c: {  	[spmem:s2] =	stream.indirect.scatter.add.f32 [tilespmem:s17], [sflag:$0x3], $0x80, s29, s16, $0xb8;
	[tilespmem:$0x1F000] =	vst v63  }
0x6d: {  	_ =	swait.ge [sflag:s20], $0x4000  }
0x6e: {  	[sflag:s20] =	ssyncset.done $0x0  }
0x6f: {  	s29 =	sadd.s32 $0x100, s28;
	[sflag:s20] =	ssyncadd.s32 $0xFFFFC000  }
0x70: {  	[tilespmem:s17], [sflag:$0x1] =	stream.indirect.gather [hbm4b:s4+s16], $0x80, s29, s16, $0xb8;
	[tilespmem:$0x1F000] =	vst v63  }
0x71: {  	_ =	swait.ge [sflag:s21], $0x4000  }
0x72: {  	[sflag:s21] =	ssyncset.done $0x0  }
.Ltmp1:
0x73: {  	s29 =	sadd.s32 $0x1880, s28;
	[sflag:s21] =	ssyncadd.s32 $0xFFFFC000;
	(pc) =	sbr.rel @p0 .LBB2_4-.Ltmp1, $4  }
0x74: {  	[spmem:s2] =	stream.indirect.scatter.add.f32 [tilespmem:s18], [sflag:$0x4], $0x80, s29, s16, $0xb8;
	[tilespmem:$0x1F000] =	vst v63  }
0x75: {  	_ =	swait.ge [sflag:s22], $0x4000  }
0x76: {  	[sflag:s22] =	ssyncset.done $0x0  }
0x77: {  	s28 =	sadd.s32 $0x180, s28;
	[sflag:s22] =	ssyncadd.s32 $0xFFFFC000  }
0x78: {  	[tilespmem:s18], [sflag:$0x2] =	stream.indirect.gather [hbm4b:s4+s16], $0x80, s28, s16, $0xb8;
	[tilespmem:$0x1F000] =	vst v63  }
0x79: {  	_ =	swait.ge [sflag:s19], $0x4000  }
0x7a: {  	[sflag:s19] =	ssyncset.done $0x0  }
0x7b: {  	[sflag:s19] =	ssyncadd.s32 $0xFFFFC000  }
0x7c: {  	_ =	swait.ge [sflag:s21], $0x4000  }
0x7d: {  	s25 =	sadd.s32 $0x1, s25;
	[sflag:s21] =	ssyncset.done $0x0  }
0x7e: {  	p0 =	sne.s32 s25, s12;
	[sflag:s21] =	ssyncadd.s32 $0xFFFFC000  }
.Ltmp2:
0x7f: {  	[bflag:$0x0] =	sbarrier.arrive $0xFFFF;
	(pc) =	sbr.rel @p0 .LBB2_1-.Ltmp2, $4  }
0x80: {  	[hbm:s11@s24], [sflag:s6] =	dma.strided [spmem:s13@s16], $0x2800, s23, $0x10   }
0x81: {  	_ =	swait.ge [sflag:s14], $0x2800  }
0x82: {  	[sflag:s14] =	ssyncset.done $0x0  }
0x83: {  	[sflag:s14] =	ssyncadd.s32 $0xFFFFD800  }
0x84: {  	_ =	sfence.sel $0x180000  }
0x85: {  	[bflag:$0x0] =	sbarrier.arrive $0xFFFF  }
0x86: {  	p0 =	sne.s32 s1, $0x0;
	_ =	strace $0x90000050  }
0x87: {  	s0 =	sadd.s32 @!p0 $0x100000, s0;
	[bflag:$0x2] =	sbarrier.arrive $0xFFFF  }
0x88: {  	[sflag:s0] =	ssyncadd.tile.s32 @!p0 $0x1;
	_ =	shalt  }
.Lfunc_end2:
_tile_overlayer_lowered:
.L_overlay_start_2:
0x89: {  	(tag) =	ssettag $0x2  }
0x8a: {  	s0 =	rddreg [dreg:$0x0];
	s2 =	stileid.u32  }
0x8b: {  	s1 =	rddreg [dreg:$0x1];
	p0 =	sne.s32 s2, $0x0  }
0x8c: {  	s3 =	rddreg [dreg:$0x2];
	[bflag:$0x3] =	sbarrier.arrive $0xFFFF;
	s2 =	simm.s32 @!p0 $0x1C05  }
0x8d: {  	[timem:s3], [sflag:s2] =	dma.local @!p0 [hbm:s0], s1  }
0x8e: {  	s0 =	simm.s32 @!p0 $0x5  }
0x8f: {  	_ =	swait.ge @!p0 [sflag:s0], s1  }
0x90: {  	s1 =	ssub.s32 @!p0 $0x0, s1;
	[sflag:s0] =	ssyncset.done @!p0 $0x0  }
0x91: {  	[sflag:s0] =	ssyncadd.s32 @!p0 s1  }
0x92: {  	[bflag:$0x3] =	sbarrier.arrive $0xFFFF  }
0x93: {  	_ =	shalt  }

// kernel: kernel.25.cloned.1.call-start
scs
__scs_entry_jumppad:
0x0: {  	(pc) =	sbr.rel $0x88, $3  }
0x1: {  	(tag) =	ssettag $0x0;
	lr =	simm.s32 $0x1  }
0x2: {  	[smem:$0x3F99] =	sst lr;
	_ =	strace $0xD0000000  }
0x3: {  	_ = 	snop  }
0x4: {  	_ = 	snop  }
0x5: {  	_ = 	snop  }
0x6: {  	_ = 	snop  }
0x7: {  	_ = 	snop  }
__scs_overlays_trampoline_lowered:
0x8: {  	[smem:$0x3FA8] =	sst s0  }
0x9: {  	[smem:$0x3FA9] =	sst s1  }
0xa: {  	[smem:$0x3FAA] =	sst s2  }
0xb: {  	[smem:$0x3FAB] =	sst s3  }
0xc: {  	[smem:$0x3FAC] =	sst s4  }
0xd: {  	[smem:$0x3FAD] =	sst s5  }
0xe: {  	[smem:$0x3FAE] =	sst s6  }
0xf: {  	[smem:$0x3FAF] =	sst s7  }
0x10: {  	[smem:$0x3FB0] =	sst s8  }
0x11: {  	[smem:$0x3FB1] =	sst s9;
	s0 =	simm.s32 @!p0 $0x0  }
0x12: {  	s1 =	sld [smem:$0x3F97];
	s0 =	simm.s32 @p0 $0x1  }
0x13: {  	[smem:$0x3FB2] =	sst s0;
	s0 =	simm.s32 @!p1 $0x0  }
0x14: {  	s2 =	sld [smem:$0x3F96];
	s0 =	simm.s32 @p1 $0x1  }
0x15: {  	[smem:$0x3FB3] =	sst s0;
	s0 =	simm.s32 @!p2 $0x0  }
0x16: {  	s3 =	sld [smem:$0x3FDB];
	s0 =	simm.s32 @p2 $0x1  }
0x17: {  	s4 =	simm.s32 $0x1BF5;
	[smem:$0x3FB5] =	sst s0  }
0x18: {  	s0 =	sld [smem:$0x3F98];
	_ =	swait.ge [sflag:s4], $0x0  }
0x19: {  	s7 =	sld [smem:$0x3F99]  }
0x1a: {  	s8 =	sadd.s32 $0xFFFFE003, lr  }
0x1b: {  	s9 =	sadd.s32 $0xFFFFFEF7, lr;
	s5 =	simm.s32 $0xFFFFFFFF;
	p2 =	slt.u32 s8, $0xFFFFF086  }
0x1c: {  	p1 =	slt.u32 s9, $0xF7A;
	s5 =	simm.s32 @!p2 $0x0  }
0x1d: {  	s5 =	simm.s32 @p1 $0x1;
	p0 =	seq.s32 s7, s2  }
0x1e: {  	s7 =	smul.u32 @!p0 $0xF7A, s2;
	p2 =	seq.s32 @!p0 s5, $0x0  }
0x1f: {  	s9 =	smul.u32 $0xF7A, s1;
	s8 =	simm.s32 @!p0 $0x1BF5;
	p2 =	por !p2, p0  }
0x20: {  	[sflag:s8] =	ssyncset.s32 @!p0 $0xFFFFF086;
	s6 =	sadd.s32 @!p0 s3, s7;
	s7 =	simm.s32 @!p0 $0x108  }
0x21: {  	s3 =	sadd.s32 s3, s9;
	s6 =	sadd.s32 @!p0 $0x88, s6;
	s7 =	simm.s32 @p2 $0x1082  }
0x22: {  	[simem:s7], [sflag:s8] =	dma.local @!p0 [hbm:s6], $0xF7A  }
0x23: {  	s9 =	sor.u32 $0xD0000000, s2;
	s6 =	simm.s32 $0x108;
	_ =	swait.ge @!p0 [sflag:s8], $0x0  }
0x24: {  	s3 =	sadd.s32 $0x88, s3;
	s6 =	simm.s32 @!p1 $0x1082;
	[sflag:s4] =	ssyncset.s32 $0xFFFFF086  }
0x25: {  	[simem:s6], [sflag:s4] =	dma.local [hbm:s3], $0xF7A  }
0x26: {  	[smem:$0x3F99] =	sst s1;
	(tag) =	ssettag s2;
	_ =	strace s9  }
0x27: {  	s1 =	sld [smem:$0x3FA9]  }
0x28: {  	s2 =	sld [smem:$0x3FAA]  }
0x29: {  	s4 =	sld [smem:$0x3FAC]  }
0x2a: {  	p0 =	seq.s32 s5, $0x0;
	s5 =	sld [smem:$0x3FAD]  }
0x2b: {  	s6 =	sld [smem:$0x3FAE]  }
0x2c: {  	s7 =	sld [smem:$0x3FAF]  }
0x2d: {  	s3 =	simm.s32 $0x108;
	s8 =	sld [smem:$0x3FB0]  }
0x2e: {  	s3 =	simm.s32 @!p0 $0x1082;
	s9 =	sld [smem:$0x3FB1]  }
0x2f: {  	lr =	sadd.s32 s0, s3;
	s0 =	sld [smem:$0x3FA8]  }
0x30: {  	s3 =	sld [smem:$0x3FAB]  }
0x31: {  	[smem:$0x3FB4] =	sst s10  }
0x32: {  	s10 =	sld [smem:$0x3FB2];
	_ =	sdelay $0x3  }
0x33: {  	p0 =	seq.s32 s10, $0x1;
	s10 =	sld [smem:$0x3FB4];
	_ =	sdelay $0x3  }
0x34: {  	[smem:$0x3FB4] =	sst s10  }
0x35: {  	s10 =	sld [smem:$0x3FB3];
	_ =	sdelay $0x3  }
0x36: {  	p1 =	seq.s32 s10, $0x1;
	s10 =	sld [smem:$0x3FB4];
	_ =	sdelay $0x3  }
0x37: {  	[smem:$0x3FB4] =	sst s10  }
0x38: {  	s10 =	sld [smem:$0x3FB5]  }
0x39: {  	_ = 	snop;
	(pc) =	sbr.ind lr, $3  }
0x3a: {  	_ = 	snop  }
0x3b: {  	_ = 	snop  }
0x3c: {  	p2 =	seq.s32 s10, $0x1;
	s10 =	sld [smem:$0x3FB4]  }
0x3d: {  	_ =	shalt  }
0x3e: {  	_ =	shalt  }
0x3f: {  	_ =	shalt  }
0x40: {  	_ =	shalt  }
0x41: {  	_ =	shalt  }
0x42: {  	_ =	shalt  }
0x43: {  	_ =	shalt  }
0x44: {  	_ =	shalt  }
0x45: {  	_ =	shalt  }
0x46: {  	_ =	shalt  }
0x47: {  	_ =	shalt  }
0x48: {  	_ =	shalt  }
0x49: {  	_ =	shalt  }
0x4a: {  	_ =	shalt  }
0x4b: {  	_ =	shalt  }
0x4c: {  	_ =	shalt  }
0x4d: {  	_ =	shalt  }
0x4e: {  	_ =	shalt  }
0x4f: {  	_ =	shalt  }
0x50: {  	_ =	shalt  }
0x51: {  	_ =	shalt  }
0x52: {  	_ =	shalt  }
0x53: {  	_ =	shalt  }
0x54: {  	_ =	shalt  }
0x55: {  	_ =	shalt  }
0x56: {  	_ =	shalt  }
0x57: {  	_ =	shalt  }
0x58: {  	_ =	shalt  }
0x59: {  	_ =	shalt  }
0x5a: {  	_ =	shalt  }
0x5b: {  	_ =	shalt  }
0x5c: {  	_ =	shalt  }
0x5d: {  	_ =	shalt  }
0x5e: {  	_ =	shalt  }
0x5f: {  	_ =	shalt  }
0x60: {  	_ =	shalt  }
0x61: {  	_ =	shalt  }
0x62: {  	_ =	shalt  }
0x63: {  	_ =	shalt  }
0x64: {  	_ =	shalt  }
0x65: {  	_ =	shalt  }
0x66: {  	_ =	shalt  }
0x67: {  	_ =	shalt  }
0x68: {  	_ =	shalt  }
0x69: {  	_ =	shalt  }
0x6a: {  	_ =	shalt  }
0x6b: {  	_ =	shalt  }
0x6c: {  	_ =	shalt  }
0x6d: {  	_ =	shalt  }
0x6e: {  	_ =	shalt  }
0x6f: {  	_ =	shalt  }
0x70: {  	_ =	shalt  }
0x71: {  	_ =	shalt  }
0x72: {  	_ =	shalt  }
0x73: {  	_ =	shalt  }
0x74: {  	_ =	shalt  }
0x75: {  	_ =	shalt  }
0x76: {  	_ =	shalt  }
0x77: {  	_ =	shalt  }
0x78: {  	_ =	shalt  }
0x79: {  	_ =	shalt  }
0x7a: {  	_ =	shalt  }
0x7b: {  	_ =	shalt  }
0x7c: {  	_ =	shalt  }
0x7d: {  	_ =	shalt  }
0x7e: {  	_ =	shalt  }
0x7f: {  	_ =	shalt  }
0x80: {  	_ =	shalt  }
0x81: {  	_ =	shalt  }
0x82: {  	_ =	shalt  }
0x83: {  	_ =	shalt  }
0x84: {  	_ =	shalt  }
0x85: {  	_ =	shalt  }
0x86: {  	_ =	shalt  }
0x87: {  	_ =	shalt  }
.Lfunc_end0:
.L_simem_size_0:
called_computation.4_lowered:
.L_overlay_start_0:
0x88: {  	s2 =	sld [smem:$0x3FD9]  }
0x89: {  	s3 =	sld [smem:$0x3FFE];
	_ =	sdelay $0x1  }
0x8a: {  	s1 =	srdreg.scid  }
0x8b: {  	s0 =	sand.u32 $0x1, s1  }
0x8c: {  	s17 =	sshll.u32 s0, $0xA;
	s2 =	sadd.s32 s3, s2  }
0x8d: {  	s2 =	sadd.s32 s2, s17  }
0x8e: {  	[smem:$0x3FC0] =	sst s2  }
0x8f: {  	_ = 	snop  }
0x90: {  	s2 =	sld [smem:$0x3FD0];
	(tm) =	ssettm $0x1  }
0x91: {  	s18 =	sld [smem:$0x3FFB];
	_ =	sdelay $0x3  }
0x92: {  	_ =	strace s18  }
0x93: {  	s3 =	sld [smem:$0x3FFC];
	_ =	sdelay $0x3  }
0x94: {  	_ =	strace s3  }
0x95: {  	s3 =	sld [smem:$0x3FFD];
	_ =	sdelay $0x3  }
0x96: {  	_ =	strace s3  }
0x97: {  	_ =	strace $0x8FFFFFFF  }
0x98: {  	s19 =	sld [smem:$0x3FDB];
	_ =	sdelay $0x1  }
0x99: {  	s4 =	simm.s32 $_scs_section_size  }
0x9a: {  	s5 =	simm.s32 $_size__tile_overlayer_lowered;
	s6 =	simm.s32 $_tile_overlayer_lowered  }
0x9b: {  	s22 =	simm.s32 $0x1BFF;
	s21 =	sshll.u32 s6, $0x1;
	s3 =	sadd.s32 s4, s19  }
0x9c: {  	s7 =	simm.s32 $0x0;
	s20 =	sshll.u32 s5, $0x1;
	s5 =	sadd.s32 s21, s3  }
0x9d: {  	[timem:s7], [sflag:s22] =	dma.local [hbm:s5], s20  }
0x9e: {  	_ =	swait.ge [sflag:s22], s20  }
0x9f: {  	s4 =	ssub.s32 $0x0, s20;
	[sflag:s22] =	ssyncset.done $0x0  }
0xa0: {  	[sflag:s22] =	ssyncadd.s32 s4;
	_ =	sdelay $0x1  }
0xa1: {  	s23 =	simm.s32 $0x1B8B  }
0xa2: {  	_ =	swait.ge [sflag:s23], $0x1  }
0xa3: {  	[sflag:s23] =	ssyncset.done $0x0  }
0xa4: {  	s25 =	simm.s32 $0x1B8E;
	s24 =	sld [smem:$0x3FFE];
	[sflag:s23] =	ssyncadd.s32 $0xFFFFFFFF  }
0xa5: {  	s26 =	simm.s32 $execute0_lowered;
	[smem:$0x3FD2] =	sst s25  }
0xa6: {  	s5 =	sshll.u32 s26, $0x1;
	_ =	strace $0x80000052;
	[dreg:$0x1] =	wrdreg $0xFFFFFFFF  }
0xa7: {  	s28 =	simm.s32 $_size_execute0_lowered;
	s3 =	sadd.s32 s3, s5;
	[dreg:$0x0] =	wrdreg $0x0  }
0xa8: {  	s5 =	sshll.u32 s28, $0x1;
	[dreg:$0x2] =	wrdreg s3  }
0xa9: {  	[dreg:$0x3] =	wrdreg s5  }
0xaa: {  	[dreg:$0x4] =	wrdreg $0xC0  }
0xab: {  	_ =	task [dreg:s7], $0x5FFFF  }
0xac: {  	[dreg:$0x1] =	wrdreg $0xFFFFFFFF  }
0xad: {  	[dreg:$0x0] =	wrdreg $0x60  }
0xae: {  	[dreg:$0x2] =	wrdreg s24  }
0xaf: {  	[dreg:$0x3] =	wrdreg s2  }
0xb0: {  	[dreg:$0x4] =	wrdreg $0xB0000  }
0xb1: {  	[dreg:$0x5] =	wrdreg $0x9  }
0xb2: {  	_ =	task.clear_ibuf [dreg:s7], $0x6FFFF;
	_ =	strace $0x90000052  }
0xb3: {  	s29 =	simm.s32 $0x9;
	_ =	strace $0x80000054  }
0xb4: {  	_ =	swait.ge [sflag:s29], $0x1  }
0xb5: {  	[sflag:s29] =	ssyncadd.s32 $0xFFFFFFFF  }
0xb6: {  	_ =	strace $0x90000054  }
0xb7: {  	_ =	sfence  }
0xb8: {  	s30 =	sld [smem:$0x0];
	_ =	sdelay $0x2  }
0xb9: {  	s31 =	sshll.u32 s1, $0xD;
	s1 =	sshrl.u32 s1, $0x2  }
0xba: {  	s3 =	sand.u32 $0x4000, s31;
	s1 =	sadd.s32 s1, s30  }
0xbb: {  	s0 =	sor.u32 s3, s0;
	s1 =	sshll.u32 s1, $0x11  }
0xbc: {  	s0 =	sor.u32 s1, s0  }
0xbd: {  	s0 =	sadd.s32 $0x8F2B, s0  }
0xbe: {  	[sflag:s0] =	ssyncadd.remote.s32 $0x1  }
0xbf: {  	_ =	sfence.sel $0xFFFF  }
0xc0: {  	[dreg:$0x0] =	wrdreg $0xFFFFFFFF;
	(pc) =	sbr.abs _section_cstart, $3  }
0xc1: {  	[dreg:$0x1] =	wrdreg $0xFFFFFFFF  }
0xc2: {  	_ =	task.clear_ibuf [dreg:s7], $0x2FFFF;
	_ =	strace $0x9FFFFFFF  }
0xc3: {  	(tm) =	ssettm $0x7FFFFFFF  }
tec
execute0_lowered:
.L_overlay_start_1:
0x0: {  	(tag) =	ssettag $0x1  }
0x1: {  	s5 =	rddreg [dreg:$0x0]  }
0x2: {  	s7 =	rddreg [dreg:$0x1]  }
0x3: {  	s2 =	rddreg [dreg:$0x2]  }
0x4: {  	s0 =	srdreg.scid;
	s1 =	rddreg [dreg:$0x3]  }
0x5: {  	s3 =	simm.s32 $0x0;
	s15 =	simm.s32 $0x3000;
	s6 =	sand.u32 $0x1, s0  }
0x6: {  	s16 =	simm.s32 $0x7000;
	s0 =	stileid.u32;
	s4 =	smul.u32 $0x280, s6  }
0x7: {  	s17 =	simm.s32 $0x1;
	s18 =	simm.s32 $0x3;
	s8 =	smul.u32 $0x28, s0  }
0x8: {  	s19 =	simm.s32 $0x2;
	s20 =	simm.s32 $0x4;
	s9 =	smul.u32 $0x14000, s0  }
0x9: {  	s21 =	simm.s32 $0x0;
	[smem:$0x7FF] =	sst s3;
	s10 =	smul.u32 $0x140000, s6  }
0xa: {  	_ =	strace $0x80000053;
	s6 =	ssub.s32 $0x2, s6;
	s28 =	smul.u32 $0x50000, s0  }
0xb: {  	s31 =	sshll.u32 s0, $0x6;
	s29 =	sshrl.u32 s6, $0x1;
	s8 =	sadd.s32 s8, s4  }
0xc: {  	s4 =	sadd.s32 $0xD200, s5;
	s12 =	sshrl.u32 s9, $0x3;
	s9 =	sadd.s32 s9, s10  }
0xd: {  	s13 =	ssub.s32 s6, s29;
	s30 =	sshrl.u32 s28, $0x2;
	s6 =	sor.u32 $0x1C05, s31  }
0xe: {  	s8 =	sshll.u32 s8, $0x4;
	s9 =	sshrl.u32 s9, $0x3;
	s12 =	sadd.s32 s12, s5  }
0xf: {  	s14 =	sadd.s32 s30, s2;
	s10 =	smax.u32 s13, $0x1;
	s13 =	simm.s32 $0x1800  }
0x10: {  	s11 =	sadd.s32 s8, s5;
	s9 =	sadd.s32 s9, s5;
	s5 =	sadd.s32 $0x5B400, s12  }
0x11: {  	s7 =	sadd.s32 s7, s8;
	s12 =	simm.s32 $0x5;
	s8 =	sadd.s32 $0x8000, s11  }
0x12: {  	s9 =	sadd.s32 $0x83400, s9;
	s11 =	sshrl.u32 s14, $0x3;
	s14 =	simm.s32 $0x80  }
.LBB2_1:
0x13: {  	[spmem:s11], [sflag:s6] =	dma.local [hbm:s5], $0x2800  }
0x14: {  	_ =	swait.ge [sflag:s12], $0x2800  }
0x15: {  	[sflag:s12] =	ssyncset.done $0x0  }
0x16: {  	[sflag:s12] =	ssyncadd.s32 $0xFFFFD800  }
0x17: {  	[bflag:$0x0] =	sbarrier.arrive $0xFFFF  }
0x18: {  	[tilespmem:s3], [sflag:$0x5] =	stream.linear.gather [hbm4b:s7+s3], $0x1800, $0x38;
	[tilespmem:$0x1F000] =	vst v63  }
0x19: {  	_ =	swait.ge [sflag:s12], $0x1800  }
0x1a: {  	[sflag:s12] =	ssyncset.done $0x0  }
0x1b: {  	[sflag:s12] =	ssyncadd.s32 $0xFFFFE800  }
0x1c: {  	[tilespmem:s13], [sflag:$0x5] =	stream.linear.gather [hbm4b:s8+s3], $0x1800, $0x38;
	[tilespmem:$0x1F000] =	vst v63  }
0x1d: {  	_ =	swait.ge [sflag:s12], $0x1800  }
0x1e: {  	[sflag:s12] =	ssyncset.done $0x0  }
0x1f: {  	[sflag:s12] =	ssyncadd.s32 $0xFFFFE800  }
0x20: {  	[tilespmem:s15], [sflag:$0x1] =	stream.indirect.gather [hbm4b:s4+s14], $0x80, s3, s14, $0xb8;
	[tilespmem:$0x1F000] =	vst v63  }
0x21: {  	_ = 	snop  }
0x22: {  	[tilespmem:s16], [sflag:$0x2] =	stream.indirect.gather [hbm4b:s4+s14], $0x80, s14, s14, $0xb8;
	[tilespmem:$0x1F000] =	vst v63  }
0x23: {  	_ =	swait.ge [sflag:s17], $0x4000  }
0x24: {  	[sflag:s17] =	ssyncset.done $0x0  }
0x25: {  	s22 =	simm.s32 $0x1800;
	[sflag:s17] =	ssyncadd.s32 $0xFFFFC000  }
0x26: {  	[spmem:s2] =	stream.indirect.scatter.add.f32 [tilespmem:s15], [sflag:$0x3], $0x80, s22, s14, $0xb8;
	[tilespmem:$0x1F000] =	vst v63  }
0x27: {  	_ =	swait.ge [sflag:s18], $0x4000  }
0x28: {  	[sflag:s18] =	ssyncset.done $0x0  }
0x29: {  	s30 =	simm.s32 $0x100;
	[sflag:s18] =	ssyncadd.s32 $0xFFFFC000  }
0x2a: {  	[tilespmem:s15], [sflag:$0x1] =	stream.indirect.gather [hbm4b:s4+s14], $0x80, s30, s14, $0xb8;
	[tilespmem:$0x1F000] =	vst v63  }
0x2b: {  	_ =	swait.ge [sflag:s19], $0x4000  }
0x2c: {  	[sflag:s19] =	ssyncset.done $0x0  }
0x2d: {  	s31 =	simm.s32 $0x1880;
	[sflag:s19] =	ssyncadd.s32 $0xFFFFC000  }
0x2e: {  	[spmem:s2] =	stream.indirect.scatter.add.f32 [tilespmem:s16], [sflag:$0x4], $0x80, s31, s14, $0xb8;
	[tilespmem:$0x1F000] =	vst v63  }
0x2f: {  	_ =	swait.ge [sflag:s20], $0x4000  }
0x30: {  	[sflag:s20] =	ssyncset.done $0x0  }
0x31: {  	s23 =	simm.s32 $0x180;
	s22 =	simm.s32 $0x400;
	[sflag:s20] =	ssyncadd.s32 $0xFFFFC000  }
.LBB2_2:
0x32: {  	[tilespmem:s16], [sflag:$0x2] =	stream.indirect.gather [hbm4b:s4+s14], $0x80, s23, s14, $0xb8;
	[tilespmem:$0x1F000] =	vst v63  }
0x33: {  	s23 =	smov.u32 s22  }
0x34: {  	p0 =	sne.s32 s22, $0x4C00;
	s22 =	sadd.s32 $0x400, s22;
	_ =	swait.ge [sflag:s17], $0x4000  }
0x35: {  	s23 =	sshra.s32 s23, $0x2;
	[sflag:s17] =	ssyncset.done $0x0  }
0x36: {  	s24 =	sadd.s32 $0x1800, s23;
	[sflag:s17] =	ssyncadd.s32 $0xFFFFC000  }
0x37: {  	[spmem:s2] =	stream.indirect.scatter.add.f32 [tilespmem:s15], [sflag:$0x3], $0x80, s24, s14, $0xb8;
	[tilespmem:$0x1F000] =	vst v63  }
0x38: {  	_ =	swait.ge [sflag:s18], $0x4000  }
0x39: {  	[sflag:s18] =	ssyncset.done $0x0  }
0x3a: {  	s24 =	sadd.s32 $0x100, s23;
	[sflag:s18] =	ssyncadd.s32 $0xFFFFC000  }
0x3b: {  	[tilespmem:s15], [sflag:$0x1] =	stream.indirect.gather [hbm4b:s4+s14], $0x80, s24, s14, $0xb8;
	[tilespmem:$0x1F000] =	vst v63  }
0x3c: {  	_ =	swait.ge [sflag:s19], $0x4000  }
0x3d: {  	[sflag:s19] =	ssyncset.done $0x0  }
.Ltmp0:
0x3e: {  	s24 =	sadd.s32 $0x1880, s23;
	[sflag:s19] =	ssyncadd.s32 $0xFFFFC000;
	(pc) =	sbr.rel @p0 .LBB2_2-.Ltmp0, $4  }
0x3f: {  	[spmem:s2] =	stream.indirect.scatter.add.f32 [tilespmem:s16], [sflag:$0x4], $0x80, s24, s14, $0xb8;
	[tilespmem:$0x1F000] =	vst v63  }
0x40: {  	_ =	swait.ge [sflag:s20], $0x4000  }
0x41: {  	[sflag:s20] =	ssyncset.done $0x0  }
0x42: {  	s23 =	sadd.s32 $0x180, s23;
	[sflag:s20] =	ssyncadd.s32 $0xFFFFC000  }
0x43: {  	[tilespmem:s16], [sflag:$0x2] =	stream.indirect.gather [hbm4b:s4+s14], $0x80, s23, s14, $0xb8;
	[tilespmem:$0x1F000] =	vst v63  }
0x44: {  	_ =	swait.ge [sflag:s17], $0x4000  }
0x45: {  	[sflag:s17] =	ssyncset.done $0x0  }
0x46: {  	[sflag:s17] =	ssyncadd.s32 $0xFFFFC000  }
0x47: {  	_ =	swait.ge [sflag:s19], $0x4000  }
0x48: {  	s21 =	sadd.s32 $0x1, s21;
	[sflag:s19] =	ssyncset.done $0x0  }
0x49: {  	p0 =	sne.s32 s21, s10;
	[sflag:s19] =	ssyncadd.s32 $0xFFFFC000  }
.Ltmp1:
0x4a: {  	[bflag:$0x0] =	sbarrier.arrive $0xFFFF;
	(pc) =	sbr.rel @p0 .LBB2_1-.Ltmp1, $4  }
0x4b: {  	[hbm:s9], [sflag:s6] =	dma.local [spmem:s11], $0x2800  }
0x4c: {  	_ =	swait.ge [sflag:s12], $0x2800  }
0x4d: {  	[sflag:s12] =	ssyncset.done $0x0  }
0x4e: {  	[sflag:s12] =	ssyncadd.s32 $0xFFFFD800  }
0x4f: {  	_ =	sfence.sel $0x180000  }
0x50: {  	[bflag:$0x0] =	sbarrier.arrive $0xFFFF  }
0x51: {  	p0 =	sne.s32 s0, $0x0;
	_ =	strace $0x90000053  }
0x52: {  	s0 =	sadd.s32 @!p0 $0x100000, s1;
	[bflag:$0x2] =	sbarrier.arrive $0xFFFF  }
0x53: {  	[sflag:s0] =	ssyncadd.tile.s32 @!p0 $0x1;
	_ =	shalt  }
.Lfunc_end2:
_tile_overlayer_lowered:
.L_overlay_start_2:
0x54: {  	(tag) =	ssettag $0x2  }
0x55: {  	s0 =	rddreg [dreg:$0x0];
	s2 =	stileid.u32  }
0x56: {  	s1 =	rddreg [dreg:$0x1];
	p0 =	sne.s32 s2, $0x0  }
0x57: {  	s3 =	rddreg [dreg:$0x2];
	[bflag:$0x3] =	sbarrier.arrive $0xFFFF;
	s2 =	simm.s32 @!p0 $0x1C05  }
0x58: {  	[timem:s3], [sflag:s2] =	dma.local @!p0 [hbm:s0], s1  }
0x59: {  	s0 =	simm.s32 @!p0 $0x5  }
0x5a: {  	_ =	swait.ge @!p0 [sflag:s0], s1  }
0x5b: {  	s1 =	ssub.s32 @!p0 $0x0, s1;
	[sflag:s0] =	ssyncset.done @!p0 $0x0  }
0x5c: {  	[sflag:s0] =	ssyncadd.s32 @!p0 s1  }
0x5d: {  	[bflag:$0x3] =	sbarrier.arrive $0xFFFF  }
0x5e: {  	_ =	shalt  }

// kernel: kernel.28.cloned.1.call-start
scs
__scs_entry_jumppad:
0x0: {  	(pc) =	sbr.rel $0x88, $3  }
0x1: {  	(tag) =	ssettag $0x0;
	lr =	simm.s32 $0x1  }
0x2: {  	[smem:$0x3F99] =	sst lr;
	_ =	strace $0xD0000000  }
0x3: {  	_ = 	snop  }
0x4: {  	_ = 	snop  }
0x5: {  	_ = 	snop  }
0x6: {  	_ = 	snop  }
0x7: {  	_ = 	snop  }
__scs_overlays_trampoline_lowered:
0x8: {  	[smem:$0x3FA8] =	sst s0  }
0x9: {  	[smem:$0x3FA9] =	sst s1  }
0xa: {  	[smem:$0x3FAA] =	sst s2  }
0xb: {  	[smem:$0x3FAB] =	sst s3  }
0xc: {  	[smem:$0x3FAC] =	sst s4  }
0xd: {  	[smem:$0x3FAD] =	sst s5  }
0xe: {  	[smem:$0x3FAE] =	sst s6  }
0xf: {  	[smem:$0x3FAF] =	sst s7  }
0x10: {  	[smem:$0x3FB0] =	sst s8  }
0x11: {  	[smem:$0x3FB1] =	sst s9;
	s0 =	simm.s32 @!p0 $0x0  }
0x12: {  	s1 =	sld [smem:$0x3F97];
	s0 =	simm.s32 @p0 $0x1  }
0x13: {  	[smem:$0x3FB2] =	sst s0;
	s0 =	simm.s32 @!p1 $0x0  }
0x14: {  	s2 =	sld [smem:$0x3F96];
	s0 =	simm.s32 @p1 $0x1  }
0x15: {  	[smem:$0x3FB3] =	sst s0;
	s0 =	simm.s32 @!p2 $0x0  }
0x16: {  	s3 =	sld [smem:$0x3FDB];
	s0 =	simm.s32 @p2 $0x1  }
0x17: {  	s4 =	simm.s32 $0x1BF5;
	[smem:$0x3FB5] =	sst s0  }
0x18: {  	s0 =	sld [smem:$0x3F98];
	_ =	swait.ge [sflag:s4], $0x0  }
0x19: {  	s7 =	sld [smem:$0x3F99]  }
0x1a: {  	s8 =	sadd.s32 $0xFFFFE003, lr  }
0x1b: {  	s9 =	sadd.s32 $0xFFFFFEF7, lr;
	s5 =	simm.s32 $0xFFFFFFFF;
	p2 =	slt.u32 s8, $0xFFFFF086  }
0x1c: {  	p1 =	slt.u32 s9, $0xF7A;
	s5 =	simm.s32 @!p2 $0x0  }
0x1d: {  	s5 =	simm.s32 @p1 $0x1;
	p0 =	seq.s32 s7, s2  }
0x1e: {  	s7 =	smul.u32 @!p0 $0xF7A, s2;
	p2 =	seq.s32 @!p0 s5, $0x0  }
0x1f: {  	s9 =	smul.u32 $0xF7A, s1;
	s8 =	simm.s32 @!p0 $0x1BF5;
	p2 =	por !p2, p0  }
0x20: {  	[sflag:s8] =	ssyncset.s32 @!p0 $0xFFFFF086;
	s6 =	sadd.s32 @!p0 s3, s7;
	s7 =	simm.s32 @!p0 $0x108  }
0x21: {  	s3 =	sadd.s32 s3, s9;
	s6 =	sadd.s32 @!p0 $0x88, s6;
	s7 =	simm.s32 @p2 $0x1082  }
0x22: {  	[simem:s7], [sflag:s8] =	dma.local @!p0 [hbm:s6], $0xF7A  }
0x23: {  	s9 =	sor.u32 $0xD0000000, s2;
	s6 =	simm.s32 $0x108;
	_ =	swait.ge @!p0 [sflag:s8], $0x0  }
0x24: {  	s3 =	sadd.s32 $0x88, s3;
	s6 =	simm.s32 @!p1 $0x1082;
	[sflag:s4] =	ssyncset.s32 $0xFFFFF086  }
0x25: {  	[simem:s6], [sflag:s4] =	dma.local [hbm:s3], $0xF7A  }
0x26: {  	[smem:$0x3F99] =	sst s1;
	(tag) =	ssettag s2;
	_ =	strace s9  }
0x27: {  	s1 =	sld [smem:$0x3FA9]  }
0x28: {  	s2 =	sld [smem:$0x3FAA]  }
0x29: {  	s4 =	sld [smem:$0x3FAC]  }
0x2a: {  	p0 =	seq.s32 s5, $0x0;
	s5 =	sld [smem:$0x3FAD]  }
0x2b: {  	s6 =	sld [smem:$0x3FAE]  }
0x2c: {  	s7 =	sld [smem:$0x3FAF]  }
0x2d: {  	s3 =	simm.s32 $0x108;
	s8 =	sld [smem:$0x3FB0]  }
0x2e: {  	s3 =	simm.s32 @!p0 $0x1082;
	s9 =	sld [smem:$0x3FB1]  }
0x2f: {  	lr =	sadd.s32 s0, s3;
	s0 =	sld [smem:$0x3FA8]  }
0x30: {  	s3 =	sld [smem:$0x3FAB]  }
0x31: {  	[smem:$0x3FB4] =	sst s10  }
0x32: {  	s10 =	sld [smem:$0x3FB2];
	_ =	sdelay $0x3  }
0x33: {  	p0 =	seq.s32 s10, $0x1;
	s10 =	sld [smem:$0x3FB4];
	_ =	sdelay $0x3  }
0x34: {  	[smem:$0x3FB4] =	sst s10  }
0x35: {  	s10 =	sld [smem:$0x3FB3];
	_ =	sdelay $0x3  }
0x36: {  	p1 =	seq.s32 s10, $0x1;
	s10 =	sld [smem:$0x3FB4];
	_ =	sdelay $0x3  }
0x37: {  	[smem:$0x3FB4] =	sst s10  }
0x38: {  	s10 =	sld [smem:$0x3FB5]  }
0x39: {  	_ = 	snop;
	(pc) =	sbr.ind lr, $3  }
0x3a: {  	_ = 	snop  }
0x3b: {  	_ = 	snop  }
0x3c: {  	p2 =	seq.s32 s10, $0x1;
	s10 =	sld [smem:$0x3FB4]  }
0x3d: {  	_ =	shalt  }
0x3e: {  	_ =	shalt  }
0x3f: {  	_ =	shalt  }
0x40: {  	_ =	shalt  }
0x41: {  	_ =	shalt  }
0x42: {  	_ =	shalt  }
0x43: {  	_ =	shalt  }
0x44: {  	_ =	shalt  }
0x45: {  	_ =	shalt  }
0x46: {  	_ =	shalt  }
0x47: {  	_ =	shalt  }
0x48: {  	_ =	shalt  }
0x49: {  	_ =	shalt  }
0x4a: {  	_ =	shalt  }
0x4b: {  	_ =	shalt  }
0x4c: {  	_ =	shalt  }
0x4d: {  	_ =	shalt  }
0x4e: {  	_ =	shalt  }
0x4f: {  	_ =	shalt  }
0x50: {  	_ =	shalt  }
0x51: {  	_ =	shalt  }
0x52: {  	_ =	shalt  }
0x53: {  	_ =	shalt  }
0x54: {  	_ =	shalt  }
0x55: {  	_ =	shalt  }
0x56: {  	_ =	shalt  }
0x57: {  	_ =	shalt  }
0x58: {  	_ =	shalt  }
0x59: {  	_ =	shalt  }
0x5a: {  	_ =	shalt  }
0x5b: {  	_ =	shalt  }
0x5c: {  	_ =	shalt  }
0x5d: {  	_ =	shalt  }
0x5e: {  	_ =	shalt  }
0x5f: {  	_ =	shalt  }
0x60: {  	_ =	shalt  }
0x61: {  	_ =	shalt  }
0x62: {  	_ =	shalt  }
0x63: {  	_ =	shalt  }
0x64: {  	_ =	shalt  }
0x65: {  	_ =	shalt  }
0x66: {  	_ =	shalt  }
0x67: {  	_ =	shalt  }
0x68: {  	_ =	shalt  }
0x69: {  	_ =	shalt  }
0x6a: {  	_ =	shalt  }
0x6b: {  	_ =	shalt  }
0x6c: {  	_ =	shalt  }
0x6d: {  	_ =	shalt  }
0x6e: {  	_ =	shalt  }
0x6f: {  	_ =	shalt  }
0x70: {  	_ =	shalt  }
0x71: {  	_ =	shalt  }
0x72: {  	_ =	shalt  }
0x73: {  	_ =	shalt  }
0x74: {  	_ =	shalt  }
0x75: {  	_ =	shalt  }
0x76: {  	_ =	shalt  }
0x77: {  	_ =	shalt  }
0x78: {  	_ =	shalt  }
0x79: {  	_ =	shalt  }
0x7a: {  	_ =	shalt  }
0x7b: {  	_ =	shalt  }
0x7c: {  	_ =	shalt  }
0x7d: {  	_ =	shalt  }
0x7e: {  	_ =	shalt  }
0x7f: {  	_ =	shalt  }
0x80: {  	_ =	shalt  }
0x81: {  	_ =	shalt  }
0x82: {  	_ =	shalt  }
0x83: {  	_ =	shalt  }
0x84: {  	_ =	shalt  }
0x85: {  	_ =	shalt  }
0x86: {  	_ =	shalt  }
0x87: {  	_ =	shalt  }
.Lfunc_end0:
.L_simem_size_0:
called_computation.5_lowered:
.L_overlay_start_0:
0x88: {  	s2 =	sld [smem:$0x3FD9]  }
0x89: {  	s3 =	sld [smem:$0x3FFE];
	_ =	sdelay $0x1  }
0x8a: {  	s1 =	srdreg.scid  }
0x8b: {  	s0 =	sand.u32 $0x1, s1  }
0x8c: {  	s17 =	sshll.u32 s0, $0xA;
	s2 =	sadd.s32 s3, s2  }
0x8d: {  	s2 =	sadd.s32 s2, s17  }
0x8e: {  	[smem:$0x3FC0] =	sst s2  }
0x8f: {  	_ = 	snop  }
0x90: {  	s2 =	sld [smem:$0x3FD0];
	(tm) =	ssettm $0x1  }
0x91: {  	s18 =	sld [smem:$0x3FFB];
	_ =	sdelay $0x3  }
0x92: {  	_ =	strace s18  }
0x93: {  	s3 =	sld [smem:$0x3FFC];
	_ =	sdelay $0x3  }
0x94: {  	_ =	strace s3  }
0x95: {  	s3 =	sld [smem:$0x3FFD];
	_ =	sdelay $0x3  }
0x96: {  	_ =	strace s3  }
0x97: {  	_ =	strace $0x8FFFFFFF  }
0x98: {  	s19 =	sld [smem:$0x3FDB];
	_ =	sdelay $0x1  }
0x99: {  	s4 =	simm.s32 $_scs_section_size  }
0x9a: {  	s5 =	simm.s32 $_size__tile_overlayer_lowered;
	s6 =	simm.s32 $_tile_overlayer_lowered  }
0x9b: {  	s22 =	simm.s32 $0x1BFF;
	s21 =	sshll.u32 s6, $0x1;
	s3 =	sadd.s32 s4, s19  }
0x9c: {  	s7 =	simm.s32 $0x0;
	s20 =	sshll.u32 s5, $0x1;
	s5 =	sadd.s32 s21, s3  }
0x9d: {  	[timem:s7], [sflag:s22] =	dma.local [hbm:s5], s20  }
0x9e: {  	_ =	swait.ge [sflag:s22], s20  }
0x9f: {  	s4 =	ssub.s32 $0x0, s20;
	[sflag:s22] =	ssyncset.done $0x0  }
0xa0: {  	[sflag:s22] =	ssyncadd.s32 s4;
	_ =	sdelay $0x1  }
0xa1: {  	s23 =	simm.s32 $0x1B8B  }
0xa2: {  	_ =	swait.ge [sflag:s23], $0x1  }
0xa3: {  	[sflag:s23] =	ssyncset.done $0x0  }
0xa4: {  	s25 =	simm.s32 $0x1B8E;
	s24 =	sld [smem:$0x3FFE];
	[sflag:s23] =	ssyncadd.s32 $0xFFFFFFFF  }
0xa5: {  	s26 =	simm.s32 $execute0_lowered;
	[smem:$0x3FD2] =	sst s25  }
0xa6: {  	s5 =	sshll.u32 s26, $0x1;
	_ =	strace $0x80000055;
	[dreg:$0x1] =	wrdreg $0xFFFFFFFF  }
0xa7: {  	s28 =	simm.s32 $_size_execute0_lowered;
	s3 =	sadd.s32 s3, s5;
	[dreg:$0x0] =	wrdreg $0x0  }
0xa8: {  	s5 =	sshll.u32 s28, $0x1;
	[dreg:$0x2] =	wrdreg s3  }
0xa9: {  	[dreg:$0x3] =	wrdreg s5  }
0xaa: {  	[dreg:$0x4] =	wrdreg $0xC0  }
0xab: {  	_ =	task [dreg:s7], $0x5FFFF  }
0xac: {  	[dreg:$0x1] =	wrdreg $0xFFFFFFFF  }
0xad: {  	[dreg:$0x0] =	wrdreg $0x60  }
0xae: {  	[dreg:$0x2] =	wrdreg s24  }
0xaf: {  	[dreg:$0x3] =	wrdreg s2  }
0xb0: {  	[dreg:$0x4] =	wrdreg $0xB0000  }
0xb1: {  	[dreg:$0x5] =	wrdreg $0x9  }
0xb2: {  	_ =	task.clear_ibuf [dreg:s7], $0x6FFFF;
	_ =	strace $0x90000055  }
0xb3: {  	s29 =	simm.s32 $0x9;
	_ =	strace $0x80000057  }
0xb4: {  	_ =	swait.ge [sflag:s29], $0x1  }
0xb5: {  	[sflag:s29] =	ssyncadd.s32 $0xFFFFFFFF  }
0xb6: {  	_ =	strace $0x90000057  }
0xb7: {  	_ =	sfence  }
0xb8: {  	s30 =	sld [smem:$0x0];
	_ =	sdelay $0x2  }
0xb9: {  	s31 =	sshll.u32 s1, $0xD;
	s1 =	sshrl.u32 s1, $0x2  }
0xba: {  	s3 =	sand.u32 $0x4000, s31;
	s1 =	sadd.s32 s1, s30  }
0xbb: {  	s0 =	sor.u32 s3, s0;
	s1 =	sshll.u32 s1, $0x11  }
0xbc: {  	s0 =	sor.u32 s1, s0  }
0xbd: {  	s0 =	sadd.s32 $0x8F2B, s0  }
0xbe: {  	[sflag:s0] =	ssyncadd.remote.s32 $0x1  }
0xbf: {  	_ =	sfence.sel $0xFFFF  }
0xc0: {  	[dreg:$0x0] =	wrdreg $0xFFFFFFFF;
	(pc) =	sbr.abs _section_cstart, $3  }
0xc1: {  	[dreg:$0x1] =	wrdreg $0xFFFFFFFF  }
0xc2: {  	_ =	task.clear_ibuf [dreg:s7], $0x2FFFF;
	_ =	strace $0x9FFFFFFF  }
0xc3: {  	(tm) =	ssettm $0x7FFFFFFF  }
tec
execute0_lowered:
.L_overlay_start_1:
0x0: {  	(tag) =	ssettag $0x1  }
0x1: {  	s5 =	rddreg [dreg:$0x0]  }
0x2: {  	s7 =	rddreg [dreg:$0x1]  }
0x3: {  	s2 =	rddreg [dreg:$0x2]  }
0x4: {  	s0 =	srdreg.scid;
	s1 =	rddreg [dreg:$0x3]  }
0x5: {  	s3 =	simm.s32 $0x0;
	s15 =	simm.s32 $0x3000;
	s6 =	sand.u32 $0x1, s0  }
0x6: {  	s16 =	simm.s32 $0x7000;
	s0 =	stileid.u32;
	s4 =	smul.u32 $0x280, s6  }
0x7: {  	s17 =	simm.s32 $0x1;
	s18 =	simm.s32 $0x3;
	s8 =	smul.u32 $0x28, s0  }
0x8: {  	s19 =	simm.s32 $0x2;
	s20 =	simm.s32 $0x4;
	s9 =	smul.u32 $0x14000, s0  }
0x9: {  	s21 =	simm.s32 $0x0;
	[smem:$0x7FF] =	sst s3;
	s10 =	smul.u32 $0x140000, s6  }
0xa: {  	_ =	strace $0x80000056;
	s6 =	ssub.s32 $0x2, s6;
	s28 =	smul.u32 $0x50000, s0  }
0xb: {  	s31 =	sshll.u32 s0, $0x6;
	s29 =	sshrl.u32 s6, $0x1;
	s8 =	sadd.s32 s8, s4  }
0xc: {  	s4 =	sadd.s32 $0xD200, s5;
	s12 =	sshrl.u32 s9, $0x3;
	s9 =	sadd.s32 s9, s10  }
0xd: {  	s13 =	ssub.s32 s6, s29;
	s30 =	sshrl.u32 s28, $0x2;
	s6 =	sor.u32 $0x1C05, s31  }
0xe: {  	s8 =	sshll.u32 s8, $0x4;
	s9 =	sshrl.u32 s9, $0x3;
	s12 =	sadd.s32 s12, s5  }
0xf: {  	s14 =	sadd.s32 s30, s2;
	s10 =	smax.u32 s13, $0x1;
	s13 =	simm.s32 $0x1800  }
0x10: {  	s11 =	sadd.s32 s8, s5;
	s9 =	sadd.s32 s9, s5;
	s5 =	sadd.s32 $0x5B400, s12  }
0x11: {  	s7 =	sadd.s32 s7, s8;
	s12 =	simm.s32 $0x5;
	s8 =	sadd.s32 $0x8000, s11  }
0x12: {  	s9 =	sadd.s32 $0x83400, s9;
	s11 =	sshrl.u32 s14, $0x3;
	s14 =	simm.s32 $0x80  }
.LBB2_1:
0x13: {  	[spmem:s11], [sflag:s6] =	dma.local [hbm:s5], $0x2800  }
0x14: {  	_ =	swait.ge [sflag:s12], $0x2800  }
0x15: {  	[sflag:s12] =	ssyncset.done $0x0  }
0x16: {  	[sflag:s12] =	ssyncadd.s32 $0xFFFFD800  }
0x17: {  	[bflag:$0x0] =	sbarrier.arrive $0xFFFF  }
0x18: {  	[tilespmem:s3], [sflag:$0x5] =	stream.linear.gather [hbm4b:s7+s3], $0x1800, $0x38;
	[tilespmem:$0x1F000] =	vst v63  }
0x19: {  	_ =	swait.ge [sflag:s12], $0x1800  }
0x1a: {  	[sflag:s12] =	ssyncset.done $0x0  }
0x1b: {  	[sflag:s12] =	ssyncadd.s32 $0xFFFFE800  }
0x1c: {  	[tilespmem:s13], [sflag:$0x5] =	stream.linear.gather [hbm4b:s8+s3], $0x1800, $0x38;
	[tilespmem:$0x1F000] =	vst v63  }
0x1d: {  	_ =	swait.ge [sflag:s12], $0x1800  }
0x1e: {  	[sflag:s12] =	ssyncset.done $0x0  }
0x1f: {  	[sflag:s12] =	ssyncadd.s32 $0xFFFFE800  }
0x20: {  	[tilespmem:s15], [sflag:$0x1] =	stream.indirect.gather [hbm4b:s4+s14], $0x80, s3, s14, $0xb8;
	[tilespmem:$0x1F000] =	vst v63  }
0x21: {  	_ = 	snop  }
0x22: {  	[tilespmem:s16], [sflag:$0x2] =	stream.indirect.gather [hbm4b:s4+s14], $0x80, s14, s14, $0xb8;
	[tilespmem:$0x1F000] =	vst v63  }
0x23: {  	_ =	swait.ge [sflag:s17], $0x4000  }
0x24: {  	[sflag:s17] =	ssyncset.done $0x0  }
0x25: {  	s22 =	simm.s32 $0x1800;
	[sflag:s17] =	ssyncadd.s32 $0xFFFFC000  }
0x26: {  	[spmem:s2] =	stream.indirect.scatter.add.f32 [tilespmem:s15], [sflag:$0x3], $0x80, s22, s14, $0xb8;
	[tilespmem:$0x1F000] =	vst v63  }
0x27: {  	_ =	swait.ge [sflag:s18], $0x4000  }
0x28: {  	[sflag:s18] =	ssyncset.done $0x0  }
0x29: {  	s30 =	simm.s32 $0x100;
	[sflag:s18] =	ssyncadd.s32 $0xFFFFC000  }
0x2a: {  	[tilespmem:s15], [sflag:$0x1] =	stream.indirect.gather [hbm4b:s4+s14], $0x80, s30, s14, $0xb8;
	[tilespmem:$0x1F000] =	vst v63  }
0x2b: {  	_ =	swait.ge [sflag:s19], $0x4000  }
0x2c: {  	[sflag:s19] =	ssyncset.done $0x0  }
0x2d: {  	s31 =	simm.s32 $0x1880;
	[sflag:s19] =	ssyncadd.s32 $0xFFFFC000  }
0x2e: {  	[spmem:s2] =	stream.indirect.scatter.add.f32 [tilespmem:s16], [sflag:$0x4], $0x80, s31, s14, $0xb8;
	[tilespmem:$0x1F000] =	vst v63  }
0x2f: {  	_ =	swait.ge [sflag:s20], $0x4000  }
0x30: {  	[sflag:s20] =	ssyncset.done $0x0  }
0x31: {  	s23 =	simm.s32 $0x180;
	s22 =	simm.s32 $0x400;
	[sflag:s20] =	ssyncadd.s32 $0xFFFFC000  }
.LBB2_2:
0x32: {  	[tilespmem:s16], [sflag:$0x2] =	stream.indirect.gather [hbm4b:s4+s14], $0x80, s23, s14, $0xb8;
	[tilespmem:$0x1F000] =	vst v63  }
0x33: {  	s23 =	smov.u32 s22  }
0x34: {  	p0 =	sne.s32 s22, $0x4C00;
	s22 =	sadd.s32 $0x400, s22;
	_ =	swait.ge [sflag:s17], $0x4000  }
0x35: {  	s23 =	sshra.s32 s23, $0x2;
	[sflag:s17] =	ssyncset.done $0x0  }
0x36: {  	s24 =	sadd.s32 $0x1800, s23;
	[sflag:s17] =	ssyncadd.s32 $0xFFFFC000  }
0x37: {  	[spmem:s2] =	stream.indirect.scatter.add.f32 [tilespmem:s15], [sflag:$0x3], $0x80, s24, s14, $0xb8;
	[tilespmem:$0x1F000] =	vst v63  }
0x38: {  	_ =	swait.ge [sflag:s18], $0x4000  }
0x39: {  	[sflag:s18] =	ssyncset.done $0x0  }
0x3a: {  	s24 =	sadd.s32 $0x100, s23;
	[sflag:s18] =	ssyncadd.s32 $0xFFFFC000  }
0x3b: {  	[tilespmem:s15], [sflag:$0x1] =	stream.indirect.gather [hbm4b:s4+s14], $0x80, s24, s14, $0xb8;
	[tilespmem:$0x1F000] =	vst v63  }
0x3c: {  	_ =	swait.ge [sflag:s19], $0x4000  }
0x3d: {  	[sflag:s19] =	ssyncset.done $0x0  }
.Ltmp0:
0x3e: {  	s24 =	sadd.s32 $0x1880, s23;
	[sflag:s19] =	ssyncadd.s32 $0xFFFFC000;
	(pc) =	sbr.rel @p0 .LBB2_2-.Ltmp0, $4  }
0x3f: {  	[spmem:s2] =	stream.indirect.scatter.add.f32 [tilespmem:s16], [sflag:$0x4], $0x80, s24, s14, $0xb8;
	[tilespmem:$0x1F000] =	vst v63  }
0x40: {  	_ =	swait.ge [sflag:s20], $0x4000  }
0x41: {  	[sflag:s20] =	ssyncset.done $0x0  }
0x42: {  	s23 =	sadd.s32 $0x180, s23;
	[sflag:s20] =	ssyncadd.s32 $0xFFFFC000  }
0x43: {  	[tilespmem:s16], [sflag:$0x2] =	stream.indirect.gather [hbm4b:s4+s14], $0x80, s23, s14, $0xb8;
	[tilespmem:$0x1F000] =	vst v63  }
0x44: {  	_ =	swait.ge [sflag:s17], $0x4000  }
0x45: {  	[sflag:s17] =	ssyncset.done $0x0  }
0x46: {  	[sflag:s17] =	ssyncadd.s32 $0xFFFFC000  }
0x47: {  	_ =	swait.ge [sflag:s19], $0x4000  }
0x48: {  	s21 =	sadd.s32 $0x1, s21;
	[sflag:s19] =	ssyncset.done $0x0  }
0x49: {  	p0 =	sne.s32 s21, s10;
	[sflag:s19] =	ssyncadd.s32 $0xFFFFC000  }
.Ltmp1:
0x4a: {  	[bflag:$0x0] =	sbarrier.arrive $0xFFFF;
	(pc) =	sbr.rel @p0 .LBB2_1-.Ltmp1, $4  }
0x4b: {  	[hbm:s9], [sflag:s6] =	dma.local [spmem:s11], $0x2800  }
0x4c: {  	_ =	swait.ge [sflag:s12], $0x2800  }
0x4d: {  	[sflag:s12] =	ssyncset.done $0x0  }
0x4e: {  	[sflag:s12] =	ssyncadd.s32 $0xFFFFD800  }
0x4f: {  	_ =	sfence.sel $0x180000  }
0x50: {  	[bflag:$0x0] =	sbarrier.arrive $0xFFFF  }
0x51: {  	p0 =	sne.s32 s0, $0x0;
	_ =	strace $0x90000056  }
0x52: {  	s0 =	sadd.s32 @!p0 $0x100000, s1;
	[bflag:$0x2] =	sbarrier.arrive $0xFFFF  }
0x53: {  	[sflag:s0] =	ssyncadd.tile.s32 @!p0 $0x1;
	_ =	shalt  }
.Lfunc_end2:
_tile_overlayer_lowered:
.L_overlay_start_2:
0x54: {  	(tag) =	ssettag $0x2  }
0x55: {  	s0 =	rddreg [dreg:$0x0];
	s2 =	stileid.u32  }
0x56: {  	s1 =	rddreg [dreg:$0x1];
	p0 =	sne.s32 s2, $0x0  }
0x57: {  	s3 =	rddreg [dreg:$0x2];
	[bflag:$0x3] =	sbarrier.arrive $0xFFFF;
	s2 =	simm.s32 @!p0 $0x1C05  }
0x58: {  	[timem:s3], [sflag:s2] =	dma.local @!p0 [hbm:s0], s1  }
0x59: {  	s0 =	simm.s32 @!p0 $0x5  }
0x5a: {  	_ =	swait.ge @!p0 [sflag:s0], s1  }
0x5b: {  	s1 =	ssub.s32 @!p0 $0x0, s1;
	[sflag:s0] =	ssyncset.done @!p0 $0x0  }
0x5c: {  	[sflag:s0] =	ssyncadd.s32 @!p0 s1  }
0x5d: {  	[bflag:$0x3] =	sbarrier.arrive $0xFFFF  }
0x5e: {  	_ =	shalt  }

</sc_bundles>
